<compile_context>
chip_gen: v7x
topology: tpu7x:2x2x1
jax: 0.10.2.dev20260603
libtpu: 0.0.44.dev20260713+nightly
codegen_flags: <defaults>
</compile_context>

<pallas_src>
import dataclasses
import functools

import jax
import jax.numpy as jnp
from jax import lax
from jax.experimental import pallas as pl
from jax.experimental.pallas import tpu as pltpu
from jax.experimental.pallas import tpu_sc as plsc

N = 10000
E = 320000
DF = 128
DE = 16
HE = 16
HN = 128

NT = 10240
NCHUNK = NT // 128
ECHUNK = E // 128

NSHARD = 4
KF = 2
EPS = E // NSHARD
CPS = ECHUNK // NSHARD
EB = 3200
CB = EB // 128
NBLK = EPS // EB



def _xsr_body(x_ref, w_ref, o_ref):
    r = lax.dot_general(
        w_ref[...], x_ref[...], (((1,), (1,)), ((), ())),
        preferred_element_type=jnp.float32)
    for c in range(8):
        o_ref[:, c, :] = r[:, 128 * c:128 * (c + 1)]


def _node_proj_t(x_pad, w_catT):
    return pl.pallas_call(
        _xsr_body,
        grid=(NCHUNK // 8,),
        in_specs=[
            pl.BlockSpec((1024, DF), lambda i: (i, 0)),
            pl.BlockSpec((2 * HE, DF), lambda i: (0, 0)),
        ],
        out_specs=pl.BlockSpec((2 * HE, 8, 128), lambda i: (0, i, 0)),
        out_shape=jax.ShapeDtypeStruct((2 * HE, NCHUNK, 128), jnp.float32),
    )(x_pad, w_catT)


def _eproj_body(ea_ref, w_ref, b_ref, o_ref):
    r = jnp.dot(w_ref[...], ea_ref[...],
                preferred_element_type=jnp.float32) + b_ref[...]
    for c in range(100):
        o_ref[c, :, :] = r[:, 128 * c:128 * (c + 1)]


def _edge_proj_t(eaT, w_eeT, b_e):
    blk = 12800
    return pl.pallas_call(
        _eproj_body,
        grid=(E // blk,),
        in_specs=[
            pl.BlockSpec((DE, blk), lambda i: (0, i)),
            pl.BlockSpec((HE, DE), lambda i: (0, 0)),
            pl.BlockSpec((HE, 1), lambda i: (0, 0)),
        ],
        out_specs=pl.BlockSpec((blk // 128, HE, 128), lambda i: (i, 0, 0)),
        out_shape=jax.ShapeDtypeStruct((ECHUNK, HE, 128), jnp.float32),
    )(eaT, w_eeT, b_e)


def _nodeup_body(x_ref, a_ref, wx_ref, wa_ref, b_ref, o_ref):
    acc = jnp.dot(x_ref[...], wx_ref[...], preferred_element_type=jnp.float32)
    a = a_ref[:, 0] + a_ref[:, 1] + a_ref[:, 2] + a_ref[:, 3]
    for c in range(8):
        ac = lax.dot_general(
            a[:, c, :], wa_ref[...], (((0,), (0,)), ((), ())),
            preferred_element_type=jnp.float32)
        o_ref[128 * c:128 * (c + 1), :] = jnp.maximum(
            acc[128 * c:128 * (c + 1), :] + ac + b_ref[...], 0.0)


def _node_update(x_pad, aggs, w_x, w_a, b_n):
    blk = 1024
    return pl.pallas_call(
        _nodeup_body,
        grid=(NT // blk,),
        in_specs=[
            pl.BlockSpec((blk, DF), lambda i: (i, 0)),
            pl.BlockSpec((HE, NSHARD, blk // 128, 128), lambda i: (0, 0, i, 0)),
            pl.BlockSpec((DF, HN), lambda i: (0, 0)),
            pl.BlockSpec((HE, HN), lambda i: (0, 0)),
            pl.BlockSpec((1, HN), lambda i: (0, 0)),
        ],
        out_specs=pl.BlockSpec((blk, HN), lambda i: (i, 0)),
        out_shape=jax.ShapeDtypeStruct((NT, HN), jnp.float32),
    )(x_pad, aggs, w_x, w_a, b_n)



def _sc_compiler_params():
    cp = pltpu.CompilerParams(use_tc_tiling_on_sc=False)
    if "needs_layout_passes" in pltpu.CompilerParams.__dataclass_fields__:
        cp = dataclasses.replace(cp, needs_layout_passes=False)
    return cp


def _sc_edge_agg(src, dst, xsrT, epT, zeros):
    mesh = plsc.VectorSubcoreMesh(core_axis_name="c", subcore_axis_name="s")

    @functools.partial(
        pl.kernel,
        out_type=jax.ShapeDtypeStruct((HE, NSHARD, NCHUNK, 128), jnp.float32),
        mesh=mesh,
        compiler_params=_sc_compiler_params(),
        scratch_types=[
            pltpu.VMEM((NCHUNK, 128), jnp.float32),
            pltpu.VMEM((NCHUNK, 128), jnp.float32),
            pltpu.VMEM((NCHUNK, 128), jnp.float32),
            pltpu.VMEM((NCHUNK, 128), jnp.float32),
            pltpu.VMEM((NCHUNK, 128), jnp.float32),
            pltpu.VMEM((NCHUNK, 128), jnp.float32),
            pltpu.VMEM((EB,), jnp.int32),
            pltpu.VMEM((EB,), jnp.int32),
            pltpu.VMEM((CB, KF, 128), jnp.float32),
            pltpu.VMEM((EB,), jnp.int32),
            pltpu.VMEM((EB,), jnp.int32),
            pltpu.VMEM((CB, KF, 128), jnp.float32),
            pltpu.SemaphoreType.DMA,
            pltpu.SemaphoreType.DMA,
            pltpu.SemaphoreType.DMA,
        ],
    )
    def sc_kernel(src_hbm, dst_hbm, xsr_hbm, ep_hbm, z_hbm, out_hbm,
                  txs0, txs1, txr0, txr1, agg0, agg1,
                  srcA, dstA, epA, srcB, dstB, epB,
                  semT, semA, semB):
        cid = lax.axis_index("c")
        sid = lax.axis_index("s")
        wid = sid * 2 + cid
        g = wid % (HE // KF)
        h = wid // (HE // KF)
        f0 = g * KF

        tbl_xs = [txs0, txs1]
        tbl_xr = [txr0, txr1]
        agg = [agg0, agg1]

        for k in range(KF):
            pltpu.async_copy(xsr_hbm.at[f0 + k], tbl_xs[k], semT)
            pltpu.async_copy(xsr_hbm.at[HE + f0 + k], tbl_xr[k], semT)
            pltpu.async_copy(z_hbm, agg[k], semT)
        for k in range(KF):
            pltpu.make_async_copy(xsr_hbm.at[f0 + k], tbl_xs[k], semT).wait()
            pltpu.make_async_copy(xsr_hbm.at[HE + f0 + k], tbl_xr[k],
                                  semT).wait()
            pltpu.make_async_copy(z_hbm, agg[k], semT).wait()

        def issue(t, sv, dv, ev, sem):
            e0 = h * EPS + t * EB
            c0 = h * CPS + t * CB
            pltpu.async_copy(src_hbm.at[pl.ds(e0, EB)], sv, sem)
            pltpu.async_copy(dst_hbm.at[pl.ds(e0, EB)], dv, sem)
            pltpu.async_copy(ep_hbm.at[pl.ds(c0, CB), pl.ds(f0, KF)],
                             ev, sem)

        def drain(t, sv, dv, ev, sem):
            e0 = h * EPS + t * EB
            c0 = h * CPS + t * CB
            pltpu.make_async_copy(src_hbm.at[pl.ds(e0, EB)], sv, sem).wait()
            pltpu.make_async_copy(dst_hbm.at[pl.ds(e0, EB)], dv, sem).wait()
            pltpu.make_async_copy(ep_hbm.at[pl.ds(c0, CB), pl.ds(f0, KF)],
                                  ev, sem).wait()

        def compute(sv, dv, ev):
            @plsc.parallel_loop(0, CB, unroll=4)
            def _(r):
                for gg in range(8):
                    off = r * 128 + gg * 16
                    s = sv[pl.ds(off, 16)]
                    d = dv[pl.ds(off, 16)]
                    rs = lax.shift_right_logical(s, 7)
                    cs = lax.bitwise_and(s, 127)
                    rd = lax.shift_right_logical(d, 7)
                    cd = lax.bitwise_and(d, 127)
                    for k in range(KF):
                        e = ev[r, k, pl.ds(gg * 16, 16)]
                        gs = plsc.load_gather(tbl_xs[k], [rs, cs])
                        gr = plsc.load_gather(tbl_xr[k], [rd, cd])
                        v = jnp.maximum(e + gs + gr, 0.0)
                        plsc.addupdate_scatter(agg[k], [rd, cd], v)

        issue(0, srcA, dstA, epA, semA)

        @pl.loop(0, (NBLK - 1) // 2)
        def _(t):
            t0 = t * 2
            drain(t0, srcA, dstA, epA, semA)
            issue(t0 + 1, srcB, dstB, epB, semB)
            compute(srcA, dstA, epA)
            drain(t0 + 1, srcB, dstB, epB, semB)
            issue(t0 + 2, srcA, dstA, epA, semA)
            compute(srcB, dstB, epB)

        drain(NBLK - 1, srcA, dstA, epA, semA)
        compute(srcA, dstA, epA)

        for k in range(KF):
            pltpu.sync_copy(agg[k], out_hbm.at[f0 + k, h])

    return sc_kernel(src, dst, xsrT, epT, zeros)



def kernel(x, edge_attr, edge_index, W_e, b_e, W_n, b_n):
    src = edge_index[0]
    dst = edge_index[1]

    w_ee = W_e[:DE]
    w_s = W_e[DE:DE + DF]
    w_r = W_e[DE + DF:]
    w_catT = jnp.concatenate([w_s, w_r], axis=1).T

    x_pad = jnp.zeros((NT, DF), jnp.float32).at[:N].set(x)
    xsrT = _node_proj_t(x_pad, w_catT)

    eaT = edge_attr.T
    epT = _edge_proj_t(eaT, w_ee.T, b_e.reshape(HE, 1))

    zeros = jnp.zeros((NCHUNK, 128), jnp.float32)
    aggs = _sc_edge_agg(src, dst, xsrT, epT, zeros)

    w_x = W_n[:DF]
    w_a = W_n[DF:]
    out = _node_update(x_pad, aggs, w_x, w_a, b_n.reshape(1, HN))
    return out[:N]

# --- scband reference (transcript-rebuilt; emitter-appended) ---
"""Pipeline reference for scband-dglinteraction-network-40140764348810 (READ-ONLY COPY).

The authoritative reference and input builder live on the scoring server;
editing this copy changes nothing except your own understanding.
"""

import jax, jax.numpy as jnp
import numpy as np

N = 10000
E = 320000
DF = 128
DE = 16
HE = 16
HN = 128


def setup_inputs(seed: int = 0) -> dict:
    key = jax.random.key(seed)
    ks = jax.random.split(key, 6)
    x = jax.random.normal(ks[0], (N, DF), dtype=jnp.float32)
    edge_attr = jax.random.normal(ks[1], (E, DE), dtype=jnp.float32)
    edge_index = jax.random.randint(ks[2], (2, E), 0, N, dtype=jnp.int32)
    W_e = jax.random.normal(ks[3], (DE + 2 * DF, HE), dtype=jnp.float32) * (1.0 / np.sqrt(DE + 2 * DF))
    b_e = jnp.zeros((HE,), dtype=jnp.float32)
    W_n = jax.random.normal(ks[4], (DF + HE, HN), dtype=jnp.float32) * (1.0 / np.sqrt(DF + HE))
    b_n = jnp.zeros((HN,), dtype=jnp.float32)
    return {"x": x, "edge_attr": edge_attr, "edge_index": edge_index,
            "W_e": W_e, "b_e": b_e, "W_n": W_n, "b_n": b_n}


def reference(x, edge_attr, edge_index, W_e, b_e, W_n, b_n):
    # EdgeBlock: edge_model_fn(concat([edge_feat, sender_node_feat, receiver_node_feat]))
    src = edge_index[0]
    dst = edge_index[1]
    sender_feats = jnp.take(x, src, axis=0)      # gather
    receiver_feats = jnp.take(x, dst, axis=0)    # gather
    e_in = jnp.concatenate([edge_attr, sender_feats, receiver_feats], axis=-1)
    e_out = jax.nn.relu(e_in @ W_e + b_e)        # updated edge features
    # NodeBlock (use_sent_edges=False, reducer=scatter_add):
    # aggregate received (incoming) edges per destination node
    agg = jax.ops.segment_sum(e_out, dst, num_segments=N)
    n_in = jnp.concatenate([x, agg], axis=-1)
    n_out = jax.nn.relu(n_in @ W_n + b_n)        # updated node features
    return n_out

if __name__ == "__main__":
    import jax
    _d = setup_inputs()
    print(jax.jit(kernel)(*tuple(_d.values())))

</pallas_src>

<mosaic_0001>
#map = affine_map<(d0, d1) -> (0)>
#map1 = affine_map<(d0, d1) -> (0, 0, 0)>
#map2 = affine_map<(d0, d1) -> (0, 0)>
#map3 = affine_map<(d0, d1) -> (0, 0, 0, 0)>
module attributes {stable_mosaic.version = 14 : i64} {
  func.func @sc_kernel(%arg0: i32, %arg1: i32, %arg2: memref<320000xi32, #tpu.memory_space<hbm>>, %arg3: memref<320000xi32, #tpu.memory_space<hbm>>, %arg4: memref<32x80x128xf32, #tpu.memory_space<hbm>>, %arg5: memref<2500x16x128xf32, #tpu.memory_space<hbm>>, %arg6: memref<80x128xf32, #tpu.memory_space<hbm>>, %arg7: memref<16x4x80x128xf32, #tpu.memory_space<hbm>>, %arg8: memref<80x128xf32, #tpu.memory_space<vmem>>, %arg9: memref<80x128xf32, #tpu.memory_space<vmem>>, %arg10: memref<80x128xf32, #tpu.memory_space<vmem>>, %arg11: memref<80x128xf32, #tpu.memory_space<vmem>>, %arg12: memref<80x128xf32, #tpu.memory_space<vmem>>, %arg13: memref<80x128xf32, #tpu.memory_space<vmem>>, %arg14: memref<3200xi32, #tpu.memory_space<vmem>>, %arg15: memref<3200xi32, #tpu.memory_space<vmem>>, %arg16: memref<25x2x128xf32, #tpu.memory_space<vmem>>, %arg17: memref<3200xi32, #tpu.memory_space<vmem>>, %arg18: memref<3200xi32, #tpu.memory_space<vmem>>, %arg19: memref<25x2x128xf32, #tpu.memory_space<vmem>>, %arg20: memref<!tpu.dma_semaphore, #tpu.memory_space<semaphore_mem>>, %arg21: memref<!tpu.dma_semaphore, #tpu.memory_space<semaphore_mem>>, %arg22: memref<!tpu.dma_semaphore, #tpu.memory_space<semaphore_mem>>) attributes {dimension_semantics = [#tpu.dimension_semantics<core_parallel>, #tpu.dimension_semantics<subcore_parallel>], iteration_bounds = array<i64: 2, 16>, scalar_prefetch = 0 : i64, scratch_operands = 15 : i64, tpu.core_type = #tpu.core_type<sc_vector_subcore>, window_params = [{transform_indices = #map}, {transform_indices = #map}, {transform_indices = #map1}, {transform_indices = #map1}, {transform_indices = #map2}, {transform_indices = #map3}]} {
    %mul3A = arith.constant 2 : i32
    %mul3A_0 = arith.muli %arg1, %mul3A : i32
    %add3A = arith.addi %mul3A_0, %arg0 : i32
    %jit3A = arith.constant 8 : i32
    %eq3A = arith.constant 0 : i32
    %eq3A_1 = arith.cmpi eq, %jit3A, %eq3A : i32
    %jit3A_2 = arith.constant 1 : i32
    %select_n3A = arith.select %eq3A_1, %jit3A_2, %jit3A : i32
    %rem3A = arith.remsi %add3A, %select_n3A : i32
    %ne3A = arith.constant 0 : i32
    %ne3A_3 = arith.cmpi ne, %rem3A, %ne3A : i32
    %lt3A = arith.constant 0 : i32
    %lt3A_4 = arith.cmpi slt, %rem3A, %lt3A : i32
    %lt3A_5 = arith.constant 0 : i32
    %lt3A_6 = arith.cmpi slt, %select_n3A, %lt3A_5 : i32
    %ne3A_7 = arith.xori %lt3A_4, %lt3A_6 : i1
    %and3A = arith.andi %ne3A_7, %ne3A_3 : i1
    %add3A_8 = arith.addi %rem3A, %select_n3A : i32
    %select_n3A_9 = arith.select %and3A, %add3A_8, %rem3A : i32
    %jit3A_10 = arith.constant 8 : i32
    %div3A = arith.divsi %add3A, %jit3A_10 : i32
    %sign3A = arith.constant 0 : i32
    %sign3A_11 = arith.cmpi sgt, %add3A, %sign3A : i32
    %sign3A_12 = arith.extui %sign3A_11 : i1 to i32
    %sign3A_13 = arith.constant 0 : i32
    %sign3A_14 = arith.cmpi slt, %add3A, %sign3A_13 : i32
    %sign3A_15 = arith.extui %sign3A_14 : i1 to i32
    %sign3A_16 = arith.subi %sign3A_12, %sign3A_15 : i32
    %sign3A_17 = arith.constant 0 : i32
    %sign3A_18 = arith.cmpi sgt, %jit3A_10, %sign3A_17 : i32
    %sign3A_19 = arith.extui %sign3A_18 : i1 to i32
    %sign3A_20 = arith.constant 0 : i32
    %sign3A_21 = arith.cmpi slt, %jit3A_10, %sign3A_20 : i32
    %sign3A_22 = arith.extui %sign3A_21 : i1 to i32
    %sign3A_23 = arith.subi %sign3A_19, %sign3A_22 : i32
    %ne3A_24 = arith.cmpi ne, %sign3A_16, %sign3A_23 : i32
    %rem3A_25 = arith.remsi %add3A, %jit3A_10 : i32
    %ne3A_26 = arith.constant 0 : i32
    %ne3A_27 = arith.cmpi ne, %rem3A_25, %ne3A_26 : i32
    %and3A_28 = arith.andi %ne3A_24, %ne3A_27 : i1
    %sub3A = arith.constant 1 : i32
    %sub3A_29 = arith.subi %div3A, %sub3A : i32
    %select_n3A_30 = arith.select %and3A_28, %sub3A_29, %div3A : i32
    %mul3A_31 = arith.constant 2 : i32
    %mul3A_32 = arith.muli %select_n3A_9, %mul3A_31 : i32
    %add3A_33 = arith.constant 0 : i32
    %add3A_34 = arith.addi %mul3A_32, %add3A_33 : i32
    %dma_start3A = arith.constant 0 : i32
    %dma_start3A_35 = arith.constant 0 : i32
    %dma_start3A_36 = tpu.memref_slice %arg4[%add3A_34, %dma_start3A, %dma_start3A_35] : memref<32x80x128xf32, #tpu.memory_space<hbm>> -> memref<1x80x128xf32, #tpu.memory_space<hbm>>
    %dma_start3A_37 = tpu.memref_squeeze %dma_start3A_36 : memref<1x80x128xf32, #tpu.memory_space<hbm>> -> memref<80x128xf32, #tpu.memory_space<hbm>>
    %dma_start3A_38 = arith.constant 0 : i32
    %dma_start3A_39 = arith.constant 0 : i32
    %dma_start3A_40 = tpu.memref_slice %arg4[%add3A_34, %dma_start3A_38, %dma_start3A_39] : memref<32x80x128xf32, #tpu.memory_space<hbm>> -> memref<1x80x128xf32, #tpu.memory_space<hbm>>
    %dma_start3A_41 = tpu.memref_squeeze %dma_start3A_40 : memref<1x80x128xf32, #tpu.memory_space<hbm>> -> memref<80x128xf32, #tpu.memory_space<hbm>>
    tpu.enqueue_dma source(%dma_start3A_41 : memref<80x128xf32, #tpu.memory_space<hbm>>) target(%arg8 : memref<80x128xf32, #tpu.memory_space<vmem>>) target_semaphore(%arg20 : memref<!tpu.dma_semaphore, #tpu.memory_space<semaphore_mem>>)
    %add3A_42 = arith.constant 16 : i32
    %add3A_43 = arith.addi %add3A_42, %mul3A_32 : i32
    %add3A_44 = arith.constant 0 : i32
    %add3A_45 = arith.addi %add3A_43, %add3A_44 : i32
    %dma_start3A_46 = arith.constant 0 : i32
    %dma_start3A_47 = arith.constant 0 : i32
    %dma_start3A_48 = tpu.memref_slice %arg4[%add3A_45, %dma_start3A_46, %dma_start3A_47] : memref<32x80x128xf32, #tpu.memory_space<hbm>> -> memref<1x80x128xf32, #tpu.memory_space<hbm>>
    %dma_start3A_49 = tpu.memref_squeeze %dma_start3A_48 : memref<1x80x128xf32, #tpu.memory_space<hbm>> -> memref<80x128xf32, #tpu.memory_space<hbm>>
    %dma_start3A_50 = arith.constant 0 : i32
    %dma_start3A_51 = arith.constant 0 : i32
    %dma_start3A_52 = tpu.memref_slice %arg4[%add3A_45, %dma_start3A_50, %dma_start3A_51] : memref<32x80x128xf32, #tpu.memory_space<hbm>> -> memref<1x80x128xf32, #tpu.memory_space<hbm>>
    %dma_start3A_53 = tpu.memref_squeeze %dma_start3A_52 : memref<1x80x128xf32, #tpu.memory_space<hbm>> -> memref<80x128xf32, #tpu.memory_space<hbm>>
    tpu.enqueue_dma source(%dma_start3A_53 : memref<80x128xf32, #tpu.memory_space<hbm>>) target(%arg10 : memref<80x128xf32, #tpu.memory_space<vmem>>) target_semaphore(%arg20 : memref<!tpu.dma_semaphore, #tpu.memory_space<semaphore_mem>>)
    tpu.enqueue_dma source(%arg6 : memref<80x128xf32, #tpu.memory_space<hbm>>) target(%arg12 : memref<80x128xf32, #tpu.memory_space<vmem>>) target_semaphore(%arg20 : memref<!tpu.dma_semaphore, #tpu.memory_space<semaphore_mem>>)
    %add3A_54 = arith.constant 1 : i32
    %add3A_55 = arith.addi %mul3A_32, %add3A_54 : i32
    %dma_start3A_56 = arith.constant 0 : i32
    %dma_start3A_57 = arith.constant 0 : i32
    %dma_start3A_58 = tpu.memref_slice %arg4[%add3A_55, %dma_start3A_56, %dma_start3A_57] : memref<32x80x128xf32, #tpu.memory_space<hbm>> -> memref<1x80x128xf32, #tpu.memory_space<hbm>>
    %dma_start3A_59 = tpu.memref_squeeze %dma_start3A_58 : memref<1x80x128xf32, #tpu.memory_space<hbm>> -> memref<80x128xf32, #tpu.memory_space<hbm>>
    %dma_start3A_60 = arith.constant 0 : i32
    %dma_start3A_61 = arith.constant 0 : i32
    %dma_start3A_62 = tpu.memref_slice %arg4[%add3A_55, %dma_start3A_60, %dma_start3A_61] : memref<32x80x128xf32, #tpu.memory_space<hbm>> -> memref<1x80x128xf32, #tpu.memory_space<hbm>>
    %dma_start3A_63 = tpu.memref_squeeze %dma_start3A_62 : memref<1x80x128xf32, #tpu.memory_space<hbm>> -> memref<80x128xf32, #tpu.memory_space<hbm>>
    tpu.enqueue_dma source(%dma_start3A_63 : memref<80x128xf32, #tpu.memory_space<hbm>>) target(%arg9 : memref<80x128xf32, #tpu.memory_space<vmem>>) target_semaphore(%arg20 : memref<!tpu.dma_semaphore, #tpu.memory_space<semaphore_mem>>)
    %add3A_64 = arith.constant 16 : i32
    %add3A_65 = arith.addi %add3A_64, %mul3A_32 : i32
    %add3A_66 = arith.constant 1 : i32
    %add3A_67 = arith.addi %add3A_65, %add3A_66 : i32
    %dma_start3A_68 = arith.constant 0 : i32
    %dma_start3A_69 = arith.constant 0 : i32
    %dma_start3A_70 = tpu.memref_slice %arg4[%add3A_67, %dma_start3A_68, %dma_start3A_69] : memref<32x80x128xf32, #tpu.memory_space<hbm>> -> memref<1x80x128xf32, #tpu.memory_space<hbm>>
    %dma_start3A_71 = tpu.memref_squeeze %dma_start3A_70 : memref<1x80x128xf32, #tpu.memory_space<hbm>> -> memref<80x128xf32, #tpu.memory_space<hbm>>
    %dma_start3A_72 = arith.constant 0 : i32
    %dma_start3A_73 = arith.constant 0 : i32
    %dma_start3A_74 = tpu.memref_slice %arg4[%add3A_67, %dma_start3A_72, %dma_start3A_73] : memref<32x80x128xf32, #tpu.memory_space<hbm>> -> memref<1x80x128xf32, #tpu.memory_space<hbm>>
    %dma_start3A_75 = tpu.memref_squeeze %dma_start3A_74 : memref<1x80x128xf32, #tpu.memory_space<hbm>> -> memref<80x128xf32, #tpu.memory_space<hbm>>
    tpu.enqueue_dma source(%dma_start3A_75 : memref<80x128xf32, #tpu.memory_space<hbm>>) target(%arg11 : memref<80x128xf32, #tpu.memory_space<vmem>>) target_semaphore(%arg20 : memref<!tpu.dma_semaphore, #tpu.memory_space<semaphore_mem>>)
    tpu.enqueue_dma source(%arg6 : memref<80x128xf32, #tpu.memory_space<hbm>>) target(%arg13 : memref<80x128xf32, #tpu.memory_space<vmem>>) target_semaphore(%arg20 : memref<!tpu.dma_semaphore, #tpu.memory_space<semaphore_mem>>)
    %add3A_76 = arith.constant 0 : i32
    %add3A_77 = arith.addi %mul3A_32, %add3A_76 : i32
    %dma_wait3A = arith.constant 0 : i32
    %dma_wait3A_78 = arith.constant 0 : i32
    %dma_wait3A_79 = tpu.memref_slice %arg4[%add3A_77, %dma_wait3A, %dma_wait3A_78] : memref<32x80x128xf32, #tpu.memory_space<hbm>> -> memref<1x80x128xf32, #tpu.memory_space<hbm>>
    %dma_wait3A_80 = tpu.memref_squeeze %dma_wait3A_79 : memref<1x80x128xf32, #tpu.memory_space<hbm>> -> memref<80x128xf32, #tpu.memory_space<hbm>>
    %dma_wait3A_81 = arith.constant 0 : i32
    %dma_wait3A_82 = arith.constant 0 : i32
    %dma_wait3A_83 = tpu.memref_slice %arg4[%add3A_77, %dma_wait3A_81, %dma_wait3A_82] : memref<32x80x128xf32, #tpu.memory_space<hbm>> -> memref<1x80x128xf32, #tpu.memory_space<hbm>>
    %dma_wait3A_84 = tpu.memref_squeeze %dma_wait3A_83 : memref<1x80x128xf32, #tpu.memory_space<hbm>> -> memref<80x128xf32, #tpu.memory_space<hbm>>
    tpu.wait_dma2 semaphore(%arg20 : memref<!tpu.dma_semaphore, #tpu.memory_space<semaphore_mem>>) src(%dma_wait3A_84 : memref<80x128xf32, #tpu.memory_space<hbm>>) dst(%arg8 : memref<80x128xf32, #tpu.memory_space<vmem>>)
    %add3A_85 = arith.constant 16 : i32
    %add3A_86 = arith.addi %add3A_85, %mul3A_32 : i32
    %add3A_87 = arith.constant 0 : i32
    %add3A_88 = arith.addi %add3A_86, %add3A_87 : i32
    %dma_wait3A_89 = arith.constant 0 : i32
    %dma_wait3A_90 = arith.constant 0 : i32
    %dma_wait3A_91 = tpu.memref_slice %arg4[%add3A_88, %dma_wait3A_89, %dma_wait3A_90] : memref<32x80x128xf32, #tpu.memory_space<hbm>> -> memref<1x80x128xf32, #tpu.memory_space<hbm>>
    %dma_wait3A_92 = tpu.memref_squeeze %dma_wait3A_91 : memref<1x80x128xf32, #tpu.memory_space<hbm>> -> memref<80x128xf32, #tpu.memory_space<hbm>>
    %dma_wait3A_93 = arith.constant 0 : i32
    %dma_wait3A_94 = arith.constant 0 : i32
    %dma_wait3A_95 = tpu.memref_slice %arg4[%add3A_88, %dma_wait3A_93, %dma_wait3A_94] : memref<32x80x128xf32, #tpu.memory_space<hbm>> -> memref<1x80x128xf32, #tpu.memory_space<hbm>>
    %dma_wait3A_96 = tpu.memref_squeeze %dma_wait3A_95 : memref<1x80x128xf32, #tpu.memory_space<hbm>> -> memref<80x128xf32, #tpu.memory_space<hbm>>
    tpu.wait_dma2 semaphore(%arg20 : memref<!tpu.dma_semaphore, #tpu.memory_space<semaphore_mem>>) src(%dma_wait3A_96 : memref<80x128xf32, #tpu.memory_space<hbm>>) dst(%arg10 : memref<80x128xf32, #tpu.memory_space<vmem>>)
    tpu.wait_dma2 semaphore(%arg20 : memref<!tpu.dma_semaphore, #tpu.memory_space<semaphore_mem>>) src(%arg6 : memref<80x128xf32, #tpu.memory_space<hbm>>) dst(%arg12 : memref<80x128xf32, #tpu.memory_space<vmem>>)
    %add3A_97 = arith.constant 1 : i32
    %add3A_98 = arith.addi %mul3A_32, %add3A_97 : i32
    %dma_wait3A_99 = arith.constant 0 : i32
    %dma_wait3A_100 = arith.constant 0 : i32
    %dma_wait3A_101 = tpu.memref_slice %arg4[%add3A_98, %dma_wait3A_99, %dma_wait3A_100] : memref<32x80x128xf32, #tpu.memory_space<hbm>> -> memref<1x80x128xf32, #tpu.memory_space<hbm>>
    %dma_wait3A_102 = tpu.memref_squeeze %dma_wait3A_101 : memref<1x80x128xf32, #tpu.memory_space<hbm>> -> memref<80x128xf32, #tpu.memory_space<hbm>>
    %dma_wait3A_103 = arith.constant 0 : i32
    %dma_wait3A_104 = arith.constant 0 : i32
    %dma_wait3A_105 = tpu.memref_slice %arg4[%add3A_98, %dma_wait3A_103, %dma_wait3A_104] : memref<32x80x128xf32, #tpu.memory_space<hbm>> -> memref<1x80x128xf32, #tpu.memory_space<hbm>>
    %dma_wait3A_106 = tpu.memref_squeeze %dma_wait3A_105 : memref<1x80x128xf32, #tpu.memory_space<hbm>> -> memref<80x128xf32, #tpu.memory_space<hbm>>
    tpu.wait_dma2 semaphore(%arg20 : memref<!tpu.dma_semaphore, #tpu.memory_space<semaphore_mem>>) src(%dma_wait3A_106 : memref<80x128xf32, #tpu.memory_space<hbm>>) dst(%arg9 : memref<80x128xf32, #tpu.memory_space<vmem>>)
    %add3A_107 = arith.constant 16 : i32
    %add3A_108 = arith.addi %add3A_107, %mul3A_32 : i32
    %add3A_109 = arith.constant 1 : i32
    %add3A_110 = arith.addi %add3A_108, %add3A_109 : i32
    %dma_wait3A_111 = arith.constant 0 : i32
    %dma_wait3A_112 = arith.constant 0 : i32
    %dma_wait3A_113 = tpu.memref_slice %arg4[%add3A_110, %dma_wait3A_111, %dma_wait3A_112] : memref<32x80x128xf32, #tpu.memory_space<hbm>> -> memref<1x80x128xf32, #tpu.memory_space<hbm>>
    %dma_wait3A_114 = tpu.memref_squeeze %dma_wait3A_113 : memref<1x80x128xf32, #tpu.memory_space<hbm>> -> memref<80x128xf32, #tpu.memory_space<hbm>>
    %dma_wait3A_115 = arith.constant 0 : i32
    %dma_wait3A_116 = arith.constant 0 : i32
    %dma_wait3A_117 = tpu.memref_slice %arg4[%add3A_110, %dma_wait3A_115, %dma_wait3A_116] : memref<32x80x128xf32, #tpu.memory_space<hbm>> -> memref<1x80x128xf32, #tpu.memory_space<hbm>>
    %dma_wait3A_118 = tpu.memref_squeeze %dma_wait3A_117 : memref<1x80x128xf32, #tpu.memory_space<hbm>> -> memref<80x128xf32, #tpu.memory_space<hbm>>
    tpu.wait_dma2 semaphore(%arg20 : memref<!tpu.dma_semaphore, #tpu.memory_space<semaphore_mem>>) src(%dma_wait3A_118 : memref<80x128xf32, #tpu.memory_space<hbm>>) dst(%arg11 : memref<80x128xf32, #tpu.memory_space<vmem>>)
    tpu.wait_dma2 semaphore(%arg20 : memref<!tpu.dma_semaphore, #tpu.memory_space<semaphore_mem>>) src(%arg6 : memref<80x128xf32, #tpu.memory_space<hbm>>) dst(%arg13 : memref<80x128xf32, #tpu.memory_space<vmem>>)
    %mul3A_119 = arith.constant 80000 : i32
    %mul3A_120 = arith.muli %select_n3A_30, %mul3A_119 : i32
    %add3A_121 = arith.constant 0 : i32
    %add3A_122 = arith.addi %mul3A_120, %add3A_121 : i32
    %mul3A_123 = arith.constant 625 : i32
    %mul3A_124 = arith.muli %select_n3A_30, %mul3A_123 : i32
    %add3A_125 = arith.constant 0 : i32
    %add3A_126 = arith.addi %mul3A_124, %add3A_125 : i32
    %dma_start3A_127 = tpu.memref_slice %arg2[%add3A_122] : memref<320000xi32, #tpu.memory_space<hbm>> -> memref<3200xi32, #tpu.memory_space<hbm>>
    %dma_start3A_128 = tpu.memref_slice %arg2[%add3A_122] : memref<320000xi32, #tpu.memory_space<hbm>> -> memref<3200xi32, #tpu.memory_space<hbm>>
    tpu.enqueue_dma source(%dma_start3A_128 : memref<3200xi32, #tpu.memory_space<hbm>>) target(%arg14 : memref<3200xi32, #tpu.memory_space<vmem>>) target_semaphore(%arg21 : memref<!tpu.dma_semaphore, #tpu.memory_space<semaphore_mem>>)
    %dma_start3A_129 = tpu.memref_slice %arg3[%add3A_122] : memref<320000xi32, #tpu.memory_space<hbm>> -> memref<3200xi32, #tpu.memory_space<hbm>>
    %dma_start3A_130 = tpu.memref_slice %arg3[%add3A_122] : memref<320000xi32, #tpu.memory_space<hbm>> -> memref<3200xi32, #tpu.memory_space<hbm>>
    tpu.enqueue_dma source(%dma_start3A_130 : memref<3200xi32, #tpu.memory_space<hbm>>) target(%arg15 : memref<3200xi32, #tpu.memory_space<vmem>>) target_semaphore(%arg21 : memref<!tpu.dma_semaphore, #tpu.memory_space<semaphore_mem>>)
    %dma_start3A_131 = arith.constant 0 : i32
    %dma_start3A_132 = tpu.memref_slice %arg5[%add3A_126, %mul3A_32, %dma_start3A_131] : memref<2500x16x128xf32, #tpu.memory_space<hbm>> -> memref<25x2x128xf32, #tpu.memory_space<hbm>>
    %dma_start3A_133 = arith.constant 0 : i32
    %dma_start3A_134 = tpu.memref_slice %arg5[%add3A_126, %mul3A_32, %dma_start3A_133] : memref<2500x16x128xf32, #tpu.memory_space<hbm>> -> memref<25x2x128xf32, #tpu.memory_space<hbm>>
    tpu.enqueue_dma source(%dma_start3A_134 : memref<25x2x128xf32, #tpu.memory_space<hbm>>) target(%arg16 : memref<25x2x128xf32, #tpu.memory_space<vmem>>) target_semaphore(%arg21 : memref<!tpu.dma_semaphore, #tpu.memory_space<semaphore_mem>>)
    %scan3A = arith.constant 0 : i32
    %scan3A_135 = arith.constant 12 : i32
    %scan3A_136 = arith.addi %scan3A, %scan3A_135 : i32
    %scan3A_137 = arith.constant 1 : i32
    scf.for %scan3A_161 = %scan3A to %scan3A_136 step %scan3A_137  : i32 {
      %mul3A_162 = arith.constant 1 : i32
      %mul3A_163 = arith.muli %scan3A_161, %mul3A_162 : i32
      %add3A_164 = arith.constant 0 : i32
      %add3A_165 = arith.addi %add3A_164, %mul3A_163 : i32
      %mul3A_166 = arith.constant 2 : i32
      %mul3A_167 = arith.muli %add3A_165, %mul3A_166 : i32
      %mul3A_168 = arith.constant 80000 : i32
      %mul3A_169 = arith.muli %select_n3A_30, %mul3A_168 : i32
      %mul3A_170 = arith.constant 3200 : i32
      %mul3A_171 = arith.muli %mul3A_167, %mul3A_170 : i32
      %add3A_172 = arith.addi %mul3A_169, %mul3A_171 : i32
      %mul3A_173 = arith.constant 625 : i32
      %mul3A_174 = arith.muli %select_n3A_30, %mul3A_173 : i32
      %mul3A_175 = arith.constant 25 : i32
      %mul3A_176 = arith.muli %mul3A_167, %mul3A_175 : i32
      %add3A_177 = arith.addi %mul3A_174, %mul3A_176 : i32
      %dma_wait3A_178 = tpu.memref_slice %arg2[%add3A_172] : memref<320000xi32, #tpu.memory_space<hbm>> -> memref<3200xi32, #tpu.memory_space<hbm>>
      %dma_wait3A_179 = tpu.memref_slice %arg2[%add3A_172] : memref<320000xi32, #tpu.memory_space<hbm>> -> memref<3200xi32, #tpu.memory_space<hbm>>
      tpu.wait_dma2 semaphore(%arg21 : memref<!tpu.dma_semaphore, #tpu.memory_space<semaphore_mem>>) src(%dma_wait3A_179 : memref<3200xi32, #tpu.memory_space<hbm>>) dst(%arg14 : memref<3200xi32, #tpu.memory_space<vmem>>)
      %dma_wait3A_180 = tpu.memref_slice %arg3[%add3A_172] : memref<320000xi32, #tpu.memory_space<hbm>> -> memref<3200xi32, #tpu.memory_space<hbm>>
      %dma_wait3A_181 = tpu.memref_slice %arg3[%add3A_172] : memref<320000xi32, #tpu.memory_space<hbm>> -> memref<3200xi32, #tpu.memory_space<hbm>>
      tpu.wait_dma2 semaphore(%arg21 : memref<!tpu.dma_semaphore, #tpu.memory_space<semaphore_mem>>) src(%dma_wait3A_181 : memref<3200xi32, #tpu.memory_space<hbm>>) dst(%arg15 : memref<3200xi32, #tpu.memory_space<vmem>>)
      %dma_wait3A_182 = arith.constant 0 : i32
      %dma_wait3A_183 = tpu.memref_slice %arg5[%add3A_177, %mul3A_32, %dma_wait3A_182] : memref<2500x16x128xf32, #tpu.memory_space<hbm>> -> memref<25x2x128xf32, #tpu.memory_space<hbm>>
      %dma_wait3A_184 = arith.constant 0 : i32
      %dma_wait3A_185 = tpu.memref_slice %arg5[%add3A_177, %mul3A_32, %dma_wait3A_184] : memref<2500x16x128xf32, #tpu.memory_space<hbm>> -> memref<25x2x128xf32, #tpu.memory_space<hbm>>
      tpu.wait_dma2 semaphore(%arg21 : memref<!tpu.dma_semaphore, #tpu.memory_space<semaphore_mem>>) src(%dma_wait3A_185 : memref<25x2x128xf32, #tpu.memory_space<hbm>>) dst(%arg16 : memref<25x2x128xf32, #tpu.memory_space<vmem>>)
      %add3A_186 = arith.constant 1 : i32
      %add3A_187 = arith.addi %mul3A_167, %add3A_186 : i32
      %mul3A_188 = arith.constant 80000 : i32
      %mul3A_189 = arith.muli %select_n3A_30, %mul3A_188 : i32
      %mul3A_190 = arith.constant 3200 : i32
      %mul3A_191 = arith.muli %add3A_187, %mul3A_190 : i32
      %add3A_192 = arith.addi %mul3A_189, %mul3A_191 : i32
      %mul3A_193 = arith.constant 625 : i32
      %mul3A_194 = arith.muli %select_n3A_30, %mul3A_193 : i32
      %mul3A_195 = arith.constant 25 : i32
      %mul3A_196 = arith.muli %add3A_187, %mul3A_195 : i32
      %add3A_197 = arith.addi %mul3A_194, %mul3A_196 : i32
      %dma_start3A_198 = tpu.memref_slice %arg2[%add3A_192] : memref<320000xi32, #tpu.memory_space<hbm>> -> memref<3200xi32, #tpu.memory_space<hbm>>
      %dma_start3A_199 = tpu.memref_slice %arg2[%add3A_192] : memref<320000xi32, #tpu.memory_space<hbm>> -> memref<3200xi32, #tpu.memory_space<hbm>>
      tpu.enqueue_dma source(%dma_start3A_199 : memref<3200xi32, #tpu.memory_space<hbm>>) target(%arg17 : memref<3200xi32, #tpu.memory_space<vmem>>) target_semaphore(%arg22 : memref<!tpu.dma_semaphore, #tpu.memory_space<semaphore_mem>>)
      %dma_start3A_200 = tpu.memref_slice %arg3[%add3A_192] : memref<320000xi32, #tpu.memory_space<hbm>> -> memref<3200xi32, #tpu.memory_space<hbm>>
      %dma_start3A_201 = tpu.memref_slice %arg3[%add3A_192] : memref<320000xi32, #tpu.memory_space<hbm>> -> memref<3200xi32, #tpu.memory_space<hbm>>
      tpu.enqueue_dma source(%dma_start3A_201 : memref<3200xi32, #tpu.memory_space<hbm>>) target(%arg18 : memref<3200xi32, #tpu.memory_space<vmem>>) target_semaphore(%arg22 : memref<!tpu.dma_semaphore, #tpu.memory_space<semaphore_mem>>)
      %dma_start3A_202 = arith.constant 0 : i32
      %dma_start3A_203 = tpu.memref_slice %arg5[%add3A_197, %mul3A_32, %dma_start3A_202] : memref<2500x16x128xf32, #tpu.memory_space<hbm>> -> memref<25x2x128xf32, #tpu.memory_space<hbm>>
      %dma_start3A_204 = arith.constant 0 : i32
      %dma_start3A_205 = tpu.memref_slice %arg5[%add3A_197, %mul3A_32, %dma_start3A_204] : memref<2500x16x128xf32, #tpu.memory_space<hbm>> -> memref<25x2x128xf32, #tpu.memory_space<hbm>>
      tpu.enqueue_dma source(%dma_start3A_205 : memref<25x2x128xf32, #tpu.memory_space<hbm>>) target(%arg19 : memref<25x2x128xf32, #tpu.memory_space<vmem>>) target_semaphore(%arg22 : memref<!tpu.dma_semaphore, #tpu.memory_space<semaphore_mem>>)
      %parallel_loop3A_206 = arith.constant 0 : i32
      %parallel_loop3A_207 = arith.constant 25 : i32
      %parallel_loop3A_208 = arith.constant 1 : i32
      scf.for %parallel_loop3A_252 = %parallel_loop3A_206 to %parallel_loop3A_207 step %parallel_loop3A_208  : i32 {
        %parallel_loop3A_253 = arith.constant 128 : i32
        %parallel_loop3A_254 = arith.muli %parallel_loop3A_252, %parallel_loop3A_253 : i32
        %parallel_loop3A_255 = arith.constant 0 : i32
        %parallel_loop3A_256 = arith.addi %parallel_loop3A_254, %parallel_loop3A_255 : i32
        %parallel_loop3A_257 = arith.index_cast %parallel_loop3A_256 : i32 to index
        %parallel_loop3A_258 = tpu.vector_load %arg14[%parallel_loop3A_257] {strides = array<i32>} : memref<3200xi32, #tpu.memory_space<vmem>>, vector<16xi32>,
        %parallel_loop3A_259 = arith.index_cast %parallel_loop3A_256 : i32 to index
        %parallel_loop3A_260 = tpu.vector_load %arg15[%parallel_loop3A_259] {strides = array<i32>} : memref<3200xi32, #tpu.memory_space<vmem>>, vector<16xi32>,
        %parallel_loop3A_261 = arith.constant 7 : i32
        %parallel_loop3A_262 = vector.broadcast %parallel_loop3A_261 : i32 to vector<16xi32>
        %parallel_loop3A_263 = arith.shrui %parallel_loop3A_258, %parallel_loop3A_262 : vector<16xi32>
        %parallel_loop3A_264 = arith.constant 127 : i32
        %parallel_loop3A_265 = vector.broadcast %parallel_loop3A_264 : i32 to vector<16xi32>
        %parallel_loop3A_266 = arith.andi %parallel_loop3A_258, %parallel_loop3A_265 : vector<16xi32>
        %parallel_loop3A_267 = arith.constant 7 : i32
        %parallel_loop3A_268 = vector.broadcast %parallel_loop3A_267 : i32 to vector<16xi32>
        %parallel_loop3A_269 = arith.shrui %parallel_loop3A_260, %parallel_loop3A_268 : vector<16xi32>
        %parallel_loop3A_270 = arith.constant 127 : i32
        %parallel_loop3A_271 = vector.broadcast %parallel_loop3A_270 : i32 to vector<16xi32>
        %parallel_loop3A_272 = arith.andi %parallel_loop3A_260, %parallel_loop3A_271 : vector<16xi32>
        %parallel_loop3A_273 = arith.constant 0 : i32
        %parallel_loop3A_274 = arith.index_cast %parallel_loop3A_252 : i32 to index
        %parallel_loop3A_275 = arith.index_cast %parallel_loop3A_273 : i32 to index
        %parallel_loop3A_276 = arith.constant 0 : index
        %parallel_loop3A_277 = tpu.vector_load %arg16[%parallel_loop3A_274, %parallel_loop3A_275, %parallel_loop3A_276] {strides = array<i32>} : memref<25x2x128xf32, #tpu.memory_space<vmem>>, vector<16xf32>,
        %parallel_loop3A_278 = tpu.vector_load_idx %arg8[%parallel_loop3A_263, %parallel_loop3A_266] : memref<80x128xf32, #tpu.memory_space<vmem>>[vector<16xi32>, vector<16xi32>], vector<16xf32>,
        %parallel_loop3A_279 = tpu.vector_load_idx %arg10[%parallel_loop3A_269, %parallel_loop3A_272] : memref<80x128xf32, #tpu.memory_space<vmem>>[vector<16xi32>, vector<16xi32>], vector<16xf32>,
        %parallel_loop3A_280 = arith.addf %parallel_loop3A_277, %parallel_loop3A_278 : vector<16xf32>
        %parallel_loop3A_281 = arith.addf %parallel_loop3A_280, %parallel_loop3A_279 : vector<16xf32>
        %parallel_loop3A_282 = arith.constant 0.000000e+00 : f32
        %parallel_loop3A_283 = vector.broadcast %parallel_loop3A_282 : f32 to vector<16xf32>
        %parallel_loop3A_284 = arith.maximumf %parallel_loop3A_281, %parallel_loop3A_283 : vector<16xf32>
        tpu.vector_store_idx %arg12[%parallel_loop3A_269, %parallel_loop3A_272], %parallel_loop3A_284 {add = true} : memref<80x128xf32, #tpu.memory_space<vmem>>[vector<16xi32>, vector<16xi32>], vector<16xf32>,
        %parallel_loop3A_285 = arith.constant 1 : i32
        %parallel_loop3A_286 = arith.index_cast %parallel_loop3A_252 : i32 to index
        %parallel_loop3A_287 = arith.index_cast %parallel_loop3A_285 : i32 to index
        %parallel_loop3A_288 = arith.constant 0 : index
        %parallel_loop3A_289 = tpu.vector_load %arg16[%parallel_loop3A_286, %parallel_loop3A_287, %parallel_loop3A_288] {strides = array<i32>} : memref<25x2x128xf32, #tpu.memory_space<vmem>>, vector<16xf32>,
        %parallel_loop3A_290 = tpu.vector_load_idx %arg9[%parallel_loop3A_263, %parallel_loop3A_266] : memref<80x128xf32, #tpu.memory_space<vmem>>[vector<16xi32>, vector<16xi32>], vector<16xf32>,
        %parallel_loop3A_291 = tpu.vector_load_idx %arg11[%parallel_loop3A_269, %parallel_loop3A_272] : memref<80x128xf32, #tpu.memory_space<vmem>>[vector<16xi32>, vector<16xi32>], vector<16xf32>,
        %parallel_loop3A_292 = arith.addf %parallel_loop3A_289, %parallel_loop3A_290 : vector<16xf32>
        %parallel_loop3A_293 = arith.addf %parallel_loop3A_292, %parallel_loop3A_291 : vector<16xf32>
        %parallel_loop3A_294 = arith.constant 0.000000e+00 : f32
        %parallel_loop3A_295 = vector.broadcast %parallel_loop3A_294 : f32 to vector<16xf32>
        %parallel_loop3A_296 = arith.maximumf %parallel_loop3A_293, %parallel_loop3A_295 : vector<16xf32>
        tpu.vector_store_idx %arg13[%parallel_loop3A_269, %parallel_loop3A_272], %parallel_loop3A_296 {add = true} : memref<80x128xf32, #tpu.memory_space<vmem>>[vector<16xi32>, vector<16xi32>], vector<16xf32>,
        %parallel_loop3A_297 = arith.constant 128 : i32
        %parallel_loop3A_298 = arith.muli %parallel_loop3A_252, %parallel_loop3A_297 : i32
        %parallel_loop3A_299 = arith.constant 16 : i32
        %parallel_loop3A_300 = arith.addi %parallel_loop3A_298, %parallel_loop3A_299 : i32
        %parallel_loop3A_301 = arith.index_cast %parallel_loop3A_300 : i32 to index
        %parallel_loop3A_302 = tpu.vector_load %arg14[%parallel_loop3A_301] {strides = array<i32>} : memref<3200xi32, #tpu.memory_space<vmem>>, vector<16xi32>,
        %parallel_loop3A_303 = arith.index_cast %parallel_loop3A_300 : i32 to index
        %parallel_loop3A_304 = tpu.vector_load %arg15[%parallel_loop3A_303] {strides = array<i32>} : memref<3200xi32, #tpu.memory_space<vmem>>, vector<16xi32>,
        %parallel_loop3A_305 = arith.constant 7 : i32
        %parallel_loop3A_306 = vector.broadcast %parallel_loop3A_305 : i32 to vector<16xi32>
        %parallel_loop3A_307 = arith.shrui %parallel_loop3A_302, %parallel_loop3A_306 : vector<16xi32>
        %parallel_loop3A_308 = arith.constant 127 : i32
        %parallel_loop3A_309 = vector.broadcast %parallel_loop3A_308 : i32 to vector<16xi32>
        %parallel_loop3A_310 = arith.andi %parallel_loop3A_302, %parallel_loop3A_309 : vector<16xi32>
        %parallel_loop3A_311 = arith.constant 7 : i32
        %parallel_loop3A_312 = vector.broadcast %parallel_loop3A_311 : i32 to vector<16xi32>
        %parallel_loop3A_313 = arith.shrui %parallel_loop3A_304, %parallel_loop3A_312 : vector<16xi32>
        %parallel_loop3A_314 = arith.constant 127 : i32
        %parallel_loop3A_315 = vector.broadcast %parallel_loop3A_314 : i32 to vector<16xi32>
        %parallel_loop3A_316 = arith.andi %parallel_loop3A_304, %parallel_loop3A_315 : vector<16xi32>
        %parallel_loop3A_317 = arith.constant 0 : i32
        %parallel_loop3A_318 = arith.index_cast %parallel_loop3A_252 : i32 to index
        %parallel_loop3A_319 = arith.index_cast %parallel_loop3A_317 : i32 to index
        %parallel_loop3A_320 = arith.constant 16 : index
        %parallel_loop3A_321 = tpu.vector_load %arg16[%parallel_loop3A_318, %parallel_loop3A_319, %parallel_loop3A_320] {strides = array<i32>} : memref<25x2x128xf32, #tpu.memory_space<vmem>>, vector<16xf32>,
        %parallel_loop3A_322 = tpu.vector_load_idx %arg8[%parallel_loop3A_307, %parallel_loop3A_310] : memref<80x128xf32, #tpu.memory_space<vmem>>[vector<16xi32>, vector<16xi32>], vector<16xf32>,
        %parallel_loop3A_323 = tpu.vector_load_idx %arg10[%parallel_loop3A_313, %parallel_loop3A_316] : memref<80x128xf32, #tpu.memory_space<vmem>>[vector<16xi32>, vector<16xi32>], vector<16xf32>,
        %parallel_loop3A_324 = arith.addf %parallel_loop3A_321, %parallel_loop3A_322 : vector<16xf32>
        %parallel_loop3A_325 = arith.addf %parallel_loop3A_324, %parallel_loop3A_323 : vector<16xf32>
        %parallel_loop3A_326 = arith.constant 0.000000e+00 : f32
        %parallel_loop3A_327 = vector.broadcast %parallel_loop3A_326 : f32 to vector<16xf32>
        %parallel_loop3A_328 = arith.maximumf %parallel_loop3A_325, %parallel_loop3A_327 : vector<16xf32>
        tpu.vector_store_idx %arg12[%parallel_loop3A_313, %parallel_loop3A_316], %parallel_loop3A_328 {add = true} : memref<80x128xf32, #tpu.memory_space<vmem>>[vector<16xi32>, vector<16xi32>], vector<16xf32>,
        %parallel_loop3A_329 = arith.constant 1 : i32
        %parallel_loop3A_330 = arith.index_cast %parallel_loop3A_252 : i32 to index
        %parallel_loop3A_331 = arith.index_cast %parallel_loop3A_329 : i32 to index
        %parallel_loop3A_332 = arith.constant 16 : index
        %parallel_loop3A_333 = tpu.vector_load %arg16[%parallel_loop3A_330, %parallel_loop3A_331, %parallel_loop3A_332] {strides = array<i32>} : memref<25x2x128xf32, #tpu.memory_space<vmem>>, vector<16xf32>,
        %parallel_loop3A_334 = tpu.vector_load_idx %arg9[%parallel_loop3A_307, %parallel_loop3A_310] : memref<80x128xf32, #tpu.memory_space<vmem>>[vector<16xi32>, vector<16xi32>], vector<16xf32>,
        %parallel_loop3A_335 = tpu.vector_load_idx %arg11[%parallel_loop3A_313, %parallel_loop3A_316] : memref<80x128xf32, #tpu.memory_space<vmem>>[vector<16xi32>, vector<16xi32>], vector<16xf32>,
        %parallel_loop3A_336 = arith.addf %parallel_loop3A_333, %parallel_loop3A_334 : vector<16xf32>
        %parallel_loop3A_337 = arith.addf %parallel_loop3A_336, %parallel_loop3A_335 : vector<16xf32>
        %parallel_loop3A_338 = arith.constant 0.000000e+00 : f32
        %parallel_loop3A_339 = vector.broadcast %parallel_loop3A_338 : f32 to vector<16xf32>
        %parallel_loop3A_340 = arith.maximumf %parallel_loop3A_337, %parallel_loop3A_339 : vector<16xf32>
        tpu.vector_store_idx %arg13[%parallel_loop3A_313, %parallel_loop3A_316], %parallel_loop3A_340 {add = true} : memref<80x128xf32, #tpu.memory_space<vmem>>[vector<16xi32>, vector<16xi32>], vector<16xf32>,
        %parallel_loop3A_341 = arith.constant 128 : i32
        %parallel_loop3A_342 = arith.muli %parallel_loop3A_252, %parallel_loop3A_341 : i32
        %parallel_loop3A_343 = arith.constant 32 : i32
        %parallel_loop3A_344 = arith.addi %parallel_loop3A_342, %parallel_loop3A_343 : i32
        %parallel_loop3A_345 = arith.index_cast %parallel_loop3A_344 : i32 to index
        %parallel_loop3A_346 = tpu.vector_load %arg14[%parallel_loop3A_345] {strides = array<i32>} : memref<3200xi32, #tpu.memory_space<vmem>>, vector<16xi32>,
        %parallel_loop3A_347 = arith.index_cast %parallel_loop3A_344 : i32 to index
        %parallel_loop3A_348 = tpu.vector_load %arg15[%parallel_loop3A_347] {strides = array<i32>} : memref<3200xi32, #tpu.memory_space<vmem>>, vector<16xi32>,
        %parallel_loop3A_349 = arith.constant 7 : i32
        %parallel_loop3A_350 = vector.broadcast %parallel_loop3A_349 : i32 to vector<16xi32>
        %parallel_loop3A_351 = arith.shrui %parallel_loop3A_346, %parallel_loop3A_350 : vector<16xi32>
        %parallel_loop3A_352 = arith.constant 127 : i32
        %parallel_loop3A_353 = vector.broadcast %parallel_loop3A_352 : i32 to vector<16xi32>
        %parallel_loop3A_354 = arith.andi %parallel_loop3A_346, %parallel_loop3A_353 : vector<16xi32>
        %parallel_loop3A_355 = arith.constant 7 : i32
        %parallel_loop3A_356 = vector.broadcast %parallel_loop3A_355 : i32 to vector<16xi32>
        %parallel_loop3A_357 = arith.shrui %parallel_loop3A_348, %parallel_loop3A_356 : vector<16xi32>
        %parallel_loop3A_358 = arith.constant 127 : i32
        %parallel_loop3A_359 = vector.broadcast %parallel_loop3A_358 : i32 to vector<16xi32>
        %parallel_loop3A_360 = arith.andi %parallel_loop3A_348, %parallel_loop3A_359 : vector<16xi32>
        %parallel_loop3A_361 = arith.constant 0 : i32
        %parallel_loop3A_362 = arith.index_cast %parallel_loop3A_252 : i32 to index
        %parallel_loop3A_363 = arith.index_cast %parallel_loop3A_361 : i32 to index
        %parallel_loop3A_364 = arith.constant 32 : index
        %parallel_loop3A_365 = tpu.vector_load %arg16[%parallel_loop3A_362, %parallel_loop3A_363, %parallel_loop3A_364] {strides = array<i32>} : memref<25x2x128xf32, #tpu.memory_space<vmem>>, vector<16xf32>,
        %parallel_loop3A_366 = tpu.vector_load_idx %arg8[%parallel_loop3A_351, %parallel_loop3A_354] : memref<80x128xf32, #tpu.memory_space<vmem>>[vector<16xi32>, vector<16xi32>], vector<16xf32>,
        %parallel_loop3A_367 = tpu.vector_load_idx %arg10[%parallel_loop3A_357, %parallel_loop3A_360] : memref<80x128xf32, #tpu.memory_space<vmem>>[vector<16xi32>, vector<16xi32>], vector<16xf32>,
        %parallel_loop3A_368 = arith.addf %parallel_loop3A_365, %parallel_loop3A_366 : vector<16xf32>
        %parallel_loop3A_369 = arith.addf %parallel_loop3A_368, %parallel_loop3A_367 : vector<16xf32>
        %parallel_loop3A_370 = arith.constant 0.000000e+00 : f32
        %parallel_loop3A_371 = vector.broadcast %parallel_loop3A_370 : f32 to vector<16xf32>
        %parallel_loop3A_372 = arith.maximumf %parallel_loop3A_369, %parallel_loop3A_371 : vector<16xf32>
        tpu.vector_store_idx %arg12[%parallel_loop3A_357, %parallel_loop3A_360], %parallel_loop3A_372 {add = true} : memref<80x128xf32, #tpu.memory_space<vmem>>[vector<16xi32>, vector<16xi32>], vector<16xf32>,
        %parallel_loop3A_373 = arith.constant 1 : i32
        %parallel_loop3A_374 = arith.index_cast %parallel_loop3A_252 : i32 to index
        %parallel_loop3A_375 = arith.index_cast %parallel_loop3A_373 : i32 to index
        %parallel_loop3A_376 = arith.constant 32 : index
        %parallel_loop3A_377 = tpu.vector_load %arg16[%parallel_loop3A_374, %parallel_loop3A_375, %parallel_loop3A_376] {strides = array<i32>} : memref<25x2x128xf32, #tpu.memory_space<vmem>>, vector<16xf32>,
        %parallel_loop3A_378 = tpu.vector_load_idx %arg9[%parallel_loop3A_351, %parallel_loop3A_354] : memref<80x128xf32, #tpu.memory_space<vmem>>[vector<16xi32>, vector<16xi32>], vector<16xf32>,
        %parallel_loop3A_379 = tpu.vector_load_idx %arg11[%parallel_loop3A_357, %parallel_loop3A_360] : memref<80x128xf32, #tpu.memory_space<vmem>>[vector<16xi32>, vector<16xi32>], vector<16xf32>,
        %parallel_loop3A_380 = arith.addf %parallel_loop3A_377, %parallel_loop3A_378 : vector<16xf32>
        %parallel_loop3A_381 = arith.addf %parallel_loop3A_380, %parallel_loop3A_379 : vector<16xf32>
        %parallel_loop3A_382 = arith.constant 0.000000e+00 : f32
        %parallel_loop3A_383 = vector.broadcast %parallel_loop3A_382 : f32 to vector<16xf32>
        %parallel_loop3A_384 = arith.maximumf %parallel_loop3A_381, %parallel_loop3A_383 : vector<16xf32>
        tpu.vector_store_idx %arg13[%parallel_loop3A_357, %parallel_loop3A_360], %parallel_loop3A_384 {add = true} : memref<80x128xf32, #tpu.memory_space<vmem>>[vector<16xi32>, vector<16xi32>], vector<16xf32>,
        %parallel_loop3A_385 = arith.constant 128 : i32
        %parallel_loop3A_386 = arith.muli %parallel_loop3A_252, %parallel_loop3A_385 : i32
        %parallel_loop3A_387 = arith.constant 48 : i32
        %parallel_loop3A_388 = arith.addi %parallel_loop3A_386, %parallel_loop3A_387 : i32
        %parallel_loop3A_389 = arith.index_cast %parallel_loop3A_388 : i32 to index
        %parallel_loop3A_390 = tpu.vector_load %arg14[%parallel_loop3A_389] {strides = array<i32>} : memref<3200xi32, #tpu.memory_space<vmem>>, vector<16xi32>,
        %parallel_loop3A_391 = arith.index_cast %parallel_loop3A_388 : i32 to index
        %parallel_loop3A_392 = tpu.vector_load %arg15[%parallel_loop3A_391] {strides = array<i32>} : memref<3200xi32, #tpu.memory_space<vmem>>, vector<16xi32>,
        %parallel_loop3A_393 = arith.constant 7 : i32
        %parallel_loop3A_394 = vector.broadcast %parallel_loop3A_393 : i32 to vector<16xi32>
        %parallel_loop3A_395 = arith.shrui %parallel_loop3A_390, %parallel_loop3A_394 : vector<16xi32>
        %parallel_loop3A_396 = arith.constant 127 : i32
        %parallel_loop3A_397 = vector.broadcast %parallel_loop3A_396 : i32 to vector<16xi32>
        %parallel_loop3A_398 = arith.andi %parallel_loop3A_390, %parallel_loop3A_397 : vector<16xi32>
        %parallel_loop3A_399 = arith.constant 7 : i32
        %parallel_loop3A_400 = vector.broadcast %parallel_loop3A_399 : i32 to vector<16xi32>
        %parallel_loop3A_401 = arith.shrui %parallel_loop3A_392, %parallel_loop3A_400 : vector<16xi32>
        %parallel_loop3A_402 = arith.constant 127 : i32
        %parallel_loop3A_403 = vector.broadcast %parallel_loop3A_402 : i32 to vector<16xi32>
        %parallel_loop3A_404 = arith.andi %parallel_loop3A_392, %parallel_loop3A_403 : vector<16xi32>
        %parallel_loop3A_405 = arith.constant 0 : i32
        %parallel_loop3A_406 = arith.index_cast %parallel_loop3A_252 : i32 to index
        %parallel_loop3A_407 = arith.index_cast %parallel_loop3A_405 : i32 to index
        %parallel_loop3A_408 = arith.constant 48 : index
        %parallel_loop3A_409 = tpu.vector_load %arg16[%parallel_loop3A_406, %parallel_loop3A_407, %parallel_loop3A_408] {strides = array<i32>} : memref<25x2x128xf32, #tpu.memory_space<vmem>>, vector<16xf32>,
        %parallel_loop3A_410 = tpu.vector_load_idx %arg8[%parallel_loop3A_395, %parallel_loop3A_398] : memref<80x128xf32, #tpu.memory_space<vmem>>[vector<16xi32>, vector<16xi32>], vector<16xf32>,
        %parallel_loop3A_411 = tpu.vector_load_idx %arg10[%parallel_loop3A_401, %parallel_loop3A_404] : memref<80x128xf32, #tpu.memory_space<vmem>>[vector<16xi32>, vector<16xi32>], vector<16xf32>,
        %parallel_loop3A_412 = arith.addf %parallel_loop3A_409, %parallel_loop3A_410 : vector<16xf32>
        %parallel_loop3A_413 = arith.addf %parallel_loop3A_412, %parallel_loop3A_411 : vector<16xf32>
        %parallel_loop3A_414 = arith.constant 0.000000e+00 : f32
        %parallel_loop3A_415 = vector.broadcast %parallel_loop3A_414 : f32 to vector<16xf32>
        %parallel_loop3A_416 = arith.maximumf %parallel_loop3A_413, %parallel_loop3A_415 : vector<16xf32>
        tpu.vector_store_idx %arg12[%parallel_loop3A_401, %parallel_loop3A_404], %parallel_loop3A_416 {add = true} : memref<80x128xf32, #tpu.memory_space<vmem>>[vector<16xi32>, vector<16xi32>], vector<16xf32>,
        %parallel_loop3A_417 = arith.constant 1 : i32
        %parallel_loop3A_418 = arith.index_cast %parallel_loop3A_252 : i32 to index
        %parallel_loop3A_419 = arith.index_cast %parallel_loop3A_417 : i32 to index
        %parallel_loop3A_420 = arith.constant 48 : index
        %parallel_loop3A_421 = tpu.vector_load %arg16[%parallel_loop3A_418, %parallel_loop3A_419, %parallel_loop3A_420] {strides = array<i32>} : memref<25x2x128xf32, #tpu.memory_space<vmem>>, vector<16xf32>,
        %parallel_loop3A_422 = tpu.vector_load_idx %arg9[%parallel_loop3A_395, %parallel_loop3A_398] : memref<80x128xf32, #tpu.memory_space<vmem>>[vector<16xi32>, vector<16xi32>], vector<16xf32>,
        %parallel_loop3A_423 = tpu.vector_load_idx %arg11[%parallel_loop3A_401, %parallel_loop3A_404] : memref<80x128xf32, #tpu.memory_space<vmem>>[vector<16xi32>, vector<16xi32>], vector<16xf32>,
        %parallel_loop3A_424 = arith.addf %parallel_loop3A_421, %parallel_loop3A_422 : vector<16xf32>
        %parallel_loop3A_425 = arith.addf %parallel_loop3A_424, %parallel_loop3A_423 : vector<16xf32>
        %parallel_loop3A_426 = arith.constant 0.000000e+00 : f32
        %parallel_loop3A_427 = vector.broadcast %parallel_loop3A_426 : f32 to vector<16xf32>
        %parallel_loop3A_428 = arith.maximumf %parallel_loop3A_425, %parallel_loop3A_427 : vector<16xf32>
        tpu.vector_store_idx %arg13[%parallel_loop3A_401, %parallel_loop3A_404], %parallel_loop3A_428 {add = true} : memref<80x128xf32, #tpu.memory_space<vmem>>[vector<16xi32>, vector<16xi32>], vector<16xf32>,
        %parallel_loop3A_429 = arith.constant 128 : i32
        %parallel_loop3A_430 = arith.muli %parallel_loop3A_252, %parallel_loop3A_429 : i32
        %parallel_loop3A_431 = arith.constant 64 : i32
        %parallel_loop3A_432 = arith.addi %parallel_loop3A_430, %parallel_loop3A_431 : i32
        %parallel_loop3A_433 = arith.index_cast %parallel_loop3A_432 : i32 to index
        %parallel_loop3A_434 = tpu.vector_load %arg14[%parallel_loop3A_433] {strides = array<i32>} : memref<3200xi32, #tpu.memory_space<vmem>>, vector<16xi32>,
        %parallel_loop3A_435 = arith.index_cast %parallel_loop3A_432 : i32 to index
        %parallel_loop3A_436 = tpu.vector_load %arg15[%parallel_loop3A_435] {strides = array<i32>} : memref<3200xi32, #tpu.memory_space<vmem>>, vector<16xi32>,
        %parallel_loop3A_437 = arith.constant 7 : i32
        %parallel_loop3A_438 = vector.broadcast %parallel_loop3A_437 : i32 to vector<16xi32>
        %parallel_loop3A_439 = arith.shrui %parallel_loop3A_434, %parallel_loop3A_438 : vector<16xi32>
        %parallel_loop3A_440 = arith.constant 127 : i32
        %parallel_loop3A_441 = vector.broadcast %parallel_loop3A_440 : i32 to vector<16xi32>
        %parallel_loop3A_442 = arith.andi %parallel_loop3A_434, %parallel_loop3A_441 : vector<16xi32>
        %parallel_loop3A_443 = arith.constant 7 : i32
        %parallel_loop3A_444 = vector.broadcast %parallel_loop3A_443 : i32 to vector<16xi32>
        %parallel_loop3A_445 = arith.shrui %parallel_loop3A_436, %parallel_loop3A_444 : vector<16xi32>
        %parallel_loop3A_446 = arith.constant 127 : i32
        %parallel_loop3A_447 = vector.broadcast %parallel_loop3A_446 : i32 to vector<16xi32>
        %parallel_loop3A_448 = arith.andi %parallel_loop3A_436, %parallel_loop3A_447 : vector<16xi32>
        %parallel_loop3A_449 = arith.constant 0 : i32
        %parallel_loop3A_450 = arith.index_cast %parallel_loop3A_252 : i32 to index
        %parallel_loop3A_451 = arith.index_cast %parallel_loop3A_449 : i32 to index
        %parallel_loop3A_452 = arith.constant 64 : index
        %parallel_loop3A_453 = tpu.vector_load %arg16[%parallel_loop3A_450, %parallel_loop3A_451, %parallel_loop3A_452] {strides = array<i32>} : memref<25x2x128xf32, #tpu.memory_space<vmem>>, vector<16xf32>,
        %parallel_loop3A_454 = tpu.vector_load_idx %arg8[%parallel_loop3A_439, %parallel_loop3A_442] : memref<80x128xf32, #tpu.memory_space<vmem>>[vector<16xi32>, vector<16xi32>], vector<16xf32>,
        %parallel_loop3A_455 = tpu.vector_load_idx %arg10[%parallel_loop3A_445, %parallel_loop3A_448] : memref<80x128xf32, #tpu.memory_space<vmem>>[vector<16xi32>, vector<16xi32>], vector<16xf32>,
        %parallel_loop3A_456 = arith.addf %parallel_loop3A_453, %parallel_loop3A_454 : vector<16xf32>
        %parallel_loop3A_457 = arith.addf %parallel_loop3A_456, %parallel_loop3A_455 : vector<16xf32>
        %parallel_loop3A_458 = arith.constant 0.000000e+00 : f32
        %parallel_loop3A_459 = vector.broadcast %parallel_loop3A_458 : f32 to vector<16xf32>
        %parallel_loop3A_460 = arith.maximumf %parallel_loop3A_457, %parallel_loop3A_459 : vector<16xf32>
        tpu.vector_store_idx %arg12[%parallel_loop3A_445, %parallel_loop3A_448], %parallel_loop3A_460 {add = true} : memref<80x128xf32, #tpu.memory_space<vmem>>[vector<16xi32>, vector<16xi32>], vector<16xf32>,
        %parallel_loop3A_461 = arith.constant 1 : i32
        %parallel_loop3A_462 = arith.index_cast %parallel_loop3A_252 : i32 to index
        %parallel_loop3A_463 = arith.index_cast %parallel_loop3A_461 : i32 to index
        %parallel_loop3A_464 = arith.constant 64 : index
        %parallel_loop3A_465 = tpu.vector_load %arg16[%parallel_loop3A_462, %parallel_loop3A_463, %parallel_loop3A_464] {strides = array<i32>} : memref<25x2x128xf32, #tpu.memory_space<vmem>>, vector<16xf32>,
        %parallel_loop3A_466 = tpu.vector_load_idx %arg9[%parallel_loop3A_439, %parallel_loop3A_442] : memref<80x128xf32, #tpu.memory_space<vmem>>[vector<16xi32>, vector<16xi32>], vector<16xf32>,
        %parallel_loop3A_467 = tpu.vector_load_idx %arg11[%parallel_loop3A_445, %parallel_loop3A_448] : memref<80x128xf32, #tpu.memory_space<vmem>>[vector<16xi32>, vector<16xi32>], vector<16xf32>,
        %parallel_loop3A_468 = arith.addf %parallel_loop3A_465, %parallel_loop3A_466 : vector<16xf32>
        %parallel_loop3A_469 = arith.addf %parallel_loop3A_468, %parallel_loop3A_467 : vector<16xf32>
        %parallel_loop3A_470 = arith.constant 0.000000e+00 : f32
        %parallel_loop3A_471 = vector.broadcast %parallel_loop3A_470 : f32 to vector<16xf32>
        %parallel_loop3A_472 = arith.maximumf %parallel_loop3A_469, %parallel_loop3A_471 : vector<16xf32>
        tpu.vector_store_idx %arg13[%parallel_loop3A_445, %parallel_loop3A_448], %parallel_loop3A_472 {add = true} : memref<80x128xf32, #tpu.memory_space<vmem>>[vector<16xi32>, vector<16xi32>], vector<16xf32>,
        %parallel_loop3A_473 = arith.constant 128 : i32
        %parallel_loop3A_474 = arith.muli %parallel_loop3A_252, %parallel_loop3A_473 : i32
        %parallel_loop3A_475 = arith.constant 80 : i32
        %parallel_loop3A_476 = arith.addi %parallel_loop3A_474, %parallel_loop3A_475 : i32
        %parallel_loop3A_477 = arith.index_cast %parallel_loop3A_476 : i32 to index
        %parallel_loop3A_478 = tpu.vector_load %arg14[%parallel_loop3A_477] {strides = array<i32>} : memref<3200xi32, #tpu.memory_space<vmem>>, vector<16xi32>,
        %parallel_loop3A_479 = arith.index_cast %parallel_loop3A_476 : i32 to index
        %parallel_loop3A_480 = tpu.vector_load %arg15[%parallel_loop3A_479] {strides = array<i32>} : memref<3200xi32, #tpu.memory_space<vmem>>, vector<16xi32>,
        %parallel_loop3A_481 = arith.constant 7 : i32
        %parallel_loop3A_482 = vector.broadcast %parallel_loop3A_481 : i32 to vector<16xi32>
        %parallel_loop3A_483 = arith.shrui %parallel_loop3A_478, %parallel_loop3A_482 : vector<16xi32>
        %parallel_loop3A_484 = arith.constant 127 : i32
        %parallel_loop3A_485 = vector.broadcast %parallel_loop3A_484 : i32 to vector<16xi32>
        %parallel_loop3A_486 = arith.andi %parallel_loop3A_478, %parallel_loop3A_485 : vector<16xi32>
        %parallel_loop3A_487 = arith.constant 7 : i32
        %parallel_loop3A_488 = vector.broadcast %parallel_loop3A_487 : i32 to vector<16xi32>
        %parallel_loop3A_489 = arith.shrui %parallel_loop3A_480, %parallel_loop3A_488 : vector<16xi32>
        %parallel_loop3A_490 = arith.constant 127 : i32
        %parallel_loop3A_491 = vector.broadcast %parallel_loop3A_490 : i32 to vector<16xi32>
        %parallel_loop3A_492 = arith.andi %parallel_loop3A_480, %parallel_loop3A_491 : vector<16xi32>
        %parallel_loop3A_493 = arith.constant 0 : i32
        %parallel_loop3A_494 = arith.index_cast %parallel_loop3A_252 : i32 to index
        %parallel_loop3A_495 = arith.index_cast %parallel_loop3A_493 : i32 to index
        %parallel_loop3A_496 = arith.constant 80 : index
        %parallel_loop3A_497 = tpu.vector_load %arg16[%parallel_loop3A_494, %parallel_loop3A_495, %parallel_loop3A_496] {strides = array<i32>} : memref<25x2x128xf32, #tpu.memory_space<vmem>>, vector<16xf32>,
        %parallel_loop3A_498 = tpu.vector_load_idx %arg8[%parallel_loop3A_483, %parallel_loop3A_486] : memref<80x128xf32, #tpu.memory_space<vmem>>[vector<16xi32>, vector<16xi32>], vector<16xf32>,
        %parallel_loop3A_499 = tpu.vector_load_idx %arg10[%parallel_loop3A_489, %parallel_loop3A_492] : memref<80x128xf32, #tpu.memory_space<vmem>>[vector<16xi32>, vector<16xi32>], vector<16xf32>,
        %parallel_loop3A_500 = arith.addf %parallel_loop3A_497, %parallel_loop3A_498 : vector<16xf32>
        %parallel_loop3A_501 = arith.addf %parallel_loop3A_500, %parallel_loop3A_499 : vector<16xf32>
        %parallel_loop3A_502 = arith.constant 0.000000e+00 : f32
        %parallel_loop3A_503 = vector.broadcast %parallel_loop3A_502 : f32 to vector<16xf32>
        %parallel_loop3A_504 = arith.maximumf %parallel_loop3A_501, %parallel_loop3A_503 : vector<16xf32>
        tpu.vector_store_idx %arg12[%parallel_loop3A_489, %parallel_loop3A_492], %parallel_loop3A_504 {add = true} : memref<80x128xf32, #tpu.memory_space<vmem>>[vector<16xi32>, vector<16xi32>], vector<16xf32>,
        %parallel_loop3A_505 = arith.constant 1 : i32
        %parallel_loop3A_506 = arith.index_cast %parallel_loop3A_252 : i32 to index
        %parallel_loop3A_507 = arith.index_cast %parallel_loop3A_505 : i32 to index
        %parallel_loop3A_508 = arith.constant 80 : index
        %parallel_loop3A_509 = tpu.vector_load %arg16[%parallel_loop3A_506, %parallel_loop3A_507, %parallel_loop3A_508] {strides = array<i32>} : memref<25x2x128xf32, #tpu.memory_space<vmem>>, vector<16xf32>,
        %parallel_loop3A_510 = tpu.vector_load_idx %arg9[%parallel_loop3A_483, %parallel_loop3A_486] : memref<80x128xf32, #tpu.memory_space<vmem>>[vector<16xi32>, vector<16xi32>], vector<16xf32>,
        %parallel_loop3A_511 = tpu.vector_load_idx %arg11[%parallel_loop3A_489, %parallel_loop3A_492] : memref<80x128xf32, #tpu.memory_space<vmem>>[vector<16xi32>, vector<16xi32>], vector<16xf32>,
        %parallel_loop3A_512 = arith.addf %parallel_loop3A_509, %parallel_loop3A_510 : vector<16xf32>
        %parallel_loop3A_513 = arith.addf %parallel_loop3A_512, %parallel_loop3A_511 : vector<16xf32>
        %parallel_loop3A_514 = arith.constant 0.000000e+00 : f32
        %parallel_loop3A_515 = vector.broadcast %parallel_loop3A_514 : f32 to vector<16xf32>
        %parallel_loop3A_516 = arith.maximumf %parallel_loop3A_513, %parallel_loop3A_515 : vector<16xf32>
        tpu.vector_store_idx %arg13[%parallel_loop3A_489, %parallel_loop3A_492], %parallel_loop3A_516 {add = true} : memref<80x128xf32, #tpu.memory_space<vmem>>[vector<16xi32>, vector<16xi32>], vector<16xf32>,
        %parallel_loop3A_517 = arith.constant 128 : i32
        %parallel_loop3A_518 = arith.muli %parallel_loop3A_252, %parallel_loop3A_517 : i32
        %parallel_loop3A_519 = arith.constant 96 : i32
        %parallel_loop3A_520 = arith.addi %parallel_loop3A_518, %parallel_loop3A_519 : i32
        %parallel_loop3A_521 = arith.index_cast %parallel_loop3A_520 : i32 to index
        %parallel_loop3A_522 = tpu.vector_load %arg14[%parallel_loop3A_521] {strides = array<i32>} : memref<3200xi32, #tpu.memory_space<vmem>>, vector<16xi32>,
        %parallel_loop3A_523 = arith.index_cast %parallel_loop3A_520 : i32 to index
        %parallel_loop3A_524 = tpu.vector_load %arg15[%parallel_loop3A_523] {strides = array<i32>} : memref<3200xi32, #tpu.memory_space<vmem>>, vector<16xi32>,
        %parallel_loop3A_525 = arith.constant 7 : i32
        %parallel_loop3A_526 = vector.broadcast %parallel_loop3A_525 : i32 to vector<16xi32>
        %parallel_loop3A_527 = arith.shrui %parallel_loop3A_522, %parallel_loop3A_526 : vector<16xi32>
        %parallel_loop3A_528 = arith.constant 127 : i32
        %parallel_loop3A_529 = vector.broadcast %parallel_loop3A_528 : i32 to vector<16xi32>
        %parallel_loop3A_530 = arith.andi %parallel_loop3A_522, %parallel_loop3A_529 : vector<16xi32>
        %parallel_loop3A_531 = arith.constant 7 : i32
        %parallel_loop3A_532 = vector.broadcast %parallel_loop3A_531 : i32 to vector<16xi32>
        %parallel_loop3A_533 = arith.shrui %parallel_loop3A_524, %parallel_loop3A_532 : vector<16xi32>
        %parallel_loop3A_534 = arith.constant 127 : i32
        %parallel_loop3A_535 = vector.broadcast %parallel_loop3A_534 : i32 to vector<16xi32>
        %parallel_loop3A_536 = arith.andi %parallel_loop3A_524, %parallel_loop3A_535 : vector<16xi32>
        %parallel_loop3A_537 = arith.constant 0 : i32
        %parallel_loop3A_538 = arith.index_cast %parallel_loop3A_252 : i32 to index
        %parallel_loop3A_539 = arith.index_cast %parallel_loop3A_537 : i32 to index
        %parallel_loop3A_540 = arith.constant 96 : index
        %parallel_loop3A_541 = tpu.vector_load %arg16[%parallel_loop3A_538, %parallel_loop3A_539, %parallel_loop3A_540] {strides = array<i32>} : memref<25x2x128xf32, #tpu.memory_space<vmem>>, vector<16xf32>,
        %parallel_loop3A_542 = tpu.vector_load_idx %arg8[%parallel_loop3A_527, %parallel_loop3A_530] : memref<80x128xf32, #tpu.memory_space<vmem>>[vector<16xi32>, vector<16xi32>], vector<16xf32>,
        %parallel_loop3A_543 = tpu.vector_load_idx %arg10[%parallel_loop3A_533, %parallel_loop3A_536] : memref<80x128xf32, #tpu.memory_space<vmem>>[vector<16xi32>, vector<16xi32>], vector<16xf32>,
        %parallel_loop3A_544 = arith.addf %parallel_loop3A_541, %parallel_loop3A_542 : vector<16xf32>
        %parallel_loop3A_545 = arith.addf %parallel_loop3A_544, %parallel_loop3A_543 : vector<16xf32>
        %parallel_loop3A_546 = arith.constant 0.000000e+00 : f32
        %parallel_loop3A_547 = vector.broadcast %parallel_loop3A_546 : f32 to vector<16xf32>
        %parallel_loop3A_548 = arith.maximumf %parallel_loop3A_545, %parallel_loop3A_547 : vector<16xf32>
        tpu.vector_store_idx %arg12[%parallel_loop3A_533, %parallel_loop3A_536], %parallel_loop3A_548 {add = true} : memref<80x128xf32, #tpu.memory_space<vmem>>[vector<16xi32>, vector<16xi32>], vector<16xf32>,
        %parallel_loop3A_549 = arith.constant 1 : i32
        %parallel_loop3A_550 = arith.index_cast %parallel_loop3A_252 : i32 to index
        %parallel_loop3A_551 = arith.index_cast %parallel_loop3A_549 : i32 to index
        %parallel_loop3A_552 = arith.constant 96 : index
        %parallel_loop3A_553 = tpu.vector_load %arg16[%parallel_loop3A_550, %parallel_loop3A_551, %parallel_loop3A_552] {strides = array<i32>} : memref<25x2x128xf32, #tpu.memory_space<vmem>>, vector<16xf32>,
        %parallel_loop3A_554 = tpu.vector_load_idx %arg9[%parallel_loop3A_527, %parallel_loop3A_530] : memref<80x128xf32, #tpu.memory_space<vmem>>[vector<16xi32>, vector<16xi32>], vector<16xf32>,
        %parallel_loop3A_555 = tpu.vector_load_idx %arg11[%parallel_loop3A_533, %parallel_loop3A_536] : memref<80x128xf32, #tpu.memory_space<vmem>>[vector<16xi32>, vector<16xi32>], vector<16xf32>,
        %parallel_loop3A_556 = arith.addf %parallel_loop3A_553, %parallel_loop3A_554 : vector<16xf32>
        %parallel_loop3A_557 = arith.addf %parallel_loop3A_556, %parallel_loop3A_555 : vector<16xf32>
        %parallel_loop3A_558 = arith.constant 0.000000e+00 : f32
        %parallel_loop3A_559 = vector.broadcast %parallel_loop3A_558 : f32 to vector<16xf32>
        %parallel_loop3A_560 = arith.maximumf %parallel_loop3A_557, %parallel_loop3A_559 : vector<16xf32>
        tpu.vector_store_idx %arg13[%parallel_loop3A_533, %parallel_loop3A_536], %parallel_loop3A_560 {add = true} : memref<80x128xf32, #tpu.memory_space<vmem>>[vector<16xi32>, vector<16xi32>], vector<16xf32>,
        %parallel_loop3A_561 = arith.constant 128 : i32
        %parallel_loop3A_562 = arith.muli %parallel_loop3A_252, %parallel_loop3A_561 : i32
        %parallel_loop3A_563 = arith.constant 112 : i32
        %parallel_loop3A_564 = arith.addi %parallel_loop3A_562, %parallel_loop3A_563 : i32
        %parallel_loop3A_565 = arith.index_cast %parallel_loop3A_564 : i32 to index
        %parallel_loop3A_566 = tpu.vector_load %arg14[%parallel_loop3A_565] {strides = array<i32>} : memref<3200xi32, #tpu.memory_space<vmem>>, vector<16xi32>,
        %parallel_loop3A_567 = arith.index_cast %parallel_loop3A_564 : i32 to index
        %parallel_loop3A_568 = tpu.vector_load %arg15[%parallel_loop3A_567] {strides = array<i32>} : memref<3200xi32, #tpu.memory_space<vmem>>, vector<16xi32>,
        %parallel_loop3A_569 = arith.constant 7 : i32
        %parallel_loop3A_570 = vector.broadcast %parallel_loop3A_569 : i32 to vector<16xi32>
        %parallel_loop3A_571 = arith.shrui %parallel_loop3A_566, %parallel_loop3A_570 : vector<16xi32>
        %parallel_loop3A_572 = arith.constant 127 : i32
        %parallel_loop3A_573 = vector.broadcast %parallel_loop3A_572 : i32 to vector<16xi32>
        %parallel_loop3A_574 = arith.andi %parallel_loop3A_566, %parallel_loop3A_573 : vector<16xi32>
        %parallel_loop3A_575 = arith.constant 7 : i32
        %parallel_loop3A_576 = vector.broadcast %parallel_loop3A_575 : i32 to vector<16xi32>
        %parallel_loop3A_577 = arith.shrui %parallel_loop3A_568, %parallel_loop3A_576 : vector<16xi32>
        %parallel_loop3A_578 = arith.constant 127 : i32
        %parallel_loop3A_579 = vector.broadcast %parallel_loop3A_578 : i32 to vector<16xi32>
        %parallel_loop3A_580 = arith.andi %parallel_loop3A_568, %parallel_loop3A_579 : vector<16xi32>
        %parallel_loop3A_581 = arith.constant 0 : i32
        %parallel_loop3A_582 = arith.index_cast %parallel_loop3A_252 : i32 to index
        %parallel_loop3A_583 = arith.index_cast %parallel_loop3A_581 : i32 to index
        %parallel_loop3A_584 = arith.constant 112 : index
        %parallel_loop3A_585 = tpu.vector_load %arg16[%parallel_loop3A_582, %parallel_loop3A_583, %parallel_loop3A_584] {strides = array<i32>} : memref<25x2x128xf32, #tpu.memory_space<vmem>>, vector<16xf32>,
        %parallel_loop3A_586 = tpu.vector_load_idx %arg8[%parallel_loop3A_571, %parallel_loop3A_574] : memref<80x128xf32, #tpu.memory_space<vmem>>[vector<16xi32>, vector<16xi32>], vector<16xf32>,
        %parallel_loop3A_587 = tpu.vector_load_idx %arg10[%parallel_loop3A_577, %parallel_loop3A_580] : memref<80x128xf32, #tpu.memory_space<vmem>>[vector<16xi32>, vector<16xi32>], vector<16xf32>,
        %parallel_loop3A_588 = arith.addf %parallel_loop3A_585, %parallel_loop3A_586 : vector<16xf32>
        %parallel_loop3A_589 = arith.addf %parallel_loop3A_588, %parallel_loop3A_587 : vector<16xf32>
        %parallel_loop3A_590 = arith.constant 0.000000e+00 : f32
        %parallel_loop3A_591 = vector.broadcast %parallel_loop3A_590 : f32 to vector<16xf32>
        %parallel_loop3A_592 = arith.maximumf %parallel_loop3A_589, %parallel_loop3A_591 : vector<16xf32>
        tpu.vector_store_idx %arg12[%parallel_loop3A_577, %parallel_loop3A_580], %parallel_loop3A_592 {add = true} : memref<80x128xf32, #tpu.memory_space<vmem>>[vector<16xi32>, vector<16xi32>], vector<16xf32>,
        %parallel_loop3A_593 = arith.constant 1 : i32
        %parallel_loop3A_594 = arith.index_cast %parallel_loop3A_252 : i32 to index
        %parallel_loop3A_595 = arith.index_cast %parallel_loop3A_593 : i32 to index
        %parallel_loop3A_596 = arith.constant 112 : index
        %parallel_loop3A_597 = tpu.vector_load %arg16[%parallel_loop3A_594, %parallel_loop3A_595, %parallel_loop3A_596] {strides = array<i32>} : memref<25x2x128xf32, #tpu.memory_space<vmem>>, vector<16xf32>,
        %parallel_loop3A_598 = tpu.vector_load_idx %arg9[%parallel_loop3A_571, %parallel_loop3A_574] : memref<80x128xf32, #tpu.memory_space<vmem>>[vector<16xi32>, vector<16xi32>], vector<16xf32>,
        %parallel_loop3A_599 = tpu.vector_load_idx %arg11[%parallel_loop3A_577, %parallel_loop3A_580] : memref<80x128xf32, #tpu.memory_space<vmem>>[vector<16xi32>, vector<16xi32>], vector<16xf32>,
        %parallel_loop3A_600 = arith.addf %parallel_loop3A_597, %parallel_loop3A_598 : vector<16xf32>
        %parallel_loop3A_601 = arith.addf %parallel_loop3A_600, %parallel_loop3A_599 : vector<16xf32>
        %parallel_loop3A_602 = arith.constant 0.000000e+00 : f32
        %parallel_loop3A_603 = vector.broadcast %parallel_loop3A_602 : f32 to vector<16xf32>
        %parallel_loop3A_604 = arith.maximumf %parallel_loop3A_601, %parallel_loop3A_603 : vector<16xf32>
        tpu.vector_store_idx %arg13[%parallel_loop3A_577, %parallel_loop3A_580], %parallel_loop3A_604 {add = true} : memref<80x128xf32, #tpu.memory_space<vmem>>[vector<16xi32>, vector<16xi32>], vector<16xf32>,
      } {sc.loop_unroll_factor = 4 : i64, sc.parallel_access}
      %add3A_209 = arith.constant 1 : i32
      %add3A_210 = arith.addi %mul3A_167, %add3A_209 : i32
      %mul3A_211 = arith.constant 80000 : i32
      %mul3A_212 = arith.muli %select_n3A_30, %mul3A_211 : i32
      %mul3A_213 = arith.constant 3200 : i32
      %mul3A_214 = arith.muli %add3A_210, %mul3A_213 : i32
      %add3A_215 = arith.addi %mul3A_212, %mul3A_214 : i32
      %mul3A_216 = arith.constant 625 : i32
      %mul3A_217 = arith.muli %select_n3A_30, %mul3A_216 : i32
      %mul3A_218 = arith.constant 25 : i32
      %mul3A_219 = arith.muli %add3A_210, %mul3A_218 : i32
      %add3A_220 = arith.addi %mul3A_217, %mul3A_219 : i32
      %dma_wait3A_221 = tpu.memref_slice %arg2[%add3A_215] : memref<320000xi32, #tpu.memory_space<hbm>> -> memref<3200xi32, #tpu.memory_space<hbm>>
      %dma_wait3A_222 = tpu.memref_slice %arg2[%add3A_215] : memref<320000xi32, #tpu.memory_space<hbm>> -> memref<3200xi32, #tpu.memory_space<hbm>>
      tpu.wait_dma2 semaphore(%arg22 : memref<!tpu.dma_semaphore, #tpu.memory_space<semaphore_mem>>) src(%dma_wait3A_222 : memref<3200xi32, #tpu.memory_space<hbm>>) dst(%arg17 : memref<3200xi32, #tpu.memory_space<vmem>>)
      %dma_wait3A_223 = tpu.memref_slice %arg3[%add3A_215] : memref<320000xi32, #tpu.memory_space<hbm>> -> memref<3200xi32, #tpu.memory_space<hbm>>
      %dma_wait3A_224 = tpu.memref_slice %arg3[%add3A_215] : memref<320000xi32, #tpu.memory_space<hbm>> -> memref<3200xi32, #tpu.memory_space<hbm>>
      tpu.wait_dma2 semaphore(%arg22 : memref<!tpu.dma_semaphore, #tpu.memory_space<semaphore_mem>>) src(%dma_wait3A_224 : memref<3200xi32, #tpu.memory_space<hbm>>) dst(%arg18 : memref<3200xi32, #tpu.memory_space<vmem>>)
      %dma_wait3A_225 = arith.constant 0 : i32
      %dma_wait3A_226 = tpu.memref_slice %arg5[%add3A_220, %mul3A_32, %dma_wait3A_225] : memref<2500x16x128xf32, #tpu.memory_space<hbm>> -> memref<25x2x128xf32, #tpu.memory_space<hbm>>
      %dma_wait3A_227 = arith.constant 0 : i32
      %dma_wait3A_228 = tpu.memref_slice %arg5[%add3A_220, %mul3A_32, %dma_wait3A_227] : memref<2500x16x128xf32, #tpu.memory_space<hbm>> -> memref<25x2x128xf32, #tpu.memory_space<hbm>>
      tpu.wait_dma2 semaphore(%arg22 : memref<!tpu.dma_semaphore, #tpu.memory_space<semaphore_mem>>) src(%dma_wait3A_228 : memref<25x2x128xf32, #tpu.memory_space<hbm>>) dst(%arg19 : memref<25x2x128xf32, #tpu.memory_space<vmem>>)
      %add3A_229 = arith.constant 2 : i32
      %add3A_230 = arith.addi %mul3A_167, %add3A_229 : i32
      %mul3A_231 = arith.constant 80000 : i32
      %mul3A_232 = arith.muli %select_n3A_30, %mul3A_231 : i32
      %mul3A_233 = arith.constant 3200 : i32
      %mul3A_234 = arith.muli %add3A_230, %mul3A_233 : i32
      %add3A_235 = arith.addi %mul3A_232, %mul3A_234 : i32
      %mul3A_236 = arith.constant 625 : i32
      %mul3A_237 = arith.muli %select_n3A_30, %mul3A_236 : i32
      %mul3A_238 = arith.constant 25 : i32
      %mul3A_239 = arith.muli %add3A_230, %mul3A_238 : i32
      %add3A_240 = arith.addi %mul3A_237, %mul3A_239 : i32
      %dma_start3A_241 = tpu.memref_slice %arg2[%add3A_235] : memref<320000xi32, #tpu.memory_space<hbm>> -> memref<3200xi32, #tpu.memory_space<hbm>>
      %dma_start3A_242 = tpu.memref_slice %arg2[%add3A_235] : memref<320000xi32, #tpu.memory_space<hbm>> -> memref<3200xi32, #tpu.memory_space<hbm>>
      tpu.enqueue_dma source(%dma_start3A_242 : memref<3200xi32, #tpu.memory_space<hbm>>) target(%arg14 : memref<3200xi32, #tpu.memory_space<vmem>>) target_semaphore(%arg21 : memref<!tpu.dma_semaphore, #tpu.memory_space<semaphore_mem>>)
      %dma_start3A_243 = tpu.memref_slice %arg3[%add3A_235] : memref<320000xi32, #tpu.memory_space<hbm>> -> memref<3200xi32, #tpu.memory_space<hbm>>
      %dma_start3A_244 = tpu.memref_slice %arg3[%add3A_235] : memref<320000xi32, #tpu.memory_space<hbm>> -> memref<3200xi32, #tpu.memory_space<hbm>>
      tpu.enqueue_dma source(%dma_start3A_244 : memref<3200xi32, #tpu.memory_space<hbm>>) target(%arg15 : memref<3200xi32, #tpu.memory_space<vmem>>) target_semaphore(%arg21 : memref<!tpu.dma_semaphore, #tpu.memory_space<semaphore_mem>>)
      %dma_start3A_245 = arith.constant 0 : i32
      %dma_start3A_246 = tpu.memref_slice %arg5[%add3A_240, %mul3A_32, %dma_start3A_245] : memref<2500x16x128xf32, #tpu.memory_space<hbm>> -> memref<25x2x128xf32, #tpu.memory_space<hbm>>
      %dma_start3A_247 = arith.constant 0 : i32
      %dma_start3A_248 = tpu.memref_slice %arg5[%add3A_240, %mul3A_32, %dma_start3A_247] : memref<2500x16x128xf32, #tpu.memory_space<hbm>> -> memref<25x2x128xf32, #tpu.memory_space<hbm>>
      tpu.enqueue_dma source(%dma_start3A_248 : memref<25x2x128xf32, #tpu.memory_space<hbm>>) target(%arg16 : memref<25x2x128xf32, #tpu.memory_space<vmem>>) target_semaphore(%arg21 : memref<!tpu.dma_semaphore, #tpu.memory_space<semaphore_mem>>)
      %parallel_loop3A_249 = arith.constant 0 : i32
      %parallel_loop3A_250 = arith.constant 25 : i32
      %parallel_loop3A_251 = arith.constant 1 : i32
      scf.for %parallel_loop3A_252 = %parallel_loop3A_249 to %parallel_loop3A_250 step %parallel_loop3A_251  : i32 {
        %parallel_loop3A_253 = arith.constant 128 : i32
        %parallel_loop3A_254 = arith.muli %parallel_loop3A_252, %parallel_loop3A_253 : i32
        %parallel_loop3A_255 = arith.constant 0 : i32
        %parallel_loop3A_256 = arith.addi %parallel_loop3A_254, %parallel_loop3A_255 : i32
        %parallel_loop3A_257 = arith.index_cast %parallel_loop3A_256 : i32 to index
        %parallel_loop3A_258 = tpu.vector_load %arg17[%parallel_loop3A_257] {strides = array<i32>} : memref<3200xi32, #tpu.memory_space<vmem>>, vector<16xi32>,
        %parallel_loop3A_259 = arith.index_cast %parallel_loop3A_256 : i32 to index
        %parallel_loop3A_260 = tpu.vector_load %arg18[%parallel_loop3A_259] {strides = array<i32>} : memref<3200xi32, #tpu.memory_space<vmem>>, vector<16xi32>,
        %parallel_loop3A_261 = arith.constant 7 : i32
        %parallel_loop3A_262 = vector.broadcast %parallel_loop3A_261 : i32 to vector<16xi32>
        %parallel_loop3A_263 = arith.shrui %parallel_loop3A_258, %parallel_loop3A_262 : vector<16xi32>
        %parallel_loop3A_264 = arith.constant 127 : i32
        %parallel_loop3A_265 = vector.broadcast %parallel_loop3A_264 : i32 to vector<16xi32>
        %parallel_loop3A_266 = arith.andi %parallel_loop3A_258, %parallel_loop3A_265 : vector<16xi32>
        %parallel_loop3A_267 = arith.constant 7 : i32
        %parallel_loop3A_268 = vector.broadcast %parallel_loop3A_267 : i32 to vector<16xi32>
        %parallel_loop3A_269 = arith.shrui %parallel_loop3A_260, %parallel_loop3A_268 : vector<16xi32>
        %parallel_loop3A_270 = arith.constant 127 : i32
        %parallel_loop3A_271 = vector.broadcast %parallel_loop3A_270 : i32 to vector<16xi32>
        %parallel_loop3A_272 = arith.andi %parallel_loop3A_260, %parallel_loop3A_271 : vector<16xi32>
        %parallel_loop3A_273 = arith.constant 0 : i32
        %parallel_loop3A_274 = arith.index_cast %parallel_loop3A_252 : i32 to index
        %parallel_loop3A_275 = arith.index_cast %parallel_loop3A_273 : i32 to index
        %parallel_loop3A_276 = arith.constant 0 : index
        %parallel_loop3A_277 = tpu.vector_load %arg19[%parallel_loop3A_274, %parallel_loop3A_275, %parallel_loop3A_276] {strides = array<i32>} : memref<25x2x128xf32, #tpu.memory_space<vmem>>, vector<16xf32>,
        %parallel_loop3A_278 = tpu.vector_load_idx %arg8[%parallel_loop3A_263, %parallel_loop3A_266] : memref<80x128xf32, #tpu.memory_space<vmem>>[vector<16xi32>, vector<16xi32>], vector<16xf32>,
        %parallel_loop3A_279 = tpu.vector_load_idx %arg10[%parallel_loop3A_269, %parallel_loop3A_272] : memref<80x128xf32, #tpu.memory_space<vmem>>[vector<16xi32>, vector<16xi32>], vector<16xf32>,
        %parallel_loop3A_280 = arith.addf %parallel_loop3A_277, %parallel_loop3A_278 : vector<16xf32>
        %parallel_loop3A_281 = arith.addf %parallel_loop3A_280, %parallel_loop3A_279 : vector<16xf32>
        %parallel_loop3A_282 = arith.constant 0.000000e+00 : f32
        %parallel_loop3A_283 = vector.broadcast %parallel_loop3A_282 : f32 to vector<16xf32>
        %parallel_loop3A_284 = arith.maximumf %parallel_loop3A_281, %parallel_loop3A_283 : vector<16xf32>
        tpu.vector_store_idx %arg12[%parallel_loop3A_269, %parallel_loop3A_272], %parallel_loop3A_284 {add = true} : memref<80x128xf32, #tpu.memory_space<vmem>>[vector<16xi32>, vector<16xi32>], vector<16xf32>,
        %parallel_loop3A_285 = arith.constant 1 : i32
        %parallel_loop3A_286 = arith.index_cast %parallel_loop3A_252 : i32 to index
        %parallel_loop3A_287 = arith.index_cast %parallel_loop3A_285 : i32 to index
        %parallel_loop3A_288 = arith.constant 0 : index
        %parallel_loop3A_289 = tpu.vector_load %arg19[%parallel_loop3A_286, %parallel_loop3A_287, %parallel_loop3A_288] {strides = array<i32>} : memref<25x2x128xf32, #tpu.memory_space<vmem>>, vector<16xf32>,
        %parallel_loop3A_290 = tpu.vector_load_idx %arg9[%parallel_loop3A_263, %parallel_loop3A_266] : memref<80x128xf32, #tpu.memory_space<vmem>>[vector<16xi32>, vector<16xi32>], vector<16xf32>,
        %parallel_loop3A_291 = tpu.vector_load_idx %arg11[%parallel_loop3A_269, %parallel_loop3A_272] : memref<80x128xf32, #tpu.memory_space<vmem>>[vector<16xi32>, vector<16xi32>], vector<16xf32>,
        %parallel_loop3A_292 = arith.addf %parallel_loop3A_289, %parallel_loop3A_290 : vector<16xf32>
        %parallel_loop3A_293 = arith.addf %parallel_loop3A_292, %parallel_loop3A_291 : vector<16xf32>
        %parallel_loop3A_294 = arith.constant 0.000000e+00 : f32
        %parallel_loop3A_295 = vector.broadcast %parallel_loop3A_294 : f32 to vector<16xf32>
        %parallel_loop3A_296 = arith.maximumf %parallel_loop3A_293, %parallel_loop3A_295 : vector<16xf32>
        tpu.vector_store_idx %arg13[%parallel_loop3A_269, %parallel_loop3A_272], %parallel_loop3A_296 {add = true} : memref<80x128xf32, #tpu.memory_space<vmem>>[vector<16xi32>, vector<16xi32>], vector<16xf32>,
        %parallel_loop3A_297 = arith.constant 128 : i32
        %parallel_loop3A_298 = arith.muli %parallel_loop3A_252, %parallel_loop3A_297 : i32
        %parallel_loop3A_299 = arith.constant 16 : i32
        %parallel_loop3A_300 = arith.addi %parallel_loop3A_298, %parallel_loop3A_299 : i32
        %parallel_loop3A_301 = arith.index_cast %parallel_loop3A_300 : i32 to index
        %parallel_loop3A_302 = tpu.vector_load %arg17[%parallel_loop3A_301] {strides = array<i32>} : memref<3200xi32, #tpu.memory_space<vmem>>, vector<16xi32>,
        %parallel_loop3A_303 = arith.index_cast %parallel_loop3A_300 : i32 to index
        %parallel_loop3A_304 = tpu.vector_load %arg18[%parallel_loop3A_303] {strides = array<i32>} : memref<3200xi32, #tpu.memory_space<vmem>>, vector<16xi32>,
        %parallel_loop3A_305 = arith.constant 7 : i32
        %parallel_loop3A_306 = vector.broadcast %parallel_loop3A_305 : i32 to vector<16xi32>
        %parallel_loop3A_307 = arith.shrui %parallel_loop3A_302, %parallel_loop3A_306 : vector<16xi32>
        %parallel_loop3A_308 = arith.constant 127 : i32
        %parallel_loop3A_309 = vector.broadcast %parallel_loop3A_308 : i32 to vector<16xi32>
        %parallel_loop3A_310 = arith.andi %parallel_loop3A_302, %parallel_loop3A_309 : vector<16xi32>
        %parallel_loop3A_311 = arith.constant 7 : i32
        %parallel_loop3A_312 = vector.broadcast %parallel_loop3A_311 : i32 to vector<16xi32>
        %parallel_loop3A_313 = arith.shrui %parallel_loop3A_304, %parallel_loop3A_312 : vector<16xi32>
        %parallel_loop3A_314 = arith.constant 127 : i32
        %parallel_loop3A_315 = vector.broadcast %parallel_loop3A_314 : i32 to vector<16xi32>
        %parallel_loop3A_316 = arith.andi %parallel_loop3A_304, %parallel_loop3A_315 : vector<16xi32>
        %parallel_loop3A_317 = arith.constant 0 : i32
        %parallel_loop3A_318 = arith.index_cast %parallel_loop3A_252 : i32 to index
        %parallel_loop3A_319 = arith.index_cast %parallel_loop3A_317 : i32 to index
        %parallel_loop3A_320 = arith.constant 16 : index
        %parallel_loop3A_321 = tpu.vector_load %arg19[%parallel_loop3A_318, %parallel_loop3A_319, %parallel_loop3A_320] {strides = array<i32>} : memref<25x2x128xf32, #tpu.memory_space<vmem>>, vector<16xf32>,
        %parallel_loop3A_322 = tpu.vector_load_idx %arg8[%parallel_loop3A_307, %parallel_loop3A_310] : memref<80x128xf32, #tpu.memory_space<vmem>>[vector<16xi32>, vector<16xi32>], vector<16xf32>,
        %parallel_loop3A_323 = tpu.vector_load_idx %arg10[%parallel_loop3A_313, %parallel_loop3A_316] : memref<80x128xf32, #tpu.memory_space<vmem>>[vector<16xi32>, vector<16xi32>], vector<16xf32>,
        %parallel_loop3A_324 = arith.addf %parallel_loop3A_321, %parallel_loop3A_322 : vector<16xf32>
        %parallel_loop3A_325 = arith.addf %parallel_loop3A_324, %parallel_loop3A_323 : vector<16xf32>
        %parallel_loop3A_326 = arith.constant 0.000000e+00 : f32
        %parallel_loop3A_327 = vector.broadcast %parallel_loop3A_326 : f32 to vector<16xf32>
        %parallel_loop3A_328 = arith.maximumf %parallel_loop3A_325, %parallel_loop3A_327 : vector<16xf32>
        tpu.vector_store_idx %arg12[%parallel_loop3A_313, %parallel_loop3A_316], %parallel_loop3A_328 {add = true} : memref<80x128xf32, #tpu.memory_space<vmem>>[vector<16xi32>, vector<16xi32>], vector<16xf32>,
        %parallel_loop3A_329 = arith.constant 1 : i32
        %parallel_loop3A_330 = arith.index_cast %parallel_loop3A_252 : i32 to index
        %parallel_loop3A_331 = arith.index_cast %parallel_loop3A_329 : i32 to index
        %parallel_loop3A_332 = arith.constant 16 : index
        %parallel_loop3A_333 = tpu.vector_load %arg19[%parallel_loop3A_330, %parallel_loop3A_331, %parallel_loop3A_332] {strides = array<i32>} : memref<25x2x128xf32, #tpu.memory_space<vmem>>, vector<16xf32>,
        %parallel_loop3A_334 = tpu.vector_load_idx %arg9[%parallel_loop3A_307, %parallel_loop3A_310] : memref<80x128xf32, #tpu.memory_space<vmem>>[vector<16xi32>, vector<16xi32>], vector<16xf32>,
        %parallel_loop3A_335 = tpu.vector_load_idx %arg11[%parallel_loop3A_313, %parallel_loop3A_316] : memref<80x128xf32, #tpu.memory_space<vmem>>[vector<16xi32>, vector<16xi32>], vector<16xf32>,
        %parallel_loop3A_336 = arith.addf %parallel_loop3A_333, %parallel_loop3A_334 : vector<16xf32>
        %parallel_loop3A_337 = arith.addf %parallel_loop3A_336, %parallel_loop3A_335 : vector<16xf32>
        %parallel_loop3A_338 = arith.constant 0.000000e+00 : f32
        %parallel_loop3A_339 = vector.broadcast %parallel_loop3A_338 : f32 to vector<16xf32>
        %parallel_loop3A_340 = arith.maximumf %parallel_loop3A_337, %parallel_loop3A_339 : vector<16xf32>
        tpu.vector_store_idx %arg13[%parallel_loop3A_313, %parallel_loop3A_316], %parallel_loop3A_340 {add = true} : memref<80x128xf32, #tpu.memory_space<vmem>>[vector<16xi32>, vector<16xi32>], vector<16xf32>,
        %parallel_loop3A_341 = arith.constant 128 : i32
        %parallel_loop3A_342 = arith.muli %parallel_loop3A_252, %parallel_loop3A_341 : i32
        %parallel_loop3A_343 = arith.constant 32 : i32
        %parallel_loop3A_344 = arith.addi %parallel_loop3A_342, %parallel_loop3A_343 : i32
        %parallel_loop3A_345 = arith.index_cast %parallel_loop3A_344 : i32 to index
        %parallel_loop3A_346 = tpu.vector_load %arg17[%parallel_loop3A_345] {strides = array<i32>} : memref<3200xi32, #tpu.memory_space<vmem>>, vector<16xi32>,
        %parallel_loop3A_347 = arith.index_cast %parallel_loop3A_344 : i32 to index
        %parallel_loop3A_348 = tpu.vector_load %arg18[%parallel_loop3A_347] {strides = array<i32>} : memref<3200xi32, #tpu.memory_space<vmem>>, vector<16xi32>,
        %parallel_loop3A_349 = arith.constant 7 : i32
        %parallel_loop3A_350 = vector.broadcast %parallel_loop3A_349 : i32 to vector<16xi32>
        %parallel_loop3A_351 = arith.shrui %parallel_loop3A_346, %parallel_loop3A_350 : vector<16xi32>
        %parallel_loop3A_352 = arith.constant 127 : i32
        %parallel_loop3A_353 = vector.broadcast %parallel_loop3A_352 : i32 to vector<16xi32>
        %parallel_loop3A_354 = arith.andi %parallel_loop3A_346, %parallel_loop3A_353 : vector<16xi32>
        %parallel_loop3A_355 = arith.constant 7 : i32
        %parallel_loop3A_356 = vector.broadcast %parallel_loop3A_355 : i32 to vector<16xi32>
        %parallel_loop3A_357 = arith.shrui %parallel_loop3A_348, %parallel_loop3A_356 : vector<16xi32>
        %parallel_loop3A_358 = arith.constant 127 : i32
        %parallel_loop3A_359 = vector.broadcast %parallel_loop3A_358 : i32 to vector<16xi32>
        %parallel_loop3A_360 = arith.andi %parallel_loop3A_348, %parallel_loop3A_359 : vector<16xi32>
        %parallel_loop3A_361 = arith.constant 0 : i32
        %parallel_loop3A_362 = arith.index_cast %parallel_loop3A_252 : i32 to index
        %parallel_loop3A_363 = arith.index_cast %parallel_loop3A_361 : i32 to index
        %parallel_loop3A_364 = arith.constant 32 : index
        %parallel_loop3A_365 = tpu.vector_load %arg19[%parallel_loop3A_362, %parallel_loop3A_363, %parallel_loop3A_364] {strides = array<i32>} : memref<25x2x128xf32, #tpu.memory_space<vmem>>, vector<16xf32>,
        %parallel_loop3A_366 = tpu.vector_load_idx %arg8[%parallel_loop3A_351, %parallel_loop3A_354] : memref<80x128xf32, #tpu.memory_space<vmem>>[vector<16xi32>, vector<16xi32>], vector<16xf32>,
        %parallel_loop3A_367 = tpu.vector_load_idx %arg10[%parallel_loop3A_357, %parallel_loop3A_360] : memref<80x128xf32, #tpu.memory_space<vmem>>[vector<16xi32>, vector<16xi32>], vector<16xf32>,
        %parallel_loop3A_368 = arith.addf %parallel_loop3A_365, %parallel_loop3A_366 : vector<16xf32>
        %parallel_loop3A_369 = arith.addf %parallel_loop3A_368, %parallel_loop3A_367 : vector<16xf32>
        %parallel_loop3A_370 = arith.constant 0.000000e+00 : f32
        %parallel_loop3A_371 = vector.broadcast %parallel_loop3A_370 : f32 to vector<16xf32>
        %parallel_loop3A_372 = arith.maximumf %parallel_loop3A_369, %parallel_loop3A_371 : vector<16xf32>
        tpu.vector_store_idx %arg12[%parallel_loop3A_357, %parallel_loop3A_360], %parallel_loop3A_372 {add = true} : memref<80x128xf32, #tpu.memory_space<vmem>>[vector<16xi32>, vector<16xi32>], vector<16xf32>,
        %parallel_loop3A_373 = arith.constant 1 : i32
        %parallel_loop3A_374 = arith.index_cast %parallel_loop3A_252 : i32 to index
        %parallel_loop3A_375 = arith.index_cast %parallel_loop3A_373 : i32 to index
        %parallel_loop3A_376 = arith.constant 32 : index
        %parallel_loop3A_377 = tpu.vector_load %arg19[%parallel_loop3A_374, %parallel_loop3A_375, %parallel_loop3A_376] {strides = array<i32>} : memref<25x2x128xf32, #tpu.memory_space<vmem>>, vector<16xf32>,
        %parallel_loop3A_378 = tpu.vector_load_idx %arg9[%parallel_loop3A_351, %parallel_loop3A_354] : memref<80x128xf32, #tpu.memory_space<vmem>>[vector<16xi32>, vector<16xi32>], vector<16xf32>,
        %parallel_loop3A_379 = tpu.vector_load_idx %arg11[%parallel_loop3A_357, %parallel_loop3A_360] : memref<80x128xf32, #tpu.memory_space<vmem>>[vector<16xi32>, vector<16xi32>], vector<16xf32>,
        %parallel_loop3A_380 = arith.addf %parallel_loop3A_377, %parallel_loop3A_378 : vector<16xf32>
        %parallel_loop3A_381 = arith.addf %parallel_loop3A_380, %parallel_loop3A_379 : vector<16xf32>
        %parallel_loop3A_382 = arith.constant 0.000000e+00 : f32
        %parallel_loop3A_383 = vector.broadcast %parallel_loop3A_382 : f32 to vector<16xf32>
        %parallel_loop3A_384 = arith.maximumf %parallel_loop3A_381, %parallel_loop3A_383 : vector<16xf32>
        tpu.vector_store_idx %arg13[%parallel_loop3A_357, %parallel_loop3A_360], %parallel_loop3A_384 {add = true} : memref<80x128xf32, #tpu.memory_space<vmem>>[vector<16xi32>, vector<16xi32>], vector<16xf32>,
        %parallel_loop3A_385 = arith.constant 128 : i32
        %parallel_loop3A_386 = arith.muli %parallel_loop3A_252, %parallel_loop3A_385 : i32
        %parallel_loop3A_387 = arith.constant 48 : i32
        %parallel_loop3A_388 = arith.addi %parallel_loop3A_386, %parallel_loop3A_387 : i32
        %parallel_loop3A_389 = arith.index_cast %parallel_loop3A_388 : i32 to index
        %parallel_loop3A_390 = tpu.vector_load %arg17[%parallel_loop3A_389] {strides = array<i32>} : memref<3200xi32, #tpu.memory_space<vmem>>, vector<16xi32>,
        %parallel_loop3A_391 = arith.index_cast %parallel_loop3A_388 : i32 to index
        %parallel_loop3A_392 = tpu.vector_load %arg18[%parallel_loop3A_391] {strides = array<i32>} : memref<3200xi32, #tpu.memory_space<vmem>>, vector<16xi32>,
        %parallel_loop3A_393 = arith.constant 7 : i32
        %parallel_loop3A_394 = vector.broadcast %parallel_loop3A_393 : i32 to vector<16xi32>
        %parallel_loop3A_395 = arith.shrui %parallel_loop3A_390, %parallel_loop3A_394 : vector<16xi32>
        %parallel_loop3A_396 = arith.constant 127 : i32
        %parallel_loop3A_397 = vector.broadcast %parallel_loop3A_396 : i32 to vector<16xi32>
        %parallel_loop3A_398 = arith.andi %parallel_loop3A_390, %parallel_loop3A_397 : vector<16xi32>
        %parallel_loop3A_399 = arith.constant 7 : i32
        %parallel_loop3A_400 = vector.broadcast %parallel_loop3A_399 : i32 to vector<16xi32>
        %parallel_loop3A_401 = arith.shrui %parallel_loop3A_392, %parallel_loop3A_400 : vector<16xi32>
        %parallel_loop3A_402 = arith.constant 127 : i32
        %parallel_loop3A_403 = vector.broadcast %parallel_loop3A_402 : i32 to vector<16xi32>
        %parallel_loop3A_404 = arith.andi %parallel_loop3A_392, %parallel_loop3A_403 : vector<16xi32>
        %parallel_loop3A_405 = arith.constant 0 : i32
        %parallel_loop3A_406 = arith.index_cast %parallel_loop3A_252 : i32 to index
        %parallel_loop3A_407 = arith.index_cast %parallel_loop3A_405 : i32 to index
        %parallel_loop3A_408 = arith.constant 48 : index
        %parallel_loop3A_409 = tpu.vector_load %arg19[%parallel_loop3A_406, %parallel_loop3A_407, %parallel_loop3A_408] {strides = array<i32>} : memref<25x2x128xf32, #tpu.memory_space<vmem>>, vector<16xf32>,
        %parallel_loop3A_410 = tpu.vector_load_idx %arg8[%parallel_loop3A_395, %parallel_loop3A_398] : memref<80x128xf32, #tpu.memory_space<vmem>>[vector<16xi32>, vector<16xi32>], vector<16xf32>,
        %parallel_loop3A_411 = tpu.vector_load_idx %arg10[%parallel_loop3A_401, %parallel_loop3A_404] : memref<80x128xf32, #tpu.memory_space<vmem>>[vector<16xi32>, vector<16xi32>], vector<16xf32>,
        %parallel_loop3A_412 = arith.addf %parallel_loop3A_409, %parallel_loop3A_410 : vector<16xf32>
        %parallel_loop3A_413 = arith.addf %parallel_loop3A_412, %parallel_loop3A_411 : vector<16xf32>
        %parallel_loop3A_414 = arith.constant 0.000000e+00 : f32
        %parallel_loop3A_415 = vector.broadcast %parallel_loop3A_414 : f32 to vector<16xf32>
        %parallel_loop3A_416 = arith.maximumf %parallel_loop3A_413, %parallel_loop3A_415 : vector<16xf32>
        tpu.vector_store_idx %arg12[%parallel_loop3A_401, %parallel_loop3A_404], %parallel_loop3A_416 {add = true} : memref<80x128xf32, #tpu.memory_space<vmem>>[vector<16xi32>, vector<16xi32>], vector<16xf32>,
        %parallel_loop3A_417 = arith.constant 1 : i32
        %parallel_loop3A_418 = arith.index_cast %parallel_loop3A_252 : i32 to index
        %parallel_loop3A_419 = arith.index_cast %parallel_loop3A_417 : i32 to index
        %parallel_loop3A_420 = arith.constant 48 : index
        %parallel_loop3A_421 = tpu.vector_load %arg19[%parallel_loop3A_418, %parallel_loop3A_419, %parallel_loop3A_420] {strides = array<i32>} : memref<25x2x128xf32, #tpu.memory_space<vmem>>, vector<16xf32>,
        %parallel_loop3A_422 = tpu.vector_load_idx %arg9[%parallel_loop3A_395, %parallel_loop3A_398] : memref<80x128xf32, #tpu.memory_space<vmem>>[vector<16xi32>, vector<16xi32>], vector<16xf32>,
        %parallel_loop3A_423 = tpu.vector_load_idx %arg11[%parallel_loop3A_401, %parallel_loop3A_404] : memref<80x128xf32, #tpu.memory_space<vmem>>[vector<16xi32>, vector<16xi32>], vector<16xf32>,
        %parallel_loop3A_424 = arith.addf %parallel_loop3A_421, %parallel_loop3A_422 : vector<16xf32>
        %parallel_loop3A_425 = arith.addf %parallel_loop3A_424, %parallel_loop3A_423 : vector<16xf32>
        %parallel_loop3A_426 = arith.constant 0.000000e+00 : f32
        %parallel_loop3A_427 = vector.broadcast %parallel_loop3A_426 : f32 to vector<16xf32>
        %parallel_loop3A_428 = arith.maximumf %parallel_loop3A_425, %parallel_loop3A_427 : vector<16xf32>
        tpu.vector_store_idx %arg13[%parallel_loop3A_401, %parallel_loop3A_404], %parallel_loop3A_428 {add = true} : memref<80x128xf32, #tpu.memory_space<vmem>>[vector<16xi32>, vector<16xi32>], vector<16xf32>,
        %parallel_loop3A_429 = arith.constant 128 : i32
        %parallel_loop3A_430 = arith.muli %parallel_loop3A_252, %parallel_loop3A_429 : i32
        %parallel_loop3A_431 = arith.constant 64 : i32
        %parallel_loop3A_432 = arith.addi %parallel_loop3A_430, %parallel_loop3A_431 : i32
        %parallel_loop3A_433 = arith.index_cast %parallel_loop3A_432 : i32 to index
        %parallel_loop3A_434 = tpu.vector_load %arg17[%parallel_loop3A_433] {strides = array<i32>} : memref<3200xi32, #tpu.memory_space<vmem>>, vector<16xi32>,
        %parallel_loop3A_435 = arith.index_cast %parallel_loop3A_432 : i32 to index
        %parallel_loop3A_436 = tpu.vector_load %arg18[%parallel_loop3A_435] {strides = array<i32>} : memref<3200xi32, #tpu.memory_space<vmem>>, vector<16xi32>,
        %parallel_loop3A_437 = arith.constant 7 : i32
        %parallel_loop3A_438 = vector.broadcast %parallel_loop3A_437 : i32 to vector<16xi32>
        %parallel_loop3A_439 = arith.shrui %parallel_loop3A_434, %parallel_loop3A_438 : vector<16xi32>
        %parallel_loop3A_440 = arith.constant 127 : i32
        %parallel_loop3A_441 = vector.broadcast %parallel_loop3A_440 : i32 to vector<16xi32>
        %parallel_loop3A_442 = arith.andi %parallel_loop3A_434, %parallel_loop3A_441 : vector<16xi32>
        %parallel_loop3A_443 = arith.constant 7 : i32
        %parallel_loop3A_444 = vector.broadcast %parallel_loop3A_443 : i32 to vector<16xi32>
        %parallel_loop3A_445 = arith.shrui %parallel_loop3A_436, %parallel_loop3A_444 : vector<16xi32>
        %parallel_loop3A_446 = arith.constant 127 : i32
        %parallel_loop3A_447 = vector.broadcast %parallel_loop3A_446 : i32 to vector<16xi32>
        %parallel_loop3A_448 = arith.andi %parallel_loop3A_436, %parallel_loop3A_447 : vector<16xi32>
        %parallel_loop3A_449 = arith.constant 0 : i32
        %parallel_loop3A_450 = arith.index_cast %parallel_loop3A_252 : i32 to index
        %parallel_loop3A_451 = arith.index_cast %parallel_loop3A_449 : i32 to index
        %parallel_loop3A_452 = arith.constant 64 : index
        %parallel_loop3A_453 = tpu.vector_load %arg19[%parallel_loop3A_450, %parallel_loop3A_451, %parallel_loop3A_452] {strides = array<i32>} : memref<25x2x128xf32, #tpu.memory_space<vmem>>, vector<16xf32>,
        %parallel_loop3A_454 = tpu.vector_load_idx %arg8[%parallel_loop3A_439, %parallel_loop3A_442] : memref<80x128xf32, #tpu.memory_space<vmem>>[vector<16xi32>, vector<16xi32>], vector<16xf32>,
        %parallel_loop3A_455 = tpu.vector_load_idx %arg10[%parallel_loop3A_445, %parallel_loop3A_448] : memref<80x128xf32, #tpu.memory_space<vmem>>[vector<16xi32>, vector<16xi32>], vector<16xf32>,
        %parallel_loop3A_456 = arith.addf %parallel_loop3A_453, %parallel_loop3A_454 : vector<16xf32>
        %parallel_loop3A_457 = arith.addf %parallel_loop3A_456, %parallel_loop3A_455 : vector<16xf32>
        %parallel_loop3A_458 = arith.constant 0.000000e+00 : f32
        %parallel_loop3A_459 = vector.broadcast %parallel_loop3A_458 : f32 to vector<16xf32>
        %parallel_loop3A_460 = arith.maximumf %parallel_loop3A_457, %parallel_loop3A_459 : vector<16xf32>
        tpu.vector_store_idx %arg12[%parallel_loop3A_445, %parallel_loop3A_448], %parallel_loop3A_460 {add = true} : memref<80x128xf32, #tpu.memory_space<vmem>>[vector<16xi32>, vector<16xi32>], vector<16xf32>,
        %parallel_loop3A_461 = arith.constant 1 : i32
        %parallel_loop3A_462 = arith.index_cast %parallel_loop3A_252 : i32 to index
        %parallel_loop3A_463 = arith.index_cast %parallel_loop3A_461 : i32 to index
        %parallel_loop3A_464 = arith.constant 64 : index
        %parallel_loop3A_465 = tpu.vector_load %arg19[%parallel_loop3A_462, %parallel_loop3A_463, %parallel_loop3A_464] {strides = array<i32>} : memref<25x2x128xf32, #tpu.memory_space<vmem>>, vector<16xf32>,
        %parallel_loop3A_466 = tpu.vector_load_idx %arg9[%parallel_loop3A_439, %parallel_loop3A_442] : memref<80x128xf32, #tpu.memory_space<vmem>>[vector<16xi32>, vector<16xi32>], vector<16xf32>,
        %parallel_loop3A_467 = tpu.vector_load_idx %arg11[%parallel_loop3A_445, %parallel_loop3A_448] : memref<80x128xf32, #tpu.memory_space<vmem>>[vector<16xi32>, vector<16xi32>], vector<16xf32>,
        %parallel_loop3A_468 = arith.addf %parallel_loop3A_465, %parallel_loop3A_466 : vector<16xf32>
        %parallel_loop3A_469 = arith.addf %parallel_loop3A_468, %parallel_loop3A_467 : vector<16xf32>
        %parallel_loop3A_470 = arith.constant 0.000000e+00 : f32
        %parallel_loop3A_471 = vector.broadcast %parallel_loop3A_470 : f32 to vector<16xf32>
        %parallel_loop3A_472 = arith.maximumf %parallel_loop3A_469, %parallel_loop3A_471 : vector<16xf32>
        tpu.vector_store_idx %arg13[%parallel_loop3A_445, %parallel_loop3A_448], %parallel_loop3A_472 {add = true} : memref<80x128xf32, #tpu.memory_space<vmem>>[vector<16xi32>, vector<16xi32>], vector<16xf32>,
        %parallel_loop3A_473 = arith.constant 128 : i32
        %parallel_loop3A_474 = arith.muli %parallel_loop3A_252, %parallel_loop3A_473 : i32
        %parallel_loop3A_475 = arith.constant 80 : i32
        %parallel_loop3A_476 = arith.addi %parallel_loop3A_474, %parallel_loop3A_475 : i32
        %parallel_loop3A_477 = arith.index_cast %parallel_loop3A_476 : i32 to index
        %parallel_loop3A_478 = tpu.vector_load %arg17[%parallel_loop3A_477] {strides = array<i32>} : memref<3200xi32, #tpu.memory_space<vmem>>, vector<16xi32>,
        %parallel_loop3A_479 = arith.index_cast %parallel_loop3A_476 : i32 to index
        %parallel_loop3A_480 = tpu.vector_load %arg18[%parallel_loop3A_479] {strides = array<i32>} : memref<3200xi32, #tpu.memory_space<vmem>>, vector<16xi32>,
        %parallel_loop3A_481 = arith.constant 7 : i32
        %parallel_loop3A_482 = vector.broadcast %parallel_loop3A_481 : i32 to vector<16xi32>
        %parallel_loop3A_483 = arith.shrui %parallel_loop3A_478, %parallel_loop3A_482 : vector<16xi32>
        %parallel_loop3A_484 = arith.constant 127 : i32
        %parallel_loop3A_485 = vector.broadcast %parallel_loop3A_484 : i32 to vector<16xi32>
        %parallel_loop3A_486 = arith.andi %parallel_loop3A_478, %parallel_loop3A_485 : vector<16xi32>
        %parallel_loop3A_487 = arith.constant 7 : i32
        %parallel_loop3A_488 = vector.broadcast %parallel_loop3A_487 : i32 to vector<16xi32>
        %parallel_loop3A_489 = arith.shrui %parallel_loop3A_480, %parallel_loop3A_488 : vector<16xi32>
        %parallel_loop3A_490 = arith.constant 127 : i32
        %parallel_loop3A_491 = vector.broadcast %parallel_loop3A_490 : i32 to vector<16xi32>
        %parallel_loop3A_492 = arith.andi %parallel_loop3A_480, %parallel_loop3A_491 : vector<16xi32>
        %parallel_loop3A_493 = arith.constant 0 : i32
        %parallel_loop3A_494 = arith.index_cast %parallel_loop3A_252 : i32 to index
        %parallel_loop3A_495 = arith.index_cast %parallel_loop3A_493 : i32 to index
        %parallel_loop3A_496 = arith.constant 80 : index
        %parallel_loop3A_497 = tpu.vector_load %arg19[%parallel_loop3A_494, %parallel_loop3A_495, %parallel_loop3A_496] {strides = array<i32>} : memref<25x2x128xf32, #tpu.memory_space<vmem>>, vector<16xf32>,
        %parallel_loop3A_498 = tpu.vector_load_idx %arg8[%parallel_loop3A_483, %parallel_loop3A_486] : memref<80x128xf32, #tpu.memory_space<vmem>>[vector<16xi32>, vector<16xi32>], vector<16xf32>,
        %parallel_loop3A_499 = tpu.vector_load_idx %arg10[%parallel_loop3A_489, %parallel_loop3A_492] : memref<80x128xf32, #tpu.memory_space<vmem>>[vector<16xi32>, vector<16xi32>], vector<16xf32>,
        %parallel_loop3A_500 = arith.addf %parallel_loop3A_497, %parallel_loop3A_498 : vector<16xf32>
        %parallel_loop3A_501 = arith.addf %parallel_loop3A_500, %parallel_loop3A_499 : vector<16xf32>
        %parallel_loop3A_502 = arith.constant 0.000000e+00 : f32
        %parallel_loop3A_503 = vector.broadcast %parallel_loop3A_502 : f32 to vector<16xf32>
        %parallel_loop3A_504 = arith.maximumf %parallel_loop3A_501, %parallel_loop3A_503 : vector<16xf32>
        tpu.vector_store_idx %arg12[%parallel_loop3A_489, %parallel_loop3A_492], %parallel_loop3A_504 {add = true} : memref<80x128xf32, #tpu.memory_space<vmem>>[vector<16xi32>, vector<16xi32>], vector<16xf32>,
        %parallel_loop3A_505 = arith.constant 1 : i32
        %parallel_loop3A_506 = arith.index_cast %parallel_loop3A_252 : i32 to index
        %parallel_loop3A_507 = arith.index_cast %parallel_loop3A_505 : i32 to index
        %parallel_loop3A_508 = arith.constant 80 : index
        %parallel_loop3A_509 = tpu.vector_load %arg19[%parallel_loop3A_506, %parallel_loop3A_507, %parallel_loop3A_508] {strides = array<i32>} : memref<25x2x128xf32, #tpu.memory_space<vmem>>, vector<16xf32>,
        %parallel_loop3A_510 = tpu.vector_load_idx %arg9[%parallel_loop3A_483, %parallel_loop3A_486] : memref<80x128xf32, #tpu.memory_space<vmem>>[vector<16xi32>, vector<16xi32>], vector<16xf32>,
        %parallel_loop3A_511 = tpu.vector_load_idx %arg11[%parallel_loop3A_489, %parallel_loop3A_492] : memref<80x128xf32, #tpu.memory_space<vmem>>[vector<16xi32>, vector<16xi32>], vector<16xf32>,
        %parallel_loop3A_512 = arith.addf %parallel_loop3A_509, %parallel_loop3A_510 : vector<16xf32>
        %parallel_loop3A_513 = arith.addf %parallel_loop3A_512, %parallel_loop3A_511 : vector<16xf32>
        %parallel_loop3A_514 = arith.constant 0.000000e+00 : f32
        %parallel_loop3A_515 = vector.broadcast %parallel_loop3A_514 : f32 to vector<16xf32>
        %parallel_loop3A_516 = arith.maximumf %parallel_loop3A_513, %parallel_loop3A_515 : vector<16xf32>
        tpu.vector_store_idx %arg13[%parallel_loop3A_489, %parallel_loop3A_492], %parallel_loop3A_516 {add = true} : memref<80x128xf32, #tpu.memory_space<vmem>>[vector<16xi32>, vector<16xi32>], vector<16xf32>,
        %parallel_loop3A_517 = arith.constant 128 : i32
        %parallel_loop3A_518 = arith.muli %parallel_loop3A_252, %parallel_loop3A_517 : i32
        %parallel_loop3A_519 = arith.constant 96 : i32
        %parallel_loop3A_520 = arith.addi %parallel_loop3A_518, %parallel_loop3A_519 : i32
        %parallel_loop3A_521 = arith.index_cast %parallel_loop3A_520 : i32 to index
        %parallel_loop3A_522 = tpu.vector_load %arg17[%parallel_loop3A_521] {strides = array<i32>} : memref<3200xi32, #tpu.memory_space<vmem>>, vector<16xi32>,
        %parallel_loop3A_523 = arith.index_cast %parallel_loop3A_520 : i32 to index
        %parallel_loop3A_524 = tpu.vector_load %arg18[%parallel_loop3A_523] {strides = array<i32>} : memref<3200xi32, #tpu.memory_space<vmem>>, vector<16xi32>,
        %parallel_loop3A_525 = arith.constant 7 : i32
        %parallel_loop3A_526 = vector.broadcast %parallel_loop3A_525 : i32 to vector<16xi32>
        %parallel_loop3A_527 = arith.shrui %parallel_loop3A_522, %parallel_loop3A_526 : vector<16xi32>
        %parallel_loop3A_528 = arith.constant 127 : i32
        %parallel_loop3A_529 = vector.broadcast %parallel_loop3A_528 : i32 to vector<16xi32>
        %parallel_loop3A_530 = arith.andi %parallel_loop3A_522, %parallel_loop3A_529 : vector<16xi32>
        %parallel_loop3A_531 = arith.constant 7 : i32
        %parallel_loop3A_532 = vector.broadcast %parallel_loop3A_531 : i32 to vector<16xi32>
        %parallel_loop3A_533 = arith.shrui %parallel_loop3A_524, %parallel_loop3A_532 : vector<16xi32>
        %parallel_loop3A_534 = arith.constant 127 : i32
        %parallel_loop3A_535 = vector.broadcast %parallel_loop3A_534 : i32 to vector<16xi32>
        %parallel_loop3A_536 = arith.andi %parallel_loop3A_524, %parallel_loop3A_535 : vector<16xi32>
        %parallel_loop3A_537 = arith.constant 0 : i32
        %parallel_loop3A_538 = arith.index_cast %parallel_loop3A_252 : i32 to index
        %parallel_loop3A_539 = arith.index_cast %parallel_loop3A_537 : i32 to index
        %parallel_loop3A_540 = arith.constant 96 : index
        %parallel_loop3A_541 = tpu.vector_load %arg19[%parallel_loop3A_538, %parallel_loop3A_539, %parallel_loop3A_540] {strides = array<i32>} : memref<25x2x128xf32, #tpu.memory_space<vmem>>, vector<16xf32>,
        %parallel_loop3A_542 = tpu.vector_load_idx %arg8[%parallel_loop3A_527, %parallel_loop3A_530] : memref<80x128xf32, #tpu.memory_space<vmem>>[vector<16xi32>, vector<16xi32>], vector<16xf32>,
        %parallel_loop3A_543 = tpu.vector_load_idx %arg10[%parallel_loop3A_533, %parallel_loop3A_536] : memref<80x128xf32, #tpu.memory_space<vmem>>[vector<16xi32>, vector<16xi32>], vector<16xf32>,
        %parallel_loop3A_544 = arith.addf %parallel_loop3A_541, %parallel_loop3A_542 : vector<16xf32>
        %parallel_loop3A_545 = arith.addf %parallel_loop3A_544, %parallel_loop3A_543 : vector<16xf32>
        %parallel_loop3A_546 = arith.constant 0.000000e+00 : f32
        %parallel_loop3A_547 = vector.broadcast %parallel_loop3A_546 : f32 to vector<16xf32>
        %parallel_loop3A_548 = arith.maximumf %parallel_loop3A_545, %parallel_loop3A_547 : vector<16xf32>
        tpu.vector_store_idx %arg12[%parallel_loop3A_533, %parallel_loop3A_536], %parallel_loop3A_548 {add = true} : memref<80x128xf32, #tpu.memory_space<vmem>>[vector<16xi32>, vector<16xi32>], vector<16xf32>,
        %parallel_loop3A_549 = arith.constant 1 : i32
        %parallel_loop3A_550 = arith.index_cast %parallel_loop3A_252 : i32 to index
        %parallel_loop3A_551 = arith.index_cast %parallel_loop3A_549 : i32 to index
        %parallel_loop3A_552 = arith.constant 96 : index
        %parallel_loop3A_553 = tpu.vector_load %arg19[%parallel_loop3A_550, %parallel_loop3A_551, %parallel_loop3A_552] {strides = array<i32>} : memref<25x2x128xf32, #tpu.memory_space<vmem>>, vector<16xf32>,
        %parallel_loop3A_554 = tpu.vector_load_idx %arg9[%parallel_loop3A_527, %parallel_loop3A_530] : memref<80x128xf32, #tpu.memory_space<vmem>>[vector<16xi32>, vector<16xi32>], vector<16xf32>,
        %parallel_loop3A_555 = tpu.vector_load_idx %arg11[%parallel_loop3A_533, %parallel_loop3A_536] : memref<80x128xf32, #tpu.memory_space<vmem>>[vector<16xi32>, vector<16xi32>], vector<16xf32>,
        %parallel_loop3A_556 = arith.addf %parallel_loop3A_553, %parallel_loop3A_554 : vector<16xf32>
        %parallel_loop3A_557 = arith.addf %parallel_loop3A_556, %parallel_loop3A_555 : vector<16xf32>
        %parallel_loop3A_558 = arith.constant 0.000000e+00 : f32
        %parallel_loop3A_559 = vector.broadcast %parallel_loop3A_558 : f32 to vector<16xf32>
        %parallel_loop3A_560 = arith.maximumf %parallel_loop3A_557, %parallel_loop3A_559 : vector<16xf32>
        tpu.vector_store_idx %arg13[%parallel_loop3A_533, %parallel_loop3A_536], %parallel_loop3A_560 {add = true} : memref<80x128xf32, #tpu.memory_space<vmem>>[vector<16xi32>, vector<16xi32>], vector<16xf32>,
        %parallel_loop3A_561 = arith.constant 128 : i32
        %parallel_loop3A_562 = arith.muli %parallel_loop3A_252, %parallel_loop3A_561 : i32
        %parallel_loop3A_563 = arith.constant 112 : i32
        %parallel_loop3A_564 = arith.addi %parallel_loop3A_562, %parallel_loop3A_563 : i32
        %parallel_loop3A_565 = arith.index_cast %parallel_loop3A_564 : i32 to index
        %parallel_loop3A_566 = tpu.vector_load %arg17[%parallel_loop3A_565] {strides = array<i32>} : memref<3200xi32, #tpu.memory_space<vmem>>, vector<16xi32>,
        %parallel_loop3A_567 = arith.index_cast %parallel_loop3A_564 : i32 to index
        %parallel_loop3A_568 = tpu.vector_load %arg18[%parallel_loop3A_567] {strides = array<i32>} : memref<3200xi32, #tpu.memory_space<vmem>>, vector<16xi32>,
        %parallel_loop3A_569 = arith.constant 7 : i32
        %parallel_loop3A_570 = vector.broadcast %parallel_loop3A_569 : i32 to vector<16xi32>
        %parallel_loop3A_571 = arith.shrui %parallel_loop3A_566, %parallel_loop3A_570 : vector<16xi32>
        %parallel_loop3A_572 = arith.constant 127 : i32
        %parallel_loop3A_573 = vector.broadcast %parallel_loop3A_572 : i32 to vector<16xi32>
        %parallel_loop3A_574 = arith.andi %parallel_loop3A_566, %parallel_loop3A_573 : vector<16xi32>
        %parallel_loop3A_575 = arith.constant 7 : i32
        %parallel_loop3A_576 = vector.broadcast %parallel_loop3A_575 : i32 to vector<16xi32>
        %parallel_loop3A_577 = arith.shrui %parallel_loop3A_568, %parallel_loop3A_576 : vector<16xi32>
        %parallel_loop3A_578 = arith.constant 127 : i32
        %parallel_loop3A_579 = vector.broadcast %parallel_loop3A_578 : i32 to vector<16xi32>
        %parallel_loop3A_580 = arith.andi %parallel_loop3A_568, %parallel_loop3A_579 : vector<16xi32>
        %parallel_loop3A_581 = arith.constant 0 : i32
        %parallel_loop3A_582 = arith.index_cast %parallel_loop3A_252 : i32 to index
        %parallel_loop3A_583 = arith.index_cast %parallel_loop3A_581 : i32 to index
        %parallel_loop3A_584 = arith.constant 112 : index
        %parallel_loop3A_585 = tpu.vector_load %arg19[%parallel_loop3A_582, %parallel_loop3A_583, %parallel_loop3A_584] {strides = array<i32>} : memref<25x2x128xf32, #tpu.memory_space<vmem>>, vector<16xf32>,
        %parallel_loop3A_586 = tpu.vector_load_idx %arg8[%parallel_loop3A_571, %parallel_loop3A_574] : memref<80x128xf32, #tpu.memory_space<vmem>>[vector<16xi32>, vector<16xi32>], vector<16xf32>,
        %parallel_loop3A_587 = tpu.vector_load_idx %arg10[%parallel_loop3A_577, %parallel_loop3A_580] : memref<80x128xf32, #tpu.memory_space<vmem>>[vector<16xi32>, vector<16xi32>], vector<16xf32>,
        %parallel_loop3A_588 = arith.addf %parallel_loop3A_585, %parallel_loop3A_586 : vector<16xf32>
        %parallel_loop3A_589 = arith.addf %parallel_loop3A_588, %parallel_loop3A_587 : vector<16xf32>
        %parallel_loop3A_590 = arith.constant 0.000000e+00 : f32
        %parallel_loop3A_591 = vector.broadcast %parallel_loop3A_590 : f32 to vector<16xf32>
        %parallel_loop3A_592 = arith.maximumf %parallel_loop3A_589, %parallel_loop3A_591 : vector<16xf32>
        tpu.vector_store_idx %arg12[%parallel_loop3A_577, %parallel_loop3A_580], %parallel_loop3A_592 {add = true} : memref<80x128xf32, #tpu.memory_space<vmem>>[vector<16xi32>, vector<16xi32>], vector<16xf32>,
        %parallel_loop3A_593 = arith.constant 1 : i32
        %parallel_loop3A_594 = arith.index_cast %parallel_loop3A_252 : i32 to index
        %parallel_loop3A_595 = arith.index_cast %parallel_loop3A_593 : i32 to index
        %parallel_loop3A_596 = arith.constant 112 : index
        %parallel_loop3A_597 = tpu.vector_load %arg19[%parallel_loop3A_594, %parallel_loop3A_595, %parallel_loop3A_596] {strides = array<i32>} : memref<25x2x128xf32, #tpu.memory_space<vmem>>, vector<16xf32>,
        %parallel_loop3A_598 = tpu.vector_load_idx %arg9[%parallel_loop3A_571, %parallel_loop3A_574] : memref<80x128xf32, #tpu.memory_space<vmem>>[vector<16xi32>, vector<16xi32>], vector<16xf32>,
        %parallel_loop3A_599 = tpu.vector_load_idx %arg11[%parallel_loop3A_577, %parallel_loop3A_580] : memref<80x128xf32, #tpu.memory_space<vmem>>[vector<16xi32>, vector<16xi32>], vector<16xf32>,
        %parallel_loop3A_600 = arith.addf %parallel_loop3A_597, %parallel_loop3A_598 : vector<16xf32>
        %parallel_loop3A_601 = arith.addf %parallel_loop3A_600, %parallel_loop3A_599 : vector<16xf32>
        %parallel_loop3A_602 = arith.constant 0.000000e+00 : f32
        %parallel_loop3A_603 = vector.broadcast %parallel_loop3A_602 : f32 to vector<16xf32>
        %parallel_loop3A_604 = arith.maximumf %parallel_loop3A_601, %parallel_loop3A_603 : vector<16xf32>
        tpu.vector_store_idx %arg13[%parallel_loop3A_577, %parallel_loop3A_580], %parallel_loop3A_604 {add = true} : memref<80x128xf32, #tpu.memory_space<vmem>>[vector<16xi32>, vector<16xi32>], vector<16xf32>,
      } {sc.loop_unroll_factor = 4 : i64, sc.parallel_access}
    }
    %scan3A_138 = arith.constant 12 : i32
    %mul3A_139 = arith.constant 80000 : i32
    %mul3A_140 = arith.muli %select_n3A_30, %mul3A_139 : i32
    %add3A_141 = arith.constant 76800 : i32
    %add3A_142 = arith.addi %mul3A_140, %add3A_141 : i32
    %mul3A_143 = arith.constant 625 : i32
    %mul3A_144 = arith.muli %select_n3A_30, %mul3A_143 : i32
    %add3A_145 = arith.constant 600 : i32
    %add3A_146 = arith.addi %mul3A_144, %add3A_145 : i32
    %dma_wait3A_147 = tpu.memref_slice %arg2[%add3A_142] : memref<320000xi32, #tpu.memory_space<hbm>> -> memref<3200xi32, #tpu.memory_space<hbm>>
    %dma_wait3A_148 = tpu.memref_slice %arg2[%add3A_142] : memref<320000xi32, #tpu.memory_space<hbm>> -> memref<3200xi32, #tpu.memory_space<hbm>>
    tpu.wait_dma2 semaphore(%arg21 : memref<!tpu.dma_semaphore, #tpu.memory_space<semaphore_mem>>) src(%dma_wait3A_148 : memref<3200xi32, #tpu.memory_space<hbm>>) dst(%arg14 : memref<3200xi32, #tpu.memory_space<vmem>>)
    %dma_wait3A_149 = tpu.memref_slice %arg3[%add3A_142] : memref<320000xi32, #tpu.memory_space<hbm>> -> memref<3200xi32, #tpu.memory_space<hbm>>
    %dma_wait3A_150 = tpu.memref_slice %arg3[%add3A_142] : memref<320000xi32, #tpu.memory_space<hbm>> -> memref<3200xi32, #tpu.memory_space<hbm>>
    tpu.wait_dma2 semaphore(%arg21 : memref<!tpu.dma_semaphore, #tpu.memory_space<semaphore_mem>>) src(%dma_wait3A_150 : memref<3200xi32, #tpu.memory_space<hbm>>) dst(%arg15 : memref<3200xi32, #tpu.memory_space<vmem>>)
    %dma_wait3A_151 = arith.constant 0 : i32
    %dma_wait3A_152 = tpu.memref_slice %arg5[%add3A_146, %mul3A_32, %dma_wait3A_151] : memref<2500x16x128xf32, #tpu.memory_space<hbm>> -> memref<25x2x128xf32, #tpu.memory_space<hbm>>
    %dma_wait3A_153 = arith.constant 0 : i32
    %dma_wait3A_154 = tpu.memref_slice %arg5[%add3A_146, %mul3A_32, %dma_wait3A_153] : memref<2500x16x128xf32, #tpu.memory_space<hbm>> -> memref<25x2x128xf32, #tpu.memory_space<hbm>>
    tpu.wait_dma2 semaphore(%arg21 : memref<!tpu.dma_semaphore, #tpu.memory_space<semaphore_mem>>) src(%dma_wait3A_154 : memref<25x2x128xf32, #tpu.memory_space<hbm>>) dst(%arg16 : memref<25x2x128xf32, #tpu.memory_space<vmem>>)
    %parallel_loop3A = arith.constant 0 : i32
    %parallel_loop3A_155 = arith.constant 25 : i32
    %parallel_loop3A_156 = arith.constant 1 : i32
    scf.for %parallel_loop3A_161 = %parallel_loop3A to %parallel_loop3A_155 step %parallel_loop3A_156  : i32 {
      %parallel_loop3A_162 = arith.constant 128 : i32
      %parallel_loop3A_163 = arith.muli %parallel_loop3A_161, %parallel_loop3A_162 : i32
      %parallel_loop3A_164 = arith.constant 0 : i32
      %parallel_loop3A_165 = arith.addi %parallel_loop3A_163, %parallel_loop3A_164 : i32
      %parallel_loop3A_166 = arith.index_cast %parallel_loop3A_165 : i32 to index
      %parallel_loop3A_167 = tpu.vector_load %arg14[%parallel_loop3A_166] {strides = array<i32>} : memref<3200xi32, #tpu.memory_space<vmem>>, vector<16xi32>,
      %parallel_loop3A_168 = arith.index_cast %parallel_loop3A_165 : i32 to index
      %parallel_loop3A_169 = tpu.vector_load %arg15[%parallel_loop3A_168] {strides = array<i32>} : memref<3200xi32, #tpu.memory_space<vmem>>, vector<16xi32>,
      %parallel_loop3A_170 = arith.constant 7 : i32
      %parallel_loop3A_171 = vector.broadcast %parallel_loop3A_170 : i32 to vector<16xi32>
      %parallel_loop3A_172 = arith.shrui %parallel_loop3A_167, %parallel_loop3A_171 : vector<16xi32>
      %parallel_loop3A_173 = arith.constant 127 : i32
      %parallel_loop3A_174 = vector.broadcast %parallel_loop3A_173 : i32 to vector<16xi32>
      %parallel_loop3A_175 = arith.andi %parallel_loop3A_167, %parallel_loop3A_174 : vector<16xi32>
      %parallel_loop3A_176 = arith.constant 7 : i32
      %parallel_loop3A_177 = vector.broadcast %parallel_loop3A_176 : i32 to vector<16xi32>
      %parallel_loop3A_178 = arith.shrui %parallel_loop3A_169, %parallel_loop3A_177 : vector<16xi32>
      %parallel_loop3A_179 = arith.constant 127 : i32
      %parallel_loop3A_180 = vector.broadcast %parallel_loop3A_179 : i32 to vector<16xi32>
      %parallel_loop3A_181 = arith.andi %parallel_loop3A_169, %parallel_loop3A_180 : vector<16xi32>
      %parallel_loop3A_182 = arith.constant 0 : i32
      %parallel_loop3A_183 = arith.index_cast %parallel_loop3A_161 : i32 to index
      %parallel_loop3A_184 = arith.index_cast %parallel_loop3A_182 : i32 to index
      %parallel_loop3A_185 = arith.constant 0 : index
      %parallel_loop3A_186 = tpu.vector_load %arg16[%parallel_loop3A_183, %parallel_loop3A_184, %parallel_loop3A_185] {strides = array<i32>} : memref<25x2x128xf32, #tpu.memory_space<vmem>>, vector<16xf32>,
      %parallel_loop3A_187 = tpu.vector_load_idx %arg8[%parallel_loop3A_172, %parallel_loop3A_175] : memref<80x128xf32, #tpu.memory_space<vmem>>[vector<16xi32>, vector<16xi32>], vector<16xf32>,
      %parallel_loop3A_188 = tpu.vector_load_idx %arg10[%parallel_loop3A_178, %parallel_loop3A_181] : memref<80x128xf32, #tpu.memory_space<vmem>>[vector<16xi32>, vector<16xi32>], vector<16xf32>,
      %parallel_loop3A_189 = arith.addf %parallel_loop3A_186, %parallel_loop3A_187 : vector<16xf32>
      %parallel_loop3A_190 = arith.addf %parallel_loop3A_189, %parallel_loop3A_188 : vector<16xf32>
      %parallel_loop3A_191 = arith.constant 0.000000e+00 : f32
      %parallel_loop3A_192 = vector.broadcast %parallel_loop3A_191 : f32 to vector<16xf32>
      %parallel_loop3A_193 = arith.maximumf %parallel_loop3A_190, %parallel_loop3A_192 : vector<16xf32>
      tpu.vector_store_idx %arg12[%parallel_loop3A_178, %parallel_loop3A_181], %parallel_loop3A_193 {add = true} : memref<80x128xf32, #tpu.memory_space<vmem>>[vector<16xi32>, vector<16xi32>], vector<16xf32>,
      %parallel_loop3A_194 = arith.constant 1 : i32
      %parallel_loop3A_195 = arith.index_cast %parallel_loop3A_161 : i32 to index
      %parallel_loop3A_196 = arith.index_cast %parallel_loop3A_194 : i32 to index
      %parallel_loop3A_197 = arith.constant 0 : index
      %parallel_loop3A_198 = tpu.vector_load %arg16[%parallel_loop3A_195, %parallel_loop3A_196, %parallel_loop3A_197] {strides = array<i32>} : memref<25x2x128xf32, #tpu.memory_space<vmem>>, vector<16xf32>,
      %parallel_loop3A_199 = tpu.vector_load_idx %arg9[%parallel_loop3A_172, %parallel_loop3A_175] : memref<80x128xf32, #tpu.memory_space<vmem>>[vector<16xi32>, vector<16xi32>], vector<16xf32>,
      %parallel_loop3A_200 = tpu.vector_load_idx %arg11[%parallel_loop3A_178, %parallel_loop3A_181] : memref<80x128xf32, #tpu.memory_space<vmem>>[vector<16xi32>, vector<16xi32>], vector<16xf32>,
      %parallel_loop3A_201 = arith.addf %parallel_loop3A_198, %parallel_loop3A_199 : vector<16xf32>
      %parallel_loop3A_202 = arith.addf %parallel_loop3A_201, %parallel_loop3A_200 : vector<16xf32>
      %parallel_loop3A_203 = arith.constant 0.000000e+00 : f32
      %parallel_loop3A_204 = vector.broadcast %parallel_loop3A_203 : f32 to vector<16xf32>
      %parallel_loop3A_205 = arith.maximumf %parallel_loop3A_202, %parallel_loop3A_204 : vector<16xf32>
      tpu.vector_store_idx %arg13[%parallel_loop3A_178, %parallel_loop3A_181], %parallel_loop3A_205 {add = true} : memref<80x128xf32, #tpu.memory_space<vmem>>[vector<16xi32>, vector<16xi32>], vector<16xf32>,
      %parallel_loop3A_206 = arith.constant 128 : i32
      %parallel_loop3A_207 = arith.muli %parallel_loop3A_161, %parallel_loop3A_206 : i32
      %parallel_loop3A_208 = arith.constant 16 : i32
      %parallel_loop3A_209 = arith.addi %parallel_loop3A_207, %parallel_loop3A_208 : i32
      %parallel_loop3A_210 = arith.index_cast %parallel_loop3A_209 : i32 to index
      %parallel_loop3A_211 = tpu.vector_load %arg14[%parallel_loop3A_210] {strides = array<i32>} : memref<3200xi32, #tpu.memory_space<vmem>>, vector<16xi32>,
      %parallel_loop3A_212 = arith.index_cast %parallel_loop3A_209 : i32 to index
      %parallel_loop3A_213 = tpu.vector_load %arg15[%parallel_loop3A_212] {strides = array<i32>} : memref<3200xi32, #tpu.memory_space<vmem>>, vector<16xi32>,
      %parallel_loop3A_214 = arith.constant 7 : i32
      %parallel_loop3A_215 = vector.broadcast %parallel_loop3A_214 : i32 to vector<16xi32>
      %parallel_loop3A_216 = arith.shrui %parallel_loop3A_211, %parallel_loop3A_215 : vector<16xi32>
      %parallel_loop3A_217 = arith.constant 127 : i32
      %parallel_loop3A_218 = vector.broadcast %parallel_loop3A_217 : i32 to vector<16xi32>
      %parallel_loop3A_219 = arith.andi %parallel_loop3A_211, %parallel_loop3A_218 : vector<16xi32>
      %parallel_loop3A_220 = arith.constant 7 : i32
      %parallel_loop3A_221 = vector.broadcast %parallel_loop3A_220 : i32 to vector<16xi32>
      %parallel_loop3A_222 = arith.shrui %parallel_loop3A_213, %parallel_loop3A_221 : vector<16xi32>
      %parallel_loop3A_223 = arith.constant 127 : i32
      %parallel_loop3A_224 = vector.broadcast %parallel_loop3A_223 : i32 to vector<16xi32>
      %parallel_loop3A_225 = arith.andi %parallel_loop3A_213, %parallel_loop3A_224 : vector<16xi32>
      %parallel_loop3A_226 = arith.constant 0 : i32
      %parallel_loop3A_227 = arith.index_cast %parallel_loop3A_161 : i32 to index
      %parallel_loop3A_228 = arith.index_cast %parallel_loop3A_226 : i32 to index
      %parallel_loop3A_229 = arith.constant 16 : index
      %parallel_loop3A_230 = tpu.vector_load %arg16[%parallel_loop3A_227, %parallel_loop3A_228, %parallel_loop3A_229] {strides = array<i32>} : memref<25x2x128xf32, #tpu.memory_space<vmem>>, vector<16xf32>,
      %parallel_loop3A_231 = tpu.vector_load_idx %arg8[%parallel_loop3A_216, %parallel_loop3A_219] : memref<80x128xf32, #tpu.memory_space<vmem>>[vector<16xi32>, vector<16xi32>], vector<16xf32>,
      %parallel_loop3A_232 = tpu.vector_load_idx %arg10[%parallel_loop3A_222, %parallel_loop3A_225] : memref<80x128xf32, #tpu.memory_space<vmem>>[vector<16xi32>, vector<16xi32>], vector<16xf32>,
      %parallel_loop3A_233 = arith.addf %parallel_loop3A_230, %parallel_loop3A_231 : vector<16xf32>
      %parallel_loop3A_234 = arith.addf %parallel_loop3A_233, %parallel_loop3A_232 : vector<16xf32>
      %parallel_loop3A_235 = arith.constant 0.000000e+00 : f32
      %parallel_loop3A_236 = vector.broadcast %parallel_loop3A_235 : f32 to vector<16xf32>
      %parallel_loop3A_237 = arith.maximumf %parallel_loop3A_234, %parallel_loop3A_236 : vector<16xf32>
      tpu.vector_store_idx %arg12[%parallel_loop3A_222, %parallel_loop3A_225], %parallel_loop3A_237 {add = true} : memref<80x128xf32, #tpu.memory_space<vmem>>[vector<16xi32>, vector<16xi32>], vector<16xf32>,
      %parallel_loop3A_238 = arith.constant 1 : i32
      %parallel_loop3A_239 = arith.index_cast %parallel_loop3A_161 : i32 to index
      %parallel_loop3A_240 = arith.index_cast %parallel_loop3A_238 : i32 to index
      %parallel_loop3A_241 = arith.constant 16 : index
      %parallel_loop3A_242 = tpu.vector_load %arg16[%parallel_loop3A_239, %parallel_loop3A_240, %parallel_loop3A_241] {strides = array<i32>} : memref<25x2x128xf32, #tpu.memory_space<vmem>>, vector<16xf32>,
      %parallel_loop3A_243 = tpu.vector_load_idx %arg9[%parallel_loop3A_216, %parallel_loop3A_219] : memref<80x128xf32, #tpu.memory_space<vmem>>[vector<16xi32>, vector<16xi32>], vector<16xf32>,
      %parallel_loop3A_244 = tpu.vector_load_idx %arg11[%parallel_loop3A_222, %parallel_loop3A_225] : memref<80x128xf32, #tpu.memory_space<vmem>>[vector<16xi32>, vector<16xi32>], vector<16xf32>,
      %parallel_loop3A_245 = arith.addf %parallel_loop3A_242, %parallel_loop3A_243 : vector<16xf32>
      %parallel_loop3A_246 = arith.addf %parallel_loop3A_245, %parallel_loop3A_244 : vector<16xf32>
      %parallel_loop3A_247 = arith.constant 0.000000e+00 : f32
      %parallel_loop3A_248 = vector.broadcast %parallel_loop3A_247 : f32 to vector<16xf32>
      %parallel_loop3A_249 = arith.maximumf %parallel_loop3A_246, %parallel_loop3A_248 : vector<16xf32>
      tpu.vector_store_idx %arg13[%parallel_loop3A_222, %parallel_loop3A_225], %parallel_loop3A_249 {add = true} : memref<80x128xf32, #tpu.memory_space<vmem>>[vector<16xi32>, vector<16xi32>], vector<16xf32>,
      %parallel_loop3A_250 = arith.constant 128 : i32
      %parallel_loop3A_251 = arith.muli %parallel_loop3A_161, %parallel_loop3A_250 : i32
      %parallel_loop3A_252 = arith.constant 32 : i32
      %parallel_loop3A_253 = arith.addi %parallel_loop3A_251, %parallel_loop3A_252 : i32
      %parallel_loop3A_254 = arith.index_cast %parallel_loop3A_253 : i32 to index
      %parallel_loop3A_255 = tpu.vector_load %arg14[%parallel_loop3A_254] {strides = array<i32>} : memref<3200xi32, #tpu.memory_space<vmem>>, vector<16xi32>,
      %parallel_loop3A_256 = arith.index_cast %parallel_loop3A_253 : i32 to index
      %parallel_loop3A_257 = tpu.vector_load %arg15[%parallel_loop3A_256] {strides = array<i32>} : memref<3200xi32, #tpu.memory_space<vmem>>, vector<16xi32>,
      %parallel_loop3A_258 = arith.constant 7 : i32
      %parallel_loop3A_259 = vector.broadcast %parallel_loop3A_258 : i32 to vector<16xi32>
      %parallel_loop3A_260 = arith.shrui %parallel_loop3A_255, %parallel_loop3A_259 : vector<16xi32>
      %parallel_loop3A_261 = arith.constant 127 : i32
      %parallel_loop3A_262 = vector.broadcast %parallel_loop3A_261 : i32 to vector<16xi32>
      %parallel_loop3A_263 = arith.andi %parallel_loop3A_255, %parallel_loop3A_262 : vector<16xi32>
      %parallel_loop3A_264 = arith.constant 7 : i32
      %parallel_loop3A_265 = vector.broadcast %parallel_loop3A_264 : i32 to vector<16xi32>
      %parallel_loop3A_266 = arith.shrui %parallel_loop3A_257, %parallel_loop3A_265 : vector<16xi32>
      %parallel_loop3A_267 = arith.constant 127 : i32
      %parallel_loop3A_268 = vector.broadcast %parallel_loop3A_267 : i32 to vector<16xi32>
      %parallel_loop3A_269 = arith.andi %parallel_loop3A_257, %parallel_loop3A_268 : vector<16xi32>
      %parallel_loop3A_270 = arith.constant 0 : i32
      %parallel_loop3A_271 = arith.index_cast %parallel_loop3A_161 : i32 to index
      %parallel_loop3A_272 = arith.index_cast %parallel_loop3A_270 : i32 to index
      %parallel_loop3A_273 = arith.constant 32 : index
      %parallel_loop3A_274 = tpu.vector_load %arg16[%parallel_loop3A_271, %parallel_loop3A_272, %parallel_loop3A_273] {strides = array<i32>} : memref<25x2x128xf32, #tpu.memory_space<vmem>>, vector<16xf32>,
      %parallel_loop3A_275 = tpu.vector_load_idx %arg8[%parallel_loop3A_260, %parallel_loop3A_263] : memref<80x128xf32, #tpu.memory_space<vmem>>[vector<16xi32>, vector<16xi32>], vector<16xf32>,
      %parallel_loop3A_276 = tpu.vector_load_idx %arg10[%parallel_loop3A_266, %parallel_loop3A_269] : memref<80x128xf32, #tpu.memory_space<vmem>>[vector<16xi32>, vector<16xi32>], vector<16xf32>,
      %parallel_loop3A_277 = arith.addf %parallel_loop3A_274, %parallel_loop3A_275 : vector<16xf32>
      %parallel_loop3A_278 = arith.addf %parallel_loop3A_277, %parallel_loop3A_276 : vector<16xf32>
      %parallel_loop3A_279 = arith.constant 0.000000e+00 : f32
      %parallel_loop3A_280 = vector.broadcast %parallel_loop3A_279 : f32 to vector<16xf32>
      %parallel_loop3A_281 = arith.maximumf %parallel_loop3A_278, %parallel_loop3A_280 : vector<16xf32>
      tpu.vector_store_idx %arg12[%parallel_loop3A_266, %parallel_loop3A_269], %parallel_loop3A_281 {add = true} : memref<80x128xf32, #tpu.memory_space<vmem>>[vector<16xi32>, vector<16xi32>], vector<16xf32>,
      %parallel_loop3A_282 = arith.constant 1 : i32
      %parallel_loop3A_283 = arith.index_cast %parallel_loop3A_161 : i32 to index
      %parallel_loop3A_284 = arith.index_cast %parallel_loop3A_282 : i32 to index
      %parallel_loop3A_285 = arith.constant 32 : index
      %parallel_loop3A_286 = tpu.vector_load %arg16[%parallel_loop3A_283, %parallel_loop3A_284, %parallel_loop3A_285] {strides = array<i32>} : memref<25x2x128xf32, #tpu.memory_space<vmem>>, vector<16xf32>,
      %parallel_loop3A_287 = tpu.vector_load_idx %arg9[%parallel_loop3A_260, %parallel_loop3A_263] : memref<80x128xf32, #tpu.memory_space<vmem>>[vector<16xi32>, vector<16xi32>], vector<16xf32>,
      %parallel_loop3A_288 = tpu.vector_load_idx %arg11[%parallel_loop3A_266, %parallel_loop3A_269] : memref<80x128xf32, #tpu.memory_space<vmem>>[vector<16xi32>, vector<16xi32>], vector<16xf32>,
      %parallel_loop3A_289 = arith.addf %parallel_loop3A_286, %parallel_loop3A_287 : vector<16xf32>
      %parallel_loop3A_290 = arith.addf %parallel_loop3A_289, %parallel_loop3A_288 : vector<16xf32>
      %parallel_loop3A_291 = arith.constant 0.000000e+00 : f32
      %parallel_loop3A_292 = vector.broadcast %parallel_loop3A_291 : f32 to vector<16xf32>
      %parallel_loop3A_293 = arith.maximumf %parallel_loop3A_290, %parallel_loop3A_292 : vector<16xf32>
      tpu.vector_store_idx %arg13[%parallel_loop3A_266, %parallel_loop3A_269], %parallel_loop3A_293 {add = true} : memref<80x128xf32, #tpu.memory_space<vmem>>[vector<16xi32>, vector<16xi32>], vector<16xf32>,
      %parallel_loop3A_294 = arith.constant 128 : i32
      %parallel_loop3A_295 = arith.muli %parallel_loop3A_161, %parallel_loop3A_294 : i32
      %parallel_loop3A_296 = arith.constant 48 : i32
      %parallel_loop3A_297 = arith.addi %parallel_loop3A_295, %parallel_loop3A_296 : i32
      %parallel_loop3A_298 = arith.index_cast %parallel_loop3A_297 : i32 to index
      %parallel_loop3A_299 = tpu.vector_load %arg14[%parallel_loop3A_298] {strides = array<i32>} : memref<3200xi32, #tpu.memory_space<vmem>>, vector<16xi32>,
      %parallel_loop3A_300 = arith.index_cast %parallel_loop3A_297 : i32 to index
      %parallel_loop3A_301 = tpu.vector_load %arg15[%parallel_loop3A_300] {strides = array<i32>} : memref<3200xi32, #tpu.memory_space<vmem>>, vector<16xi32>,
      %parallel_loop3A_302 = arith.constant 7 : i32
      %parallel_loop3A_303 = vector.broadcast %parallel_loop3A_302 : i32 to vector<16xi32>
      %parallel_loop3A_304 = arith.shrui %parallel_loop3A_299, %parallel_loop3A_303 : vector<16xi32>
      %parallel_loop3A_305 = arith.constant 127 : i32
      %parallel_loop3A_306 = vector.broadcast %parallel_loop3A_305 : i32 to vector<16xi32>
      %parallel_loop3A_307 = arith.andi %parallel_loop3A_299, %parallel_loop3A_306 : vector<16xi32>
      %parallel_loop3A_308 = arith.constant 7 : i32
      %parallel_loop3A_309 = vector.broadcast %parallel_loop3A_308 : i32 to vector<16xi32>
      %parallel_loop3A_310 = arith.shrui %parallel_loop3A_301, %parallel_loop3A_309 : vector<16xi32>
      %parallel_loop3A_311 = arith.constant 127 : i32
      %parallel_loop3A_312 = vector.broadcast %parallel_loop3A_311 : i32 to vector<16xi32>
      %parallel_loop3A_313 = arith.andi %parallel_loop3A_301, %parallel_loop3A_312 : vector<16xi32>
      %parallel_loop3A_314 = arith.constant 0 : i32
      %parallel_loop3A_315 = arith.index_cast %parallel_loop3A_161 : i32 to index
      %parallel_loop3A_316 = arith.index_cast %parallel_loop3A_314 : i32 to index
      %parallel_loop3A_317 = arith.constant 48 : index
      %parallel_loop3A_318 = tpu.vector_load %arg16[%parallel_loop3A_315, %parallel_loop3A_316, %parallel_loop3A_317] {strides = array<i32>} : memref<25x2x128xf32, #tpu.memory_space<vmem>>, vector<16xf32>,
      %parallel_loop3A_319 = tpu.vector_load_idx %arg8[%parallel_loop3A_304, %parallel_loop3A_307] : memref<80x128xf32, #tpu.memory_space<vmem>>[vector<16xi32>, vector<16xi32>], vector<16xf32>,
      %parallel_loop3A_320 = tpu.vector_load_idx %arg10[%parallel_loop3A_310, %parallel_loop3A_313] : memref<80x128xf32, #tpu.memory_space<vmem>>[vector<16xi32>, vector<16xi32>], vector<16xf32>,
      %parallel_loop3A_321 = arith.addf %parallel_loop3A_318, %parallel_loop3A_319 : vector<16xf32>
      %parallel_loop3A_322 = arith.addf %parallel_loop3A_321, %parallel_loop3A_320 : vector<16xf32>
      %parallel_loop3A_323 = arith.constant 0.000000e+00 : f32
      %parallel_loop3A_324 = vector.broadcast %parallel_loop3A_323 : f32 to vector<16xf32>
      %parallel_loop3A_325 = arith.maximumf %parallel_loop3A_322, %parallel_loop3A_324 : vector<16xf32>
      tpu.vector_store_idx %arg12[%parallel_loop3A_310, %parallel_loop3A_313], %parallel_loop3A_325 {add = true} : memref<80x128xf32, #tpu.memory_space<vmem>>[vector<16xi32>, vector<16xi32>], vector<16xf32>,
      %parallel_loop3A_326 = arith.constant 1 : i32
      %parallel_loop3A_327 = arith.index_cast %parallel_loop3A_161 : i32 to index
      %parallel_loop3A_328 = arith.index_cast %parallel_loop3A_326 : i32 to index
      %parallel_loop3A_329 = arith.constant 48 : index
      %parallel_loop3A_330 = tpu.vector_load %arg16[%parallel_loop3A_327, %parallel_loop3A_328, %parallel_loop3A_329] {strides = array<i32>} : memref<25x2x128xf32, #tpu.memory_space<vmem>>, vector<16xf32>,
      %parallel_loop3A_331 = tpu.vector_load_idx %arg9[%parallel_loop3A_304, %parallel_loop3A_307] : memref<80x128xf32, #tpu.memory_space<vmem>>[vector<16xi32>, vector<16xi32>], vector<16xf32>,
      %parallel_loop3A_332 = tpu.vector_load_idx %arg11[%parallel_loop3A_310, %parallel_loop3A_313] : memref<80x128xf32, #tpu.memory_space<vmem>>[vector<16xi32>, vector<16xi32>], vector<16xf32>,
      %parallel_loop3A_333 = arith.addf %parallel_loop3A_330, %parallel_loop3A_331 : vector<16xf32>
      %parallel_loop3A_334 = arith.addf %parallel_loop3A_333, %parallel_loop3A_332 : vector<16xf32>
      %parallel_loop3A_335 = arith.constant 0.000000e+00 : f32
      %parallel_loop3A_336 = vector.broadcast %parallel_loop3A_335 : f32 to vector<16xf32>
      %parallel_loop3A_337 = arith.maximumf %parallel_loop3A_334, %parallel_loop3A_336 : vector<16xf32>
      tpu.vector_store_idx %arg13[%parallel_loop3A_310, %parallel_loop3A_313], %parallel_loop3A_337 {add = true} : memref<80x128xf32, #tpu.memory_space<vmem>>[vector<16xi32>, vector<16xi32>], vector<16xf32>,
      %parallel_loop3A_338 = arith.constant 128 : i32
      %parallel_loop3A_339 = arith.muli %parallel_loop3A_161, %parallel_loop3A_338 : i32
      %parallel_loop3A_340 = arith.constant 64 : i32
      %parallel_loop3A_341 = arith.addi %parallel_loop3A_339, %parallel_loop3A_340 : i32
      %parallel_loop3A_342 = arith.index_cast %parallel_loop3A_341 : i32 to index
      %parallel_loop3A_343 = tpu.vector_load %arg14[%parallel_loop3A_342] {strides = array<i32>} : memref<3200xi32, #tpu.memory_space<vmem>>, vector<16xi32>,
      %parallel_loop3A_344 = arith.index_cast %parallel_loop3A_341 : i32 to index
      %parallel_loop3A_345 = tpu.vector_load %arg15[%parallel_loop3A_344] {strides = array<i32>} : memref<3200xi32, #tpu.memory_space<vmem>>, vector<16xi32>,
      %parallel_loop3A_346 = arith.constant 7 : i32
      %parallel_loop3A_347 = vector.broadcast %parallel_loop3A_346 : i32 to vector<16xi32>
      %parallel_loop3A_348 = arith.shrui %parallel_loop3A_343, %parallel_loop3A_347 : vector<16xi32>
      %parallel_loop3A_349 = arith.constant 127 : i32
      %parallel_loop3A_350 = vector.broadcast %parallel_loop3A_349 : i32 to vector<16xi32>
      %parallel_loop3A_351 = arith.andi %parallel_loop3A_343, %parallel_loop3A_350 : vector<16xi32>
      %parallel_loop3A_352 = arith.constant 7 : i32
      %parallel_loop3A_353 = vector.broadcast %parallel_loop3A_352 : i32 to vector<16xi32>
      %parallel_loop3A_354 = arith.shrui %parallel_loop3A_345, %parallel_loop3A_353 : vector<16xi32>
      %parallel_loop3A_355 = arith.constant 127 : i32
      %parallel_loop3A_356 = vector.broadcast %parallel_loop3A_355 : i32 to vector<16xi32>
      %parallel_loop3A_357 = arith.andi %parallel_loop3A_345, %parallel_loop3A_356 : vector<16xi32>
      %parallel_loop3A_358 = arith.constant 0 : i32
      %parallel_loop3A_359 = arith.index_cast %parallel_loop3A_161 : i32 to index
      %parallel_loop3A_360 = arith.index_cast %parallel_loop3A_358 : i32 to index
      %parallel_loop3A_361 = arith.constant 64 : index
      %parallel_loop3A_362 = tpu.vector_load %arg16[%parallel_loop3A_359, %parallel_loop3A_360, %parallel_loop3A_361] {strides = array<i32>} : memref<25x2x128xf32, #tpu.memory_space<vmem>>, vector<16xf32>,
      %parallel_loop3A_363 = tpu.vector_load_idx %arg8[%parallel_loop3A_348, %parallel_loop3A_351] : memref<80x128xf32, #tpu.memory_space<vmem>>[vector<16xi32>, vector<16xi32>], vector<16xf32>,
      %parallel_loop3A_364 = tpu.vector_load_idx %arg10[%parallel_loop3A_354, %parallel_loop3A_357] : memref<80x128xf32, #tpu.memory_space<vmem>>[vector<16xi32>, vector<16xi32>], vector<16xf32>,
      %parallel_loop3A_365 = arith.addf %parallel_loop3A_362, %parallel_loop3A_363 : vector<16xf32>
      %parallel_loop3A_366 = arith.addf %parallel_loop3A_365, %parallel_loop3A_364 : vector<16xf32>
      %parallel_loop3A_367 = arith.constant 0.000000e+00 : f32
      %parallel_loop3A_368 = vector.broadcast %parallel_loop3A_367 : f32 to vector<16xf32>
      %parallel_loop3A_369 = arith.maximumf %parallel_loop3A_366, %parallel_loop3A_368 : vector<16xf32>
      tpu.vector_store_idx %arg12[%parallel_loop3A_354, %parallel_loop3A_357], %parallel_loop3A_369 {add = true} : memref<80x128xf32, #tpu.memory_space<vmem>>[vector<16xi32>, vector<16xi32>], vector<16xf32>,
      %parallel_loop3A_370 = arith.constant 1 : i32
      %parallel_loop3A_371 = arith.index_cast %parallel_loop3A_161 : i32 to index
      %parallel_loop3A_372 = arith.index_cast %parallel_loop3A_370 : i32 to index
      %parallel_loop3A_373 = arith.constant 64 : index
      %parallel_loop3A_374 = tpu.vector_load %arg16[%parallel_loop3A_371, %parallel_loop3A_372, %parallel_loop3A_373] {strides = array<i32>} : memref<25x2x128xf32, #tpu.memory_space<vmem>>, vector<16xf32>,
      %parallel_loop3A_375 = tpu.vector_load_idx %arg9[%parallel_loop3A_348, %parallel_loop3A_351] : memref<80x128xf32, #tpu.memory_space<vmem>>[vector<16xi32>, vector<16xi32>], vector<16xf32>,
      %parallel_loop3A_376 = tpu.vector_load_idx %arg11[%parallel_loop3A_354, %parallel_loop3A_357] : memref<80x128xf32, #tpu.memory_space<vmem>>[vector<16xi32>, vector<16xi32>], vector<16xf32>,
      %parallel_loop3A_377 = arith.addf %parallel_loop3A_374, %parallel_loop3A_375 : vector<16xf32>
      %parallel_loop3A_378 = arith.addf %parallel_loop3A_377, %parallel_loop3A_376 : vector<16xf32>
      %parallel_loop3A_379 = arith.constant 0.000000e+00 : f32
      %parallel_loop3A_380 = vector.broadcast %parallel_loop3A_379 : f32 to vector<16xf32>
      %parallel_loop3A_381 = arith.maximumf %parallel_loop3A_378, %parallel_loop3A_380 : vector<16xf32>
      tpu.vector_store_idx %arg13[%parallel_loop3A_354, %parallel_loop3A_357], %parallel_loop3A_381 {add = true} : memref<80x128xf32, #tpu.memory_space<vmem>>[vector<16xi32>, vector<16xi32>], vector<16xf32>,
      %parallel_loop3A_382 = arith.constant 128 : i32
      %parallel_loop3A_383 = arith.muli %parallel_loop3A_161, %parallel_loop3A_382 : i32
      %parallel_loop3A_384 = arith.constant 80 : i32
      %parallel_loop3A_385 = arith.addi %parallel_loop3A_383, %parallel_loop3A_384 : i32
      %parallel_loop3A_386 = arith.index_cast %parallel_loop3A_385 : i32 to index
      %parallel_loop3A_387 = tpu.vector_load %arg14[%parallel_loop3A_386] {strides = array<i32>} : memref<3200xi32, #tpu.memory_space<vmem>>, vector<16xi32>,
      %parallel_loop3A_388 = arith.index_cast %parallel_loop3A_385 : i32 to index
      %parallel_loop3A_389 = tpu.vector_load %arg15[%parallel_loop3A_388] {strides = array<i32>} : memref<3200xi32, #tpu.memory_space<vmem>>, vector<16xi32>,
      %parallel_loop3A_390 = arith.constant 7 : i32
      %parallel_loop3A_391 = vector.broadcast %parallel_loop3A_390 : i32 to vector<16xi32>
      %parallel_loop3A_392 = arith.shrui %parallel_loop3A_387, %parallel_loop3A_391 : vector<16xi32>
      %parallel_loop3A_393 = arith.constant 127 : i32
      %parallel_loop3A_394 = vector.broadcast %parallel_loop3A_393 : i32 to vector<16xi32>
      %parallel_loop3A_395 = arith.andi %parallel_loop3A_387, %parallel_loop3A_394 : vector<16xi32>
      %parallel_loop3A_396 = arith.constant 7 : i32
      %parallel_loop3A_397 = vector.broadcast %parallel_loop3A_396 : i32 to vector<16xi32>
      %parallel_loop3A_398 = arith.shrui %parallel_loop3A_389, %parallel_loop3A_397 : vector<16xi32>
      %parallel_loop3A_399 = arith.constant 127 : i32
      %parallel_loop3A_400 = vector.broadcast %parallel_loop3A_399 : i32 to vector<16xi32>
      %parallel_loop3A_401 = arith.andi %parallel_loop3A_389, %parallel_loop3A_400 : vector<16xi32>
      %parallel_loop3A_402 = arith.constant 0 : i32
      %parallel_loop3A_403 = arith.index_cast %parallel_loop3A_161 : i32 to index
      %parallel_loop3A_404 = arith.index_cast %parallel_loop3A_402 : i32 to index
      %parallel_loop3A_405 = arith.constant 80 : index
      %parallel_loop3A_406 = tpu.vector_load %arg16[%parallel_loop3A_403, %parallel_loop3A_404, %parallel_loop3A_405] {strides = array<i32>} : memref<25x2x128xf32, #tpu.memory_space<vmem>>, vector<16xf32>,
      %parallel_loop3A_407 = tpu.vector_load_idx %arg8[%parallel_loop3A_392, %parallel_loop3A_395] : memref<80x128xf32, #tpu.memory_space<vmem>>[vector<16xi32>, vector<16xi32>], vector<16xf32>,
      %parallel_loop3A_408 = tpu.vector_load_idx %arg10[%parallel_loop3A_398, %parallel_loop3A_401] : memref<80x128xf32, #tpu.memory_space<vmem>>[vector<16xi32>, vector<16xi32>], vector<16xf32>,
      %parallel_loop3A_409 = arith.addf %parallel_loop3A_406, %parallel_loop3A_407 : vector<16xf32>
      %parallel_loop3A_410 = arith.addf %parallel_loop3A_409, %parallel_loop3A_408 : vector<16xf32>
      %parallel_loop3A_411 = arith.constant 0.000000e+00 : f32
      %parallel_loop3A_412 = vector.broadcast %parallel_loop3A_411 : f32 to vector<16xf32>
      %parallel_loop3A_413 = arith.maximumf %parallel_loop3A_410, %parallel_loop3A_412 : vector<16xf32>
      tpu.vector_store_idx %arg12[%parallel_loop3A_398, %parallel_loop3A_401], %parallel_loop3A_413 {add = true} : memref<80x128xf32, #tpu.memory_space<vmem>>[vector<16xi32>, vector<16xi32>], vector<16xf32>,
      %parallel_loop3A_414 = arith.constant 1 : i32
      %parallel_loop3A_415 = arith.index_cast %parallel_loop3A_161 : i32 to index
      %parallel_loop3A_416 = arith.index_cast %parallel_loop3A_414 : i32 to index
      %parallel_loop3A_417 = arith.constant 80 : index
      %parallel_loop3A_418 = tpu.vector_load %arg16[%parallel_loop3A_415, %parallel_loop3A_416, %parallel_loop3A_417] {strides = array<i32>} : memref<25x2x128xf32, #tpu.memory_space<vmem>>, vector<16xf32>,
      %parallel_loop3A_419 = tpu.vector_load_idx %arg9[%parallel_loop3A_392, %parallel_loop3A_395] : memref<80x128xf32, #tpu.memory_space<vmem>>[vector<16xi32>, vector<16xi32>], vector<16xf32>,
      %parallel_loop3A_420 = tpu.vector_load_idx %arg11[%parallel_loop3A_398, %parallel_loop3A_401] : memref<80x128xf32, #tpu.memory_space<vmem>>[vector<16xi32>, vector<16xi32>], vector<16xf32>,
      %parallel_loop3A_421 = arith.addf %parallel_loop3A_418, %parallel_loop3A_419 : vector<16xf32>
      %parallel_loop3A_422 = arith.addf %parallel_loop3A_421, %parallel_loop3A_420 : vector<16xf32>
      %parallel_loop3A_423 = arith.constant 0.000000e+00 : f32
      %parallel_loop3A_424 = vector.broadcast %parallel_loop3A_423 : f32 to vector<16xf32>
      %parallel_loop3A_425 = arith.maximumf %parallel_loop3A_422, %parallel_loop3A_424 : vector<16xf32>
      tpu.vector_store_idx %arg13[%parallel_loop3A_398, %parallel_loop3A_401], %parallel_loop3A_425 {add = true} : memref<80x128xf32, #tpu.memory_space<vmem>>[vector<16xi32>, vector<16xi32>], vector<16xf32>,
      %parallel_loop3A_426 = arith.constant 128 : i32
      %parallel_loop3A_427 = arith.muli %parallel_loop3A_161, %parallel_loop3A_426 : i32
      %parallel_loop3A_428 = arith.constant 96 : i32
      %parallel_loop3A_429 = arith.addi %parallel_loop3A_427, %parallel_loop3A_428 : i32
      %parallel_loop3A_430 = arith.index_cast %parallel_loop3A_429 : i32 to index
      %parallel_loop3A_431 = tpu.vector_load %arg14[%parallel_loop3A_430] {strides = array<i32>} : memref<3200xi32, #tpu.memory_space<vmem>>, vector<16xi32>,
      %parallel_loop3A_432 = arith.index_cast %parallel_loop3A_429 : i32 to index
      %parallel_loop3A_433 = tpu.vector_load %arg15[%parallel_loop3A_432] {strides = array<i32>} : memref<3200xi32, #tpu.memory_space<vmem>>, vector<16xi32>,
      %parallel_loop3A_434 = arith.constant 7 : i32
      %parallel_loop3A_435 = vector.broadcast %parallel_loop3A_434 : i32 to vector<16xi32>
      %parallel_loop3A_436 = arith.shrui %parallel_loop3A_431, %parallel_loop3A_435 : vector<16xi32>
      %parallel_loop3A_437 = arith.constant 127 : i32
      %parallel_loop3A_438 = vector.broadcast %parallel_loop3A_437 : i32 to vector<16xi32>
      %parallel_loop3A_439 = arith.andi %parallel_loop3A_431, %parallel_loop3A_438 : vector<16xi32>
      %parallel_loop3A_440 = arith.constant 7 : i32
      %parallel_loop3A_441 = vector.broadcast %parallel_loop3A_440 : i32 to vector<16xi32>
      %parallel_loop3A_442 = arith.shrui %parallel_loop3A_433, %parallel_loop3A_441 : vector<16xi32>
      %parallel_loop3A_443 = arith.constant 127 : i32
      %parallel_loop3A_444 = vector.broadcast %parallel_loop3A_443 : i32 to vector<16xi32>
      %parallel_loop3A_445 = arith.andi %parallel_loop3A_433, %parallel_loop3A_444 : vector<16xi32>
      %parallel_loop3A_446 = arith.constant 0 : i32
      %parallel_loop3A_447 = arith.index_cast %parallel_loop3A_161 : i32 to index
      %parallel_loop3A_448 = arith.index_cast %parallel_loop3A_446 : i32 to index
      %parallel_loop3A_449 = arith.constant 96 : index
      %parallel_loop3A_450 = tpu.vector_load %arg16[%parallel_loop3A_447, %parallel_loop3A_448, %parallel_loop3A_449] {strides = array<i32>} : memref<25x2x128xf32, #tpu.memory_space<vmem>>, vector<16xf32>,
      %parallel_loop3A_451 = tpu.vector_load_idx %arg8[%parallel_loop3A_436, %parallel_loop3A_439] : memref<80x128xf32, #tpu.memory_space<vmem>>[vector<16xi32>, vector<16xi32>], vector<16xf32>,
      %parallel_loop3A_452 = tpu.vector_load_idx %arg10[%parallel_loop3A_442, %parallel_loop3A_445] : memref<80x128xf32, #tpu.memory_space<vmem>>[vector<16xi32>, vector<16xi32>], vector<16xf32>,
      %parallel_loop3A_453 = arith.addf %parallel_loop3A_450, %parallel_loop3A_451 : vector<16xf32>
      %parallel_loop3A_454 = arith.addf %parallel_loop3A_453, %parallel_loop3A_452 : vector<16xf32>
      %parallel_loop3A_455 = arith.constant 0.000000e+00 : f32
      %parallel_loop3A_456 = vector.broadcast %parallel_loop3A_455 : f32 to vector<16xf32>
      %parallel_loop3A_457 = arith.maximumf %parallel_loop3A_454, %parallel_loop3A_456 : vector<16xf32>
      tpu.vector_store_idx %arg12[%parallel_loop3A_442, %parallel_loop3A_445], %parallel_loop3A_457 {add = true} : memref<80x128xf32, #tpu.memory_space<vmem>>[vector<16xi32>, vector<16xi32>], vector<16xf32>,
      %parallel_loop3A_458 = arith.constant 1 : i32
      %parallel_loop3A_459 = arith.index_cast %parallel_loop3A_161 : i32 to index
      %parallel_loop3A_460 = arith.index_cast %parallel_loop3A_458 : i32 to index
      %parallel_loop3A_461 = arith.constant 96 : index
      %parallel_loop3A_462 = tpu.vector_load %arg16[%parallel_loop3A_459, %parallel_loop3A_460, %parallel_loop3A_461] {strides = array<i32>} : memref<25x2x128xf32, #tpu.memory_space<vmem>>, vector<16xf32>,
      %parallel_loop3A_463 = tpu.vector_load_idx %arg9[%parallel_loop3A_436, %parallel_loop3A_439] : memref<80x128xf32, #tpu.memory_space<vmem>>[vector<16xi32>, vector<16xi32>], vector<16xf32>,
      %parallel_loop3A_464 = tpu.vector_load_idx %arg11[%parallel_loop3A_442, %parallel_loop3A_445] : memref<80x128xf32, #tpu.memory_space<vmem>>[vector<16xi32>, vector<16xi32>], vector<16xf32>,
      %parallel_loop3A_465 = arith.addf %parallel_loop3A_462, %parallel_loop3A_463 : vector<16xf32>
      %parallel_loop3A_466 = arith.addf %parallel_loop3A_465, %parallel_loop3A_464 : vector<16xf32>
      %parallel_loop3A_467 = arith.constant 0.000000e+00 : f32
      %parallel_loop3A_468 = vector.broadcast %parallel_loop3A_467 : f32 to vector<16xf32>
      %parallel_loop3A_469 = arith.maximumf %parallel_loop3A_466, %parallel_loop3A_468 : vector<16xf32>
      tpu.vector_store_idx %arg13[%parallel_loop3A_442, %parallel_loop3A_445], %parallel_loop3A_469 {add = true} : memref<80x128xf32, #tpu.memory_space<vmem>>[vector<16xi32>, vector<16xi32>], vector<16xf32>,
      %parallel_loop3A_470 = arith.constant 128 : i32
      %parallel_loop3A_471 = arith.muli %parallel_loop3A_161, %parallel_loop3A_470 : i32
      %parallel_loop3A_472 = arith.constant 112 : i32
      %parallel_loop3A_473 = arith.addi %parallel_loop3A_471, %parallel_loop3A_472 : i32
      %parallel_loop3A_474 = arith.index_cast %parallel_loop3A_473 : i32 to index
      %parallel_loop3A_475 = tpu.vector_load %arg14[%parallel_loop3A_474] {strides = array<i32>} : memref<3200xi32, #tpu.memory_space<vmem>>, vector<16xi32>,
      %parallel_loop3A_476 = arith.index_cast %parallel_loop3A_473 : i32 to index
      %parallel_loop3A_477 = tpu.vector_load %arg15[%parallel_loop3A_476] {strides = array<i32>} : memref<3200xi32, #tpu.memory_space<vmem>>, vector<16xi32>,
      %parallel_loop3A_478 = arith.constant 7 : i32
      %parallel_loop3A_479 = vector.broadcast %parallel_loop3A_478 : i32 to vector<16xi32>
      %parallel_loop3A_480 = arith.shrui %parallel_loop3A_475, %parallel_loop3A_479 : vector<16xi32>
      %parallel_loop3A_481 = arith.constant 127 : i32
      %parallel_loop3A_482 = vector.broadcast %parallel_loop3A_481 : i32 to vector<16xi32>
      %parallel_loop3A_483 = arith.andi %parallel_loop3A_475, %parallel_loop3A_482 : vector<16xi32>
      %parallel_loop3A_484 = arith.constant 7 : i32
      %parallel_loop3A_485 = vector.broadcast %parallel_loop3A_484 : i32 to vector<16xi32>
      %parallel_loop3A_486 = arith.shrui %parallel_loop3A_477, %parallel_loop3A_485 : vector<16xi32>
      %parallel_loop3A_487 = arith.constant 127 : i32
      %parallel_loop3A_488 = vector.broadcast %parallel_loop3A_487 : i32 to vector<16xi32>
      %parallel_loop3A_489 = arith.andi %parallel_loop3A_477, %parallel_loop3A_488 : vector<16xi32>
      %parallel_loop3A_490 = arith.constant 0 : i32
      %parallel_loop3A_491 = arith.index_cast %parallel_loop3A_161 : i32 to index
      %parallel_loop3A_492 = arith.index_cast %parallel_loop3A_490 : i32 to index
      %parallel_loop3A_493 = arith.constant 112 : index
      %parallel_loop3A_494 = tpu.vector_load %arg16[%parallel_loop3A_491, %parallel_loop3A_492, %parallel_loop3A_493] {strides = array<i32>} : memref<25x2x128xf32, #tpu.memory_space<vmem>>, vector<16xf32>,
      %parallel_loop3A_495 = tpu.vector_load_idx %arg8[%parallel_loop3A_480, %parallel_loop3A_483] : memref<80x128xf32, #tpu.memory_space<vmem>>[vector<16xi32>, vector<16xi32>], vector<16xf32>,
      %parallel_loop3A_496 = tpu.vector_load_idx %arg10[%parallel_loop3A_486, %parallel_loop3A_489] : memref<80x128xf32, #tpu.memory_space<vmem>>[vector<16xi32>, vector<16xi32>], vector<16xf32>,
      %parallel_loop3A_497 = arith.addf %parallel_loop3A_494, %parallel_loop3A_495 : vector<16xf32>
      %parallel_loop3A_498 = arith.addf %parallel_loop3A_497, %parallel_loop3A_496 : vector<16xf32>
      %parallel_loop3A_499 = arith.constant 0.000000e+00 : f32
      %parallel_loop3A_500 = vector.broadcast %parallel_loop3A_499 : f32 to vector<16xf32>
      %parallel_loop3A_501 = arith.maximumf %parallel_loop3A_498, %parallel_loop3A_500 : vector<16xf32>
      tpu.vector_store_idx %arg12[%parallel_loop3A_486, %parallel_loop3A_489], %parallel_loop3A_501 {add = true} : memref<80x128xf32, #tpu.memory_space<vmem>>[vector<16xi32>, vector<16xi32>], vector<16xf32>,
      %parallel_loop3A_502 = arith.constant 1 : i32
      %parallel_loop3A_503 = arith.index_cast %parallel_loop3A_161 : i32 to index
      %parallel_loop3A_504 = arith.index_cast %parallel_loop3A_502 : i32 to index
      %parallel_loop3A_505 = arith.constant 112 : index
      %parallel_loop3A_506 = tpu.vector_load %arg16[%parallel_loop3A_503, %parallel_loop3A_504, %parallel_loop3A_505] {strides = array<i32>} : memref<25x2x128xf32, #tpu.memory_space<vmem>>, vector<16xf32>,
      %parallel_loop3A_507 = tpu.vector_load_idx %arg9[%parallel_loop3A_480, %parallel_loop3A_483] : memref<80x128xf32, #tpu.memory_space<vmem>>[vector<16xi32>, vector<16xi32>], vector<16xf32>,
      %parallel_loop3A_508 = tpu.vector_load_idx %arg11[%parallel_loop3A_486, %parallel_loop3A_489] : memref<80x128xf32, #tpu.memory_space<vmem>>[vector<16xi32>, vector<16xi32>], vector<16xf32>,
      %parallel_loop3A_509 = arith.addf %parallel_loop3A_506, %parallel_loop3A_507 : vector<16xf32>
      %parallel_loop3A_510 = arith.addf %parallel_loop3A_509, %parallel_loop3A_508 : vector<16xf32>
      %parallel_loop3A_511 = arith.constant 0.000000e+00 : f32
      %parallel_loop3A_512 = vector.broadcast %parallel_loop3A_511 : f32 to vector<16xf32>
      %parallel_loop3A_513 = arith.maximumf %parallel_loop3A_510, %parallel_loop3A_512 : vector<16xf32>
      tpu.vector_store_idx %arg13[%parallel_loop3A_486, %parallel_loop3A_489], %parallel_loop3A_513 {add = true} : memref<80x128xf32, #tpu.memory_space<vmem>>[vector<16xi32>, vector<16xi32>], vector<16xf32>,
    } {sc.loop_unroll_factor = 4 : i64, sc.parallel_access}
    %add3A_157 = arith.constant 0 : i32
    %add3A_158 = arith.addi %mul3A_32, %add3A_157 : i32
    "tpu.region"() ({
      %run_scoped3A = tpu.sem_alloc : memref<!tpu.dma_semaphore, #tpu.memory_space<semaphore_mem>>
      %dma_start3A_161 = arith.constant 0 : i32
      %dma_start3A_162 = arith.constant 0 : i32
      %dma_start3A_163 = tpu.memref_slice %arg7[%add3A_158, %select_n3A_30, %dma_start3A_161, %dma_start3A_162] : memref<16x4x80x128xf32, #tpu.memory_space<hbm>> -> memref<1x1x80x128xf32, #tpu.memory_space<hbm>>
      %dma_start3A_164 = tpu.memref_squeeze %dma_start3A_163 : memref<1x1x80x128xf32, #tpu.memory_space<hbm>> -> memref<80x128xf32, #tpu.memory_space<hbm>>
      %dma_start3A_165 = arith.constant 0 : i32
      %dma_start3A_166 = arith.constant 0 : i32
      %dma_start3A_167 = tpu.memref_slice %arg7[%add3A_158, %select_n3A_30, %dma_start3A_165, %dma_start3A_166] : memref<16x4x80x128xf32, #tpu.memory_space<hbm>> -> memref<1x1x80x128xf32, #tpu.memory_space<hbm>>
      %dma_start3A_168 = tpu.memref_squeeze %dma_start3A_167 : memref<1x1x80x128xf32, #tpu.memory_space<hbm>> -> memref<80x128xf32, #tpu.memory_space<hbm>>
      tpu.enqueue_dma source(%arg12 : memref<80x128xf32, #tpu.memory_space<vmem>>) target(%dma_start3A_168 : memref<80x128xf32, #tpu.memory_space<hbm>>) target_semaphore(%run_scoped3A : memref<!tpu.dma_semaphore, #tpu.memory_space<semaphore_mem>>)
      %dma_wait3A_169 = arith.constant 0 : i32
      %dma_wait3A_170 = arith.constant 0 : i32
      %dma_wait3A_171 = tpu.memref_slice %arg7[%add3A_158, %select_n3A_30, %dma_wait3A_169, %dma_wait3A_170] : memref<16x4x80x128xf32, #tpu.memory_space<hbm>> -> memref<1x1x80x128xf32, #tpu.memory_space<hbm>>
      %dma_wait3A_172 = tpu.memref_squeeze %dma_wait3A_171 : memref<1x1x80x128xf32, #tpu.memory_space<hbm>> -> memref<80x128xf32, #tpu.memory_space<hbm>>
      %dma_wait3A_173 = arith.constant 0 : i32
      %dma_wait3A_174 = arith.constant 0 : i32
      %dma_wait3A_175 = tpu.memref_slice %arg7[%add3A_158, %select_n3A_30, %dma_wait3A_173, %dma_wait3A_174] : memref<16x4x80x128xf32, #tpu.memory_space<hbm>> -> memref<1x1x80x128xf32, #tpu.memory_space<hbm>>
      %dma_wait3A_176 = tpu.memref_squeeze %dma_wait3A_175 : memref<1x1x80x128xf32, #tpu.memory_space<hbm>> -> memref<80x128xf32, #tpu.memory_space<hbm>>
      tpu.wait_dma2 semaphore(%run_scoped3A : memref<!tpu.dma_semaphore, #tpu.memory_space<semaphore_mem>>) src(%arg12 : memref<80x128xf32, #tpu.memory_space<vmem>>) dst(%dma_wait3A_176 : memref<80x128xf32, #tpu.memory_space<hbm>>)
      tpu.yield
    }) : () -> ()
    %add3A_159 = arith.constant 1 : i32
    %add3A_160 = arith.addi %mul3A_32, %add3A_159 : i32
    "tpu.region"() ({
      %run_scoped3A = tpu.sem_alloc : memref<!tpu.dma_semaphore, #tpu.memory_space<semaphore_mem>>
      %dma_start3A_161 = arith.constant 0 : i32
      %dma_start3A_162 = arith.constant 0 : i32
      %dma_start3A_163 = tpu.memref_slice %arg7[%add3A_160, %select_n3A_30, %dma_start3A_161, %dma_start3A_162] : memref<16x4x80x128xf32, #tpu.memory_space<hbm>> -> memref<1x1x80x128xf32, #tpu.memory_space<hbm>>
      %dma_start3A_164 = tpu.memref_squeeze %dma_start3A_163 : memref<1x1x80x128xf32, #tpu.memory_space<hbm>> -> memref<80x128xf32, #tpu.memory_space<hbm>>
      %dma_start3A_165 = arith.constant 0 : i32
      %dma_start3A_166 = arith.constant 0 : i32
      %dma_start3A_167 = tpu.memref_slice %arg7[%add3A_160, %select_n3A_30, %dma_start3A_165, %dma_start3A_166] : memref<16x4x80x128xf32, #tpu.memory_space<hbm>> -> memref<1x1x80x128xf32, #tpu.memory_space<hbm>>
      %dma_start3A_168 = tpu.memref_squeeze %dma_start3A_167 : memref<1x1x80x128xf32, #tpu.memory_space<hbm>> -> memref<80x128xf32, #tpu.memory_space<hbm>>
      tpu.enqueue_dma source(%arg13 : memref<80x128xf32, #tpu.memory_space<vmem>>) target(%dma_start3A_168 : memref<80x128xf32, #tpu.memory_space<hbm>>) target_semaphore(%run_scoped3A : memref<!tpu.dma_semaphore, #tpu.memory_space<semaphore_mem>>)
      %dma_wait3A_169 = arith.constant 0 : i32
      %dma_wait3A_170 = arith.constant 0 : i32
      %dma_wait3A_171 = tpu.memref_slice %arg7[%add3A_160, %select_n3A_30, %dma_wait3A_169, %dma_wait3A_170] : memref<16x4x80x128xf32, #tpu.memory_space<hbm>> -> memref<1x1x80x128xf32, #tpu.memory_space<hbm>>
      %dma_wait3A_172 = tpu.memref_squeeze %dma_wait3A_171 : memref<1x1x80x128xf32, #tpu.memory_space<hbm>> -> memref<80x128xf32, #tpu.memory_space<hbm>>
      %dma_wait3A_173 = arith.constant 0 : i32
      %dma_wait3A_174 = arith.constant 0 : i32
      %dma_wait3A_175 = tpu.memref_slice %arg7[%add3A_160, %select_n3A_30, %dma_wait3A_173, %dma_wait3A_174] : memref<16x4x80x128xf32, #tpu.memory_space<hbm>> -> memref<1x1x80x128xf32, #tpu.memory_space<hbm>>
      %dma_wait3A_176 = tpu.memref_squeeze %dma_wait3A_175 : memref<1x1x80x128xf32, #tpu.memory_space<hbm>> -> memref<80x128xf32, #tpu.memory_space<hbm>>
      tpu.wait_dma2 semaphore(%run_scoped3A : memref<!tpu.dma_semaphore, #tpu.memory_space<semaphore_mem>>) src(%arg13 : memref<80x128xf32, #tpu.memory_space<vmem>>) dst(%dma_wait3A_176 : memref<80x128xf32, #tpu.memory_space<hbm>>)
      tpu.yield
    }) : () -> ()
    return
  }
}

module attributes {stable_mosaic.version = 14 : i64} {
  func.func @_xsr_body(%arg0: i32, %arg1: memref<1024x128xf32, #tpu.memory_space<vmem>>, %arg2: memref<32x128xf32, #tpu.memory_space<vmem>>, %arg3: memref<32x8x128xf32, #tpu.memory_space<vmem>>) attributes {dimension_semantics = [#tpu.dimension_semantics<arbitrary>], iteration_bounds = array<i64: 10>, scalar_prefetch = 0 : i64, scratch_operands = 0 : i64, tpu.core_type = #tpu.core_type<tc>, window_params = [{transform_indices = @transform_0, window_bounds = array<i64: 1024, 128>}, {pipeline_mode = #tpu.pipeline_mode<synchronous>, transform_indices = @transform_1, window_bounds = array<i64: 32, 128>}, {transform_indices = @transform_2, window_bounds = array<i64: 32, 8, 128>}]} {
    %get3A = arith.constant 0 : index
    %get3A_0 = arith.constant 0 : index
    %get3A_1 = vector.load %arg2[%get3A, %get3A_0] : memref<32x128xf32, #tpu.memory_space<vmem>>, vector<32x128xf32>
    %get3A_2 = arith.constant 0 : index
    %get3A_3 = arith.constant 0 : index
    %get3A_4 = vector.load %arg1[%get3A_2, %get3A_3] : memref<1024x128xf32, #tpu.memory_space<vmem>>, vector<1024x128xf32>
    %dot_general3A = arith.constant dense<0.000000e+00> : vector<32x1024xf32>
    %dot_general3A_5 = tpu.matmul %get3A_1, %get3A_4, %dot_general3A {dimension_numbers = #tpu.dot_dimension_numbers<[1], [1], [0], [0], [0, 0, 1, 0], [], []>, transpose_lhs_hint = false} : vector<32x128xf32>, vector<1024x128xf32>, vector<32x1024xf32> -> vector<32x1024xf32>
    %slice3A = vector.extract_strided_slice %dot_general3A_5 {offsets = [0, 0], sizes = [32, 128], strides = [1, 1]} : vector<32x1024xf32> to vector<32x128xf32>
    %swap3A = arith.constant 0 : index
    %swap3A_6 = arith.constant 0 : index
    %swap3A_7 = arith.constant 0 : index
    %swap3A_8 = vector.load %arg3[%swap3A, %swap3A_6, %swap3A_7] : memref<32x8x128xf32, #tpu.memory_space<vmem>>, vector<32x1x128xf32>
    %swap3A_9 = vector.shape_cast %swap3A_8 : vector<32x1x128xf32> to vector<32x128xf32>
    %swap3A_10 = vector.shape_cast %slice3A : vector<32x128xf32> to vector<32x1x128xf32>
    tpu.vector_store %arg3[%swap3A, %swap3A_6, %swap3A_7], %swap3A_10 {strides = array<i32>} : memref<32x8x128xf32, #tpu.memory_space<vmem>>, vector<32x1x128xf32>,
    %slice3A_11 = vector.extract_strided_slice %dot_general3A_5 {offsets = [0, 128], sizes = [32, 128], strides = [1, 1]} : vector<32x1024xf32> to vector<32x128xf32>
    %swap3A_12 = arith.constant 0 : index
    %swap3A_13 = arith.constant 1 : index
    %swap3A_14 = arith.constant 0 : index
    %swap3A_15 = vector.load %arg3[%swap3A_12, %swap3A_13, %swap3A_14] : memref<32x8x128xf32, #tpu.memory_space<vmem>>, vector<32x1x128xf32>
    %swap3A_16 = vector.shape_cast %swap3A_15 : vector<32x1x128xf32> to vector<32x128xf32>
    %swap3A_17 = vector.shape_cast %slice3A_11 : vector<32x128xf32> to vector<32x1x128xf32>
    tpu.vector_store %arg3[%swap3A_12, %swap3A_13, %swap3A_14], %swap3A_17 {strides = array<i32>} : memref<32x8x128xf32, #tpu.memory_space<vmem>>, vector<32x1x128xf32>,
    %slice3A_18 = vector.extract_strided_slice %dot_general3A_5 {offsets = [0, 256], sizes = [32, 128], strides = [1, 1]} : vector<32x1024xf32> to vector<32x128xf32>
    %swap3A_19 = arith.constant 0 : index
    %swap3A_20 = arith.constant 2 : index
    %swap3A_21 = arith.constant 0 : index
    %swap3A_22 = vector.load %arg3[%swap3A_19, %swap3A_20, %swap3A_21] : memref<32x8x128xf32, #tpu.memory_space<vmem>>, vector<32x1x128xf32>
    %swap3A_23 = vector.shape_cast %swap3A_22 : vector<32x1x128xf32> to vector<32x128xf32>
    %swap3A_24 = vector.shape_cast %slice3A_18 : vector<32x128xf32> to vector<32x1x128xf32>
    tpu.vector_store %arg3[%swap3A_19, %swap3A_20, %swap3A_21], %swap3A_24 {strides = array<i32>} : memref<32x8x128xf32, #tpu.memory_space<vmem>>, vector<32x1x128xf32>,
    %slice3A_25 = vector.extract_strided_slice %dot_general3A_5 {offsets = [0, 384], sizes = [32, 128], strides = [1, 1]} : vector<32x1024xf32> to vector<32x128xf32>
    %swap3A_26 = arith.constant 0 : index
    %swap3A_27 = arith.constant 3 : index
    %swap3A_28 = arith.constant 0 : index
    %swap3A_29 = vector.load %arg3[%swap3A_26, %swap3A_27, %swap3A_28] : memref<32x8x128xf32, #tpu.memory_space<vmem>>, vector<32x1x128xf32>
    %swap3A_30 = vector.shape_cast %swap3A_29 : vector<32x1x128xf32> to vector<32x128xf32>
    %swap3A_31 = vector.shape_cast %slice3A_25 : vector<32x128xf32> to vector<32x1x128xf32>
    tpu.vector_store %arg3[%swap3A_26, %swap3A_27, %swap3A_28], %swap3A_31 {strides = array<i32>} : memref<32x8x128xf32, #tpu.memory_space<vmem>>, vector<32x1x128xf32>,
    %slice3A_32 = vector.extract_strided_slice %dot_general3A_5 {offsets = [0, 512], sizes = [32, 128], strides = [1, 1]} : vector<32x1024xf32> to vector<32x128xf32>
    %swap3A_33 = arith.constant 0 : index
    %swap3A_34 = arith.constant 4 : index
    %swap3A_35 = arith.constant 0 : index
    %swap3A_36 = vector.load %arg3[%swap3A_33, %swap3A_34, %swap3A_35] : memref<32x8x128xf32, #tpu.memory_space<vmem>>, vector<32x1x128xf32>
    %swap3A_37 = vector.shape_cast %swap3A_36 : vector<32x1x128xf32> to vector<32x128xf32>
    %swap3A_38 = vector.shape_cast %slice3A_32 : vector<32x128xf32> to vector<32x1x128xf32>
    tpu.vector_store %arg3[%swap3A_33, %swap3A_34, %swap3A_35], %swap3A_38 {strides = array<i32>} : memref<32x8x128xf32, #tpu.memory_space<vmem>>, vector<32x1x128xf32>,
    %slice3A_39 = vector.extract_strided_slice %dot_general3A_5 {offsets = [0, 640], sizes = [32, 128], strides = [1, 1]} : vector<32x1024xf32> to vector<32x128xf32>
    %swap3A_40 = arith.constant 0 : index
    %swap3A_41 = arith.constant 5 : index
    %swap3A_42 = arith.constant 0 : index
    %swap3A_43 = vector.load %arg3[%swap3A_40, %swap3A_41, %swap3A_42] : memref<32x8x128xf32, #tpu.memory_space<vmem>>, vector<32x1x128xf32>
    %swap3A_44 = vector.shape_cast %swap3A_43 : vector<32x1x128xf32> to vector<32x128xf32>
    %swap3A_45 = vector.shape_cast %slice3A_39 : vector<32x128xf32> to vector<32x1x128xf32>
    tpu.vector_store %arg3[%swap3A_40, %swap3A_41, %swap3A_42], %swap3A_45 {strides = array<i32>} : memref<32x8x128xf32, #tpu.memory_space<vmem>>, vector<32x1x128xf32>,
    %slice3A_46 = vector.extract_strided_slice %dot_general3A_5 {offsets = [0, 768], sizes = [32, 128], strides = [1, 1]} : vector<32x1024xf32> to vector<32x128xf32>
    %swap3A_47 = arith.constant 0 : index
    %swap3A_48 = arith.constant 6 : index
    %swap3A_49 = arith.constant 0 : index
    %swap3A_50 = vector.load %arg3[%swap3A_47, %swap3A_48, %swap3A_49] : memref<32x8x128xf32, #tpu.memory_space<vmem>>, vector<32x1x128xf32>
    %swap3A_51 = vector.shape_cast %swap3A_50 : vector<32x1x128xf32> to vector<32x128xf32>
    %swap3A_52 = vector.shape_cast %slice3A_46 : vector<32x128xf32> to vector<32x1x128xf32>
    tpu.vector_store %arg3[%swap3A_47, %swap3A_48, %swap3A_49], %swap3A_52 {strides = array<i32>} : memref<32x8x128xf32, #tpu.memory_space<vmem>>, vector<32x1x128xf32>,
    %slice3A_53 = vector.extract_strided_slice %dot_general3A_5 {offsets = [0, 896], sizes = [32, 128], strides = [1, 1]} : vector<32x1024xf32> to vector<32x128xf32>
    %swap3A_54 = arith.constant 0 : index
    %swap3A_55 = arith.constant 7 : index
    %swap3A_56 = arith.constant 0 : index
    %swap3A_57 = vector.load %arg3[%swap3A_54, %swap3A_55, %swap3A_56] : memref<32x8x128xf32, #tpu.memory_space<vmem>>, vector<32x1x128xf32>
    %swap3A_58 = vector.shape_cast %swap3A_57 : vector<32x1x128xf32> to vector<32x128xf32>
    %swap3A_59 = vector.shape_cast %slice3A_53 : vector<32x128xf32> to vector<32x1x128xf32>
    tpu.vector_store %arg3[%swap3A_54, %swap3A_55, %swap3A_56], %swap3A_59 {strides = array<i32>} : memref<32x8x128xf32, #tpu.memory_space<vmem>>, vector<32x1x128xf32>,
    return
  }
  func.func @transform_0(%arg0: i32) -> (i32, i32) {
    %c0_i32 = arith.constant 0 : i32
    %c0_i32_0 = arith.constant 0 : i32
    return %arg0, %c0_i32 : i32, i32
  }
  func.func @transform_1(%arg0: i32) -> (i32, i32) {
    %c0_i32 = arith.constant 0 : i32
    %c0_i32_0 = arith.constant 0 : i32
    %c0_i32_1 = arith.constant 0 : i32
    return %c0_i32, %c0_i32_0 : i32, i32
  }
  func.func @transform_2(%arg0: i32) -> (i32, i32, i32) {
    %c0_i32 = arith.constant 0 : i32
    %c0_i32_0 = arith.constant 0 : i32
    %c0_i32_1 = arith.constant 0 : i32
    return %c0_i32, %arg0, %c0_i32_0 : i32, i32, i32
  }
}

module attributes {stable_mosaic.version = 14 : i64} {
  func.func @_eproj_body(%arg0: i32, %arg1: memref<16x12800xf32, #tpu.memory_space<vmem>>, %arg2: memref<16x16xf32, #tpu.memory_space<vmem>>, %arg3: memref<16x1xf32, #tpu.memory_space<vmem>>, %arg4: memref<100x16x128xf32, #tpu.memory_space<vmem>>) attributes {dimension_semantics = [#tpu.dimension_semantics<arbitrary>], iteration_bounds = array<i64: 25>, scalar_prefetch = 0 : i64, scratch_operands = 0 : i64, tpu.core_type = #tpu.core_type<tc>, window_params = [{transform_indices = @transform_0, window_bounds = array<i64: 16, 12800>}, {pipeline_mode = #tpu.pipeline_mode<synchronous>, transform_indices = @transform_1, window_bounds = array<i64: 16, 16>}, {pipeline_mode = #tpu.pipeline_mode<synchronous>, transform_indices = @transform_2, window_bounds = array<i64: 16, 1>}, {transform_indices = @transform_3, window_bounds = array<i64: 100, 16, 128>}]} {
    %get3A = arith.constant 0 : index
    %get3A_0 = arith.constant 0 : index
    %get3A_1 = vector.load %arg2[%get3A, %get3A_0] : memref<16x16xf32, #tpu.memory_space<vmem>>, vector<16x16xf32>
    %get3A_2 = arith.constant 0 : index
    %get3A_3 = arith.constant 0 : index
    %get3A_4 = vector.load %arg1[%get3A_2, %get3A_3] : memref<16x12800xf32, #tpu.memory_space<vmem>>, vector<16x12800xf32>
    %dot_general3A = arith.constant dense<0.000000e+00> : vector<16x12800xf32>
    %dot_general3A_5 = tpu.matmul %get3A_1, %get3A_4, %dot_general3A {dimension_numbers = #tpu.dot_dimension_numbers<[1], [0], [0], [1], [0, 0, 1, 1], [], []>, transpose_lhs_hint = false} : vector<16x16xf32>, vector<16x12800xf32>, vector<16x12800xf32> -> vector<16x12800xf32>
    %get3A_6 = arith.constant 0 : index
    %get3A_7 = arith.constant 0 : index
    %get3A_8 = vector.load %arg3[%get3A_6, %get3A_7] : memref<16x1xf32, #tpu.memory_space<vmem>>, vector<16x1xf32>
    %add3A = vector.broadcast %get3A_8 : vector<16x1xf32> to vector<16x12800xf32>
    %add3A_9 = arith.addf %dot_general3A_5, %add3A : vector<16x12800xf32>
    %slice3A = vector.extract_strided_slice %add3A_9 {offsets = [0, 0], sizes = [16, 128], strides = [1, 1]} : vector<16x12800xf32> to vector<16x128xf32>
    %swap3A = arith.constant 0 : index
    %swap3A_10 = arith.constant 0 : index
    %swap3A_11 = arith.constant 0 : index
    %swap3A_12 = vector.load %arg4[%swap3A, %swap3A_10, %swap3A_11] : memref<100x16x128xf32, #tpu.memory_space<vmem>>, vector<1x16x128xf32>
    %swap3A_13 = vector.shape_cast %swap3A_12 : vector<1x16x128xf32> to vector<16x128xf32>
    %swap3A_14 = vector.shape_cast %slice3A : vector<16x128xf32> to vector<1x16x128xf32>
    tpu.vector_store %arg4[%swap3A, %swap3A_10, %swap3A_11], %swap3A_14 {strides = array<i32>} : memref<100x16x128xf32, #tpu.memory_space<vmem>>, vector<1x16x128xf32>,
    %slice3A_15 = vector.extract_strided_slice %add3A_9 {offsets = [0, 128], sizes = [16, 128], strides = [1, 1]} : vector<16x12800xf32> to vector<16x128xf32>
    %swap3A_16 = arith.constant 1 : index
    %swap3A_17 = arith.constant 0 : index
    %swap3A_18 = arith.constant 0 : index
    %swap3A_19 = vector.load %arg4[%swap3A_16, %swap3A_17, %swap3A_18] : memref<100x16x128xf32, #tpu.memory_space<vmem>>, vector<1x16x128xf32>
    %swap3A_20 = vector.shape_cast %swap3A_19 : vector<1x16x128xf32> to vector<16x128xf32>
    %swap3A_21 = vector.shape_cast %slice3A_15 : vector<16x128xf32> to vector<1x16x128xf32>
    tpu.vector_store %arg4[%swap3A_16, %swap3A_17, %swap3A_18], %swap3A_21 {strides = array<i32>} : memref<100x16x128xf32, #tpu.memory_space<vmem>>, vector<1x16x128xf32>,
    %slice3A_22 = vector.extract_strided_slice %add3A_9 {offsets = [0, 256], sizes = [16, 128], strides = [1, 1]} : vector<16x12800xf32> to vector<16x128xf32>
    %swap3A_23 = arith.constant 2 : index
    %swap3A_24 = arith.constant 0 : index
    %swap3A_25 = arith.constant 0 : index
    %swap3A_26 = vector.load %arg4[%swap3A_23, %swap3A_24, %swap3A_25] : memref<100x16x128xf32, #tpu.memory_space<vmem>>, vector<1x16x128xf32>
    %swap3A_27 = vector.shape_cast %swap3A_26 : vector<1x16x128xf32> to vector<16x128xf32>
    %swap3A_28 = vector.shape_cast %slice3A_22 : vector<16x128xf32> to vector<1x16x128xf32>
    tpu.vector_store %arg4[%swap3A_23, %swap3A_24, %swap3A_25], %swap3A_28 {strides = array<i32>} : memref<100x16x128xf32, #tpu.memory_space<vmem>>, vector<1x16x128xf32>,
    %slice3A_29 = vector.extract_strided_slice %add3A_9 {offsets = [0, 384], sizes = [16, 128], strides = [1, 1]} : vector<16x12800xf32> to vector<16x128xf32>
    %swap3A_30 = arith.constant 3 : index
    %swap3A_31 = arith.constant 0 : index
    %swap3A_32 = arith.constant 0 : index
    %swap3A_33 = vector.load %arg4[%swap3A_30, %swap3A_31, %swap3A_32] : memref<100x16x128xf32, #tpu.memory_space<vmem>>, vector<1x16x128xf32>
    %swap3A_34 = vector.shape_cast %swap3A_33 : vector<1x16x128xf32> to vector<16x128xf32>
    %swap3A_35 = vector.shape_cast %slice3A_29 : vector<16x128xf32> to vector<1x16x128xf32>
    tpu.vector_store %arg4[%swap3A_30, %swap3A_31, %swap3A_32], %swap3A_35 {strides = array<i32>} : memref<100x16x128xf32, #tpu.memory_space<vmem>>, vector<1x16x128xf32>,
    %slice3A_36 = vector.extract_strided_slice %add3A_9 {offsets = [0, 512], sizes = [16, 128], strides = [1, 1]} : vector<16x12800xf32> to vector<16x128xf32>
    %swap3A_37 = arith.constant 4 : index
    %swap3A_38 = arith.constant 0 : index
    %swap3A_39 = arith.constant 0 : index
    %swap3A_40 = vector.load %arg4[%swap3A_37, %swap3A_38, %swap3A_39] : memref<100x16x128xf32, #tpu.memory_space<vmem>>, vector<1x16x128xf32>
    %swap3A_41 = vector.shape_cast %swap3A_40 : vector<1x16x128xf32> to vector<16x128xf32>
    %swap3A_42 = vector.shape_cast %slice3A_36 : vector<16x128xf32> to vector<1x16x128xf32>
    tpu.vector_store %arg4[%swap3A_37, %swap3A_38, %swap3A_39], %swap3A_42 {strides = array<i32>} : memref<100x16x128xf32, #tpu.memory_space<vmem>>, vector<1x16x128xf32>,
    %slice3A_43 = vector.extract_strided_slice %add3A_9 {offsets = [0, 640], sizes = [16, 128], strides = [1, 1]} : vector<16x12800xf32> to vector<16x128xf32>
    %swap3A_44 = arith.constant 5 : index
    %swap3A_45 = arith.constant 0 : index
    %swap3A_46 = arith.constant 0 : index
    %swap3A_47 = vector.load %arg4[%swap3A_44, %swap3A_45, %swap3A_46] : memref<100x16x128xf32, #tpu.memory_space<vmem>>, vector<1x16x128xf32>
    %swap3A_48 = vector.shape_cast %swap3A_47 : vector<1x16x128xf32> to vector<16x128xf32>
    %swap3A_49 = vector.shape_cast %slice3A_43 : vector<16x128xf32> to vector<1x16x128xf32>
    tpu.vector_store %arg4[%swap3A_44, %swap3A_45, %swap3A_46], %swap3A_49 {strides = array<i32>} : memref<100x16x128xf32, #tpu.memory_space<vmem>>, vector<1x16x128xf32>,
    %slice3A_50 = vector.extract_strided_slice %add3A_9 {offsets = [0, 768], sizes = [16, 128], strides = [1, 1]} : vector<16x12800xf32> to vector<16x128xf32>
    %swap3A_51 = arith.constant 6 : index
    %swap3A_52 = arith.constant 0 : index
    %swap3A_53 = arith.constant 0 : index
    %swap3A_54 = vector.load %arg4[%swap3A_51, %swap3A_52, %swap3A_53] : memref<100x16x128xf32, #tpu.memory_space<vmem>>, vector<1x16x128xf32>
    %swap3A_55 = vector.shape_cast %swap3A_54 : vector<1x16x128xf32> to vector<16x128xf32>
    %swap3A_56 = vector.shape_cast %slice3A_50 : vector<16x128xf32> to vector<1x16x128xf32>
    tpu.vector_store %arg4[%swap3A_51, %swap3A_52, %swap3A_53], %swap3A_56 {strides = array<i32>} : memref<100x16x128xf32, #tpu.memory_space<vmem>>, vector<1x16x128xf32>,
    %slice3A_57 = vector.extract_strided_slice %add3A_9 {offsets = [0, 896], sizes = [16, 128], strides = [1, 1]} : vector<16x12800xf32> to vector<16x128xf32>
    %swap3A_58 = arith.constant 7 : index
    %swap3A_59 = arith.constant 0 : index
    %swap3A_60 = arith.constant 0 : index
    %swap3A_61 = vector.load %arg4[%swap3A_58, %swap3A_59, %swap3A_60] : memref<100x16x128xf32, #tpu.memory_space<vmem>>, vector<1x16x128xf32>
    %swap3A_62 = vector.shape_cast %swap3A_61 : vector<1x16x128xf32> to vector<16x128xf32>
    %swap3A_63 = vector.shape_cast %slice3A_57 : vector<16x128xf32> to vector<1x16x128xf32>
    tpu.vector_store %arg4[%swap3A_58, %swap3A_59, %swap3A_60], %swap3A_63 {strides = array<i32>} : memref<100x16x128xf32, #tpu.memory_space<vmem>>, vector<1x16x128xf32>,
    %slice3A_64 = vector.extract_strided_slice %add3A_9 {offsets = [0, 1024], sizes = [16, 128], strides = [1, 1]} : vector<16x12800xf32> to vector<16x128xf32>
    %swap3A_65 = arith.constant 8 : index
    %swap3A_66 = arith.constant 0 : index
    %swap3A_67 = arith.constant 0 : index
    %swap3A_68 = vector.load %arg4[%swap3A_65, %swap3A_66, %swap3A_67] : memref<100x16x128xf32, #tpu.memory_space<vmem>>, vector<1x16x128xf32>
    %swap3A_69 = vector.shape_cast %swap3A_68 : vector<1x16x128xf32> to vector<16x128xf32>
    %swap3A_70 = vector.shape_cast %slice3A_64 : vector<16x128xf32> to vector<1x16x128xf32>
    tpu.vector_store %arg4[%swap3A_65, %swap3A_66, %swap3A_67], %swap3A_70 {strides = array<i32>} : memref<100x16x128xf32, #tpu.memory_space<vmem>>, vector<1x16x128xf32>,
    %slice3A_71 = vector.extract_strided_slice %add3A_9 {offsets = [0, 1152], sizes = [16, 128], strides = [1, 1]} : vector<16x12800xf32> to vector<16x128xf32>
    %swap3A_72 = arith.constant 9 : index
    %swap3A_73 = arith.constant 0 : index
    %swap3A_74 = arith.constant 0 : index
    %swap3A_75 = vector.load %arg4[%swap3A_72, %swap3A_73, %swap3A_74] : memref<100x16x128xf32, #tpu.memory_space<vmem>>, vector<1x16x128xf32>
    %swap3A_76 = vector.shape_cast %swap3A_75 : vector<1x16x128xf32> to vector<16x128xf32>
    %swap3A_77 = vector.shape_cast %slice3A_71 : vector<16x128xf32> to vector<1x16x128xf32>
    tpu.vector_store %arg4[%swap3A_72, %swap3A_73, %swap3A_74], %swap3A_77 {strides = array<i32>} : memref<100x16x128xf32, #tpu.memory_space<vmem>>, vector<1x16x128xf32>,
    %slice3A_78 = vector.extract_strided_slice %add3A_9 {offsets = [0, 1280], sizes = [16, 128], strides = [1, 1]} : vector<16x12800xf32> to vector<16x128xf32>
    %swap3A_79 = arith.constant 10 : index
    %swap3A_80 = arith.constant 0 : index
    %swap3A_81 = arith.constant 0 : index
    %swap3A_82 = vector.load %arg4[%swap3A_79, %swap3A_80, %swap3A_81] : memref<100x16x128xf32, #tpu.memory_space<vmem>>, vector<1x16x128xf32>
    %swap3A_83 = vector.shape_cast %swap3A_82 : vector<1x16x128xf32> to vector<16x128xf32>
    %swap3A_84 = vector.shape_cast %slice3A_78 : vector<16x128xf32> to vector<1x16x128xf32>
    tpu.vector_store %arg4[%swap3A_79, %swap3A_80, %swap3A_81], %swap3A_84 {strides = array<i32>} : memref<100x16x128xf32, #tpu.memory_space<vmem>>, vector<1x16x128xf32>,
    %slice3A_85 = vector.extract_strided_slice %add3A_9 {offsets = [0, 1408], sizes = [16, 128], strides = [1, 1]} : vector<16x12800xf32> to vector<16x128xf32>
    %swap3A_86 = arith.constant 11 : index
    %swap3A_87 = arith.constant 0 : index
    %swap3A_88 = arith.constant 0 : index
    %swap3A_89 = vector.load %arg4[%swap3A_86, %swap3A_87, %swap3A_88] : memref<100x16x128xf32, #tpu.memory_space<vmem>>, vector<1x16x128xf32>
    %swap3A_90 = vector.shape_cast %swap3A_89 : vector<1x16x128xf32> to vector<16x128xf32>
    %swap3A_91 = vector.shape_cast %slice3A_85 : vector<16x128xf32> to vector<1x16x128xf32>
    tpu.vector_store %arg4[%swap3A_86, %swap3A_87, %swap3A_88], %swap3A_91 {strides = array<i32>} : memref<100x16x128xf32, #tpu.memory_space<vmem>>, vector<1x16x128xf32>,
    %slice3A_92 = vector.extract_strided_slice %add3A_9 {offsets = [0, 1536], sizes = [16, 128], strides = [1, 1]} : vector<16x12800xf32> to vector<16x128xf32>
    %swap3A_93 = arith.constant 12 : index
    %swap3A_94 = arith.constant 0 : index
    %swap3A_95 = arith.constant 0 : index
    %swap3A_96 = vector.load %arg4[%swap3A_93, %swap3A_94, %swap3A_95] : memref<100x16x128xf32, #tpu.memory_space<vmem>>, vector<1x16x128xf32>
    %swap3A_97 = vector.shape_cast %swap3A_96 : vector<1x16x128xf32> to vector<16x128xf32>
    %swap3A_98 = vector.shape_cast %slice3A_92 : vector<16x128xf32> to vector<1x16x128xf32>
    tpu.vector_store %arg4[%swap3A_93, %swap3A_94, %swap3A_95], %swap3A_98 {strides = array<i32>} : memref<100x16x128xf32, #tpu.memory_space<vmem>>, vector<1x16x128xf32>,
    %slice3A_99 = vector.extract_strided_slice %add3A_9 {offsets = [0, 1664], sizes = [16, 128], strides = [1, 1]} : vector<16x12800xf32> to vector<16x128xf32>
    %swap3A_100 = arith.constant 13 : index
    %swap3A_101 = arith.constant 0 : index
    %swap3A_102 = arith.constant 0 : index
    %swap3A_103 = vector.load %arg4[%swap3A_100, %swap3A_101, %swap3A_102] : memref<100x16x128xf32, #tpu.memory_space<vmem>>, vector<1x16x128xf32>
    %swap3A_104 = vector.shape_cast %swap3A_103 : vector<1x16x128xf32> to vector<16x128xf32>
    %swap3A_105 = vector.shape_cast %slice3A_99 : vector<16x128xf32> to vector<1x16x128xf32>
    tpu.vector_store %arg4[%swap3A_100, %swap3A_101, %swap3A_102], %swap3A_105 {strides = array<i32>} : memref<100x16x128xf32, #tpu.memory_space<vmem>>, vector<1x16x128xf32>,
    %slice3A_106 = vector.extract_strided_slice %add3A_9 {offsets = [0, 1792], sizes = [16, 128], strides = [1, 1]} : vector<16x12800xf32> to vector<16x128xf32>
    %swap3A_107 = arith.constant 14 : index
    %swap3A_108 = arith.constant 0 : index
    %swap3A_109 = arith.constant 0 : index
    %swap3A_110 = vector.load %arg4[%swap3A_107, %swap3A_108, %swap3A_109] : memref<100x16x128xf32, #tpu.memory_space<vmem>>, vector<1x16x128xf32>
    %swap3A_111 = vector.shape_cast %swap3A_110 : vector<1x16x128xf32> to vector<16x128xf32>
    %swap3A_112 = vector.shape_cast %slice3A_106 : vector<16x128xf32> to vector<1x16x128xf32>
    tpu.vector_store %arg4[%swap3A_107, %swap3A_108, %swap3A_109], %swap3A_112 {strides = array<i32>} : memref<100x16x128xf32, #tpu.memory_space<vmem>>, vector<1x16x128xf32>,
    %slice3A_113 = vector.extract_strided_slice %add3A_9 {offsets = [0, 1920], sizes = [16, 128], strides = [1, 1]} : vector<16x12800xf32> to vector<16x128xf32>
    %swap3A_114 = arith.constant 15 : index
    %swap3A_115 = arith.constant 0 : index
    %swap3A_116 = arith.constant 0 : index
    %swap3A_117 = vector.load %arg4[%swap3A_114, %swap3A_115, %swap3A_116] : memref<100x16x128xf32, #tpu.memory_space<vmem>>, vector<1x16x128xf32>
    %swap3A_118 = vector.shape_cast %swap3A_117 : vector<1x16x128xf32> to vector<16x128xf32>
    %swap3A_119 = vector.shape_cast %slice3A_113 : vector<16x128xf32> to vector<1x16x128xf32>
    tpu.vector_store %arg4[%swap3A_114, %swap3A_115, %swap3A_116], %swap3A_119 {strides = array<i32>} : memref<100x16x128xf32, #tpu.memory_space<vmem>>, vector<1x16x128xf32>,
    %slice3A_120 = vector.extract_strided_slice %add3A_9 {offsets = [0, 2048], sizes = [16, 128], strides = [1, 1]} : vector<16x12800xf32> to vector<16x128xf32>
    %swap3A_121 = arith.constant 16 : index
    %swap3A_122 = arith.constant 0 : index
    %swap3A_123 = arith.constant 0 : index
    %swap3A_124 = vector.load %arg4[%swap3A_121, %swap3A_122, %swap3A_123] : memref<100x16x128xf32, #tpu.memory_space<vmem>>, vector<1x16x128xf32>
    %swap3A_125 = vector.shape_cast %swap3A_124 : vector<1x16x128xf32> to vector<16x128xf32>
    %swap3A_126 = vector.shape_cast %slice3A_120 : vector<16x128xf32> to vector<1x16x128xf32>
    tpu.vector_store %arg4[%swap3A_121, %swap3A_122, %swap3A_123], %swap3A_126 {strides = array<i32>} : memref<100x16x128xf32, #tpu.memory_space<vmem>>, vector<1x16x128xf32>,
    %slice3A_127 = vector.extract_strided_slice %add3A_9 {offsets = [0, 2176], sizes = [16, 128], strides = [1, 1]} : vector<16x12800xf32> to vector<16x128xf32>
    %swap3A_128 = arith.constant 17 : index
    %swap3A_129 = arith.constant 0 : index
    %swap3A_130 = arith.constant 0 : index
    %swap3A_131 = vector.load %arg4[%swap3A_128, %swap3A_129, %swap3A_130] : memref<100x16x128xf32, #tpu.memory_space<vmem>>, vector<1x16x128xf32>
    %swap3A_132 = vector.shape_cast %swap3A_131 : vector<1x16x128xf32> to vector<16x128xf32>
    %swap3A_133 = vector.shape_cast %slice3A_127 : vector<16x128xf32> to vector<1x16x128xf32>
    tpu.vector_store %arg4[%swap3A_128, %swap3A_129, %swap3A_130], %swap3A_133 {strides = array<i32>} : memref<100x16x128xf32, #tpu.memory_space<vmem>>, vector<1x16x128xf32>,
    %slice3A_134 = vector.extract_strided_slice %add3A_9 {offsets = [0, 2304], sizes = [16, 128], strides = [1, 1]} : vector<16x12800xf32> to vector<16x128xf32>
    %swap3A_135 = arith.constant 18 : index
    %swap3A_136 = arith.constant 0 : index
    %swap3A_137 = arith.constant 0 : index
    %swap3A_138 = vector.load %arg4[%swap3A_135, %swap3A_136, %swap3A_137] : memref<100x16x128xf32, #tpu.memory_space<vmem>>, vector<1x16x128xf32>
    %swap3A_139 = vector.shape_cast %swap3A_138 : vector<1x16x128xf32> to vector<16x128xf32>
    %swap3A_140 = vector.shape_cast %slice3A_134 : vector<16x128xf32> to vector<1x16x128xf32>
    tpu.vector_store %arg4[%swap3A_135, %swap3A_136, %swap3A_137], %swap3A_140 {strides = array<i32>} : memref<100x16x128xf32, #tpu.memory_space<vmem>>, vector<1x16x128xf32>,
    %slice3A_141 = vector.extract_strided_slice %add3A_9 {offsets = [0, 2432], sizes = [16, 128], strides = [1, 1]} : vector<16x12800xf32> to vector<16x128xf32>
    %swap3A_142 = arith.constant 19 : index
    %swap3A_143 = arith.constant 0 : index
    %swap3A_144 = arith.constant 0 : index
    %swap3A_145 = vector.load %arg4[%swap3A_142, %swap3A_143, %swap3A_144] : memref<100x16x128xf32, #tpu.memory_space<vmem>>, vector<1x16x128xf32>
    %swap3A_146 = vector.shape_cast %swap3A_145 : vector<1x16x128xf32> to vector<16x128xf32>
    %swap3A_147 = vector.shape_cast %slice3A_141 : vector<16x128xf32> to vector<1x16x128xf32>
    tpu.vector_store %arg4[%swap3A_142, %swap3A_143, %swap3A_144], %swap3A_147 {strides = array<i32>} : memref<100x16x128xf32, #tpu.memory_space<vmem>>, vector<1x16x128xf32>,
    %slice3A_148 = vector.extract_strided_slice %add3A_9 {offsets = [0, 2560], sizes = [16, 128], strides = [1, 1]} : vector<16x12800xf32> to vector<16x128xf32>
    %swap3A_149 = arith.constant 20 : index
    %swap3A_150 = arith.constant 0 : index
    %swap3A_151 = arith.constant 0 : index
    %swap3A_152 = vector.load %arg4[%swap3A_149, %swap3A_150, %swap3A_151] : memref<100x16x128xf32, #tpu.memory_space<vmem>>, vector<1x16x128xf32>
    %swap3A_153 = vector.shape_cast %swap3A_152 : vector<1x16x128xf32> to vector<16x128xf32>
    %swap3A_154 = vector.shape_cast %slice3A_148 : vector<16x128xf32> to vector<1x16x128xf32>
    tpu.vector_store %arg4[%swap3A_149, %swap3A_150, %swap3A_151], %swap3A_154 {strides = array<i32>} : memref<100x16x128xf32, #tpu.memory_space<vmem>>, vector<1x16x128xf32>,
    %slice3A_155 = vector.extract_strided_slice %add3A_9 {offsets = [0, 2688], sizes = [16, 128], strides = [1, 1]} : vector<16x12800xf32> to vector<16x128xf32>
    %swap3A_156 = arith.constant 21 : index
    %swap3A_157 = arith.constant 0 : index
    %swap3A_158 = arith.constant 0 : index
    %swap3A_159 = vector.load %arg4[%swap3A_156, %swap3A_157, %swap3A_158] : memref<100x16x128xf32, #tpu.memory_space<vmem>>, vector<1x16x128xf32>
    %swap3A_160 = vector.shape_cast %swap3A_159 : vector<1x16x128xf32> to vector<16x128xf32>
    %swap3A_161 = vector.shape_cast %slice3A_155 : vector<16x128xf32> to vector<1x16x128xf32>
    tpu.vector_store %arg4[%swap3A_156, %swap3A_157, %swap3A_158], %swap3A_161 {strides = array<i32>} : memref<100x16x128xf32, #tpu.memory_space<vmem>>, vector<1x16x128xf32>,
    %slice3A_162 = vector.extract_strided_slice %add3A_9 {offsets = [0, 2816], sizes = [16, 128], strides = [1, 1]} : vector<16x12800xf32> to vector<16x128xf32>
    %swap3A_163 = arith.constant 22 : index
    %swap3A_164 = arith.constant 0 : index
    %swap3A_165 = arith.constant 0 : index
    %swap3A_166 = vector.load %arg4[%swap3A_163, %swap3A_164, %swap3A_165] : memref<100x16x128xf32, #tpu.memory_space<vmem>>, vector<1x16x128xf32>
    %swap3A_167 = vector.shape_cast %swap3A_166 : vector<1x16x128xf32> to vector<16x128xf32>
    %swap3A_168 = vector.shape_cast %slice3A_162 : vector<16x128xf32> to vector<1x16x128xf32>
    tpu.vector_store %arg4[%swap3A_163, %swap3A_164, %swap3A_165], %swap3A_168 {strides = array<i32>} : memref<100x16x128xf32, #tpu.memory_space<vmem>>, vector<1x16x128xf32>,
    %slice3A_169 = vector.extract_strided_slice %add3A_9 {offsets = [0, 2944], sizes = [16, 128], strides = [1, 1]} : vector<16x12800xf32> to vector<16x128xf32>
    %swap3A_170 = arith.constant 23 : index
    %swap3A_171 = arith.constant 0 : index
    %swap3A_172 = arith.constant 0 : index
    %swap3A_173 = vector.load %arg4[%swap3A_170, %swap3A_171, %swap3A_172] : memref<100x16x128xf32, #tpu.memory_space<vmem>>, vector<1x16x128xf32>
    %swap3A_174 = vector.shape_cast %swap3A_173 : vector<1x16x128xf32> to vector<16x128xf32>
    %swap3A_175 = vector.shape_cast %slice3A_169 : vector<16x128xf32> to vector<1x16x128xf32>
    tpu.vector_store %arg4[%swap3A_170, %swap3A_171, %swap3A_172], %swap3A_175 {strides = array<i32>} : memref<100x16x128xf32, #tpu.memory_space<vmem>>, vector<1x16x128xf32>,
    %slice3A_176 = vector.extract_strided_slice %add3A_9 {offsets = [0, 3072], sizes = [16, 128], strides = [1, 1]} : vector<16x12800xf32> to vector<16x128xf32>
    %swap3A_177 = arith.constant 24 : index
    %swap3A_178 = arith.constant 0 : index
    %swap3A_179 = arith.constant 0 : index
    %swap3A_180 = vector.load %arg4[%swap3A_177, %swap3A_178, %swap3A_179] : memref<100x16x128xf32, #tpu.memory_space<vmem>>, vector<1x16x128xf32>
    %swap3A_181 = vector.shape_cast %swap3A_180 : vector<1x16x128xf32> to vector<16x128xf32>
    %swap3A_182 = vector.shape_cast %slice3A_176 : vector<16x128xf32> to vector<1x16x128xf32>
    tpu.vector_store %arg4[%swap3A_177, %swap3A_178, %swap3A_179], %swap3A_182 {strides = array<i32>} : memref<100x16x128xf32, #tpu.memory_space<vmem>>, vector<1x16x128xf32>,
    %slice3A_183 = vector.extract_strided_slice %add3A_9 {offsets = [0, 3200], sizes = [16, 128], strides = [1, 1]} : vector<16x12800xf32> to vector<16x128xf32>
    %swap3A_184 = arith.constant 25 : index
    %swap3A_185 = arith.constant 0 : index
    %swap3A_186 = arith.constant 0 : index
    %swap3A_187 = vector.load %arg4[%swap3A_184, %swap3A_185, %swap3A_186] : memref<100x16x128xf32, #tpu.memory_space<vmem>>, vector<1x16x128xf32>
    %swap3A_188 = vector.shape_cast %swap3A_187 : vector<1x16x128xf32> to vector<16x128xf32>
    %swap3A_189 = vector.shape_cast %slice3A_183 : vector<16x128xf32> to vector<1x16x128xf32>
    tpu.vector_store %arg4[%swap3A_184, %swap3A_185, %swap3A_186], %swap3A_189 {strides = array<i32>} : memref<100x16x128xf32, #tpu.memory_space<vmem>>, vector<1x16x128xf32>,
    %slice3A_190 = vector.extract_strided_slice %add3A_9 {offsets = [0, 3328], sizes = [16, 128], strides = [1, 1]} : vector<16x12800xf32> to vector<16x128xf32>
    %swap3A_191 = arith.constant 26 : index
    %swap3A_192 = arith.constant 0 : index
    %swap3A_193 = arith.constant 0 : index
    %swap3A_194 = vector.load %arg4[%swap3A_191, %swap3A_192, %swap3A_193] : memref<100x16x128xf32, #tpu.memory_space<vmem>>, vector<1x16x128xf32>
    %swap3A_195 = vector.shape_cast %swap3A_194 : vector<1x16x128xf32> to vector<16x128xf32>
    %swap3A_196 = vector.shape_cast %slice3A_190 : vector<16x128xf32> to vector<1x16x128xf32>
    tpu.vector_store %arg4[%swap3A_191, %swap3A_192, %swap3A_193], %swap3A_196 {strides = array<i32>} : memref<100x16x128xf32, #tpu.memory_space<vmem>>, vector<1x16x128xf32>,
    %slice3A_197 = vector.extract_strided_slice %add3A_9 {offsets = [0, 3456], sizes = [16, 128], strides = [1, 1]} : vector<16x12800xf32> to vector<16x128xf32>
    %swap3A_198 = arith.constant 27 : index
    %swap3A_199 = arith.constant 0 : index
    %swap3A_200 = arith.constant 0 : index
    %swap3A_201 = vector.load %arg4[%swap3A_198, %swap3A_199, %swap3A_200] : memref<100x16x128xf32, #tpu.memory_space<vmem>>, vector<1x16x128xf32>
    %swap3A_202 = vector.shape_cast %swap3A_201 : vector<1x16x128xf32> to vector<16x128xf32>
    %swap3A_203 = vector.shape_cast %slice3A_197 : vector<16x128xf32> to vector<1x16x128xf32>
    tpu.vector_store %arg4[%swap3A_198, %swap3A_199, %swap3A_200], %swap3A_203 {strides = array<i32>} : memref<100x16x128xf32, #tpu.memory_space<vmem>>, vector<1x16x128xf32>,
    %slice3A_204 = vector.extract_strided_slice %add3A_9 {offsets = [0, 3584], sizes = [16, 128], strides = [1, 1]} : vector<16x12800xf32> to vector<16x128xf32>
    %swap3A_205 = arith.constant 28 : index
    %swap3A_206 = arith.constant 0 : index
    %swap3A_207 = arith.constant 0 : index
    %swap3A_208 = vector.load %arg4[%swap3A_205, %swap3A_206, %swap3A_207] : memref<100x16x128xf32, #tpu.memory_space<vmem>>, vector<1x16x128xf32>
    %swap3A_209 = vector.shape_cast %swap3A_208 : vector<1x16x128xf32> to vector<16x128xf32>
    %swap3A_210 = vector.shape_cast %slice3A_204 : vector<16x128xf32> to vector<1x16x128xf32>
    tpu.vector_store %arg4[%swap3A_205, %swap3A_206, %swap3A_207], %swap3A_210 {strides = array<i32>} : memref<100x16x128xf32, #tpu.memory_space<vmem>>, vector<1x16x128xf32>,
    %slice3A_211 = vector.extract_strided_slice %add3A_9 {offsets = [0, 3712], sizes = [16, 128], strides = [1, 1]} : vector<16x12800xf32> to vector<16x128xf32>
    %swap3A_212 = arith.constant 29 : index
    %swap3A_213 = arith.constant 0 : index
    %swap3A_214 = arith.constant 0 : index
    %swap3A_215 = vector.load %arg4[%swap3A_212, %swap3A_213, %swap3A_214] : memref<100x16x128xf32, #tpu.memory_space<vmem>>, vector<1x16x128xf32>
    %swap3A_216 = vector.shape_cast %swap3A_215 : vector<1x16x128xf32> to vector<16x128xf32>
    %swap3A_217 = vector.shape_cast %slice3A_211 : vector<16x128xf32> to vector<1x16x128xf32>
    tpu.vector_store %arg4[%swap3A_212, %swap3A_213, %swap3A_214], %swap3A_217 {strides = array<i32>} : memref<100x16x128xf32, #tpu.memory_space<vmem>>, vector<1x16x128xf32>,
    %slice3A_218 = vector.extract_strided_slice %add3A_9 {offsets = [0, 3840], sizes = [16, 128], strides = [1, 1]} : vector<16x12800xf32> to vector<16x128xf32>
    %swap3A_219 = arith.constant 30 : index
    %swap3A_220 = arith.constant 0 : index
    %swap3A_221 = arith.constant 0 : index
    %swap3A_222 = vector.load %arg4[%swap3A_219, %swap3A_220, %swap3A_221] : memref<100x16x128xf32, #tpu.memory_space<vmem>>, vector<1x16x128xf32>
    %swap3A_223 = vector.shape_cast %swap3A_222 : vector<1x16x128xf32> to vector<16x128xf32>
    %swap3A_224 = vector.shape_cast %slice3A_218 : vector<16x128xf32> to vector<1x16x128xf32>
    tpu.vector_store %arg4[%swap3A_219, %swap3A_220, %swap3A_221], %swap3A_224 {strides = array<i32>} : memref<100x16x128xf32, #tpu.memory_space<vmem>>, vector<1x16x128xf32>,
    %slice3A_225 = vector.extract_strided_slice %add3A_9 {offsets = [0, 3968], sizes = [16, 128], strides = [1, 1]} : vector<16x12800xf32> to vector<16x128xf32>
    %swap3A_226 = arith.constant 31 : index
    %swap3A_227 = arith.constant 0 : index
    %swap3A_228 = arith.constant 0 : index
    %swap3A_229 = vector.load %arg4[%swap3A_226, %swap3A_227, %swap3A_228] : memref<100x16x128xf32, #tpu.memory_space<vmem>>, vector<1x16x128xf32>
    %swap3A_230 = vector.shape_cast %swap3A_229 : vector<1x16x128xf32> to vector<16x128xf32>
    %swap3A_231 = vector.shape_cast %slice3A_225 : vector<16x128xf32> to vector<1x16x128xf32>
    tpu.vector_store %arg4[%swap3A_226, %swap3A_227, %swap3A_228], %swap3A_231 {strides = array<i32>} : memref<100x16x128xf32, #tpu.memory_space<vmem>>, vector<1x16x128xf32>,
    %slice3A_232 = vector.extract_strided_slice %add3A_9 {offsets = [0, 4096], sizes = [16, 128], strides = [1, 1]} : vector<16x12800xf32> to vector<16x128xf32>
    %swap3A_233 = arith.constant 32 : index
    %swap3A_234 = arith.constant 0 : index
    %swap3A_235 = arith.constant 0 : index
    %swap3A_236 = vector.load %arg4[%swap3A_233, %swap3A_234, %swap3A_235] : memref<100x16x128xf32, #tpu.memory_space<vmem>>, vector<1x16x128xf32>
    %swap3A_237 = vector.shape_cast %swap3A_236 : vector<1x16x128xf32> to vector<16x128xf32>
    %swap3A_238 = vector.shape_cast %slice3A_232 : vector<16x128xf32> to vector<1x16x128xf32>
    tpu.vector_store %arg4[%swap3A_233, %swap3A_234, %swap3A_235], %swap3A_238 {strides = array<i32>} : memref<100x16x128xf32, #tpu.memory_space<vmem>>, vector<1x16x128xf32>,
    %slice3A_239 = vector.extract_strided_slice %add3A_9 {offsets = [0, 4224], sizes = [16, 128], strides = [1, 1]} : vector<16x12800xf32> to vector<16x128xf32>
    %swap3A_240 = arith.constant 33 : index
    %swap3A_241 = arith.constant 0 : index
    %swap3A_242 = arith.constant 0 : index
    %swap3A_243 = vector.load %arg4[%swap3A_240, %swap3A_241, %swap3A_242] : memref<100x16x128xf32, #tpu.memory_space<vmem>>, vector<1x16x128xf32>
    %swap3A_244 = vector.shape_cast %swap3A_243 : vector<1x16x128xf32> to vector<16x128xf32>
    %swap3A_245 = vector.shape_cast %slice3A_239 : vector<16x128xf32> to vector<1x16x128xf32>
    tpu.vector_store %arg4[%swap3A_240, %swap3A_241, %swap3A_242], %swap3A_245 {strides = array<i32>} : memref<100x16x128xf32, #tpu.memory_space<vmem>>, vector<1x16x128xf32>,
    %slice3A_246 = vector.extract_strided_slice %add3A_9 {offsets = [0, 4352], sizes = [16, 128], strides = [1, 1]} : vector<16x12800xf32> to vector<16x128xf32>
    %swap3A_247 = arith.constant 34 : index
    %swap3A_248 = arith.constant 0 : index
    %swap3A_249 = arith.constant 0 : index
    %swap3A_250 = vector.load %arg4[%swap3A_247, %swap3A_248, %swap3A_249] : memref<100x16x128xf32, #tpu.memory_space<vmem>>, vector<1x16x128xf32>
    %swap3A_251 = vector.shape_cast %swap3A_250 : vector<1x16x128xf32> to vector<16x128xf32>
    %swap3A_252 = vector.shape_cast %slice3A_246 : vector<16x128xf32> to vector<1x16x128xf32>
    tpu.vector_store %arg4[%swap3A_247, %swap3A_248, %swap3A_249], %swap3A_252 {strides = array<i32>} : memref<100x16x128xf32, #tpu.memory_space<vmem>>, vector<1x16x128xf32>,
    %slice3A_253 = vector.extract_strided_slice %add3A_9 {offsets = [0, 4480], sizes = [16, 128], strides = [1, 1]} : vector<16x12800xf32> to vector<16x128xf32>
    %swap3A_254 = arith.constant 35 : index
    %swap3A_255 = arith.constant 0 : index
    %swap3A_256 = arith.constant 0 : index
    %swap3A_257 = vector.load %arg4[%swap3A_254, %swap3A_255, %swap3A_256] : memref<100x16x128xf32, #tpu.memory_space<vmem>>, vector<1x16x128xf32>
    %swap3A_258 = vector.shape_cast %swap3A_257 : vector<1x16x128xf32> to vector<16x128xf32>
    %swap3A_259 = vector.shape_cast %slice3A_253 : vector<16x128xf32> to vector<1x16x128xf32>
    tpu.vector_store %arg4[%swap3A_254, %swap3A_255, %swap3A_256], %swap3A_259 {strides = array<i32>} : memref<100x16x128xf32, #tpu.memory_space<vmem>>, vector<1x16x128xf32>,
    %slice3A_260 = vector.extract_strided_slice %add3A_9 {offsets = [0, 4608], sizes = [16, 128], strides = [1, 1]} : vector<16x12800xf32> to vector<16x128xf32>
    %swap3A_261 = arith.constant 36 : index
    %swap3A_262 = arith.constant 0 : index
    %swap3A_263 = arith.constant 0 : index
    %swap3A_264 = vector.load %arg4[%swap3A_261, %swap3A_262, %swap3A_263] : memref<100x16x128xf32, #tpu.memory_space<vmem>>, vector<1x16x128xf32>
    %swap3A_265 = vector.shape_cast %swap3A_264 : vector<1x16x128xf32> to vector<16x128xf32>
    %swap3A_266 = vector.shape_cast %slice3A_260 : vector<16x128xf32> to vector<1x16x128xf32>
    tpu.vector_store %arg4[%swap3A_261, %swap3A_262, %swap3A_263], %swap3A_266 {strides = array<i32>} : memref<100x16x128xf32, #tpu.memory_space<vmem>>, vector<1x16x128xf32>,
    %slice3A_267 = vector.extract_strided_slice %add3A_9 {offsets = [0, 4736], sizes = [16, 128], strides = [1, 1]} : vector<16x12800xf32> to vector<16x128xf32>
    %swap3A_268 = arith.constant 37 : index
    %swap3A_269 = arith.constant 0 : index
    %swap3A_270 = arith.constant 0 : index
    %swap3A_271 = vector.load %arg4[%swap3A_268, %swap3A_269, %swap3A_270] : memref<100x16x128xf32, #tpu.memory_space<vmem>>, vector<1x16x128xf32>
    %swap3A_272 = vector.shape_cast %swap3A_271 : vector<1x16x128xf32> to vector<16x128xf32>
    %swap3A_273 = vector.shape_cast %slice3A_267 : vector<16x128xf32> to vector<1x16x128xf32>
    tpu.vector_store %arg4[%swap3A_268, %swap3A_269, %swap3A_270], %swap3A_273 {strides = array<i32>} : memref<100x16x128xf32, #tpu.memory_space<vmem>>, vector<1x16x128xf32>,
    %slice3A_274 = vector.extract_strided_slice %add3A_9 {offsets = [0, 4864], sizes = [16, 128], strides = [1, 1]} : vector<16x12800xf32> to vector<16x128xf32>
    %swap3A_275 = arith.constant 38 : index
    %swap3A_276 = arith.constant 0 : index
    %swap3A_277 = arith.constant 0 : index
    %swap3A_278 = vector.load %arg4[%swap3A_275, %swap3A_276, %swap3A_277] : memref<100x16x128xf32, #tpu.memory_space<vmem>>, vector<1x16x128xf32>
    %swap3A_279 = vector.shape_cast %swap3A_278 : vector<1x16x128xf32> to vector<16x128xf32>
    %swap3A_280 = vector.shape_cast %slice3A_274 : vector<16x128xf32> to vector<1x16x128xf32>
    tpu.vector_store %arg4[%swap3A_275, %swap3A_276, %swap3A_277], %swap3A_280 {strides = array<i32>} : memref<100x16x128xf32, #tpu.memory_space<vmem>>, vector<1x16x128xf32>,
    %slice3A_281 = vector.extract_strided_slice %add3A_9 {offsets = [0, 4992], sizes = [16, 128], strides = [1, 1]} : vector<16x12800xf32> to vector<16x128xf32>
    %swap3A_282 = arith.constant 39 : index
    %swap3A_283 = arith.constant 0 : index
    %swap3A_284 = arith.constant 0 : index
    %swap3A_285 = vector.load %arg4[%swap3A_282, %swap3A_283, %swap3A_284] : memref<100x16x128xf32, #tpu.memory_space<vmem>>, vector<1x16x128xf32>
    %swap3A_286 = vector.shape_cast %swap3A_285 : vector<1x16x128xf32> to vector<16x128xf32>
    %swap3A_287 = vector.shape_cast %slice3A_281 : vector<16x128xf32> to vector<1x16x128xf32>
    tpu.vector_store %arg4[%swap3A_282, %swap3A_283, %swap3A_284], %swap3A_287 {strides = array<i32>} : memref<100x16x128xf32, #tpu.memory_space<vmem>>, vector<1x16x128xf32>,
    %slice3A_288 = vector.extract_strided_slice %add3A_9 {offsets = [0, 5120], sizes = [16, 128], strides = [1, 1]} : vector<16x12800xf32> to vector<16x128xf32>
    %swap3A_289 = arith.constant 40 : index
    %swap3A_290 = arith.constant 0 : index
    %swap3A_291 = arith.constant 0 : index
    %swap3A_292 = vector.load %arg4[%swap3A_289, %swap3A_290, %swap3A_291] : memref<100x16x128xf32, #tpu.memory_space<vmem>>, vector<1x16x128xf32>
    %swap3A_293 = vector.shape_cast %swap3A_292 : vector<1x16x128xf32> to vector<16x128xf32>
    %swap3A_294 = vector.shape_cast %slice3A_288 : vector<16x128xf32> to vector<1x16x128xf32>
    tpu.vector_store %arg4[%swap3A_289, %swap3A_290, %swap3A_291], %swap3A_294 {strides = array<i32>} : memref<100x16x128xf32, #tpu.memory_space<vmem>>, vector<1x16x128xf32>,
    %slice3A_295 = vector.extract_strided_slice %add3A_9 {offsets = [0, 5248], sizes = [16, 128], strides = [1, 1]} : vector<16x12800xf32> to vector<16x128xf32>
    %swap3A_296 = arith.constant 41 : index
    %swap3A_297 = arith.constant 0 : index
    %swap3A_298 = arith.constant 0 : index
    %swap3A_299 = vector.load %arg4[%swap3A_296, %swap3A_297, %swap3A_298] : memref<100x16x128xf32, #tpu.memory_space<vmem>>, vector<1x16x128xf32>
    %swap3A_300 = vector.shape_cast %swap3A_299 : vector<1x16x128xf32> to vector<16x128xf32>
    %swap3A_301 = vector.shape_cast %slice3A_295 : vector<16x128xf32> to vector<1x16x128xf32>
    tpu.vector_store %arg4[%swap3A_296, %swap3A_297, %swap3A_298], %swap3A_301 {strides = array<i32>} : memref<100x16x128xf32, #tpu.memory_space<vmem>>, vector<1x16x128xf32>,
    %slice3A_302 = vector.extract_strided_slice %add3A_9 {offsets = [0, 5376], sizes = [16, 128], strides = [1, 1]} : vector<16x12800xf32> to vector<16x128xf32>
    %swap3A_303 = arith.constant 42 : index
    %swap3A_304 = arith.constant 0 : index
    %swap3A_305 = arith.constant 0 : index
    %swap3A_306 = vector.load %arg4[%swap3A_303, %swap3A_304, %swap3A_305] : memref<100x16x128xf32, #tpu.memory_space<vmem>>, vector<1x16x128xf32>
    %swap3A_307 = vector.shape_cast %swap3A_306 : vector<1x16x128xf32> to vector<16x128xf32>
    %swap3A_308 = vector.shape_cast %slice3A_302 : vector<16x128xf32> to vector<1x16x128xf32>
    tpu.vector_store %arg4[%swap3A_303, %swap3A_304, %swap3A_305], %swap3A_308 {strides = array<i32>} : memref<100x16x128xf32, #tpu.memory_space<vmem>>, vector<1x16x128xf32>,
    %slice3A_309 = vector.extract_strided_slice %add3A_9 {offsets = [0, 5504], sizes = [16, 128], strides = [1, 1]} : vector<16x12800xf32> to vector<16x128xf32>
    %swap3A_310 = arith.constant 43 : index
    %swap3A_311 = arith.constant 0 : index
    %swap3A_312 = arith.constant 0 : index
    %swap3A_313 = vector.load %arg4[%swap3A_310, %swap3A_311, %swap3A_312] : memref<100x16x128xf32, #tpu.memory_space<vmem>>, vector<1x16x128xf32>
    %swap3A_314 = vector.shape_cast %swap3A_313 : vector<1x16x128xf32> to vector<16x128xf32>
    %swap3A_315 = vector.shape_cast %slice3A_309 : vector<16x128xf32> to vector<1x16x128xf32>
    tpu.vector_store %arg4[%swap3A_310, %swap3A_311, %swap3A_312], %swap3A_315 {strides = array<i32>} : memref<100x16x128xf32, #tpu.memory_space<vmem>>, vector<1x16x128xf32>,
    %slice3A_316 = vector.extract_strided_slice %add3A_9 {offsets = [0, 5632], sizes = [16, 128], strides = [1, 1]} : vector<16x12800xf32> to vector<16x128xf32>
    %swap3A_317 = arith.constant 44 : index
    %swap3A_318 = arith.constant 0 : index
    %swap3A_319 = arith.constant 0 : index
    %swap3A_320 = vector.load %arg4[%swap3A_317, %swap3A_318, %swap3A_319] : memref<100x16x128xf32, #tpu.memory_space<vmem>>, vector<1x16x128xf32>
    %swap3A_321 = vector.shape_cast %swap3A_320 : vector<1x16x128xf32> to vector<16x128xf32>
    %swap3A_322 = vector.shape_cast %slice3A_316 : vector<16x128xf32> to vector<1x16x128xf32>
    tpu.vector_store %arg4[%swap3A_317, %swap3A_318, %swap3A_319], %swap3A_322 {strides = array<i32>} : memref<100x16x128xf32, #tpu.memory_space<vmem>>, vector<1x16x128xf32>,
    %slice3A_323 = vector.extract_strided_slice %add3A_9 {offsets = [0, 5760], sizes = [16, 128], strides = [1, 1]} : vector<16x12800xf32> to vector<16x128xf32>
    %swap3A_324 = arith.constant 45 : index
    %swap3A_325 = arith.constant 0 : index
    %swap3A_326 = arith.constant 0 : index
    %swap3A_327 = vector.load %arg4[%swap3A_324, %swap3A_325, %swap3A_326] : memref<100x16x128xf32, #tpu.memory_space<vmem>>, vector<1x16x128xf32>
    %swap3A_328 = vector.shape_cast %swap3A_327 : vector<1x16x128xf32> to vector<16x128xf32>
    %swap3A_329 = vector.shape_cast %slice3A_323 : vector<16x128xf32> to vector<1x16x128xf32>
    tpu.vector_store %arg4[%swap3A_324, %swap3A_325, %swap3A_326], %swap3A_329 {strides = array<i32>} : memref<100x16x128xf32, #tpu.memory_space<vmem>>, vector<1x16x128xf32>,
    %slice3A_330 = vector.extract_strided_slice %add3A_9 {offsets = [0, 5888], sizes = [16, 128], strides = [1, 1]} : vector<16x12800xf32> to vector<16x128xf32>
    %swap3A_331 = arith.constant 46 : index
    %swap3A_332 = arith.constant 0 : index
    %swap3A_333 = arith.constant 0 : index
    %swap3A_334 = vector.load %arg4[%swap3A_331, %swap3A_332, %swap3A_333] : memref<100x16x128xf32, #tpu.memory_space<vmem>>, vector<1x16x128xf32>
    %swap3A_335 = vector.shape_cast %swap3A_334 : vector<1x16x128xf32> to vector<16x128xf32>
    %swap3A_336 = vector.shape_cast %slice3A_330 : vector<16x128xf32> to vector<1x16x128xf32>
    tpu.vector_store %arg4[%swap3A_331, %swap3A_332, %swap3A_333], %swap3A_336 {strides = array<i32>} : memref<100x16x128xf32, #tpu.memory_space<vmem>>, vector<1x16x128xf32>,
    %slice3A_337 = vector.extract_strided_slice %add3A_9 {offsets = [0, 6016], sizes = [16, 128], strides = [1, 1]} : vector<16x12800xf32> to vector<16x128xf32>
    %swap3A_338 = arith.constant 47 : index
    %swap3A_339 = arith.constant 0 : index
    %swap3A_340 = arith.constant 0 : index
    %swap3A_341 = vector.load %arg4[%swap3A_338, %swap3A_339, %swap3A_340] : memref<100x16x128xf32, #tpu.memory_space<vmem>>, vector<1x16x128xf32>
    %swap3A_342 = vector.shape_cast %swap3A_341 : vector<1x16x128xf32> to vector<16x128xf32>
    %swap3A_343 = vector.shape_cast %slice3A_337 : vector<16x128xf32> to vector<1x16x128xf32>
    tpu.vector_store %arg4[%swap3A_338, %swap3A_339, %swap3A_340], %swap3A_343 {strides = array<i32>} : memref<100x16x128xf32, #tpu.memory_space<vmem>>, vector<1x16x128xf32>,
    %slice3A_344 = vector.extract_strided_slice %add3A_9 {offsets = [0, 6144], sizes = [16, 128], strides = [1, 1]} : vector<16x12800xf32> to vector<16x128xf32>
    %swap3A_345 = arith.constant 48 : index
    %swap3A_346 = arith.constant 0 : index
    %swap3A_347 = arith.constant 0 : index
    %swap3A_348 = vector.load %arg4[%swap3A_345, %swap3A_346, %swap3A_347] : memref<100x16x128xf32, #tpu.memory_space<vmem>>, vector<1x16x128xf32>
    %swap3A_349 = vector.shape_cast %swap3A_348 : vector<1x16x128xf32> to vector<16x128xf32>
    %swap3A_350 = vector.shape_cast %slice3A_344 : vector<16x128xf32> to vector<1x16x128xf32>
    tpu.vector_store %arg4[%swap3A_345, %swap3A_346, %swap3A_347], %swap3A_350 {strides = array<i32>} : memref<100x16x128xf32, #tpu.memory_space<vmem>>, vector<1x16x128xf32>,
    %slice3A_351 = vector.extract_strided_slice %add3A_9 {offsets = [0, 6272], sizes = [16, 128], strides = [1, 1]} : vector<16x12800xf32> to vector<16x128xf32>
    %swap3A_352 = arith.constant 49 : index
    %swap3A_353 = arith.constant 0 : index
    %swap3A_354 = arith.constant 0 : index
    %swap3A_355 = vector.load %arg4[%swap3A_352, %swap3A_353, %swap3A_354] : memref<100x16x128xf32, #tpu.memory_space<vmem>>, vector<1x16x128xf32>
    %swap3A_356 = vector.shape_cast %swap3A_355 : vector<1x16x128xf32> to vector<16x128xf32>
    %swap3A_357 = vector.shape_cast %slice3A_351 : vector<16x128xf32> to vector<1x16x128xf32>
    tpu.vector_store %arg4[%swap3A_352, %swap3A_353, %swap3A_354], %swap3A_357 {strides = array<i32>} : memref<100x16x128xf32, #tpu.memory_space<vmem>>, vector<1x16x128xf32>,
    %slice3A_358 = vector.extract_strided_slice %add3A_9 {offsets = [0, 6400], sizes = [16, 128], strides = [1, 1]} : vector<16x12800xf32> to vector<16x128xf32>
    %swap3A_359 = arith.constant 50 : index
    %swap3A_360 = arith.constant 0 : index
    %swap3A_361 = arith.constant 0 : index
    %swap3A_362 = vector.load %arg4[%swap3A_359, %swap3A_360, %swap3A_361] : memref<100x16x128xf32, #tpu.memory_space<vmem>>, vector<1x16x128xf32>
    %swap3A_363 = vector.shape_cast %swap3A_362 : vector<1x16x128xf32> to vector<16x128xf32>
    %swap3A_364 = vector.shape_cast %slice3A_358 : vector<16x128xf32> to vector<1x16x128xf32>
    tpu.vector_store %arg4[%swap3A_359, %swap3A_360, %swap3A_361], %swap3A_364 {strides = array<i32>} : memref<100x16x128xf32, #tpu.memory_space<vmem>>, vector<1x16x128xf32>,
    %slice3A_365 = vector.extract_strided_slice %add3A_9 {offsets = [0, 6528], sizes = [16, 128], strides = [1, 1]} : vector<16x12800xf32> to vector<16x128xf32>
    %swap3A_366 = arith.constant 51 : index
    %swap3A_367 = arith.constant 0 : index
    %swap3A_368 = arith.constant 0 : index
    %swap3A_369 = vector.load %arg4[%swap3A_366, %swap3A_367, %swap3A_368] : memref<100x16x128xf32, #tpu.memory_space<vmem>>, vector<1x16x128xf32>
    %swap3A_370 = vector.shape_cast %swap3A_369 : vector<1x16x128xf32> to vector<16x128xf32>
    %swap3A_371 = vector.shape_cast %slice3A_365 : vector<16x128xf32> to vector<1x16x128xf32>
    tpu.vector_store %arg4[%swap3A_366, %swap3A_367, %swap3A_368], %swap3A_371 {strides = array<i32>} : memref<100x16x128xf32, #tpu.memory_space<vmem>>, vector<1x16x128xf32>,
    %slice3A_372 = vector.extract_strided_slice %add3A_9 {offsets = [0, 6656], sizes = [16, 128], strides = [1, 1]} : vector<16x12800xf32> to vector<16x128xf32>
    %swap3A_373 = arith.constant 52 : index
    %swap3A_374 = arith.constant 0 : index
    %swap3A_375 = arith.constant 0 : index
    %swap3A_376 = vector.load %arg4[%swap3A_373, %swap3A_374, %swap3A_375] : memref<100x16x128xf32, #tpu.memory_space<vmem>>, vector<1x16x128xf32>
    %swap3A_377 = vector.shape_cast %swap3A_376 : vector<1x16x128xf32> to vector<16x128xf32>
    %swap3A_378 = vector.shape_cast %slice3A_372 : vector<16x128xf32> to vector<1x16x128xf32>
    tpu.vector_store %arg4[%swap3A_373, %swap3A_374, %swap3A_375], %swap3A_378 {strides = array<i32>} : memref<100x16x128xf32, #tpu.memory_space<vmem>>, vector<1x16x128xf32>,
    %slice3A_379 = vector.extract_strided_slice %add3A_9 {offsets = [0, 6784], sizes = [16, 128], strides = [1, 1]} : vector<16x12800xf32> to vector<16x128xf32>
    %swap3A_380 = arith.constant 53 : index
    %swap3A_381 = arith.constant 0 : index
    %swap3A_382 = arith.constant 0 : index
    %swap3A_383 = vector.load %arg4[%swap3A_380, %swap3A_381, %swap3A_382] : memref<100x16x128xf32, #tpu.memory_space<vmem>>, vector<1x16x128xf32>
    %swap3A_384 = vector.shape_cast %swap3A_383 : vector<1x16x128xf32> to vector<16x128xf32>
    %swap3A_385 = vector.shape_cast %slice3A_379 : vector<16x128xf32> to vector<1x16x128xf32>
    tpu.vector_store %arg4[%swap3A_380, %swap3A_381, %swap3A_382], %swap3A_385 {strides = array<i32>} : memref<100x16x128xf32, #tpu.memory_space<vmem>>, vector<1x16x128xf32>,
    %slice3A_386 = vector.extract_strided_slice %add3A_9 {offsets = [0, 6912], sizes = [16, 128], strides = [1, 1]} : vector<16x12800xf32> to vector<16x128xf32>
    %swap3A_387 = arith.constant 54 : index
    %swap3A_388 = arith.constant 0 : index
    %swap3A_389 = arith.constant 0 : index
    %swap3A_390 = vector.load %arg4[%swap3A_387, %swap3A_388, %swap3A_389] : memref<100x16x128xf32, #tpu.memory_space<vmem>>, vector<1x16x128xf32>
    %swap3A_391 = vector.shape_cast %swap3A_390 : vector<1x16x128xf32> to vector<16x128xf32>
    %swap3A_392 = vector.shape_cast %slice3A_386 : vector<16x128xf32> to vector<1x16x128xf32>
    tpu.vector_store %arg4[%swap3A_387, %swap3A_388, %swap3A_389], %swap3A_392 {strides = array<i32>} : memref<100x16x128xf32, #tpu.memory_space<vmem>>, vector<1x16x128xf32>,
    %slice3A_393 = vector.extract_strided_slice %add3A_9 {offsets = [0, 7040], sizes = [16, 128], strides = [1, 1]} : vector<16x12800xf32> to vector<16x128xf32>
    %swap3A_394 = arith.constant 55 : index
    %swap3A_395 = arith.constant 0 : index
    %swap3A_396 = arith.constant 0 : index
    %swap3A_397 = vector.load %arg4[%swap3A_394, %swap3A_395, %swap3A_396] : memref<100x16x128xf32, #tpu.memory_space<vmem>>, vector<1x16x128xf32>
    %swap3A_398 = vector.shape_cast %swap3A_397 : vector<1x16x128xf32> to vector<16x128xf32>
    %swap3A_399 = vector.shape_cast %slice3A_393 : vector<16x128xf32> to vector<1x16x128xf32>
    tpu.vector_store %arg4[%swap3A_394, %swap3A_395, %swap3A_396], %swap3A_399 {strides = array<i32>} : memref<100x16x128xf32, #tpu.memory_space<vmem>>, vector<1x16x128xf32>,
    %slice3A_400 = vector.extract_strided_slice %add3A_9 {offsets = [0, 7168], sizes = [16, 128], strides = [1, 1]} : vector<16x12800xf32> to vector<16x128xf32>
    %swap3A_401 = arith.constant 56 : index
    %swap3A_402 = arith.constant 0 : index
    %swap3A_403 = arith.constant 0 : index
    %swap3A_404 = vector.load %arg4[%swap3A_401, %swap3A_402, %swap3A_403] : memref<100x16x128xf32, #tpu.memory_space<vmem>>, vector<1x16x128xf32>
    %swap3A_405 = vector.shape_cast %swap3A_404 : vector<1x16x128xf32> to vector<16x128xf32>
    %swap3A_406 = vector.shape_cast %slice3A_400 : vector<16x128xf32> to vector<1x16x128xf32>
    tpu.vector_store %arg4[%swap3A_401, %swap3A_402, %swap3A_403], %swap3A_406 {strides = array<i32>} : memref<100x16x128xf32, #tpu.memory_space<vmem>>, vector<1x16x128xf32>,
    %slice3A_407 = vector.extract_strided_slice %add3A_9 {offsets = [0, 7296], sizes = [16, 128], strides = [1, 1]} : vector<16x12800xf32> to vector<16x128xf32>
    %swap3A_408 = arith.constant 57 : index
    %swap3A_409 = arith.constant 0 : index
    %swap3A_410 = arith.constant 0 : index
    %swap3A_411 = vector.load %arg4[%swap3A_408, %swap3A_409, %swap3A_410] : memref<100x16x128xf32, #tpu.memory_space<vmem>>, vector<1x16x128xf32>
    %swap3A_412 = vector.shape_cast %swap3A_411 : vector<1x16x128xf32> to vector<16x128xf32>
    %swap3A_413 = vector.shape_cast %slice3A_407 : vector<16x128xf32> to vector<1x16x128xf32>
    tpu.vector_store %arg4[%swap3A_408, %swap3A_409, %swap3A_410], %swap3A_413 {strides = array<i32>} : memref<100x16x128xf32, #tpu.memory_space<vmem>>, vector<1x16x128xf32>,
    %slice3A_414 = vector.extract_strided_slice %add3A_9 {offsets = [0, 7424], sizes = [16, 128], strides = [1, 1]} : vector<16x12800xf32> to vector<16x128xf32>
    %swap3A_415 = arith.constant 58 : index
    %swap3A_416 = arith.constant 0 : index
    %swap3A_417 = arith.constant 0 : index
    %swap3A_418 = vector.load %arg4[%swap3A_415, %swap3A_416, %swap3A_417] : memref<100x16x128xf32, #tpu.memory_space<vmem>>, vector<1x16x128xf32>
    %swap3A_419 = vector.shape_cast %swap3A_418 : vector<1x16x128xf32> to vector<16x128xf32>
    %swap3A_420 = vector.shape_cast %slice3A_414 : vector<16x128xf32> to vector<1x16x128xf32>
    tpu.vector_store %arg4[%swap3A_415, %swap3A_416, %swap3A_417], %swap3A_420 {strides = array<i32>} : memref<100x16x128xf32, #tpu.memory_space<vmem>>, vector<1x16x128xf32>,
    %slice3A_421 = vector.extract_strided_slice %add3A_9 {offsets = [0, 7552], sizes = [16, 128], strides = [1, 1]} : vector<16x12800xf32> to vector<16x128xf32>
    %swap3A_422 = arith.constant 59 : index
    %swap3A_423 = arith.constant 0 : index
    %swap3A_424 = arith.constant 0 : index
    %swap3A_425 = vector.load %arg4[%swap3A_422, %swap3A_423, %swap3A_424] : memref<100x16x128xf32, #tpu.memory_space<vmem>>, vector<1x16x128xf32>
    %swap3A_426 = vector.shape_cast %swap3A_425 : vector<1x16x128xf32> to vector<16x128xf32>
    %swap3A_427 = vector.shape_cast %slice3A_421 : vector<16x128xf32> to vector<1x16x128xf32>
    tpu.vector_store %arg4[%swap3A_422, %swap3A_423, %swap3A_424], %swap3A_427 {strides = array<i32>} : memref<100x16x128xf32, #tpu.memory_space<vmem>>, vector<1x16x128xf32>,
    %slice3A_428 = vector.extract_strided_slice %add3A_9 {offsets = [0, 7680], sizes = [16, 128], strides = [1, 1]} : vector<16x12800xf32> to vector<16x128xf32>
    %swap3A_429 = arith.constant 60 : index
    %swap3A_430 = arith.constant 0 : index
    %swap3A_431 = arith.constant 0 : index
    %swap3A_432 = vector.load %arg4[%swap3A_429, %swap3A_430, %swap3A_431] : memref<100x16x128xf32, #tpu.memory_space<vmem>>, vector<1x16x128xf32>
    %swap3A_433 = vector.shape_cast %swap3A_432 : vector<1x16x128xf32> to vector<16x128xf32>
    %swap3A_434 = vector.shape_cast %slice3A_428 : vector<16x128xf32> to vector<1x16x128xf32>
    tpu.vector_store %arg4[%swap3A_429, %swap3A_430, %swap3A_431], %swap3A_434 {strides = array<i32>} : memref<100x16x128xf32, #tpu.memory_space<vmem>>, vector<1x16x128xf32>,
    %slice3A_435 = vector.extract_strided_slice %add3A_9 {offsets = [0, 7808], sizes = [16, 128], strides = [1, 1]} : vector<16x12800xf32> to vector<16x128xf32>
    %swap3A_436 = arith.constant 61 : index
    %swap3A_437 = arith.constant 0 : index
    %swap3A_438 = arith.constant 0 : index
    %swap3A_439 = vector.load %arg4[%swap3A_436, %swap3A_437, %swap3A_438] : memref<100x16x128xf32, #tpu.memory_space<vmem>>, vector<1x16x128xf32>
    %swap3A_440 = vector.shape_cast %swap3A_439 : vector<1x16x128xf32> to vector<16x128xf32>
    %swap3A_441 = vector.shape_cast %slice3A_435 : vector<16x128xf32> to vector<1x16x128xf32>
    tpu.vector_store %arg4[%swap3A_436, %swap3A_437, %swap3A_438], %swap3A_441 {strides = array<i32>} : memref<100x16x128xf32, #tpu.memory_space<vmem>>, vector<1x16x128xf32>,
    %slice3A_442 = vector.extract_strided_slice %add3A_9 {offsets = [0, 7936], sizes = [16, 128], strides = [1, 1]} : vector<16x12800xf32> to vector<16x128xf32>
    %swap3A_443 = arith.constant 62 : index
    %swap3A_444 = arith.constant 0 : index
    %swap3A_445 = arith.constant 0 : index
    %swap3A_446 = vector.load %arg4[%swap3A_443, %swap3A_444, %swap3A_445] : memref<100x16x128xf32, #tpu.memory_space<vmem>>, vector<1x16x128xf32>
    %swap3A_447 = vector.shape_cast %swap3A_446 : vector<1x16x128xf32> to vector<16x128xf32>
    %swap3A_448 = vector.shape_cast %slice3A_442 : vector<16x128xf32> to vector<1x16x128xf32>
    tpu.vector_store %arg4[%swap3A_443, %swap3A_444, %swap3A_445], %swap3A_448 {strides = array<i32>} : memref<100x16x128xf32, #tpu.memory_space<vmem>>, vector<1x16x128xf32>,
    %slice3A_449 = vector.extract_strided_slice %add3A_9 {offsets = [0, 8064], sizes = [16, 128], strides = [1, 1]} : vector<16x12800xf32> to vector<16x128xf32>
    %swap3A_450 = arith.constant 63 : index
    %swap3A_451 = arith.constant 0 : index
    %swap3A_452 = arith.constant 0 : index
    %swap3A_453 = vector.load %arg4[%swap3A_450, %swap3A_451, %swap3A_452] : memref<100x16x128xf32, #tpu.memory_space<vmem>>, vector<1x16x128xf32>
    %swap3A_454 = vector.shape_cast %swap3A_453 : vector<1x16x128xf32> to vector<16x128xf32>
    %swap3A_455 = vector.shape_cast %slice3A_449 : vector<16x128xf32> to vector<1x16x128xf32>
    tpu.vector_store %arg4[%swap3A_450, %swap3A_451, %swap3A_452], %swap3A_455 {strides = array<i32>} : memref<100x16x128xf32, #tpu.memory_space<vmem>>, vector<1x16x128xf32>,
    %slice3A_456 = vector.extract_strided_slice %add3A_9 {offsets = [0, 8192], sizes = [16, 128], strides = [1, 1]} : vector<16x12800xf32> to vector<16x128xf32>
    %swap3A_457 = arith.constant 64 : index
    %swap3A_458 = arith.constant 0 : index
    %swap3A_459 = arith.constant 0 : index
    %swap3A_460 = vector.load %arg4[%swap3A_457, %swap3A_458, %swap3A_459] : memref<100x16x128xf32, #tpu.memory_space<vmem>>, vector<1x16x128xf32>
    %swap3A_461 = vector.shape_cast %swap3A_460 : vector<1x16x128xf32> to vector<16x128xf32>
    %swap3A_462 = vector.shape_cast %slice3A_456 : vector<16x128xf32> to vector<1x16x128xf32>
    tpu.vector_store %arg4[%swap3A_457, %swap3A_458, %swap3A_459], %swap3A_462 {strides = array<i32>} : memref<100x16x128xf32, #tpu.memory_space<vmem>>, vector<1x16x128xf32>,
    %slice3A_463 = vector.extract_strided_slice %add3A_9 {offsets = [0, 8320], sizes = [16, 128], strides = [1, 1]} : vector<16x12800xf32> to vector<16x128xf32>
    %swap3A_464 = arith.constant 65 : index
    %swap3A_465 = arith.constant 0 : index
    %swap3A_466 = arith.constant 0 : index
    %swap3A_467 = vector.load %arg4[%swap3A_464, %swap3A_465, %swap3A_466] : memref<100x16x128xf32, #tpu.memory_space<vmem>>, vector<1x16x128xf32>
    %swap3A_468 = vector.shape_cast %swap3A_467 : vector<1x16x128xf32> to vector<16x128xf32>
    %swap3A_469 = vector.shape_cast %slice3A_463 : vector<16x128xf32> to vector<1x16x128xf32>
    tpu.vector_store %arg4[%swap3A_464, %swap3A_465, %swap3A_466], %swap3A_469 {strides = array<i32>} : memref<100x16x128xf32, #tpu.memory_space<vmem>>, vector<1x16x128xf32>,
    %slice3A_470 = vector.extract_strided_slice %add3A_9 {offsets = [0, 8448], sizes = [16, 128], strides = [1, 1]} : vector<16x12800xf32> to vector<16x128xf32>
    %swap3A_471 = arith.constant 66 : index
    %swap3A_472 = arith.constant 0 : index
    %swap3A_473 = arith.constant 0 : index
    %swap3A_474 = vector.load %arg4[%swap3A_471, %swap3A_472, %swap3A_473] : memref<100x16x128xf32, #tpu.memory_space<vmem>>, vector<1x16x128xf32>
    %swap3A_475 = vector.shape_cast %swap3A_474 : vector<1x16x128xf32> to vector<16x128xf32>
    %swap3A_476 = vector.shape_cast %slice3A_470 : vector<16x128xf32> to vector<1x16x128xf32>
    tpu.vector_store %arg4[%swap3A_471, %swap3A_472, %swap3A_473], %swap3A_476 {strides = array<i32>} : memref<100x16x128xf32, #tpu.memory_space<vmem>>, vector<1x16x128xf32>,
    %slice3A_477 = vector.extract_strided_slice %add3A_9 {offsets = [0, 8576], sizes = [16, 128], strides = [1, 1]} : vector<16x12800xf32> to vector<16x128xf32>
    %swap3A_478 = arith.constant 67 : index
    %swap3A_479 = arith.constant 0 : index
    %swap3A_480 = arith.constant 0 : index
    %swap3A_481 = vector.load %arg4[%swap3A_478, %swap3A_479, %swap3A_480] : memref<100x16x128xf32, #tpu.memory_space<vmem>>, vector<1x16x128xf32>
    %swap3A_482 = vector.shape_cast %swap3A_481 : vector<1x16x128xf32> to vector<16x128xf32>
    %swap3A_483 = vector.shape_cast %slice3A_477 : vector<16x128xf32> to vector<1x16x128xf32>
    tpu.vector_store %arg4[%swap3A_478, %swap3A_479, %swap3A_480], %swap3A_483 {strides = array<i32>} : memref<100x16x128xf32, #tpu.memory_space<vmem>>, vector<1x16x128xf32>,
    %slice3A_484 = vector.extract_strided_slice %add3A_9 {offsets = [0, 8704], sizes = [16, 128], strides = [1, 1]} : vector<16x12800xf32> to vector<16x128xf32>
    %swap3A_485 = arith.constant 68 : index
    %swap3A_486 = arith.constant 0 : index
    %swap3A_487 = arith.constant 0 : index
    %swap3A_488 = vector.load %arg4[%swap3A_485, %swap3A_486, %swap3A_487] : memref<100x16x128xf32, #tpu.memory_space<vmem>>, vector<1x16x128xf32>
    %swap3A_489 = vector.shape_cast %swap3A_488 : vector<1x16x128xf32> to vector<16x128xf32>
    %swap3A_490 = vector.shape_cast %slice3A_484 : vector<16x128xf32> to vector<1x16x128xf32>
    tpu.vector_store %arg4[%swap3A_485, %swap3A_486, %swap3A_487], %swap3A_490 {strides = array<i32>} : memref<100x16x128xf32, #tpu.memory_space<vmem>>, vector<1x16x128xf32>,
    %slice3A_491 = vector.extract_strided_slice %add3A_9 {offsets = [0, 8832], sizes = [16, 128], strides = [1, 1]} : vector<16x12800xf32> to vector<16x128xf32>
    %swap3A_492 = arith.constant 69 : index
    %swap3A_493 = arith.constant 0 : index
    %swap3A_494 = arith.constant 0 : index
    %swap3A_495 = vector.load %arg4[%swap3A_492, %swap3A_493, %swap3A_494] : memref<100x16x128xf32, #tpu.memory_space<vmem>>, vector<1x16x128xf32>
    %swap3A_496 = vector.shape_cast %swap3A_495 : vector<1x16x128xf32> to vector<16x128xf32>
    %swap3A_497 = vector.shape_cast %slice3A_491 : vector<16x128xf32> to vector<1x16x128xf32>
    tpu.vector_store %arg4[%swap3A_492, %swap3A_493, %swap3A_494], %swap3A_497 {strides = array<i32>} : memref<100x16x128xf32, #tpu.memory_space<vmem>>, vector<1x16x128xf32>,
    %slice3A_498 = vector.extract_strided_slice %add3A_9 {offsets = [0, 8960], sizes = [16, 128], strides = [1, 1]} : vector<16x12800xf32> to vector<16x128xf32>
    %swap3A_499 = arith.constant 70 : index
    %swap3A_500 = arith.constant 0 : index
    %swap3A_501 = arith.constant 0 : index
    %swap3A_502 = vector.load %arg4[%swap3A_499, %swap3A_500, %swap3A_501] : memref<100x16x128xf32, #tpu.memory_space<vmem>>, vector<1x16x128xf32>
    %swap3A_503 = vector.shape_cast %swap3A_502 : vector<1x16x128xf32> to vector<16x128xf32>
    %swap3A_504 = vector.shape_cast %slice3A_498 : vector<16x128xf32> to vector<1x16x128xf32>
    tpu.vector_store %arg4[%swap3A_499, %swap3A_500, %swap3A_501], %swap3A_504 {strides = array<i32>} : memref<100x16x128xf32, #tpu.memory_space<vmem>>, vector<1x16x128xf32>,
    %slice3A_505 = vector.extract_strided_slice %add3A_9 {offsets = [0, 9088], sizes = [16, 128], strides = [1, 1]} : vector<16x12800xf32> to vector<16x128xf32>
    %swap3A_506 = arith.constant 71 : index
    %swap3A_507 = arith.constant 0 : index
    %swap3A_508 = arith.constant 0 : index
    %swap3A_509 = vector.load %arg4[%swap3A_506, %swap3A_507, %swap3A_508] : memref<100x16x128xf32, #tpu.memory_space<vmem>>, vector<1x16x128xf32>
    %swap3A_510 = vector.shape_cast %swap3A_509 : vector<1x16x128xf32> to vector<16x128xf32>
    %swap3A_511 = vector.shape_cast %slice3A_505 : vector<16x128xf32> to vector<1x16x128xf32>
    tpu.vector_store %arg4[%swap3A_506, %swap3A_507, %swap3A_508], %swap3A_511 {strides = array<i32>} : memref<100x16x128xf32, #tpu.memory_space<vmem>>, vector<1x16x128xf32>,
    %slice3A_512 = vector.extract_strided_slice %add3A_9 {offsets = [0, 9216], sizes = [16, 128], strides = [1, 1]} : vector<16x12800xf32> to vector<16x128xf32>
    %swap3A_513 = arith.constant 72 : index
    %swap3A_514 = arith.constant 0 : index
    %swap3A_515 = arith.constant 0 : index
    %swap3A_516 = vector.load %arg4[%swap3A_513, %swap3A_514, %swap3A_515] : memref<100x16x128xf32, #tpu.memory_space<vmem>>, vector<1x16x128xf32>
    %swap3A_517 = vector.shape_cast %swap3A_516 : vector<1x16x128xf32> to vector<16x128xf32>
    %swap3A_518 = vector.shape_cast %slice3A_512 : vector<16x128xf32> to vector<1x16x128xf32>
    tpu.vector_store %arg4[%swap3A_513, %swap3A_514, %swap3A_515], %swap3A_518 {strides = array<i32>} : memref<100x16x128xf32, #tpu.memory_space<vmem>>, vector<1x16x128xf32>,
    %slice3A_519 = vector.extract_strided_slice %add3A_9 {offsets = [0, 9344], sizes = [16, 128], strides = [1, 1]} : vector<16x12800xf32> to vector<16x128xf32>
    %swap3A_520 = arith.constant 73 : index
    %swap3A_521 = arith.constant 0 : index
    %swap3A_522 = arith.constant 0 : index
    %swap3A_523 = vector.load %arg4[%swap3A_520, %swap3A_521, %swap3A_522] : memref<100x16x128xf32, #tpu.memory_space<vmem>>, vector<1x16x128xf32>
    %swap3A_524 = vector.shape_cast %swap3A_523 : vector<1x16x128xf32> to vector<16x128xf32>
    %swap3A_525 = vector.shape_cast %slice3A_519 : vector<16x128xf32> to vector<1x16x128xf32>
    tpu.vector_store %arg4[%swap3A_520, %swap3A_521, %swap3A_522], %swap3A_525 {strides = array<i32>} : memref<100x16x128xf32, #tpu.memory_space<vmem>>, vector<1x16x128xf32>,
    %slice3A_526 = vector.extract_strided_slice %add3A_9 {offsets = [0, 9472], sizes = [16, 128], strides = [1, 1]} : vector<16x12800xf32> to vector<16x128xf32>
    %swap3A_527 = arith.constant 74 : index
    %swap3A_528 = arith.constant 0 : index
    %swap3A_529 = arith.constant 0 : index
    %swap3A_530 = vector.load %arg4[%swap3A_527, %swap3A_528, %swap3A_529] : memref<100x16x128xf32, #tpu.memory_space<vmem>>, vector<1x16x128xf32>
    %swap3A_531 = vector.shape_cast %swap3A_530 : vector<1x16x128xf32> to vector<16x128xf32>
    %swap3A_532 = vector.shape_cast %slice3A_526 : vector<16x128xf32> to vector<1x16x128xf32>
    tpu.vector_store %arg4[%swap3A_527, %swap3A_528, %swap3A_529], %swap3A_532 {strides = array<i32>} : memref<100x16x128xf32, #tpu.memory_space<vmem>>, vector<1x16x128xf32>,
    %slice3A_533 = vector.extract_strided_slice %add3A_9 {offsets = [0, 9600], sizes = [16, 128], strides = [1, 1]} : vector<16x12800xf32> to vector<16x128xf32>
    %swap3A_534 = arith.constant 75 : index
    %swap3A_535 = arith.constant 0 : index
    %swap3A_536 = arith.constant 0 : index
    %swap3A_537 = vector.load %arg4[%swap3A_534, %swap3A_535, %swap3A_536] : memref<100x16x128xf32, #tpu.memory_space<vmem>>, vector<1x16x128xf32>
    %swap3A_538 = vector.shape_cast %swap3A_537 : vector<1x16x128xf32> to vector<16x128xf32>
    %swap3A_539 = vector.shape_cast %slice3A_533 : vector<16x128xf32> to vector<1x16x128xf32>
    tpu.vector_store %arg4[%swap3A_534, %swap3A_535, %swap3A_536], %swap3A_539 {strides = array<i32>} : memref<100x16x128xf32, #tpu.memory_space<vmem>>, vector<1x16x128xf32>,
    %slice3A_540 = vector.extract_strided_slice %add3A_9 {offsets = [0, 9728], sizes = [16, 128], strides = [1, 1]} : vector<16x12800xf32> to vector<16x128xf32>
    %swap3A_541 = arith.constant 76 : index
    %swap3A_542 = arith.constant 0 : index
    %swap3A_543 = arith.constant 0 : index
    %swap3A_544 = vector.load %arg4[%swap3A_541, %swap3A_542, %swap3A_543] : memref<100x16x128xf32, #tpu.memory_space<vmem>>, vector<1x16x128xf32>
    %swap3A_545 = vector.shape_cast %swap3A_544 : vector<1x16x128xf32> to vector<16x128xf32>
    %swap3A_546 = vector.shape_cast %slice3A_540 : vector<16x128xf32> to vector<1x16x128xf32>
    tpu.vector_store %arg4[%swap3A_541, %swap3A_542, %swap3A_543], %swap3A_546 {strides = array<i32>} : memref<100x16x128xf32, #tpu.memory_space<vmem>>, vector<1x16x128xf32>,
    %slice3A_547 = vector.extract_strided_slice %add3A_9 {offsets = [0, 9856], sizes = [16, 128], strides = [1, 1]} : vector<16x12800xf32> to vector<16x128xf32>
    %swap3A_548 = arith.constant 77 : index
    %swap3A_549 = arith.constant 0 : index
    %swap3A_550 = arith.constant 0 : index
    %swap3A_551 = vector.load %arg4[%swap3A_548, %swap3A_549, %swap3A_550] : memref<100x16x128xf32, #tpu.memory_space<vmem>>, vector<1x16x128xf32>
    %swap3A_552 = vector.shape_cast %swap3A_551 : vector<1x16x128xf32> to vector<16x128xf32>
    %swap3A_553 = vector.shape_cast %slice3A_547 : vector<16x128xf32> to vector<1x16x128xf32>
    tpu.vector_store %arg4[%swap3A_548, %swap3A_549, %swap3A_550], %swap3A_553 {strides = array<i32>} : memref<100x16x128xf32, #tpu.memory_space<vmem>>, vector<1x16x128xf32>,
    %slice3A_554 = vector.extract_strided_slice %add3A_9 {offsets = [0, 9984], sizes = [16, 128], strides = [1, 1]} : vector<16x12800xf32> to vector<16x128xf32>
    %swap3A_555 = arith.constant 78 : index
    %swap3A_556 = arith.constant 0 : index
    %swap3A_557 = arith.constant 0 : index
    %swap3A_558 = vector.load %arg4[%swap3A_555, %swap3A_556, %swap3A_557] : memref<100x16x128xf32, #tpu.memory_space<vmem>>, vector<1x16x128xf32>
    %swap3A_559 = vector.shape_cast %swap3A_558 : vector<1x16x128xf32> to vector<16x128xf32>
    %swap3A_560 = vector.shape_cast %slice3A_554 : vector<16x128xf32> to vector<1x16x128xf32>
    tpu.vector_store %arg4[%swap3A_555, %swap3A_556, %swap3A_557], %swap3A_560 {strides = array<i32>} : memref<100x16x128xf32, #tpu.memory_space<vmem>>, vector<1x16x128xf32>,
    %slice3A_561 = vector.extract_strided_slice %add3A_9 {offsets = [0, 10112], sizes = [16, 128], strides = [1, 1]} : vector<16x12800xf32> to vector<16x128xf32>
    %swap3A_562 = arith.constant 79 : index
    %swap3A_563 = arith.constant 0 : index
    %swap3A_564 = arith.constant 0 : index
    %swap3A_565 = vector.load %arg4[%swap3A_562, %swap3A_563, %swap3A_564] : memref<100x16x128xf32, #tpu.memory_space<vmem>>, vector<1x16x128xf32>
    %swap3A_566 = vector.shape_cast %swap3A_565 : vector<1x16x128xf32> to vector<16x128xf32>
    %swap3A_567 = vector.shape_cast %slice3A_561 : vector<16x128xf32> to vector<1x16x128xf32>
    tpu.vector_store %arg4[%swap3A_562, %swap3A_563, %swap3A_564], %swap3A_567 {strides = array<i32>} : memref<100x16x128xf32, #tpu.memory_space<vmem>>, vector<1x16x128xf32>,
    %slice3A_568 = vector.extract_strided_slice %add3A_9 {offsets = [0, 10240], sizes = [16, 128], strides = [1, 1]} : vector<16x12800xf32> to vector<16x128xf32>
    %swap3A_569 = arith.constant 80 : index
    %swap3A_570 = arith.constant 0 : index
    %swap3A_571 = arith.constant 0 : index
    %swap3A_572 = vector.load %arg4[%swap3A_569, %swap3A_570, %swap3A_571] : memref<100x16x128xf32, #tpu.memory_space<vmem>>, vector<1x16x128xf32>
    %swap3A_573 = vector.shape_cast %swap3A_572 : vector<1x16x128xf32> to vector<16x128xf32>
    %swap3A_574 = vector.shape_cast %slice3A_568 : vector<16x128xf32> to vector<1x16x128xf32>
    tpu.vector_store %arg4[%swap3A_569, %swap3A_570, %swap3A_571], %swap3A_574 {strides = array<i32>} : memref<100x16x128xf32, #tpu.memory_space<vmem>>, vector<1x16x128xf32>,
    %slice3A_575 = vector.extract_strided_slice %add3A_9 {offsets = [0, 10368], sizes = [16, 128], strides = [1, 1]} : vector<16x12800xf32> to vector<16x128xf32>
    %swap3A_576 = arith.constant 81 : index
    %swap3A_577 = arith.constant 0 : index
    %swap3A_578 = arith.constant 0 : index
    %swap3A_579 = vector.load %arg4[%swap3A_576, %swap3A_577, %swap3A_578] : memref<100x16x128xf32, #tpu.memory_space<vmem>>, vector<1x16x128xf32>
    %swap3A_580 = vector.shape_cast %swap3A_579 : vector<1x16x128xf32> to vector<16x128xf32>
    %swap3A_581 = vector.shape_cast %slice3A_575 : vector<16x128xf32> to vector<1x16x128xf32>
    tpu.vector_store %arg4[%swap3A_576, %swap3A_577, %swap3A_578], %swap3A_581 {strides = array<i32>} : memref<100x16x128xf32, #tpu.memory_space<vmem>>, vector<1x16x128xf32>,
    %slice3A_582 = vector.extract_strided_slice %add3A_9 {offsets = [0, 10496], sizes = [16, 128], strides = [1, 1]} : vector<16x12800xf32> to vector<16x128xf32>
    %swap3A_583 = arith.constant 82 : index
    %swap3A_584 = arith.constant 0 : index
    %swap3A_585 = arith.constant 0 : index
    %swap3A_586 = vector.load %arg4[%swap3A_583, %swap3A_584, %swap3A_585] : memref<100x16x128xf32, #tpu.memory_space<vmem>>, vector<1x16x128xf32>
    %swap3A_587 = vector.shape_cast %swap3A_586 : vector<1x16x128xf32> to vector<16x128xf32>
    %swap3A_588 = vector.shape_cast %slice3A_582 : vector<16x128xf32> to vector<1x16x128xf32>
    tpu.vector_store %arg4[%swap3A_583, %swap3A_584, %swap3A_585], %swap3A_588 {strides = array<i32>} : memref<100x16x128xf32, #tpu.memory_space<vmem>>, vector<1x16x128xf32>,
    %slice3A_589 = vector.extract_strided_slice %add3A_9 {offsets = [0, 10624], sizes = [16, 128], strides = [1, 1]} : vector<16x12800xf32> to vector<16x128xf32>
    %swap3A_590 = arith.constant 83 : index
    %swap3A_591 = arith.constant 0 : index
    %swap3A_592 = arith.constant 0 : index
    %swap3A_593 = vector.load %arg4[%swap3A_590, %swap3A_591, %swap3A_592] : memref<100x16x128xf32, #tpu.memory_space<vmem>>, vector<1x16x128xf32>
    %swap3A_594 = vector.shape_cast %swap3A_593 : vector<1x16x128xf32> to vector<16x128xf32>
    %swap3A_595 = vector.shape_cast %slice3A_589 : vector<16x128xf32> to vector<1x16x128xf32>
    tpu.vector_store %arg4[%swap3A_590, %swap3A_591, %swap3A_592], %swap3A_595 {strides = array<i32>} : memref<100x16x128xf32, #tpu.memory_space<vmem>>, vector<1x16x128xf32>,
    %slice3A_596 = vector.extract_strided_slice %add3A_9 {offsets = [0, 10752], sizes = [16, 128], strides = [1, 1]} : vector<16x12800xf32> to vector<16x128xf32>
    %swap3A_597 = arith.constant 84 : index
    %swap3A_598 = arith.constant 0 : index
    %swap3A_599 = arith.constant 0 : index
    %swap3A_600 = vector.load %arg4[%swap3A_597, %swap3A_598, %swap3A_599] : memref<100x16x128xf32, #tpu.memory_space<vmem>>, vector<1x16x128xf32>
    %swap3A_601 = vector.shape_cast %swap3A_600 : vector<1x16x128xf32> to vector<16x128xf32>
    %swap3A_602 = vector.shape_cast %slice3A_596 : vector<16x128xf32> to vector<1x16x128xf32>
    tpu.vector_store %arg4[%swap3A_597, %swap3A_598, %swap3A_599], %swap3A_602 {strides = array<i32>} : memref<100x16x128xf32, #tpu.memory_space<vmem>>, vector<1x16x128xf32>,
    %slice3A_603 = vector.extract_strided_slice %add3A_9 {offsets = [0, 10880], sizes = [16, 128], strides = [1, 1]} : vector<16x12800xf32> to vector<16x128xf32>
    %swap3A_604 = arith.constant 85 : index
    %swap3A_605 = arith.constant 0 : index
    %swap3A_606 = arith.constant 0 : index
    %swap3A_607 = vector.load %arg4[%swap3A_604, %swap3A_605, %swap3A_606] : memref<100x16x128xf32, #tpu.memory_space<vmem>>, vector<1x16x128xf32>
    %swap3A_608 = vector.shape_cast %swap3A_607 : vector<1x16x128xf32> to vector<16x128xf32>
    %swap3A_609 = vector.shape_cast %slice3A_603 : vector<16x128xf32> to vector<1x16x128xf32>
    tpu.vector_store %arg4[%swap3A_604, %swap3A_605, %swap3A_606], %swap3A_609 {strides = array<i32>} : memref<100x16x128xf32, #tpu.memory_space<vmem>>, vector<1x16x128xf32>,
    %slice3A_610 = vector.extract_strided_slice %add3A_9 {offsets = [0, 11008], sizes = [16, 128], strides = [1, 1]} : vector<16x12800xf32> to vector<16x128xf32>
    %swap3A_611 = arith.constant 86 : index
    %swap3A_612 = arith.constant 0 : index
    %swap3A_613 = arith.constant 0 : index
    %swap3A_614 = vector.load %arg4[%swap3A_611, %swap3A_612, %swap3A_613] : memref<100x16x128xf32, #tpu.memory_space<vmem>>, vector<1x16x128xf32>
    %swap3A_615 = vector.shape_cast %swap3A_614 : vector<1x16x128xf32> to vector<16x128xf32>
    %swap3A_616 = vector.shape_cast %slice3A_610 : vector<16x128xf32> to vector<1x16x128xf32>
    tpu.vector_store %arg4[%swap3A_611, %swap3A_612, %swap3A_613], %swap3A_616 {strides = array<i32>} : memref<100x16x128xf32, #tpu.memory_space<vmem>>, vector<1x16x128xf32>,
    %slice3A_617 = vector.extract_strided_slice %add3A_9 {offsets = [0, 11136], sizes = [16, 128], strides = [1, 1]} : vector<16x12800xf32> to vector<16x128xf32>
    %swap3A_618 = arith.constant 87 : index
    %swap3A_619 = arith.constant 0 : index
    %swap3A_620 = arith.constant 0 : index
    %swap3A_621 = vector.load %arg4[%swap3A_618, %swap3A_619, %swap3A_620] : memref<100x16x128xf32, #tpu.memory_space<vmem>>, vector<1x16x128xf32>
    %swap3A_622 = vector.shape_cast %swap3A_621 : vector<1x16x128xf32> to vector<16x128xf32>
    %swap3A_623 = vector.shape_cast %slice3A_617 : vector<16x128xf32> to vector<1x16x128xf32>
    tpu.vector_store %arg4[%swap3A_618, %swap3A_619, %swap3A_620], %swap3A_623 {strides = array<i32>} : memref<100x16x128xf32, #tpu.memory_space<vmem>>, vector<1x16x128xf32>,
    %slice3A_624 = vector.extract_strided_slice %add3A_9 {offsets = [0, 11264], sizes = [16, 128], strides = [1, 1]} : vector<16x12800xf32> to vector<16x128xf32>
    %swap3A_625 = arith.constant 88 : index
    %swap3A_626 = arith.constant 0 : index
    %swap3A_627 = arith.constant 0 : index
    %swap3A_628 = vector.load %arg4[%swap3A_625, %swap3A_626, %swap3A_627] : memref<100x16x128xf32, #tpu.memory_space<vmem>>, vector<1x16x128xf32>
    %swap3A_629 = vector.shape_cast %swap3A_628 : vector<1x16x128xf32> to vector<16x128xf32>
    %swap3A_630 = vector.shape_cast %slice3A_624 : vector<16x128xf32> to vector<1x16x128xf32>
    tpu.vector_store %arg4[%swap3A_625, %swap3A_626, %swap3A_627], %swap3A_630 {strides = array<i32>} : memref<100x16x128xf32, #tpu.memory_space<vmem>>, vector<1x16x128xf32>,
    %slice3A_631 = vector.extract_strided_slice %add3A_9 {offsets = [0, 11392], sizes = [16, 128], strides = [1, 1]} : vector<16x12800xf32> to vector<16x128xf32>
    %swap3A_632 = arith.constant 89 : index
    %swap3A_633 = arith.constant 0 : index
    %swap3A_634 = arith.constant 0 : index
    %swap3A_635 = vector.load %arg4[%swap3A_632, %swap3A_633, %swap3A_634] : memref<100x16x128xf32, #tpu.memory_space<vmem>>, vector<1x16x128xf32>
    %swap3A_636 = vector.shape_cast %swap3A_635 : vector<1x16x128xf32> to vector<16x128xf32>
    %swap3A_637 = vector.shape_cast %slice3A_631 : vector<16x128xf32> to vector<1x16x128xf32>
    tpu.vector_store %arg4[%swap3A_632, %swap3A_633, %swap3A_634], %swap3A_637 {strides = array<i32>} : memref<100x16x128xf32, #tpu.memory_space<vmem>>, vector<1x16x128xf32>,
    %slice3A_638 = vector.extract_strided_slice %add3A_9 {offsets = [0, 11520], sizes = [16, 128], strides = [1, 1]} : vector<16x12800xf32> to vector<16x128xf32>
    %swap3A_639 = arith.constant 90 : index
    %swap3A_640 = arith.constant 0 : index
    %swap3A_641 = arith.constant 0 : index
    %swap3A_642 = vector.load %arg4[%swap3A_639, %swap3A_640, %swap3A_641] : memref<100x16x128xf32, #tpu.memory_space<vmem>>, vector<1x16x128xf32>
    %swap3A_643 = vector.shape_cast %swap3A_642 : vector<1x16x128xf32> to vector<16x128xf32>
    %swap3A_644 = vector.shape_cast %slice3A_638 : vector<16x128xf32> to vector<1x16x128xf32>
    tpu.vector_store %arg4[%swap3A_639, %swap3A_640, %swap3A_641], %swap3A_644 {strides = array<i32>} : memref<100x16x128xf32, #tpu.memory_space<vmem>>, vector<1x16x128xf32>,
    %slice3A_645 = vector.extract_strided_slice %add3A_9 {offsets = [0, 11648], sizes = [16, 128], strides = [1, 1]} : vector<16x12800xf32> to vector<16x128xf32>
    %swap3A_646 = arith.constant 91 : index
    %swap3A_647 = arith.constant 0 : index
    %swap3A_648 = arith.constant 0 : index
    %swap3A_649 = vector.load %arg4[%swap3A_646, %swap3A_647, %swap3A_648] : memref<100x16x128xf32, #tpu.memory_space<vmem>>, vector<1x16x128xf32>
    %swap3A_650 = vector.shape_cast %swap3A_649 : vector<1x16x128xf32> to vector<16x128xf32>
    %swap3A_651 = vector.shape_cast %slice3A_645 : vector<16x128xf32> to vector<1x16x128xf32>
    tpu.vector_store %arg4[%swap3A_646, %swap3A_647, %swap3A_648], %swap3A_651 {strides = array<i32>} : memref<100x16x128xf32, #tpu.memory_space<vmem>>, vector<1x16x128xf32>,
    %slice3A_652 = vector.extract_strided_slice %add3A_9 {offsets = [0, 11776], sizes = [16, 128], strides = [1, 1]} : vector<16x12800xf32> to vector<16x128xf32>
    %swap3A_653 = arith.constant 92 : index
    %swap3A_654 = arith.constant 0 : index
    %swap3A_655 = arith.constant 0 : index
    %swap3A_656 = vector.load %arg4[%swap3A_653, %swap3A_654, %swap3A_655] : memref<100x16x128xf32, #tpu.memory_space<vmem>>, vector<1x16x128xf32>
    %swap3A_657 = vector.shape_cast %swap3A_656 : vector<1x16x128xf32> to vector<16x128xf32>
    %swap3A_658 = vector.shape_cast %slice3A_652 : vector<16x128xf32> to vector<1x16x128xf32>
    tpu.vector_store %arg4[%swap3A_653, %swap3A_654, %swap3A_655], %swap3A_658 {strides = array<i32>} : memref<100x16x128xf32, #tpu.memory_space<vmem>>, vector<1x16x128xf32>,
    %slice3A_659 = vector.extract_strided_slice %add3A_9 {offsets = [0, 11904], sizes = [16, 128], strides = [1, 1]} : vector<16x12800xf32> to vector<16x128xf32>
    %swap3A_660 = arith.constant 93 : index
    %swap3A_661 = arith.constant 0 : index
    %swap3A_662 = arith.constant 0 : index
    %swap3A_663 = vector.load %arg4[%swap3A_660, %swap3A_661, %swap3A_662] : memref<100x16x128xf32, #tpu.memory_space<vmem>>, vector<1x16x128xf32>
    %swap3A_664 = vector.shape_cast %swap3A_663 : vector<1x16x128xf32> to vector<16x128xf32>
    %swap3A_665 = vector.shape_cast %slice3A_659 : vector<16x128xf32> to vector<1x16x128xf32>
    tpu.vector_store %arg4[%swap3A_660, %swap3A_661, %swap3A_662], %swap3A_665 {strides = array<i32>} : memref<100x16x128xf32, #tpu.memory_space<vmem>>, vector<1x16x128xf32>,
    %slice3A_666 = vector.extract_strided_slice %add3A_9 {offsets = [0, 12032], sizes = [16, 128], strides = [1, 1]} : vector<16x12800xf32> to vector<16x128xf32>
    %swap3A_667 = arith.constant 94 : index
    %swap3A_668 = arith.constant 0 : index
    %swap3A_669 = arith.constant 0 : index
    %swap3A_670 = vector.load %arg4[%swap3A_667, %swap3A_668, %swap3A_669] : memref<100x16x128xf32, #tpu.memory_space<vmem>>, vector<1x16x128xf32>
    %swap3A_671 = vector.shape_cast %swap3A_670 : vector<1x16x128xf32> to vector<16x128xf32>
    %swap3A_672 = vector.shape_cast %slice3A_666 : vector<16x128xf32> to vector<1x16x128xf32>
    tpu.vector_store %arg4[%swap3A_667, %swap3A_668, %swap3A_669], %swap3A_672 {strides = array<i32>} : memref<100x16x128xf32, #tpu.memory_space<vmem>>, vector<1x16x128xf32>,
    %slice3A_673 = vector.extract_strided_slice %add3A_9 {offsets = [0, 12160], sizes = [16, 128], strides = [1, 1]} : vector<16x12800xf32> to vector<16x128xf32>
    %swap3A_674 = arith.constant 95 : index
    %swap3A_675 = arith.constant 0 : index
    %swap3A_676 = arith.constant 0 : index
    %swap3A_677 = vector.load %arg4[%swap3A_674, %swap3A_675, %swap3A_676] : memref<100x16x128xf32, #tpu.memory_space<vmem>>, vector<1x16x128xf32>
    %swap3A_678 = vector.shape_cast %swap3A_677 : vector<1x16x128xf32> to vector<16x128xf32>
    %swap3A_679 = vector.shape_cast %slice3A_673 : vector<16x128xf32> to vector<1x16x128xf32>
    tpu.vector_store %arg4[%swap3A_674, %swap3A_675, %swap3A_676], %swap3A_679 {strides = array<i32>} : memref<100x16x128xf32, #tpu.memory_space<vmem>>, vector<1x16x128xf32>,
    %slice3A_680 = vector.extract_strided_slice %add3A_9 {offsets = [0, 12288], sizes = [16, 128], strides = [1, 1]} : vector<16x12800xf32> to vector<16x128xf32>
    %swap3A_681 = arith.constant 96 : index
    %swap3A_682 = arith.constant 0 : index
    %swap3A_683 = arith.constant 0 : index
    %swap3A_684 = vector.load %arg4[%swap3A_681, %swap3A_682, %swap3A_683] : memref<100x16x128xf32, #tpu.memory_space<vmem>>, vector<1x16x128xf32>
    %swap3A_685 = vector.shape_cast %swap3A_684 : vector<1x16x128xf32> to vector<16x128xf32>
    %swap3A_686 = vector.shape_cast %slice3A_680 : vector<16x128xf32> to vector<1x16x128xf32>
    tpu.vector_store %arg4[%swap3A_681, %swap3A_682, %swap3A_683], %swap3A_686 {strides = array<i32>} : memref<100x16x128xf32, #tpu.memory_space<vmem>>, vector<1x16x128xf32>,
    %slice3A_687 = vector.extract_strided_slice %add3A_9 {offsets = [0, 12416], sizes = [16, 128], strides = [1, 1]} : vector<16x12800xf32> to vector<16x128xf32>
    %swap3A_688 = arith.constant 97 : index
    %swap3A_689 = arith.constant 0 : index
    %swap3A_690 = arith.constant 0 : index
    %swap3A_691 = vector.load %arg4[%swap3A_688, %swap3A_689, %swap3A_690] : memref<100x16x128xf32, #tpu.memory_space<vmem>>, vector<1x16x128xf32>
    %swap3A_692 = vector.shape_cast %swap3A_691 : vector<1x16x128xf32> to vector<16x128xf32>
    %swap3A_693 = vector.shape_cast %slice3A_687 : vector<16x128xf32> to vector<1x16x128xf32>
    tpu.vector_store %arg4[%swap3A_688, %swap3A_689, %swap3A_690], %swap3A_693 {strides = array<i32>} : memref<100x16x128xf32, #tpu.memory_space<vmem>>, vector<1x16x128xf32>,
    %slice3A_694 = vector.extract_strided_slice %add3A_9 {offsets = [0, 12544], sizes = [16, 128], strides = [1, 1]} : vector<16x12800xf32> to vector<16x128xf32>
    %swap3A_695 = arith.constant 98 : index
    %swap3A_696 = arith.constant 0 : index
    %swap3A_697 = arith.constant 0 : index
    %swap3A_698 = vector.load %arg4[%swap3A_695, %swap3A_696, %swap3A_697] : memref<100x16x128xf32, #tpu.memory_space<vmem>>, vector<1x16x128xf32>
    %swap3A_699 = vector.shape_cast %swap3A_698 : vector<1x16x128xf32> to vector<16x128xf32>
    %swap3A_700 = vector.shape_cast %slice3A_694 : vector<16x128xf32> to vector<1x16x128xf32>
    tpu.vector_store %arg4[%swap3A_695, %swap3A_696, %swap3A_697], %swap3A_700 {strides = array<i32>} : memref<100x16x128xf32, #tpu.memory_space<vmem>>, vector<1x16x128xf32>,
    %slice3A_701 = vector.extract_strided_slice %add3A_9 {offsets = [0, 12672], sizes = [16, 128], strides = [1, 1]} : vector<16x12800xf32> to vector<16x128xf32>
    %swap3A_702 = arith.constant 99 : index
    %swap3A_703 = arith.constant 0 : index
    %swap3A_704 = arith.constant 0 : index
    %swap3A_705 = vector.load %arg4[%swap3A_702, %swap3A_703, %swap3A_704] : memref<100x16x128xf32, #tpu.memory_space<vmem>>, vector<1x16x128xf32>
    %swap3A_706 = vector.shape_cast %swap3A_705 : vector<1x16x128xf32> to vector<16x128xf32>
    %swap3A_707 = vector.shape_cast %slice3A_701 : vector<16x128xf32> to vector<1x16x128xf32>
    tpu.vector_store %arg4[%swap3A_702, %swap3A_703, %swap3A_704], %swap3A_707 {strides = array<i32>} : memref<100x16x128xf32, #tpu.memory_space<vmem>>, vector<1x16x128xf32>,
    return
  }
  func.func @transform_0(%arg0: i32) -> (i32, i32) {
    %c0_i32 = arith.constant 0 : i32
    %c0_i32_0 = arith.constant 0 : i32
    return %c0_i32, %arg0 : i32, i32
  }
  func.func @transform_1(%arg0: i32) -> (i32, i32) {
    %c0_i32 = arith.constant 0 : i32
    %c0_i32_0 = arith.constant 0 : i32
    %c0_i32_1 = arith.constant 0 : i32
    return %c0_i32, %c0_i32_0 : i32, i32
  }
  func.func @transform_2(%arg0: i32) -> (i32, i32) {
    %c0_i32 = arith.constant 0 : i32
    %c0_i32_0 = arith.constant 0 : i32
    %c0_i32_1 = arith.constant 0 : i32
    return %c0_i32, %c0_i32_0 : i32, i32
  }
  func.func @transform_3(%arg0: i32) -> (i32, i32, i32) {
    %c0_i32 = arith.constant 0 : i32
    %c0_i32_0 = arith.constant 0 : i32
    %c0_i32_1 = arith.constant 0 : i32
    return %arg0, %c0_i32, %c0_i32_0 : i32, i32, i32
  }
}

module attributes {stable_mosaic.version = 14 : i64} {
  func.func @_nodeup_body(%arg0: i32, %arg1: memref<1024x128xf32, #tpu.memory_space<vmem>>, %arg2: memref<16x4x8x128xf32, #tpu.memory_space<vmem>>, %arg3: memref<128x128xf32, #tpu.memory_space<vmem>>, %arg4: memref<16x128xf32, #tpu.memory_space<vmem>>, %arg5: memref<1x128xf32, #tpu.memory_space<vmem>>, %arg6: memref<1024x128xf32, #tpu.memory_space<vmem>>) attributes {dimension_semantics = [#tpu.dimension_semantics<arbitrary>], iteration_bounds = array<i64: 10>, scalar_prefetch = 0 : i64, scratch_operands = 0 : i64, tpu.core_type = #tpu.core_type<tc>, window_params = [{transform_indices = @transform_0, window_bounds = array<i64: 1024, 128>}, {transform_indices = @transform_1, window_bounds = array<i64: 16, 4, 8, 128>}, {pipeline_mode = #tpu.pipeline_mode<synchronous>, transform_indices = @transform_2, window_bounds = array<i64: 128, 128>}, {pipeline_mode = #tpu.pipeline_mode<synchronous>, transform_indices = @transform_3, window_bounds = array<i64: 16, 128>}, {pipeline_mode = #tpu.pipeline_mode<synchronous>, transform_indices = @transform_4, window_bounds = array<i64: 1, 128>}, {transform_indices = @transform_5, window_bounds = array<i64: 1024, 128>}]} {
    %get3A = arith.constant 0 : index
    %get3A_0 = arith.constant 0 : index
    %get3A_1 = vector.load %arg1[%get3A, %get3A_0] : memref<1024x128xf32, #tpu.memory_space<vmem>>, vector<1024x128xf32>
    %get3A_2 = arith.constant 0 : index
    %get3A_3 = arith.constant 0 : index
    %get3A_4 = vector.load %arg3[%get3A_2, %get3A_3] : memref<128x128xf32, #tpu.memory_space<vmem>>, vector<128x128xf32>
    %dot_general3A = arith.constant dense<0.000000e+00> : vector<1024x128xf32>
    %dot_general3A_5 = tpu.matmul %get3A_1, %get3A_4, %dot_general3A {dimension_numbers = #tpu.dot_dimension_numbers<[1], [0], [0], [1], [0, 0, 1, 1], [], []>, transpose_lhs_hint = false} : vector<1024x128xf32>, vector<128x128xf32>, vector<1024x128xf32> -> vector<1024x128xf32>
    %get3A_6 = arith.constant 0 : index
    %get3A_7 = arith.constant 0 : index
    %get3A_8 = arith.constant 0 : index
    %get3A_9 = arith.constant 0 : index
    %get3A_10 = vector.load %arg2[%get3A_6, %get3A_7, %get3A_8, %get3A_9] : memref<16x4x8x128xf32, #tpu.memory_space<vmem>>, vector<16x1x8x128xf32>
    %get3A_11 = vector.shape_cast %get3A_10 : vector<16x1x8x128xf32> to vector<16x8x128xf32>
    %get3A_12 = arith.constant 0 : index
    %get3A_13 = arith.constant 1 : index
    %get3A_14 = arith.constant 0 : index
    %get3A_15 = arith.constant 0 : index
    %get3A_16 = vector.load %arg2[%get3A_12, %get3A_13, %get3A_14, %get3A_15] : memref<16x4x8x128xf32, #tpu.memory_space<vmem>>, vector<16x1x8x128xf32>
    %get3A_17 = vector.shape_cast %get3A_16 : vector<16x1x8x128xf32> to vector<16x8x128xf32>
    %add3A = arith.addf %get3A_11, %get3A_17 : vector<16x8x128xf32>
    %get3A_18 = arith.constant 0 : index
    %get3A_19 = arith.constant 2 : index
    %get3A_20 = arith.constant 0 : index
    %get3A_21 = arith.constant 0 : index
    %get3A_22 = vector.load %arg2[%get3A_18, %get3A_19, %get3A_20, %get3A_21] : memref<16x4x8x128xf32, #tpu.memory_space<vmem>>, vector<16x1x8x128xf32>
    %get3A_23 = vector.shape_cast %get3A_22 : vector<16x1x8x128xf32> to vector<16x8x128xf32>
    %add3A_24 = arith.addf %add3A, %get3A_23 : vector<16x8x128xf32>
    %get3A_25 = arith.constant 0 : index
    %get3A_26 = arith.constant 3 : index
    %get3A_27 = arith.constant 0 : index
    %get3A_28 = arith.constant 0 : index
    %get3A_29 = vector.load %arg2[%get3A_25, %get3A_26, %get3A_27, %get3A_28] : memref<16x4x8x128xf32, #tpu.memory_space<vmem>>, vector<16x1x8x128xf32>
    %get3A_30 = vector.shape_cast %get3A_29 : vector<16x1x8x128xf32> to vector<16x8x128xf32>
    %add3A_31 = arith.addf %add3A_24, %get3A_30 : vector<16x8x128xf32>
    %slice3A = vector.extract_strided_slice %add3A_31 {offsets = [0, 0, 0], sizes = [16, 1, 128], strides = [1, 1, 1]} : vector<16x8x128xf32> to vector<16x1x128xf32>
    %squeeze3A = vector.shape_cast %slice3A : vector<16x1x128xf32> to vector<16x128xf32>
    %get3A_32 = arith.constant 0 : index
    %get3A_33 = arith.constant 0 : index
    %get3A_34 = vector.load %arg4[%get3A_32, %get3A_33] : memref<16x128xf32, #tpu.memory_space<vmem>>, vector<16x128xf32>
    %dot_general3A_35 = arith.constant dense<0.000000e+00> : vector<128x128xf32>
    %dot_general3A_36 = tpu.matmul %squeeze3A, %get3A_34, %dot_general3A_35 {dimension_numbers = #tpu.dot_dimension_numbers<[0], [0], [1], [1], [0, 1, 1, 1], [], []>, transpose_lhs_hint = false} : vector<16x128xf32>, vector<16x128xf32>, vector<128x128xf32> -> vector<128x128xf32>
    %slice3A_37 = vector.extract_strided_slice %dot_general3A_5 {offsets = [0, 0], sizes = [128, 128], strides = [1, 1]} : vector<1024x128xf32> to vector<128x128xf32>
    %add3A_38 = arith.addf %slice3A_37, %dot_general3A_36 : vector<128x128xf32>
    %get3A_39 = arith.constant 0 : index
    %get3A_40 = arith.constant 0 : index
    %get3A_41 = vector.load %arg5[%get3A_39, %get3A_40] : memref<1x128xf32, #tpu.memory_space<vmem>>, vector<1x128xf32>
    %add3A_42 = vector.broadcast %get3A_41 : vector<1x128xf32> to vector<128x128xf32>
    %add3A_43 = arith.addf %add3A_38, %add3A_42 : vector<128x128xf32>
    %max3A = arith.constant 0.000000e+00 : f32
    %max3A_44 = vector.broadcast %max3A : f32 to vector<128x128xf32>
    %max3A_45 = arith.maximumf %add3A_43, %max3A_44 : vector<128x128xf32>
    %swap3A = arith.constant 0 : index
    %swap3A_46 = arith.constant 0 : index
    %swap3A_47 = vector.load %arg6[%swap3A, %swap3A_46] : memref<1024x128xf32, #tpu.memory_space<vmem>>, vector<128x128xf32>
    tpu.vector_store %arg6[%swap3A, %swap3A_46], %max3A_45 {strides = array<i32>} : memref<1024x128xf32, #tpu.memory_space<vmem>>, vector<128x128xf32>,
    %slice3A_48 = vector.extract_strided_slice %add3A_31 {offsets = [0, 1, 0], sizes = [16, 1, 128], strides = [1, 1, 1]} : vector<16x8x128xf32> to vector<16x1x128xf32>
    %squeeze3A_49 = vector.shape_cast %slice3A_48 : vector<16x1x128xf32> to vector<16x128xf32>
    %get3A_50 = arith.constant 0 : index
    %get3A_51 = arith.constant 0 : index
    %get3A_52 = vector.load %arg4[%get3A_50, %get3A_51] : memref<16x128xf32, #tpu.memory_space<vmem>>, vector<16x128xf32>
    %dot_general3A_53 = arith.constant dense<0.000000e+00> : vector<128x128xf32>
    %dot_general3A_54 = tpu.matmul %squeeze3A_49, %get3A_52, %dot_general3A_53 {dimension_numbers = #tpu.dot_dimension_numbers<[0], [0], [1], [1], [0, 1, 1, 1], [], []>, transpose_lhs_hint = false} : vector<16x128xf32>, vector<16x128xf32>, vector<128x128xf32> -> vector<128x128xf32>
    %slice3A_55 = vector.extract_strided_slice %dot_general3A_5 {offsets = [128, 0], sizes = [128, 128], strides = [1, 1]} : vector<1024x128xf32> to vector<128x128xf32>
    %add3A_56 = arith.addf %slice3A_55, %dot_general3A_54 : vector<128x128xf32>
    %get3A_57 = arith.constant 0 : index
    %get3A_58 = arith.constant 0 : index
    %get3A_59 = vector.load %arg5[%get3A_57, %get3A_58] : memref<1x128xf32, #tpu.memory_space<vmem>>, vector<1x128xf32>
    %add3A_60 = vector.broadcast %get3A_59 : vector<1x128xf32> to vector<128x128xf32>
    %add3A_61 = arith.addf %add3A_56, %add3A_60 : vector<128x128xf32>
    %max3A_62 = arith.constant 0.000000e+00 : f32
    %max3A_63 = vector.broadcast %max3A_62 : f32 to vector<128x128xf32>
    %max3A_64 = arith.maximumf %add3A_61, %max3A_63 : vector<128x128xf32>
    %swap3A_65 = arith.constant 128 : index
    %swap3A_66 = arith.constant 0 : index
    %swap3A_67 = vector.load %arg6[%swap3A_65, %swap3A_66] : memref<1024x128xf32, #tpu.memory_space<vmem>>, vector<128x128xf32>
    tpu.vector_store %arg6[%swap3A_65, %swap3A_66], %max3A_64 {strides = array<i32>} : memref<1024x128xf32, #tpu.memory_space<vmem>>, vector<128x128xf32>,
    %slice3A_68 = vector.extract_strided_slice %add3A_31 {offsets = [0, 2, 0], sizes = [16, 1, 128], strides = [1, 1, 1]} : vector<16x8x128xf32> to vector<16x1x128xf32>
    %squeeze3A_69 = vector.shape_cast %slice3A_68 : vector<16x1x128xf32> to vector<16x128xf32>
    %get3A_70 = arith.constant 0 : index
    %get3A_71 = arith.constant 0 : index
    %get3A_72 = vector.load %arg4[%get3A_70, %get3A_71] : memref<16x128xf32, #tpu.memory_space<vmem>>, vector<16x128xf32>
    %dot_general3A_73 = arith.constant dense<0.000000e+00> : vector<128x128xf32>
    %dot_general3A_74 = tpu.matmul %squeeze3A_69, %get3A_72, %dot_general3A_73 {dimension_numbers = #tpu.dot_dimension_numbers<[0], [0], [1], [1], [0, 1, 1, 1], [], []>, transpose_lhs_hint = false} : vector<16x128xf32>, vector<16x128xf32>, vector<128x128xf32> -> vector<128x128xf32>
    %slice3A_75 = vector.extract_strided_slice %dot_general3A_5 {offsets = [256, 0], sizes = [128, 128], strides = [1, 1]} : vector<1024x128xf32> to vector<128x128xf32>
    %add3A_76 = arith.addf %slice3A_75, %dot_general3A_74 : vector<128x128xf32>
    %get3A_77 = arith.constant 0 : index
    %get3A_78 = arith.constant 0 : index
    %get3A_79 = vector.load %arg5[%get3A_77, %get3A_78] : memref<1x128xf32, #tpu.memory_space<vmem>>, vector<1x128xf32>
    %add3A_80 = vector.broadcast %get3A_79 : vector<1x128xf32> to vector<128x128xf32>
    %add3A_81 = arith.addf %add3A_76, %add3A_80 : vector<128x128xf32>
    %max3A_82 = arith.constant 0.000000e+00 : f32
    %max3A_83 = vector.broadcast %max3A_82 : f32 to vector<128x128xf32>
    %max3A_84 = arith.maximumf %add3A_81, %max3A_83 : vector<128x128xf32>
    %swap3A_85 = arith.constant 256 : index
    %swap3A_86 = arith.constant 0 : index
    %swap3A_87 = vector.load %arg6[%swap3A_85, %swap3A_86] : memref<1024x128xf32, #tpu.memory_space<vmem>>, vector<128x128xf32>
    tpu.vector_store %arg6[%swap3A_85, %swap3A_86], %max3A_84 {strides = array<i32>} : memref<1024x128xf32, #tpu.memory_space<vmem>>, vector<128x128xf32>,
    %slice3A_88 = vector.extract_strided_slice %add3A_31 {offsets = [0, 3, 0], sizes = [16, 1, 128], strides = [1, 1, 1]} : vector<16x8x128xf32> to vector<16x1x128xf32>
    %squeeze3A_89 = vector.shape_cast %slice3A_88 : vector<16x1x128xf32> to vector<16x128xf32>
    %get3A_90 = arith.constant 0 : index
    %get3A_91 = arith.constant 0 : index
    %get3A_92 = vector.load %arg4[%get3A_90, %get3A_91] : memref<16x128xf32, #tpu.memory_space<vmem>>, vector<16x128xf32>
    %dot_general3A_93 = arith.constant dense<0.000000e+00> : vector<128x128xf32>
    %dot_general3A_94 = tpu.matmul %squeeze3A_89, %get3A_92, %dot_general3A_93 {dimension_numbers = #tpu.dot_dimension_numbers<[0], [0], [1], [1], [0, 1, 1, 1], [], []>, transpose_lhs_hint = false} : vector<16x128xf32>, vector<16x128xf32>, vector<128x128xf32> -> vector<128x128xf32>
    %slice3A_95 = vector.extract_strided_slice %dot_general3A_5 {offsets = [384, 0], sizes = [128, 128], strides = [1, 1]} : vector<1024x128xf32> to vector<128x128xf32>
    %add3A_96 = arith.addf %slice3A_95, %dot_general3A_94 : vector<128x128xf32>
    %get3A_97 = arith.constant 0 : index
    %get3A_98 = arith.constant 0 : index
    %get3A_99 = vector.load %arg5[%get3A_97, %get3A_98] : memref<1x128xf32, #tpu.memory_space<vmem>>, vector<1x128xf32>
    %add3A_100 = vector.broadcast %get3A_99 : vector<1x128xf32> to vector<128x128xf32>
    %add3A_101 = arith.addf %add3A_96, %add3A_100 : vector<128x128xf32>
    %max3A_102 = arith.constant 0.000000e+00 : f32
    %max3A_103 = vector.broadcast %max3A_102 : f32 to vector<128x128xf32>
    %max3A_104 = arith.maximumf %add3A_101, %max3A_103 : vector<128x128xf32>
    %swap3A_105 = arith.constant 384 : index
    %swap3A_106 = arith.constant 0 : index
    %swap3A_107 = vector.load %arg6[%swap3A_105, %swap3A_106] : memref<1024x128xf32, #tpu.memory_space<vmem>>, vector<128x128xf32>
    tpu.vector_store %arg6[%swap3A_105, %swap3A_106], %max3A_104 {strides = array<i32>} : memref<1024x128xf32, #tpu.memory_space<vmem>>, vector<128x128xf32>,
    %slice3A_108 = vector.extract_strided_slice %add3A_31 {offsets = [0, 4, 0], sizes = [16, 1, 128], strides = [1, 1, 1]} : vector<16x8x128xf32> to vector<16x1x128xf32>
    %squeeze3A_109 = vector.shape_cast %slice3A_108 : vector<16x1x128xf32> to vector<16x128xf32>
    %get3A_110 = arith.constant 0 : index
    %get3A_111 = arith.constant 0 : index
    %get3A_112 = vector.load %arg4[%get3A_110, %get3A_111] : memref<16x128xf32, #tpu.memory_space<vmem>>, vector<16x128xf32>
    %dot_general3A_113 = arith.constant dense<0.000000e+00> : vector<128x128xf32>
    %dot_general3A_114 = tpu.matmul %squeeze3A_109, %get3A_112, %dot_general3A_113 {dimension_numbers = #tpu.dot_dimension_numbers<[0], [0], [1], [1], [0, 1, 1, 1], [], []>, transpose_lhs_hint = false} : vector<16x128xf32>, vector<16x128xf32>, vector<128x128xf32> -> vector<128x128xf32>
    %slice3A_115 = vector.extract_strided_slice %dot_general3A_5 {offsets = [512, 0], sizes = [128, 128], strides = [1, 1]} : vector<1024x128xf32> to vector<128x128xf32>
    %add3A_116 = arith.addf %slice3A_115, %dot_general3A_114 : vector<128x128xf32>
    %get3A_117 = arith.constant 0 : index
    %get3A_118 = arith.constant 0 : index
    %get3A_119 = vector.load %arg5[%get3A_117, %get3A_118] : memref<1x128xf32, #tpu.memory_space<vmem>>, vector<1x128xf32>
    %add3A_120 = vector.broadcast %get3A_119 : vector<1x128xf32> to vector<128x128xf32>
    %add3A_121 = arith.addf %add3A_116, %add3A_120 : vector<128x128xf32>
    %max3A_122 = arith.constant 0.000000e+00 : f32
    %max3A_123 = vector.broadcast %max3A_122 : f32 to vector<128x128xf32>
    %max3A_124 = arith.maximumf %add3A_121, %max3A_123 : vector<128x128xf32>
    %swap3A_125 = arith.constant 512 : index
    %swap3A_126 = arith.constant 0 : index
    %swap3A_127 = vector.load %arg6[%swap3A_125, %swap3A_126] : memref<1024x128xf32, #tpu.memory_space<vmem>>, vector<128x128xf32>
    tpu.vector_store %arg6[%swap3A_125, %swap3A_126], %max3A_124 {strides = array<i32>} : memref<1024x128xf32, #tpu.memory_space<vmem>>, vector<128x128xf32>,
    %slice3A_128 = vector.extract_strided_slice %add3A_31 {offsets = [0, 5, 0], sizes = [16, 1, 128], strides = [1, 1, 1]} : vector<16x8x128xf32> to vector<16x1x128xf32>
    %squeeze3A_129 = vector.shape_cast %slice3A_128 : vector<16x1x128xf32> to vector<16x128xf32>
    %get3A_130 = arith.constant 0 : index
    %get3A_131 = arith.constant 0 : index
    %get3A_132 = vector.load %arg4[%get3A_130, %get3A_131] : memref<16x128xf32, #tpu.memory_space<vmem>>, vector<16x128xf32>
    %dot_general3A_133 = arith.constant dense<0.000000e+00> : vector<128x128xf32>
    %dot_general3A_134 = tpu.matmul %squeeze3A_129, %get3A_132, %dot_general3A_133 {dimension_numbers = #tpu.dot_dimension_numbers<[0], [0], [1], [1], [0, 1, 1, 1], [], []>, transpose_lhs_hint = false} : vector<16x128xf32>, vector<16x128xf32>, vector<128x128xf32> -> vector<128x128xf32>
    %slice3A_135 = vector.extract_strided_slice %dot_general3A_5 {offsets = [640, 0], sizes = [128, 128], strides = [1, 1]} : vector<1024x128xf32> to vector<128x128xf32>
    %add3A_136 = arith.addf %slice3A_135, %dot_general3A_134 : vector<128x128xf32>
    %get3A_137 = arith.constant 0 : index
    %get3A_138 = arith.constant 0 : index
    %get3A_139 = vector.load %arg5[%get3A_137, %get3A_138] : memref<1x128xf32, #tpu.memory_space<vmem>>, vector<1x128xf32>
    %add3A_140 = vector.broadcast %get3A_139 : vector<1x128xf32> to vector<128x128xf32>
    %add3A_141 = arith.addf %add3A_136, %add3A_140 : vector<128x128xf32>
    %max3A_142 = arith.constant 0.000000e+00 : f32
    %max3A_143 = vector.broadcast %max3A_142 : f32 to vector<128x128xf32>
    %max3A_144 = arith.maximumf %add3A_141, %max3A_143 : vector<128x128xf32>
    %swap3A_145 = arith.constant 640 : index
    %swap3A_146 = arith.constant 0 : index
    %swap3A_147 = vector.load %arg6[%swap3A_145, %swap3A_146] : memref<1024x128xf32, #tpu.memory_space<vmem>>, vector<128x128xf32>
    tpu.vector_store %arg6[%swap3A_145, %swap3A_146], %max3A_144 {strides = array<i32>} : memref<1024x128xf32, #tpu.memory_space<vmem>>, vector<128x128xf32>,
    %slice3A_148 = vector.extract_strided_slice %add3A_31 {offsets = [0, 6, 0], sizes = [16, 1, 128], strides = [1, 1, 1]} : vector<16x8x128xf32> to vector<16x1x128xf32>
    %squeeze3A_149 = vector.shape_cast %slice3A_148 : vector<16x1x128xf32> to vector<16x128xf32>
    %get3A_150 = arith.constant 0 : index
    %get3A_151 = arith.constant 0 : index
    %get3A_152 = vector.load %arg4[%get3A_150, %get3A_151] : memref<16x128xf32, #tpu.memory_space<vmem>>, vector<16x128xf32>
    %dot_general3A_153 = arith.constant dense<0.000000e+00> : vector<128x128xf32>
    %dot_general3A_154 = tpu.matmul %squeeze3A_149, %get3A_152, %dot_general3A_153 {dimension_numbers = #tpu.dot_dimension_numbers<[0], [0], [1], [1], [0, 1, 1, 1], [], []>, transpose_lhs_hint = false} : vector<16x128xf32>, vector<16x128xf32>, vector<128x128xf32> -> vector<128x128xf32>
    %slice3A_155 = vector.extract_strided_slice %dot_general3A_5 {offsets = [768, 0], sizes = [128, 128], strides = [1, 1]} : vector<1024x128xf32> to vector<128x128xf32>
    %add3A_156 = arith.addf %slice3A_155, %dot_general3A_154 : vector<128x128xf32>
    %get3A_157 = arith.constant 0 : index
    %get3A_158 = arith.constant 0 : index
    %get3A_159 = vector.load %arg5[%get3A_157, %get3A_158] : memref<1x128xf32, #tpu.memory_space<vmem>>, vector<1x128xf32>
    %add3A_160 = vector.broadcast %get3A_159 : vector<1x128xf32> to vector<128x128xf32>
    %add3A_161 = arith.addf %add3A_156, %add3A_160 : vector<128x128xf32>
    %max3A_162 = arith.constant 0.000000e+00 : f32
    %max3A_163 = vector.broadcast %max3A_162 : f32 to vector<128x128xf32>
    %max3A_164 = arith.maximumf %add3A_161, %max3A_163 : vector<128x128xf32>
    %swap3A_165 = arith.constant 768 : index
    %swap3A_166 = arith.constant 0 : index
    %swap3A_167 = vector.load %arg6[%swap3A_165, %swap3A_166] : memref<1024x128xf32, #tpu.memory_space<vmem>>, vector<128x128xf32>
    tpu.vector_store %arg6[%swap3A_165, %swap3A_166], %max3A_164 {strides = array<i32>} : memref<1024x128xf32, #tpu.memory_space<vmem>>, vector<128x128xf32>,
    %slice3A_168 = vector.extract_strided_slice %add3A_31 {offsets = [0, 7, 0], sizes = [16, 1, 128], strides = [1, 1, 1]} : vector<16x8x128xf32> to vector<16x1x128xf32>
    %squeeze3A_169 = vector.shape_cast %slice3A_168 : vector<16x1x128xf32> to vector<16x128xf32>
    %get3A_170 = arith.constant 0 : index
    %get3A_171 = arith.constant 0 : index
    %get3A_172 = vector.load %arg4[%get3A_170, %get3A_171] : memref<16x128xf32, #tpu.memory_space<vmem>>, vector<16x128xf32>
    %dot_general3A_173 = arith.constant dense<0.000000e+00> : vector<128x128xf32>
    %dot_general3A_174 = tpu.matmul %squeeze3A_169, %get3A_172, %dot_general3A_173 {dimension_numbers = #tpu.dot_dimension_numbers<[0], [0], [1], [1], [0, 1, 1, 1], [], []>, transpose_lhs_hint = false} : vector<16x128xf32>, vector<16x128xf32>, vector<128x128xf32> -> vector<128x128xf32>
    %slice3A_175 = vector.extract_strided_slice %dot_general3A_5 {offsets = [896, 0], sizes = [128, 128], strides = [1, 1]} : vector<1024x128xf32> to vector<128x128xf32>
    %add3A_176 = arith.addf %slice3A_175, %dot_general3A_174 : vector<128x128xf32>
    %get3A_177 = arith.constant 0 : index
    %get3A_178 = arith.constant 0 : index
    %get3A_179 = vector.load %arg5[%get3A_177, %get3A_178] : memref<1x128xf32, #tpu.memory_space<vmem>>, vector<1x128xf32>
    %add3A_180 = vector.broadcast %get3A_179 : vector<1x128xf32> to vector<128x128xf32>
    %add3A_181 = arith.addf %add3A_176, %add3A_180 : vector<128x128xf32>
    %max3A_182 = arith.constant 0.000000e+00 : f32
    %max3A_183 = vector.broadcast %max3A_182 : f32 to vector<128x128xf32>
    %max3A_184 = arith.maximumf %add3A_181, %max3A_183 : vector<128x128xf32>
    %swap3A_185 = arith.constant 896 : index
    %swap3A_186 = arith.constant 0 : index
    %swap3A_187 = vector.load %arg6[%swap3A_185, %swap3A_186] : memref<1024x128xf32, #tpu.memory_space<vmem>>, vector<128x128xf32>
    tpu.vector_store %arg6[%swap3A_185, %swap3A_186], %max3A_184 {strides = array<i32>} : memref<1024x128xf32, #tpu.memory_space<vmem>>, vector<128x128xf32>,
    return
  }
  func.func @transform_0(%arg0: i32) -> (i32, i32) {
    %c0_i32 = arith.constant 0 : i32
    %c0_i32_0 = arith.constant 0 : i32
    return %arg0, %c0_i32 : i32, i32
  }
  func.func @transform_1(%arg0: i32) -> (i32, i32, i32, i32) {
    %c0_i32 = arith.constant 0 : i32
    %c0_i32_0 = arith.constant 0 : i32
    %c0_i32_1 = arith.constant 0 : i32
    %c0_i32_2 = arith.constant 0 : i32
    return %c0_i32, %c0_i32_0, %arg0, %c0_i32_1 : i32, i32, i32, i32
  }
  func.func @transform_2(%arg0: i32) -> (i32, i32) {
    %c0_i32 = arith.constant 0 : i32
    %c0_i32_0 = arith.constant 0 : i32
    %c0_i32_1 = arith.constant 0 : i32
    return %c0_i32, %c0_i32_0 : i32, i32
  }
  func.func @transform_3(%arg0: i32) -> (i32, i32) {
    %c0_i32 = arith.constant 0 : i32
    %c0_i32_0 = arith.constant 0 : i32
    %c0_i32_1 = arith.constant 0 : i32
    return %c0_i32, %c0_i32_0 : i32, i32
  }
  func.func @transform_4(%arg0: i32) -> (i32, i32) {
    %c0_i32 = arith.constant 0 : i32
    %c0_i32_0 = arith.constant 0 : i32
    %c0_i32_1 = arith.constant 0 : i32
    return %c0_i32, %c0_i32_0 : i32, i32
  }
  func.func @transform_5(%arg0: i32) -> (i32, i32) {
    %c0_i32 = arith.constant 0 : i32
    %c0_i32_0 = arith.constant 0 : i32
    return %arg0, %c0_i32 : i32, i32
  }
}

</mosaic_0001>

<sc_bundles>
// kernel: kernel.6.cloned.1.call-start
scs
__scs_entry_jumppad:
0x0: {  	(pc) =	sbr.rel $0x88, $3  }
0x1: {  	(tag) =	ssettag $0x0;
	lr =	simm.s32 $0x1  }
0x2: {  	[smem:$0x3F9A] =	sst lr;
	_ =	strace $0xD0000000  }
0x3: {  	_ = 	snop  }
0x4: {  	_ = 	snop  }
0x5: {  	_ = 	snop  }
0x6: {  	_ = 	snop  }
0x7: {  	_ = 	snop  }
__scs_overlays_trampoline_lowered:
0x8: {  	[smem:$0x3FA9] =	sst s0  }
0x9: {  	[smem:$0x3FAA] =	sst s1  }
0xa: {  	[smem:$0x3FAB] =	sst s2  }
0xb: {  	[smem:$0x3FAC] =	sst s3  }
0xc: {  	[smem:$0x3FAD] =	sst s4  }
0xd: {  	[smem:$0x3FAE] =	sst s5  }
0xe: {  	[smem:$0x3FAF] =	sst s6  }
0xf: {  	[smem:$0x3FB0] =	sst s7  }
0x10: {  	[smem:$0x3FB1] =	sst s8  }
0x11: {  	[smem:$0x3FB2] =	sst s9;
	s0 =	simm.s32 @!p0 $0x0  }
0x12: {  	s1 =	sld [smem:$0x3F98];
	s0 =	simm.s32 @p0 $0x1  }
0x13: {  	[smem:$0x3FB3] =	sst s0;
	s0 =	simm.s32 @!p1 $0x0  }
0x14: {  	s2 =	sld [smem:$0x3F97];
	s0 =	simm.s32 @p1 $0x1  }
0x15: {  	[smem:$0x3FB4] =	sst s0;
	s0 =	simm.s32 @!p2 $0x0  }
0x16: {  	s3 =	sld [smem:$0x3FDB];
	s0 =	simm.s32 @p2 $0x1  }
0x17: {  	s4 =	simm.s32 $0x1BF5;
	[smem:$0x3FB6] =	sst s0  }
0x18: {  	s0 =	sld [smem:$0x3F99];
	_ =	swait.ge [sflag:s4], $0x0  }
0x19: {  	s7 =	sld [smem:$0x3F9A]  }
0x1a: {  	s8 =	sadd.s32 $0xFFFFE003, lr  }
0x1b: {  	s9 =	sadd.s32 $0xFFFFFEF7, lr;
	s5 =	simm.s32 $0xFFFFFFFF;
	p2 =	slt.u32 s8, $0xFFFFF086  }
0x1c: {  	p1 =	slt.u32 s9, $0xF7A;
	s5 =	simm.s32 @!p2 $0x0  }
0x1d: {  	s5 =	simm.s32 @p1 $0x1;
	p0 =	seq.s32 s7, s2  }
0x1e: {  	s7 =	smul.u32 @!p0 $0xF7A, s2;
	p2 =	seq.s32 @!p0 s5, $0x0  }
0x1f: {  	s9 =	smul.u32 $0xF7A, s1;
	s8 =	simm.s32 @!p0 $0x1BF5;
	p2 =	por !p2, p0  }
0x20: {  	[sflag:s8] =	ssyncset.s32 @!p0 $0xFFFFF086;
	s6 =	sadd.s32 @!p0 s3, s7;
	s7 =	simm.s32 @!p0 $0x108  }
0x21: {  	s3 =	sadd.s32 s3, s9;
	s6 =	sadd.s32 @!p0 $0x88, s6;
	s7 =	simm.s32 @p2 $0x1082  }
0x22: {  	[simem:s7], [sflag:s8] =	dma.local @!p0 [hbm:s6], $0xF7A  }
0x23: {  	s9 =	sor.u32 $0xD0000000, s2;
	s6 =	simm.s32 $0x108;
	_ =	swait.ge @!p0 [sflag:s8], $0x0  }
0x24: {  	s3 =	sadd.s32 $0x88, s3;
	s6 =	simm.s32 @!p1 $0x1082;
	[sflag:s4] =	ssyncset.s32 $0xFFFFF086  }
0x25: {  	[simem:s6], [sflag:s4] =	dma.local [hbm:s3], $0xF7A  }
0x26: {  	[smem:$0x3F9A] =	sst s1;
	(tag) =	ssettag s2;
	_ =	strace s9  }
0x27: {  	s1 =	sld [smem:$0x3FAA]  }
0x28: {  	s2 =	sld [smem:$0x3FAB]  }
0x29: {  	s4 =	sld [smem:$0x3FAD]  }
0x2a: {  	p0 =	seq.s32 s5, $0x0;
	s5 =	sld [smem:$0x3FAE]  }
0x2b: {  	s6 =	sld [smem:$0x3FAF]  }
0x2c: {  	s7 =	sld [smem:$0x3FB0]  }
0x2d: {  	s3 =	simm.s32 $0x108;
	s8 =	sld [smem:$0x3FB1]  }
0x2e: {  	s3 =	simm.s32 @!p0 $0x1082;
	s9 =	sld [smem:$0x3FB2]  }
0x2f: {  	lr =	sadd.s32 s0, s3;
	s0 =	sld [smem:$0x3FA9]  }
0x30: {  	s3 =	sld [smem:$0x3FAC]  }
0x31: {  	[smem:$0x3FB5] =	sst s10  }
0x32: {  	s10 =	sld [smem:$0x3FB3];
	_ =	sdelay $0x3  }
0x33: {  	p0 =	seq.s32 s10, $0x1;
	s10 =	sld [smem:$0x3FB5];
	_ =	sdelay $0x3  }
0x34: {  	[smem:$0x3FB5] =	sst s10  }
0x35: {  	s10 =	sld [smem:$0x3FB4];
	_ =	sdelay $0x3  }
0x36: {  	p1 =	seq.s32 s10, $0x1;
	s10 =	sld [smem:$0x3FB5];
	_ =	sdelay $0x3  }
0x37: {  	[smem:$0x3FB5] =	sst s10  }
0x38: {  	s10 =	sld [smem:$0x3FB6]  }
0x39: {  	_ = 	snop;
	(pc) =	sbr.ind lr, $3  }
0x3a: {  	_ = 	snop  }
0x3b: {  	_ = 	snop  }
0x3c: {  	p2 =	seq.s32 s10, $0x1;
	s10 =	sld [smem:$0x3FB5]  }
0x3d: {  	_ =	shalt  }
0x3e: {  	_ =	shalt  }
0x3f: {  	_ =	shalt  }
0x40: {  	_ =	shalt  }
0x41: {  	_ =	shalt  }
0x42: {  	_ =	shalt  }
0x43: {  	_ =	shalt  }
0x44: {  	_ =	shalt  }
0x45: {  	_ =	shalt  }
0x46: {  	_ =	shalt  }
0x47: {  	_ =	shalt  }
0x48: {  	_ =	shalt  }
0x49: {  	_ =	shalt  }
0x4a: {  	_ =	shalt  }
0x4b: {  	_ =	shalt  }
0x4c: {  	_ =	shalt  }
0x4d: {  	_ =	shalt  }
0x4e: {  	_ =	shalt  }
0x4f: {  	_ =	shalt  }
0x50: {  	_ =	shalt  }
0x51: {  	_ =	shalt  }
0x52: {  	_ =	shalt  }
0x53: {  	_ =	shalt  }
0x54: {  	_ =	shalt  }
0x55: {  	_ =	shalt  }
0x56: {  	_ =	shalt  }
0x57: {  	_ =	shalt  }
0x58: {  	_ =	shalt  }
0x59: {  	_ =	shalt  }
0x5a: {  	_ =	shalt  }
0x5b: {  	_ =	shalt  }
0x5c: {  	_ =	shalt  }
0x5d: {  	_ =	shalt  }
0x5e: {  	_ =	shalt  }
0x5f: {  	_ =	shalt  }
0x60: {  	_ =	shalt  }
0x61: {  	_ =	shalt  }
0x62: {  	_ =	shalt  }
0x63: {  	_ =	shalt  }
0x64: {  	_ =	shalt  }
0x65: {  	_ =	shalt  }
0x66: {  	_ =	shalt  }
0x67: {  	_ =	shalt  }
0x68: {  	_ =	shalt  }
0x69: {  	_ =	shalt  }
0x6a: {  	_ =	shalt  }
0x6b: {  	_ =	shalt  }
0x6c: {  	_ =	shalt  }
0x6d: {  	_ =	shalt  }
0x6e: {  	_ =	shalt  }
0x6f: {  	_ =	shalt  }
0x70: {  	_ =	shalt  }
0x71: {  	_ =	shalt  }
0x72: {  	_ =	shalt  }
0x73: {  	_ =	shalt  }
0x74: {  	_ =	shalt  }
0x75: {  	_ =	shalt  }
0x76: {  	_ =	shalt  }
0x77: {  	_ =	shalt  }
0x78: {  	_ =	shalt  }
0x79: {  	_ =	shalt  }
0x7a: {  	_ =	shalt  }
0x7b: {  	_ =	shalt  }
0x7c: {  	_ =	shalt  }
0x7d: {  	_ =	shalt  }
0x7e: {  	_ =	shalt  }
0x7f: {  	_ =	shalt  }
0x80: {  	_ =	shalt  }
0x81: {  	_ =	shalt  }
0x82: {  	_ =	shalt  }
0x83: {  	_ =	shalt  }
0x84: {  	_ =	shalt  }
0x85: {  	_ =	shalt  }
0x86: {  	_ =	shalt  }
0x87: {  	_ =	shalt  }
.Lfunc_end0:
.L_simem_size_0:
called_computation_lowered:
.L_overlay_start_0:
0x88: {  	s2 =	sld [smem:$0x3FD9]  }
0x89: {  	s3 =	sld [smem:$0x3FFE];
	_ =	sdelay $0x1  }
0x8a: {  	s1 =	srdreg.scid  }
0x8b: {  	s0 =	sand.u32 $0x1, s1  }
0x8c: {  	s17 =	sshll.u32 s0, $0xA;
	s2 =	sadd.s32 s3, s2  }
0x8d: {  	s2 =	sadd.s32 s2, s17  }
0x8e: {  	[smem:$0x3FC1] =	sst s2  }
0x8f: {  	_ = 	snop  }
0x90: {  	s2 =	sld [smem:$0x3FD0];
	(tm) =	ssettm $0x1  }
0x91: {  	s18 =	sld [smem:$0x3FFB];
	_ =	sdelay $0x3  }
0x92: {  	_ =	strace s18  }
0x93: {  	s3 =	sld [smem:$0x3FFC];
	_ =	sdelay $0x3  }
0x94: {  	_ =	strace s3  }
0x95: {  	s3 =	sld [smem:$0x3FFD];
	_ =	sdelay $0x3  }
0x96: {  	_ =	strace s3  }
0x97: {  	_ =	strace $0x8FFFFFFF  }
0x98: {  	s19 =	sld [smem:$0x3FDB];
	_ =	sdelay $0x1  }
0x99: {  	s4 =	simm.s32 $_scs_section_size  }
0x9a: {  	s5 =	simm.s32 $_size__tile_overlayer_lowered;
	s6 =	simm.s32 $_tile_overlayer_lowered  }
0x9b: {  	s22 =	simm.s32 $0x1BFF;
	s21 =	sshll.u32 s6, $0x1;
	s3 =	sadd.s32 s4, s19  }
0x9c: {  	s7 =	simm.s32 $0x0;
	s20 =	sshll.u32 s5, $0x1;
	s5 =	sadd.s32 s21, s3  }
0x9d: {  	[timem:s7], [sflag:s22] =	dma.local [hbm:s5], s20  }
0x9e: {  	_ =	swait.ge [sflag:s22], s20  }
0x9f: {  	s4 =	ssub.s32 $0x0, s20;
	[sflag:s22] =	ssyncset.done $0x0  }
0xa0: {  	[sflag:s22] =	ssyncadd.s32 s4;
	_ =	sdelay $0x1  }
0xa1: {  	s23 =	simm.s32 $0x1B8B  }
0xa2: {  	_ =	swait.ge [sflag:s23], $0x1  }
0xa3: {  	[sflag:s23] =	ssyncset.done $0x0  }
0xa4: {  	s25 =	simm.s32 $0x1B8E;
	s24 =	sld [smem:$0x3FFE];
	[sflag:s23] =	ssyncadd.s32 $0xFFFFFFFF  }
0xa5: {  	s26 =	simm.s32 $execute0_lowered;
	[smem:$0x3FD2] =	sst s25  }
0xa6: {  	s5 =	sshll.u32 s26, $0x1;
	_ =	strace $0x80000046;
	[dreg:$0x1] =	wrdreg $0xFFFFFFFF  }
0xa7: {  	s28 =	simm.s32 $_size_execute0_lowered;
	s3 =	sadd.s32 s3, s5;
	[dreg:$0x0] =	wrdreg $0x0  }
0xa8: {  	s5 =	sshll.u32 s28, $0x1;
	[dreg:$0x2] =	wrdreg s3  }
0xa9: {  	[dreg:$0x3] =	wrdreg s5  }
0xaa: {  	[dreg:$0x4] =	wrdreg $0xC0  }
0xab: {  	_ =	task [dreg:s7], $0x5FFFF  }
0xac: {  	[dreg:$0x1] =	wrdreg $0xFFFFFFFF  }
0xad: {  	[dreg:$0x0] =	wrdreg $0x60  }
0xae: {  	[dreg:$0x2] =	wrdreg s24  }
0xaf: {  	[dreg:$0x3] =	wrdreg s2  }
0xb0: {  	[dreg:$0x4] =	wrdreg $0x9  }
0xb1: {  	_ =	task.clear_ibuf [dreg:s7], $0x5FFFF;
	_ =	strace $0x90000046  }
0xb2: {  	s29 =	simm.s32 $0x9;
	_ =	strace $0x80000048  }
0xb3: {  	_ =	swait.ge [sflag:s29], $0x1  }
0xb4: {  	[sflag:s29] =	ssyncadd.s32 $0xFFFFFFFF  }
0xb5: {  	_ =	strace $0x90000048  }
0xb6: {  	_ =	sfence  }
0xb7: {  	s30 =	sld [smem:$0x0];
	_ =	sdelay $0x2  }
0xb8: {  	s31 =	sshll.u32 s1, $0xD;
	s1 =	sshrl.u32 s1, $0x2  }
0xb9: {  	s3 =	sand.u32 $0x4000, s31;
	s1 =	sadd.s32 s1, s30  }
0xba: {  	s0 =	sor.u32 s3, s0;
	s1 =	sshll.u32 s1, $0x11  }
0xbb: {  	s0 =	sor.u32 s1, s0  }
0xbc: {  	s0 =	sadd.s32 $0x8F2B, s0  }
0xbd: {  	[sflag:s0] =	ssyncadd.remote.s32 $0x1  }
0xbe: {  	_ =	sfence.sel $0xFFFF  }
0xbf: {  	[dreg:$0x0] =	wrdreg $0xFFFFFFFF;
	(pc) =	sbr.abs _section_cstart, $3  }
0xc0: {  	[dreg:$0x1] =	wrdreg $0xFFFFFFFF  }
0xc1: {  	_ =	task.clear_ibuf [dreg:s7], $0x2FFFF;
	_ =	strace $0x9FFFFFFF  }
0xc2: {  	(tm) =	ssettm $0x7FFFFFFF  }
0xc3: {  	_ =	shalt  }
tec
execute0_lowered:
.L_overlay_start_1:
0x0: {  	(tag) =	ssettag $0x1  }
0x1: {  	s0 =	rddreg [dreg:$0x0]  }
0x2: {  	s1 =	rddreg [dreg:$0x1]  }
0x3: {  	s7 =	stileid.u32;
	s2 =	simm.s32 $0x0;
	s3 =	srdreg.scid  }
0x4: {  	s28 =	simm.s32 $0xFC80;
	s29 =	simm.s32 $0x100;
	s30 =	simm.s32 $0x800  }
0x5: {  	s31 =	simm.s32 $0x10900;
	s4 =	sshll.u32 s7, $0x1;
	s13 =	sshrl.u32 s7, $0x2  }
0x6: {  	[smem:$0x7FF] =	sst s2;
	s6 =	sand.u32 $0x1, s3;
	s7 =	smul.u32 $0x13880, s13  }
0x7: {  	s3 =	sadd.s32 $0xAA00, s0;
	s25 =	sand.u32 $0x6, s4;
	s17 =	smul.u32 $0x138800, s13  }
0x8: {  	s11 =	sadd.s32 $0x14800, s0;
	s20 =	smul.u32 $0x2800, s13;
	s9 =	sor.u32 s6, s25  }
0x9: {  	s5 =	sadd.s32 $0x1E800, s0;
	_ =	strace $0x80000047;
	s10 =	smul.u32 $0xA00, s9  }
0xa: {  	s4 =	sadd.s32 $0xC00, s0;
	s0 =	sadd.s32 $0xBAC00, s0;
	s8 =	smul.u32 $0x5000, s9  }
0xb: {  	s26 =	ssub.s32 $0x2, s6;
	s12 =	sshllo.u32 s9, $0x1;
	s19 =	smul.u32 $0x14000, s9  }
0xc: {  	[dreg:$0x3] =	wrdreg s0;
	s6 =	sshrl.u32 s26, $0x1;
	s14 =	smul.u32 $0x500, s12  }
0xd: {  	s0 =	ssub.s32 s26, s6;
	s21 =	sshrl.u32 s7, $0x3;
	s22 =	smul.u32 $0xA000, s12  }
0xe: {  	s23 =	sadd.s32 s3, s21;
	s0 =	smax.u32 s0, $0x1;
	s15 =	sshrl.u32 s8, $0x3  }
0xf: {  	s8 =	smul.u32 $0x271, s13;
	s10 =	sadd.s32 s11, s10;
	[dreg:$0x8] =	wrdreg s23  }
0x10: {  	s13 =	sshll.u32 s9, $0x8;
	[dreg:$0xd] =	wrdreg s0;
	s23 =	simm.s32 $0x7800  }
0x11: {  	s0 =	simm.s32 $0x2;
	s16 =	sadd.s32 s11, s15;
	[dreg:$0x4] =	wrdreg s10  }
0x12: {  	s11 =	sadd.s32 s11, s14;
	s24 =	sor.u32 s17, s13;
	s10 =	sadd.s32 s20, s19  }
0x13: {  	s14 =	simm.s32 $0x0;
	s18 =	sadd.s32 $0x5000, s16;
	[dreg:$0x6] =	wrdreg s11  }
0x14: {  	s6 =	sadd.s32 $0x5500, s16;
	s11 =	sadd.s32 s4, s21;
	[dreg:$0x5] =	wrdreg s18  }
0x15: {  	s26 =	sshrl.u32 s10, $0x3;
	s21 =	simm.s32 $0xA000;
	[dreg:$0x7] =	wrdreg s6  }
0x16: {  	s10 =	simm.s32 $0x13B00;
	[dreg:$0x9] =	wrdreg s11;
	s11 =	sshrl.u32 s24, $0x3  }
0x17: {  	s6 =	sadd.s32 s20, s22;
	s9 =	sadd.s32 s1, s26;
	s20 =	simm.s32 $0x5000  }
0x18: {  	s22 =	simm.s32 $0x2800;
	s24 =	simm.s32 $0xC800;
	s26 =	simm.s32 $0xF000  }
0x19: {  	s25 =	sadd.s32 s5, s11;
	s6 =	sshrl.u32 s6, $0x3;
	[dreg:$0xb] =	wrdreg s9  }
0x1a: {  	s9 =	simm.s32 $0x12E80;
	[dreg:$0xa] =	wrdreg s25;
	s1 =	sadd.s32 s1, s6  }
0x1b: {  	s11 =	simm.s32 $0x3;
	[dreg:$0xc] =	wrdreg s1;
	s1 =	simm.s32 $0x12200  }
.LBB2_1:
0x1c: {  	[dreg:$0xe] =	wrdreg s14  }
0x1d: {  	s6 =	rddreg [dreg:$0x4]  }
0x1e: {  	[tilespmem:s2], [sflag:$0x1] =	stream.linear.gather [hbm4b:s6+s2], $0x2800, $0x38;
	[tilespmem:$0x15400] =	vst v63  }
0x1f: {  	s14 =	rddreg [dreg:$0x5]  }
0x20: {  	[tilespmem:s20], [sflag:$0x1] =	stream.linear.gather [hbm4b:s14+s2], $0x2800, $0x38;
	[tilespmem:$0x15400] =	vst v63  }
0x21: {  	s15 =	rddreg [dreg:$0x3]  }
0x22: {  	[tilespmem:s21], [sflag:$0x1] =	stream.linear.gather [hbm4b:s15+s2], $0x2800, $0x38;
	[tilespmem:$0x15400] =	vst v63  }
0x23: {  	s12 =	rddreg [dreg:$0x6]  }
0x24: {  	[tilespmem:s22], [sflag:$0x1] =	stream.linear.gather [hbm4b:s12+s2], $0x2800, $0x38;
	[tilespmem:$0x15400] =	vst v63  }
0x25: {  	s16 =	rddreg [dreg:$0x7]  }
0x26: {  	[tilespmem:s23], [sflag:$0x1] =	stream.linear.gather [hbm4b:s16+s2], $0x2800, $0x38;
	[tilespmem:$0x15400] =	vst v63  }
0x27: {  	s17 =	simm.s32 $0x1  }
0x28: {  	[tilespmem:s24], [sflag:$0x1] =	stream.linear.gather [hbm4b:s15+s2], $0x2800, $0x38;
	[tilespmem:$0x15400] =	vst v63  }
0x29: {  	_ =	swait.ge [sflag:s17], $0x2800  }
0x2a: {  	[sflag:s17] =	ssyncset.done $0x0  }
0x2b: {  	[sflag:s17] =	ssyncadd.s32 $0xFFFFD800  }
0x2c: {  	_ =	swait.ge [sflag:s17], $0x2800  }
0x2d: {  	[sflag:s17] =	ssyncset.done $0x0  }
0x2e: {  	[sflag:s17] =	ssyncadd.s32 $0xFFFFD800  }
0x2f: {  	_ =	swait.ge [sflag:s17], $0x2800  }
0x30: {  	[sflag:s17] =	ssyncset.done $0x0  }
0x31: {  	[sflag:s17] =	ssyncadd.s32 $0xFFFFD800  }
0x32: {  	_ =	swait.ge [sflag:s17], $0x2800  }
0x33: {  	[sflag:s17] =	ssyncset.done $0x0  }
0x34: {  	[sflag:s17] =	ssyncadd.s32 $0xFFFFD800  }
0x35: {  	_ =	swait.ge [sflag:s17], $0x2800  }
0x36: {  	[sflag:s17] =	ssyncset.done $0x0  }
0x37: {  	[sflag:s17] =	ssyncadd.s32 $0xFFFFD800  }
0x38: {  	_ =	swait.ge [sflag:s17], $0x2800  }
0x39: {  	[sflag:s17] =	ssyncset.done $0x0  }
0x3a: {  	s18 =	rddreg [dreg:$0x8];
	[sflag:s17] =	ssyncadd.s32 $0xFFFFD800  }
0x3b: {  	[tilespmem:s26], [sflag:$0x2] =	stream.linear.gather [hbm4b:s18+s2], $0xC80, $0x38;
	[tilespmem:$0x15400] =	vst v63  }
0x3c: {  	s19 =	rddreg [dreg:$0x9]  }
0x3d: {  	[tilespmem:s28], [sflag:$0x2] =	stream.linear.gather [hbm4b:s19+s2], $0xC80, $0x38;
	[tilespmem:$0x15400] =	vst v63  }
0x3e: {  	s15 =	simm.s32 $0x0;
	s25 =	rddreg [dreg:$0xa]  }
0x3f: {  	[tilespmem:s31], [sflag:$0x2] =	stream.strided.gather [hbm4b:s25+s29], $0x1900, s30, s29, $0x38;
	[tilespmem:$0x15400] =	vst v63  }
.LBB2_2:
0x40: {  	_ =	swait.ge [sflag:s0], $0xC80  }
0x41: {  	[sflag:s0] =	ssyncset.done $0x0  }
0x42: {  	s6 =	sshllo.u32 s15, $0x1;
	[sflag:s0] =	ssyncadd.s32 $0xFFFFF380  }
0x43: {  	s12 =	smul.u32 $0xC80, s6;
	_ =	swait.ge [sflag:s0], $0xC80  }
0x44: {  	s6 =	smul.u32 $0x19, s6;
	[sflag:s0] =	ssyncset.done $0x0  }
0x45: {  	[sflag:s0] =	ssyncadd.s32 $0xFFFFF380  }
0x46: {  	s12 =	sadd.s32 s7, s12;
	s6 =	sadd.s32 s8, s6;
	_ =	swait.ge [sflag:s0], $0x1900  }
0x47: {  	s12 =	sshrl.u32 s12, $0x3;
	s6 =	sshll.u32 s6, $0xB;
	[sflag:s0] =	ssyncset.done $0x0  }
0x48: {  	s14 =	sadd.s32 s3, s12;
	s6 =	sor.u32 s13, s6;
	[sflag:s0] =	ssyncadd.s32 $0xFFFFE700  }
0x49: {  	[tilespmem:s1], [sflag:$0x3] =	stream.linear.gather [hbm4b:s14+s2], $0xC80, $0x38;
	[tilespmem:$0x15400] =	vst v63  }
0x4a: {  	s12 =	sadd.s32 s4, s12;
	s6 =	sshrl.u32 s6, $0x3  }
0x4b: {  	[tilespmem:s9], [sflag:$0x3] =	stream.linear.gather [hbm4b:s12+s2], $0xC80, $0x38;
	[tilespmem:$0x15400] =	vst v63  }
0x4c: {  	s16 =	simm.s32 $0xF100;
	s6 =	sadd.s32 s5, s6  }
0x4d: {  	[tilespmem:s10], [sflag:$0x3] =	stream.strided.gather [hbm4b:s6+s29], $0x1900, s30, s29, $0x38;
	[tilespmem:$0x15400] =	vst v63  }
0x4e: {  	v0 =	vld [tilespmem:s16+$0x80]  }
0x4f: {  	s17 =	simm.s32 $0xFD80  }
0x50: {  	v1 =	vld [tilespmem:s17+$0x80];
	_ =	sdelay $0x3  }
0x51: {  	s18 =	simm.s32 $0x10B00  }
0x52: {  	v3 =	vld [tilespmem:s18+$0x100]  }
0x53: {  	v2 =	vld.idx.msk [tilespmem:v0+s2+$0x0], $0xffff;
	_ =	sdelay $0x1  }
0x54: {  	v4 =	vld.idx.msk [tilespmem:v1+s20+$0x0], $0xffff;
	_ =	sdelay $0x2  }
0x55: {  	v5 =	vld [tilespmem:s16+$0xFFFFFF80];
	v2 =	vadd.f32 v2, v3  }
0x56: {  	v6 =	vld [tilespmem:s16+$0xFFFFFF00]  }
0x57: {  	v7 =	vld [tilespmem:s17+$0xFFFFFF80];
	v2 =	vadd.f32 v4, v2  }
0x58: {  	v3 =	vld [tilespmem:s16+$0x0]  }
0x59: {  	v4 =	vld [tilespmem:s17+$0xFFFFFF00];
	v2 =	vmax.f32 v2, $0.0e+00  }
0x5a: {  	[tilespmem:v1+s21+$0x0] =	vst.idx.add.f32.msk $0xffff, v2  }
0x5b: {  	v0 =	vld.idx.msk [tilespmem:v0+s22+$0x0], $0xffff  }
0x5c: {  	v2 =	vld [tilespmem:s18+$0x180]  }
0x5d: {  	v8 =	vld [tilespmem:s17+$0x0]  }
0x5e: {  	v9 =	vld.idx.msk [tilespmem:v1+s23+$0x0], $0xffff  }
0x5f: {  	v12 =	vld [tilespmem:s18+$0xFFFFFE00]  }
0x60: {  	v10 =	vld.idx.msk [tilespmem:v5+s2+$0x0], $0xffff  }
0x61: {  	v11 =	vld.idx.msk [tilespmem:v6+s2+$0x0], $0xffff;
	v0 =	vadd.f32 v0, v2  }
0x62: {  	v2 =	vld [tilespmem:s18+$0xFFFFFF00]  }
0x63: {  	v13 =	vld.idx.msk [tilespmem:v4+s20+$0x0], $0xffff;
	v0 =	vadd.f32 v9, v0  }
0x64: {  	v14 =	vld.idx.msk [tilespmem:v3+s2+$0x0], $0xffff  }
0x65: {  	v9 =	vld.idx.msk [tilespmem:v7+s20+$0x0], $0xffff;
	v0 =	vmax.f32 v0, $0.0e+00  }
0x66: {  	v11 =	vadd.f32 v11, v12;
	[tilespmem:v1+s24+$0x0] =	vst.idx.add.f32.msk $0xffff, v0  }
0x67: {  	v0 =	vadd.f32 v10, v2;
	v2 =	vld [tilespmem:s18+$0x0]  }
0x68: {  	v10 =	vadd.f32 v13, v11;
	v11 =	vld.idx.msk [tilespmem:v8+s20+$0x0], $0xffff  }
0x69: {  	v1 =	vld [tilespmem:s16+$0x90]  }
0x6a: {  	v0 =	vadd.f32 v9, v0;
	v9 =	vmax.f32 v10, $0.0e+00;
	v10 =	vld [tilespmem:s17+$0x90]  }
0x6b: {  	[tilespmem:v4+s21+$0x0] =	vst.idx.add.f32.msk $0xffff, v9  }
0x6c: {  	v9 =	vld [tilespmem:s18+$0x110]  }
0x6d: {  	v0 =	vmax.f32 v0, $0.0e+00;
	v13 =	vld.idx.msk [tilespmem:v4+s23+$0x0], $0xffff  }
0x6e: {  	[tilespmem:v7+s21+$0x0] =	vst.idx.add.f32.msk $0xffff, v0;
	v2 =	vadd.f32 v14, v2  }
0x6f: {  	v0 =	vld.idx.msk [tilespmem:v6+s22+$0x0], $0xffff  }
0x70: {  	v2 =	vadd.f32 v11, v2;
	v11 =	vld [tilespmem:s18+$0xFFFFFE80]  }
0x71: {  	v6 =	vld.idx.msk [tilespmem:v1+s2+$0x0], $0xffff  }
0x72: {  	v5 =	vld.idx.msk [tilespmem:v5+s22+$0x0], $0xffff  }
0x73: {  	v2 =	vmax.f32 v2, $0.0e+00;
	v12 =	vld.idx.msk [tilespmem:v10+s20+$0x0], $0xffff  }
0x74: {  	[tilespmem:v8+s21+$0x0] =	vst.idx.add.f32.msk $0xffff, v2  }
0x75: {  	v2 =	vld.idx.msk [tilespmem:v3+s22+$0x0], $0xffff;
	v0 =	vadd.f32 v0, v11  }
0x76: {  	v3 =	vld [tilespmem:s18+$0xFFFFFF80];
	v6 =	vadd.f32 v6, v9  }
0x77: {  	v14 =	vld.idx.msk [tilespmem:v8+s23+$0x0], $0xffff;
	v0 =	vadd.f32 v13, v0  }
0x78: {  	v6 =	vadd.f32 v12, v6;
	v12 =	vld.idx.msk [tilespmem:v7+s23+$0x0], $0xffff  }
0x79: {  	v9 =	vld [tilespmem:s18+$0x80];
	v0 =	vmax.f32 v0, $0.0e+00  }
0x7a: {  	[tilespmem:v4+s24+$0x0] =	vst.idx.add.f32.msk $0xffff, v0;
	v6 =	vmax.f32 v6, $0.0e+00  }
0x7b: {  	v3 =	vadd.f32 v5, v3;
	[tilespmem:v10+s21+$0x0] =	vst.idx.add.f32.msk $0xffff, v6  }
0x7c: {  	v1 =	vld.idx.msk [tilespmem:v1+s22+$0x0], $0xffff  }
0x7d: {  	v5 =	vld [tilespmem:s18+$0x190];
	v3 =	vadd.f32 v12, v3  }
0x7e: {  	v4 =	vld [tilespmem:s17+$0xFFFFFF10]  }
0x7f: {  	v2 =	vadd.f32 v2, v9;
	v6 =	vld.idx.msk [tilespmem:v10+s23+$0x0], $0xffff;
	v0 =	vmax.f32 v3, $0.0e+00  }
0x80: {  	[tilespmem:v7+s24+$0x0] =	vst.idx.add.f32.msk $0xffff, v0  }
0x81: {  	v0 =	vadd.f32 v14, v2;
	v2 =	vld [tilespmem:s16+$0xFFFFFF10]  }
0x82: {  	v1 =	vadd.f32 v1, v5;
	v3 =	vld [tilespmem:s16+$0xFFFFFF90]  }
0x83: {  	v5 =	vld [tilespmem:s17+$0xFFFFFF90];
	v0 =	vmax.f32 v0, $0.0e+00  }
0x84: {  	[tilespmem:v8+s24+$0x0] =	vst.idx.add.f32.msk $0xffff, v0;
	v0 =	vadd.f32 v6, v1  }
0x85: {  	v16 =	vld [tilespmem:s18+$0xFFFFFF10]  }
0x86: {  	v14 =	vld.idx.msk [tilespmem:v4+s20+$0x0], $0xffff;
	v0 =	vmax.f32 v0, $0.0e+00  }
0x87: {  	[tilespmem:v10+s24+$0x0] =	vst.idx.add.f32.msk $0xffff, v0  }
0x88: {  	v0 =	vld [tilespmem:s16+$0xA0]  }
0x89: {  	v1 =	vld [tilespmem:s16+$0x10]  }
0x8a: {  	v7 =	vld [tilespmem:s17+$0xA0]  }
0x8b: {  	v6 =	vld [tilespmem:s17+$0x10]  }
0x8c: {  	v10 =	vld [tilespmem:s18+$0xFFFFFE10]  }
0x8d: {  	v13 =	vld [tilespmem:s18+$0x120]  }
0x8e: {  	v8 =	vld.idx.msk [tilespmem:v2+s2+$0x0], $0xffff  }
0x8f: {  	v9 =	vld.idx.msk [tilespmem:v3+s2+$0x0], $0xffff  }
0x90: {  	v12 =	vld.idx.msk [tilespmem:v0+s2+$0x0], $0xffff  }
0x91: {  	v17 =	vld.idx.msk [tilespmem:v5+s20+$0x0], $0xffff  }
0x92: {  	v15 =	vld.idx.msk [tilespmem:v7+s20+$0x0], $0xffff  }
0x93: {  	v8 =	vadd.f32 v8, v10  }
0x94: {  	v11 =	vld.idx.msk [tilespmem:v1+s2+$0x0], $0xffff;
	v9 =	vadd.f32 v9, v16  }
0x95: {  	v10 =	vld [tilespmem:s18+$0x10];
	v8 =	vadd.f32 v14, v8;
	v12 =	vadd.f32 v12, v13  }
0x96: {  	v9 =	vadd.f32 v17, v9  }
0x97: {  	v8 =	vmax.f32 v8, $0.0e+00;
	v13 =	vld.idx.msk [tilespmem:v6+s20+$0x0], $0xffff;
	v12 =	vadd.f32 v15, v12  }
0x98: {  	[tilespmem:v4+s21+$0x0] =	vst.idx.add.f32.msk $0xffff, v8;
	v9 =	vmax.f32 v9, $0.0e+00  }
0x99: {  	[tilespmem:v5+s21+$0x0] =	vst.idx.add.f32.msk $0xffff, v9;
	v8 =	vmax.f32 v12, $0.0e+00  }
0x9a: {  	v10 =	vadd.f32 v11, v10;
	[tilespmem:v7+s21+$0x0] =	vst.idx.add.f32.msk $0xffff, v8  }
0x9b: {  	v0 =	vld.idx.msk [tilespmem:v0+s22+$0x0], $0xffff  }
0x9c: {  	v8 =	vadd.f32 v13, v10;
	v10 =	vld [tilespmem:s18+$0x1A0]  }
0x9d: {  	v2 =	vld.idx.msk [tilespmem:v2+s22+$0x0], $0xffff  }
0x9e: {  	v9 =	vld.idx.msk [tilespmem:v7+s23+$0x0], $0xffff  }
0x9f: {  	v3 =	vld.idx.msk [tilespmem:v3+s22+$0x0], $0xffff;
	v8 =	vmax.f32 v8, $0.0e+00  }
0xa0: {  	[tilespmem:v6+s21+$0x0] =	vst.idx.add.f32.msk $0xffff, v8  }
0xa1: {  	v8 =	vld [tilespmem:s18+$0xFFFFFE90];
	v0 =	vadd.f32 v0, v10  }
0xa2: {  	v10 =	vld [tilespmem:s18+$0xFFFFFF90]  }
0xa3: {  	v0 =	vadd.f32 v9, v0;
	v9 =	vld.idx.msk [tilespmem:v4+s23+$0x0], $0xffff  }
0xa4: {  	v11 =	vld.idx.msk [tilespmem:v5+s23+$0x0], $0xffff  }
0xa5: {  	v1 =	vld.idx.msk [tilespmem:v1+s22+$0x0], $0xffff;
	v0 =	vmax.f32 v0, $0.0e+00  }
0xa6: {  	v2 =	vadd.f32 v2, v8;
	[tilespmem:v7+s24+$0x0] =	vst.idx.add.f32.msk $0xffff, v0  }
0xa7: {  	v0 =	vld [tilespmem:s16+$0xB0]  }
0xa8: {  	v7 =	vld [tilespmem:s18+$0x90];
	v3 =	vadd.f32 v3, v10;
	v2 =	vadd.f32 v9, v2  }
0xa9: {  	v8 =	vld [tilespmem:s17+$0xB0]  }
0xaa: {  	v9 =	vld.idx.msk [tilespmem:v6+s23+$0x0], $0xffff;
	v3 =	vadd.f32 v11, v3;
	v2 =	vmax.f32 v2, $0.0e+00  }
0xab: {  	[tilespmem:v4+s24+$0x0] =	vst.idx.add.f32.msk $0xffff, v2  }
0xac: {  	v2 =	vmax.f32 v3, $0.0e+00;
	v3 =	vld [tilespmem:s18+$0x130]  }
0xad: {  	[tilespmem:v5+s24+$0x0] =	vst.idx.add.f32.msk $0xffff, v2  }
0xae: {  	v4 =	vld [tilespmem:s16+$0xFFFFFF20]  }
0xaf: {  	v1 =	vadd.f32 v1, v7;
	v2 =	vld.idx.msk [tilespmem:v0+s2+$0x0], $0xffff  }
0xb0: {  	v10 =	vld [tilespmem:s18+$0xFFFFFE20]  }
0xb1: {  	v1 =	vadd.f32 v9, v1;
	v5 =	vld.idx.msk [tilespmem:v8+s20+$0x0], $0xffff  }
0xb2: {  	v7 =	vld [tilespmem:s17+$0xFFFFFFA0]  }
0xb3: {  	v12 =	vld [tilespmem:s18+$0xFFFFFF20];
	v1 =	vmax.f32 v1, $0.0e+00  }
0xb4: {  	[tilespmem:v6+s24+$0x0] =	vst.idx.add.f32.msk $0xffff, v1;
	v2 =	vadd.f32 v2, v3  }
0xb5: {  	v1 =	vld [tilespmem:s16+$0xFFFFFFA0]  }
0xb6: {  	v6 =	vld [tilespmem:s16+$0x20];
	v2 =	vadd.f32 v5, v2  }
0xb7: {  	v3 =	vld [tilespmem:s17+$0xFFFFFF20]  }
0xb8: {  	v5 =	vld [tilespmem:s17+$0x20];
	v2 =	vmax.f32 v2, $0.0e+00  }
0xb9: {  	[tilespmem:v8+s21+$0x0] =	vst.idx.add.f32.msk $0xffff, v2  }
0xba: {  	v0 =	vld.idx.msk [tilespmem:v0+s22+$0x0], $0xffff  }
0xbb: {  	v2 =	vld [tilespmem:s18+$0x1B0]  }
0xbc: {  	v9 =	vld.idx.msk [tilespmem:v4+s2+$0x0], $0xffff  }
0xbd: {  	v11 =	vld.idx.msk [tilespmem:v8+s23+$0x0], $0xffff  }
0xbe: {  	v13 =	vld.idx.msk [tilespmem:v1+s2+$0x0], $0xffff  }
0xbf: {  	v14 =	vld.idx.msk [tilespmem:v6+s2+$0x0], $0xffff  }
0xc0: {  	v15 =	vld.idx.msk [tilespmem:v3+s20+$0x0], $0xffff;
	v0 =	vadd.f32 v0, v2  }
0xc1: {  	v2 =	vld [tilespmem:s18+$0x20]  }
0xc2: {  	v0 =	vadd.f32 v11, v0;
	v11 =	vld.idx.msk [tilespmem:v7+s20+$0x0], $0xffff  }
0xc3: {  	v57 =	vld.idx.msk [tilespmem:v5+s20+$0x0], $0xffff  }
0xc4: {  	v9 =	vadd.f32 v9, v10;
	v0 =	vmax.f32 v0, $0.0e+00  }
0xc5: {  	[tilespmem:v8+s24+$0x0] =	vst.idx.add.f32.msk $0xffff, v0;
	v0 =	vadd.f32 v13, v12  }
0xc6: {  	v9 =	vadd.f32 v15, v9;
	v2 =	vadd.f32 v14, v2;
	v8 =	vld [tilespmem:s16+$0xC0]  }
0xc7: {  	v0 =	vadd.f32 v11, v0  }
0xc8: {  	v9 =	vmax.f32 v9, $0.0e+00;
	v10 =	vld [tilespmem:s17+$0xC0];
	v2 =	vadd.f32 v57, v2  }
0xc9: {  	[tilespmem:v3+s21+$0x0] =	vst.idx.add.f32.msk $0xffff, v9;
	v0 =	vmax.f32 v0, $0.0e+00  }
0xca: {  	[tilespmem:v7+s21+$0x0] =	vst.idx.add.f32.msk $0xffff, v0;
	v0 =	vmax.f32 v2, $0.0e+00  }
0xcb: {  	[tilespmem:v5+s21+$0x0] =	vst.idx.add.f32.msk $0xffff, v0  }
0xcc: {  	v0 =	vld.idx.msk [tilespmem:v4+s22+$0x0], $0xffff  }
0xcd: {  	v4 =	vld [tilespmem:s18+$0x140]  }
0xce: {  	v2 =	vld.idx.msk [tilespmem:v8+s2+$0x0], $0xffff  }
0xcf: {  	v13 =	vld.idx.msk [tilespmem:v3+s23+$0x0], $0xffff  }
0xd0: {  	v9 =	vld.idx.msk [tilespmem:v10+s20+$0x0], $0xffff  }
0xd1: {  	v11 =	vld [tilespmem:s18+$0xFFFFFEA0]  }
0xd2: {  	v1 =	vld.idx.msk [tilespmem:v1+s22+$0x0], $0xffff  }
0xd3: {  	v12 =	vld [tilespmem:s18+$0xFFFFFFA0];
	v2 =	vadd.f32 v2, v4  }
0xd4: {  	v6 =	vld.idx.msk [tilespmem:v6+s22+$0x0], $0xffff  }
0xd5: {  	v14 =	vld.idx.msk [tilespmem:v5+s23+$0x0], $0xffff;
	v2 =	vadd.f32 v9, v2  }
0xd6: {  	v4 =	vld [tilespmem:s18+$0xA0]  }
0xd7: {  	v9 =	vld.idx.msk [tilespmem:v7+s23+$0x0], $0xffff;
	v2 =	vmax.f32 v2, $0.0e+00  }
0xd8: {  	v0 =	vadd.f32 v0, v11;
	[tilespmem:v10+s21+$0x0] =	vst.idx.add.f32.msk $0xffff, v2  }
0xd9: {  	v2 =	vld.idx.msk [tilespmem:v8+s22+$0x0], $0xffff  }
0xda: {  	v1 =	vadd.f32 v1, v12;
	v0 =	vadd.f32 v13, v0;
	v8 =	vld [tilespmem:s18+$0x1C0];
	_ =	sdelay $0x1  }
0xdb: {  	v0 =	vmax.f32 v0, $0.0e+00;
	v4 =	vadd.f32 v6, v4;
	v6 =	vld.idx.msk [tilespmem:v10+s23+$0x0], $0xffff;
	v1 =	vadd.f32 v9, v1  }
0xdc: {  	[tilespmem:v3+s24+$0x0] =	vst.idx.add.f32.msk $0xffff, v0  }
0xdd: {  	v4 =	vadd.f32 v14, v4;
	v14 =	vld [tilespmem:s18+$0xFFFFFE30];
	v0 =	vmax.f32 v1, $0.0e+00  }
0xde: {  	[tilespmem:v7+s24+$0x0] =	vst.idx.add.f32.msk $0xffff, v0;
	v1 =	vadd.f32 v2, v8  }
0xdf: {  	v0 =	vmax.f32 v4, $0.0e+00;
	v4 =	vld [tilespmem:s17+$0xFFFFFF30]  }
0xe0: {  	[tilespmem:v5+s24+$0x0] =	vst.idx.add.f32.msk $0xffff, v0;
	v0 =	vadd.f32 v6, v1  }
0xe1: {  	v2 =	vld [tilespmem:s16+$0xFFFFFFB0]  }
0xe2: {  	v15 =	vld [tilespmem:s18+$0xFFFFFF30];
	v0 =	vmax.f32 v0, $0.0e+00  }
0xe3: {  	[tilespmem:v10+s24+$0x0] =	vst.idx.add.f32.msk $0xffff, v0  }
0xe4: {  	v0 =	vld [tilespmem:s16+$0xD0]  }
0xe5: {  	v6 =	vld [tilespmem:s17+$0xFFFFFFB0]  }
0xe6: {  	v5 =	vld [tilespmem:s17+$0xD0]  }
0xe7: {  	v3 =	vld [tilespmem:s16+$0x30]  }
0xe8: {  	v1 =	vld [tilespmem:s16+$0xFFFFFF30]  }
0xe9: {  	v7 =	vld [tilespmem:s17+$0x30]  }
0xea: {  	v11 =	vld [tilespmem:s18+$0x150]  }
0xeb: {  	v9 =	vld.idx.msk [tilespmem:v2+s2+$0x0], $0xffff  }
0xec: {  	v10 =	vld.idx.msk [tilespmem:v0+s2+$0x0], $0xffff  }
0xed: {  	v59 =	vld.idx.msk [tilespmem:v6+s20+$0x0], $0xffff  }
0xee: {  	v13 =	vld.idx.msk [tilespmem:v5+s20+$0x0], $0xffff  }
0xef: {  	v58 =	vld [tilespmem:s18+$0x30]  }
0xf0: {  	v8 =	vld.idx.msk [tilespmem:v1+s2+$0x0], $0xffff;
	v9 =	vadd.f32 v9, v15  }
0xf1: {  	v12 =	vld.idx.msk [tilespmem:v3+s2+$0x0], $0xffff;
	v10 =	vadd.f32 v10, v11  }
0xf2: {  	v9 =	vadd.f32 v59, v9;
	v11 =	vld.idx.msk [tilespmem:v4+s20+$0x0], $0xffff  }
0xf3: {  	v10 =	vadd.f32 v13, v10  }
0xf4: {  	v9 =	vmax.f32 v9, $0.0e+00;
	v13 =	vld.idx.msk [tilespmem:v7+s20+$0x0], $0xffff  }
0xf5: {  	v8 =	vadd.f32 v8, v14;
	[tilespmem:v6+s21+$0x0] =	vst.idx.add.f32.msk $0xffff, v9;
	v10 =	vmax.f32 v10, $0.0e+00  }
0xf6: {  	[tilespmem:v5+s21+$0x0] =	vst.idx.add.f32.msk $0xffff, v10  }
0xf7: {  	v10 =	vadd.f32 v12, v58;
	v8 =	vadd.f32 v11, v8;
	v0 =	vld.idx.msk [tilespmem:v0+s22+$0x0], $0xffff  }
0xf8: {  	v11 =	vld [tilespmem:s18+$0x1D0]  }
0xf9: {  	v12 =	vld.idx.msk [tilespmem:v5+s23+$0x0], $0xffff;
	v8 =	vmax.f32 v8, $0.0e+00;
	v10 =	vadd.f32 v13, v10  }
0xfa: {  	[tilespmem:v4+s21+$0x0] =	vst.idx.add.f32.msk $0xffff, v8  }
0xfb: {  	v8 =	vmax.f32 v10, $0.0e+00;
	v1 =	vld.idx.msk [tilespmem:v1+s22+$0x0], $0xffff  }
0xfc: {  	[tilespmem:v7+s21+$0x0] =	vst.idx.add.f32.msk $0xffff, v8  }
0xfd: {  	v8 =	vld [tilespmem:s18+$0xFFFFFEB0]  }
0xfe: {  	v2 =	vld.idx.msk [tilespmem:v2+s22+$0x0], $0xffff;
	v0 =	vadd.f32 v0, v11  }
0xff: {  	v10 =	vld.idx.msk [tilespmem:v4+s23+$0x0], $0xffff  }
0x100: {  	v9 =	vld [tilespmem:s18+$0xFFFFFFB0];
	v0 =	vadd.f32 v12, v0  }
0x101: {  	v3 =	vld.idx.msk [tilespmem:v3+s22+$0x0], $0xffff  }
0x102: {  	v11 =	vld.idx.msk [tilespmem:v6+s23+$0x0], $0xffff;
	v0 =	vmax.f32 v0, $0.0e+00;
	v1 =	vadd.f32 v1, v8  }
0x103: {  	[tilespmem:v5+s24+$0x0] =	vst.idx.add.f32.msk $0xffff, v0  }
0x104: {  	v5 =	vld [tilespmem:s18+$0xB0];
	v1 =	vadd.f32 v10, v1  }
0x105: {  	v2 =	vadd.f32 v2, v9;
	v12 =	vld.idx.msk [tilespmem:v7+s23+$0x0], $0xffff  }
0x106: {  	v0 =	vld [tilespmem:s16+$0xE0];
	v1 =	vmax.f32 v1, $0.0e+00  }
0x107: {  	v2 =	vadd.f32 v11, v2;
	[tilespmem:v4+s24+$0x0] =	vst.idx.add.f32.msk $0xffff, v1  }
0x108: {  	v4 =	vld [tilespmem:s18+$0x160]  }
0x109: {  	v1 =	vmax.f32 v2, $0.0e+00;
	v3 =	vadd.f32 v3, v5;
	v5 =	vld [tilespmem:s17+$0xE0]  }
0x10a: {  	[tilespmem:v6+s24+$0x0] =	vst.idx.add.f32.msk $0xffff, v1  }
0x10b: {  	v14 =	vld [tilespmem:s18+$0xFFFFFE40]  }
0x10c: {  	v2 =	vld [tilespmem:s16+$0xFFFFFFC0];
	v3 =	vadd.f32 v12, v3  }
0x10d: {  	v9 =	vld [tilespmem:s17+$0xFFFFFFC0]  }
0x10e: {  	v15 =	vld [tilespmem:s18+$0xFFFFFF40];
	v1 =	vmax.f32 v3, $0.0e+00  }
0x10f: {  	[tilespmem:v7+s24+$0x0] =	vst.idx.add.f32.msk $0xffff, v1  }
0x110: {  	v1 =	vld [tilespmem:s16+$0xFFFFFF40]  }
0x111: {  	v8 =	vld.idx.msk [tilespmem:v0+s2+$0x0], $0xffff  }
0x112: {  	v7 =	vld [tilespmem:s17+$0xFFFFFF40]  }
0x113: {  	v3 =	vld [tilespmem:s16+$0x40]  }
0x114: {  	v6 =	vld.idx.msk [tilespmem:v5+s20+$0x0], $0xffff  }
0x115: {  	v10 =	vld [tilespmem:s17+$0x40]  }
0x116: {  	v12 =	vld.idx.msk [tilespmem:v2+s2+$0x0], $0xffff  }
0x117: {  	v4 =	vadd.f32 v8, v4;
	v8 =	vld [tilespmem:s18+$0x40]  }
0x118: {  	v11 =	vld.idx.msk [tilespmem:v1+s2+$0x0], $0xffff  }
0x119: {  	v4 =	vadd.f32 v6, v4;
	v6 =	vld.idx.msk [tilespmem:v9+s20+$0x0], $0xffff  }
0x11a: {  	v60 =	vld.idx.msk [tilespmem:v7+s20+$0x0], $0xffff  }
0x11b: {  	v13 =	vld.idx.msk [tilespmem:v3+s2+$0x0], $0xffff;
	v4 =	vmax.f32 v4, $0.0e+00  }
0x11c: {  	[tilespmem:v5+s21+$0x0] =	vst.idx.add.f32.msk $0xffff, v4;
	v4 =	vadd.f32 v12, v15  }
0x11d: {  	v61 =	vld.idx.msk [tilespmem:v10+s20+$0x0], $0xffff  }
0x11e: {  	v0 =	vld.idx.msk [tilespmem:v0+s22+$0x0], $0xffff;
	v11 =	vadd.f32 v11, v14;
	v4 =	vadd.f32 v6, v4  }
0x11f: {  	v12 =	vld [tilespmem:s18+$0x1E0]  }
0x120: {  	v6 =	vld.idx.msk [tilespmem:v5+s23+$0x0], $0xffff;
	v8 =	vadd.f32 v13, v8;
	v11 =	vadd.f32 v60, v11;
	v4 =	vmax.f32 v4, $0.0e+00  }
0x121: {  	[tilespmem:v9+s21+$0x0] =	vst.idx.add.f32.msk $0xffff, v4  }
0x122: {  	v8 =	vadd.f32 v61, v8;
	v11 =	vmax.f32 v11, $0.0e+00;
	v2 =	vld.idx.msk [tilespmem:v2+s22+$0x0], $0xffff  }
0x123: {  	[tilespmem:v7+s21+$0x0] =	vst.idx.add.f32.msk $0xffff, v11  }
0x124: {  	v4 =	vmax.f32 v8, $0.0e+00;
	v8 =	vld [tilespmem:s18+$0xFFFFFFC0]  }
0x125: {  	[tilespmem:v10+s21+$0x0] =	vst.idx.add.f32.msk $0xffff, v4  }
0x126: {  	v1 =	vld.idx.msk [tilespmem:v1+s22+$0x0], $0xffff  }
0x127: {  	v4 =	vld [tilespmem:s18+$0xFFFFFEC0]  }
0x128: {  	v0 =	vadd.f32 v0, v12;
	v12 =	vld.idx.msk [tilespmem:v7+s23+$0x0], $0xffff  }
0x129: {  	v3 =	vld.idx.msk [tilespmem:v3+s22+$0x0], $0xffff  }
0x12a: {  	v11 =	vld [tilespmem:s18+$0xC0]  }
0x12b: {  	v13 =	vld.idx.msk [tilespmem:v9+s23+$0x0], $0xffff  }
0x12c: {  	v0 =	vadd.f32 v6, v0;
	v6 =	vld.idx.msk [tilespmem:v10+s23+$0x0], $0xffff  }
0x12d: {  	v1 =	vadd.f32 v1, v4  }
0x12e: {  	v0 =	vmax.f32 v0, $0.0e+00;
	v2 =	vadd.f32 v2, v8  }
0x12f: {  	[tilespmem:v5+s24+$0x0] =	vst.idx.add.f32.msk $0xffff, v0;
	v0 =	vadd.f32 v3, v11;
	v1 =	vadd.f32 v12, v1  }
0x130: {  	v4 =	vld [tilespmem:s17+$0xF0];
	v2 =	vadd.f32 v13, v2  }
0x131: {  	v3 =	vld [tilespmem:s16+$0xF0];
	v0 =	vadd.f32 v6, v0;
	v1 =	vmax.f32 v1, $0.0e+00  }
0x132: {  	[tilespmem:v7+s24+$0x0] =	vst.idx.add.f32.msk $0xffff, v1;
	v1 =	vmax.f32 v2, $0.0e+00  }
0x133: {  	v0 =	vmax.f32 v0, $0.0e+00;
	[tilespmem:v9+s24+$0x0] =	vst.idx.add.f32.msk $0xffff, v1  }
0x134: {  	[tilespmem:v10+s24+$0x0] =	vst.idx.add.f32.msk $0xffff, v0  }
0x135: {  	v0 =	vld [tilespmem:s16+$0xFFFFFF50]  }
0x136: {  	v5 =	vld [tilespmem:s17+$0xFFFFFF50]  }
0x137: {  	v8 =	vld [tilespmem:s18+$0xFFFFFE50]  }
0x138: {  	v1 =	vld [tilespmem:s16+$0xFFFFFFD0]  }
0x139: {  	v2 =	vld [tilespmem:s16+$0x50]  }
0x13a: {  	v6 =	vld [tilespmem:s17+$0xFFFFFFD0]  }
0x13b: {  	v7 =	vld [tilespmem:s17+$0x50]  }
0x13c: {  	v9 =	vld [tilespmem:s18+$0xFFFFFF50]  }
0x13d: {  	v13 =	vld [tilespmem:s18+$0x50]  }
0x13e: {  	v10 =	vld.idx.msk [tilespmem:v0+s2+$0x0], $0xffff  }
0x13f: {  	v14 =	vld.idx.msk [tilespmem:v5+s20+$0x0], $0xffff  }
0x140: {  	v11 =	vld.idx.msk [tilespmem:v1+s2+$0x0], $0xffff  }
0x141: {  	v12 =	vld.idx.msk [tilespmem:v2+s2+$0x0], $0xffff  }
0x142: {  	v15 =	vld.idx.msk [tilespmem:v6+s20+$0x0], $0xffff;
	_ =	sdelay $0x1  }
0x143: {  	v8 =	vadd.f32 v10, v8  }
0x144: {  	v62 =	vld.idx.msk [tilespmem:v7+s20+$0x0], $0xffff;
	v9 =	vadd.f32 v11, v9  }
0x145: {  	v10 =	vld.idx.msk [tilespmem:v3+s2+$0x0], $0xffff;
	v8 =	vadd.f32 v14, v8  }
0x146: {  	v11 =	vadd.f32 v12, v13;
	v12 =	vld [tilespmem:s18+$0x170];
	v9 =	vadd.f32 v15, v9  }
0x147: {  	v13 =	vld.idx.msk [tilespmem:v4+s20+$0x0], $0xffff;
	v8 =	vmax.f32 v8, $0.0e+00  }
0x148: {  	[tilespmem:v5+s21+$0x0] =	vst.idx.add.f32.msk $0xffff, v8;
	v8 =	vmax.f32 v9, $0.0e+00  }
0x149: {  	v11 =	vadd.f32 v62, v11;
	[tilespmem:v6+s21+$0x0] =	vst.idx.add.f32.msk $0xffff, v8  }
0x14a: {  	v0 =	vld.idx.msk [tilespmem:v0+s22+$0x0], $0xffff  }
0x14b: {  	v8 =	vmax.f32 v11, $0.0e+00;
	v10 =	vadd.f32 v10, v12;
	v12 =	vld.idx.msk [tilespmem:v5+s23+$0x0], $0xffff  }
0x14c: {  	[tilespmem:v7+s21+$0x0] =	vst.idx.add.f32.msk $0xffff, v8  }
0x14d: {  	v1 =	vld.idx.msk [tilespmem:v1+s22+$0x0], $0xffff  }
0x14e: {  	v8 =	vld [tilespmem:s18+$0xFFFFFED0]  }
0x14f: {  	v9 =	vld [tilespmem:s18+$0xFFFFFFD0]  }
0x150: {  	v2 =	vld.idx.msk [tilespmem:v2+s22+$0x0], $0xffff  }
0x151: {  	v10 =	vadd.f32 v13, v10;
	v13 =	vld.idx.msk [tilespmem:v6+s23+$0x0], $0xffff  }
0x152: {  	v11 =	vld [tilespmem:s18+$0xD0]  }
0x153: {  	v14 =	vld.idx.msk [tilespmem:v7+s23+$0x0], $0xffff;
	v10 =	vmax.f32 v10, $0.0e+00;
	v0 =	vadd.f32 v0, v8  }
0x154: {  	[tilespmem:v4+s21+$0x0] =	vst.idx.add.f32.msk $0xffff, v10;
	v1 =	vadd.f32 v1, v9  }
0x155: {  	v3 =	vld.idx.msk [tilespmem:v3+s22+$0x0], $0xffff;
	v0 =	vadd.f32 v12, v0  }
0x156: {  	v9 =	vld [tilespmem:s18+$0x1F0];
	v1 =	vadd.f32 v13, v1  }
0x157: {  	v10 =	vld.idx.msk [tilespmem:v4+s23+$0x0], $0xffff;
	v2 =	vadd.f32 v2, v11;
	v0 =	vmax.f32 v0, $0.0e+00  }
0x158: {  	[tilespmem:v5+s24+$0x0] =	vst.idx.add.f32.msk $0xffff, v0;
	v0 =	vmax.f32 v1, $0.0e+00  }
0x159: {  	v2 =	vadd.f32 v14, v2;
	[tilespmem:v6+s24+$0x0] =	vst.idx.add.f32.msk $0xffff, v0  }
0x15a: {  	v8 =	vld [tilespmem:s16+$0xFFFFFF60]  }
0x15b: {  	v0 =	vmax.f32 v2, $0.0e+00;
	v2 =	vld [tilespmem:s17+$0xFFFFFF60]  }
0x15c: {  	[tilespmem:v7+s24+$0x0] =	vst.idx.add.f32.msk $0xffff, v0  }
0x15d: {  	v7 =	vld [tilespmem:s16+$0xFFFFFFE0]  }
0x15e: {  	v6 =	vld [tilespmem:s16+$0x60]  }
0x15f: {  	v5 =	vld [tilespmem:s18+$0xFFFFFE60]  }
0x160: {  	v1 =	vld [tilespmem:s17+$0xFFFFFFE0]  }
0x161: {  	v0 =	vld [tilespmem:s17+$0x60]  }
0x162: {  	v13 =	vld [tilespmem:s18+$0xFFFFFF60]  }
0x163: {  	v63 =	vld [tilespmem:s18+$0x60]  }
0x164: {  	v3 =	vadd.f32 v3, v9;
	v9 =	vld.idx.msk [tilespmem:v8+s2+$0x0], $0xffff  }
0x165: {  	v14 =	vld.idx.msk [tilespmem:v7+s2+$0x0], $0xffff  }
0x166: {  	v15 =	vld.idx.msk [tilespmem:v6+s2+$0x0], $0xffff  }
0x167: {  	v3 =	vadd.f32 v10, v3;
	v10 =	vld.idx.msk [tilespmem:v2+s20+$0x0], $0xffff  }
0x168: {  	v11 =	vld.idx.msk [tilespmem:v1+s20+$0x0], $0xffff  }
0x169: {  	v12 =	vadd.f32 v9, v5;
	v9 =	vld.idx.msk [tilespmem:v0+s20+$0x0], $0xffff  }
0x16a: {  	s19 =	sshll.u32 s15, $0x1;
	s25 =	simm.s32 $0xF300;
	v3 =	vmax.f32 v3, $0.0e+00  }
0x16b: {  	s14 =	simm.s32 $0x0;
	s12 =	simm.s32 $0xFD80;
	s6 =	simm.s32 $0x10B00;
	[tilespmem:v4+s24+$0x0] =	vst.idx.add.f32.msk $0xffff, v3;
	v13 =	vadd.f32 v14, v13;
	v3 =	vadd.f32 v15, v63  }
.LBB2_3:
0x16c: {  	v4 =	vld [tilespmem:s25+$0x80];
	s14 =	sadd.s32 $0x4, s14;
	v5 =	vadd.f32 v10, v12  }
0x16d: {  	v11 =	vadd.f32 v11, v13;
	s17 =	sadd.s32 $0x200, s17;
	v10 =	vld [tilespmem:s25+$0xFFFFFF80];
	p0 =	slt.u32 s14, $0x14  }
0x16e: {  	v3 =	vadd.f32 v9, v3;
	v12 =	vld [tilespmem:s17+$0x80];
	v5 =	vmax.f32 v5, $0.0e+00  }
0x16f: {  	v11 =	vmax.f32 v11, $0.0e+00;
	v9 =	vld [tilespmem:s25+$0x0]  }
0x170: {  	v3 =	vmax.f32 v3, $0.0e+00;
	v13 =	vld [tilespmem:s25+$0xFFFFFF00]  }
0x171: {  	v14 =	vld [tilespmem:s17+$0xFFFFFF00]  }
0x172: {  	v15 =	vld [tilespmem:s17+$0xFFFFFF80]  }
0x173: {  	v16 =	vld [tilespmem:s17+$0x0]  }
0x174: {  	s18 =	sadd.s32 $0x400, s18;
	v17 =	vld.idx.msk [tilespmem:v4+s2+$0x0], $0xffff  }
0x175: {  	v18 =	vld [tilespmem:s18+$0x100]  }
0x176: {  	v19 =	vld.idx.msk [tilespmem:v12+s20+$0x0], $0xffff  }
0x177: {  	v20 =	vld.idx.msk [tilespmem:v10+s2+$0x0], $0xffff  }
0x178: {  	v21 =	vld.idx.msk [tilespmem:v13+s2+$0x0], $0xffff  }
0x179: {  	v22 =	vld.idx.msk [tilespmem:v9+s2+$0x0], $0xffff  }
0x17a: {  	v23 =	vld [tilespmem:s18+$0xFFFFFE00];
	v17 =	vadd.f32 v17, v18  }
0x17b: {  	v18 =	vld [tilespmem:s18+$0xFFFFFF00]  }
0x17c: {  	v24 =	vld [tilespmem:s18+$0x0];
	v17 =	vadd.f32 v19, v17  }
0x17d: {  	v19 =	vld.idx.msk [tilespmem:v14+s20+$0x0], $0xffff  }
0x17e: {  	v25 =	vld.idx.msk [tilespmem:v15+s20+$0x0], $0xffff;
	v17 =	vmax.f32 v17, $0.0e+00  }
0x17f: {  	v21 =	vadd.f32 v21, v23;
	[tilespmem:v12+s21+$0x0] =	vst.idx.add.f32.msk $0xffff, v17  }
0x180: {  	v17 =	vadd.f32 v20, v18;
	v4 =	vld.idx.msk [tilespmem:v4+s22+$0x0], $0xffff  }
0x181: {  	v18 =	vadd.f32 v22, v24;
	v20 =	vld [tilespmem:s18+$0x180]  }
0x182: {  	v22 =	vld.idx.msk [tilespmem:v12+s23+$0x0], $0xffff  }
0x183: {  	v19 =	vadd.f32 v19, v21;
	v21 =	vld.idx.msk [tilespmem:v16+s20+$0x0], $0xffff  }
0x184: {  	v17 =	vadd.f32 v25, v17;
	[tilespmem:v2+s21+$0x0] =	vst.idx.add.f32.msk $0xffff, v5  }
0x185: {  	v5 =	vmax.f32 v19, $0.0e+00;
	[tilespmem:v1+s21+$0x0] =	vst.idx.add.f32.msk $0xffff, v11  }
0x186: {  	[tilespmem:v14+s21+$0x0] =	vst.idx.add.f32.msk $0xffff, v5;
	v5 =	vmax.f32 v17, $0.0e+00;
	v4 =	vadd.f32 v4, v20  }
0x187: {  	[tilespmem:v15+s21+$0x0] =	vst.idx.add.f32.msk $0xffff, v5  }
0x188: {  	v5 =	vld.idx.msk [tilespmem:v13+s22+$0x0], $0xffff;
	v4 =	vadd.f32 v22, v4  }
0x189: {  	v11 =	vadd.f32 v21, v18;
	v10 =	vld.idx.msk [tilespmem:v10+s22+$0x0], $0xffff  }
0x18a: {  	v13 =	vld [tilespmem:s18+$0xFFFFFE80];
	v4 =	vmax.f32 v4, $0.0e+00  }
0x18b: {  	v11 =	vmax.f32 v11, $0.0e+00;
	[tilespmem:v12+s24+$0x0] =	vst.idx.add.f32.msk $0xffff, v4  }
0x18c: {  	v4 =	vld [tilespmem:s25+$0x90]  }
0x18d: {  	[tilespmem:v16+s21+$0x0] =	vst.idx.add.f32.msk $0xffff, v11  }
0x18e: {  	v11 =	vld [tilespmem:s17+$0x90]  }
0x18f: {  	v5 =	vadd.f32 v5, v13;
	v9 =	vld.idx.msk [tilespmem:v9+s22+$0x0], $0xffff  }
0x190: {  	v12 =	vld [tilespmem:s18+$0xFFFFFF80]  }
0x191: {  	v13 =	vld [tilespmem:s18+$0x80]  }
0x192: {  	v17 =	vld.idx.msk [tilespmem:v14+s23+$0x0], $0xffff  }
0x193: {  	v18 =	vld.idx.msk [tilespmem:v15+s23+$0x0], $0xffff  }
0x194: {  	v19 =	vld.idx.msk [tilespmem:v4+s2+$0x0], $0xffff  }
0x195: {  	v10 =	vadd.f32 v10, v12;
	v12 =	vld [tilespmem:s18+$0x110]  }
0x196: {  	v9 =	vadd.f32 v9, v13;
	v13 =	vld.idx.msk [tilespmem:v11+s20+$0x0], $0xffff  }
0x197: {  	v20 =	vld.idx.msk [tilespmem:v16+s23+$0x0], $0xffff  }
0x198: {  	v5 =	vadd.f32 v17, v5;
	[tilespmem:v0+s21+$0x0] =	vst.idx.add.f32.msk $0xffff, v3  }
0x199: {  	v3 =	vadd.f32 v18, v10;
	v8 =	vld.idx.msk [tilespmem:v8+s22+$0x0], $0xffff  }
0x19a: {  	v5 =	vmax.f32 v5, $0.0e+00;
	v10 =	vadd.f32 v19, v12;
	v7 =	vld.idx.msk [tilespmem:v7+s22+$0x0], $0xffff  }
0x19b: {  	v3 =	vmax.f32 v3, $0.0e+00;
	[tilespmem:v14+s24+$0x0] =	vst.idx.add.f32.msk $0xffff, v5  }
0x19c: {  	[tilespmem:v15+s24+$0x0] =	vst.idx.add.f32.msk $0xffff, v3;
	v3 =	vadd.f32 v13, v10  }
0x19d: {  	v9 =	vadd.f32 v20, v9;
	v5 =	vld [tilespmem:s25+$0xFFFFFF10]  }
0x19e: {  	v10 =	vld [tilespmem:s25+$0xFFFFFF90];
	v3 =	vmax.f32 v3, $0.0e+00  }
0x19f: {  	v9 =	vmax.f32 v9, $0.0e+00;
	[tilespmem:v11+s21+$0x0] =	vst.idx.add.f32.msk $0xffff, v3  }
0x1a0: {  	v3 =	vld.idx.msk [tilespmem:v4+s22+$0x0], $0xffff  }
0x1a1: {  	v4 =	vld [tilespmem:s18+$0x190]  }
0x1a2: {  	v12 =	vld.idx.msk [tilespmem:v11+s23+$0x0], $0xffff  }
0x1a3: {  	[tilespmem:v16+s24+$0x0] =	vst.idx.add.f32.msk $0xffff, v9  }
0x1a4: {  	v9 =	vld [tilespmem:s25+$0x10]  }
0x1a5: {  	v13 =	vld [tilespmem:s17+$0xFFFFFF10]  }
0x1a6: {  	v14 =	vld [tilespmem:s17+$0xFFFFFF90];
	v3 =	vadd.f32 v3, v4  }
0x1a7: {  	v4 =	vld [tilespmem:s17+$0x10]  }
0x1a8: {  	v15 =	vld.idx.msk [tilespmem:v5+s2+$0x0], $0xffff;
	v3 =	vadd.f32 v12, v3  }
0x1a9: {  	v12 =	vld.idx.msk [tilespmem:v10+s2+$0x0], $0xffff  }
0x1aa: {  	v16 =	vld [tilespmem:s18+$0xFFFFFE10];
	v3 =	vmax.f32 v3, $0.0e+00  }
0x1ab: {  	[tilespmem:v11+s24+$0x0] =	vst.idx.add.f32.msk $0xffff, v3  }
0x1ac: {  	v3 =	vld [tilespmem:s25+$0xA0]  }
0x1ad: {  	v11 =	vld.idx.msk [tilespmem:v9+s2+$0x0], $0xffff  }
0x1ae: {  	v17 =	vld [tilespmem:s17+$0xA0]  }
0x1af: {  	v15 =	vadd.f32 v15, v16;
	v16 =	vld [tilespmem:s18+$0xFFFFFF10]  }
0x1b0: {  	v18 =	vld [tilespmem:s18+$0x10]  }
0x1b1: {  	v19 =	vld.idx.msk [tilespmem:v13+s20+$0x0], $0xffff  }
0x1b2: {  	v20 =	vld.idx.msk [tilespmem:v14+s20+$0x0], $0xffff  }
0x1b3: {  	v21 =	vld.idx.msk [tilespmem:v4+s20+$0x0], $0xffff  }
0x1b4: {  	v12 =	vadd.f32 v12, v16;
	v16 =	vld.idx.msk [tilespmem:v3+s2+$0x0], $0xffff  }
0x1b5: {  	v11 =	vadd.f32 v11, v18;
	v18 =	vld [tilespmem:s18+$0x120]  }
0x1b6: {  	v22 =	vld.idx.msk [tilespmem:v17+s20+$0x0], $0xffff  }
0x1b7: {  	v15 =	vadd.f32 v19, v15;
	v6 =	vld.idx.msk [tilespmem:v6+s22+$0x0], $0xffff  }
0x1b8: {  	v12 =	vadd.f32 v20, v12;
	v19 =	vld [tilespmem:s6+$0xFFFFFEE0]  }
0x1b9: {  	v15 =	vmax.f32 v15, $0.0e+00;
	v11 =	vadd.f32 v21, v11;
	v20 =	vld [tilespmem:s6+$0xFFFFFFE0]  }
0x1ba: {  	v12 =	vmax.f32 v12, $0.0e+00;
	[tilespmem:v13+s21+$0x0] =	vst.idx.add.f32.msk $0xffff, v15;
	v15 =	vadd.f32 v16, v18  }
0x1bb: {  	v11 =	vmax.f32 v11, $0.0e+00;
	[tilespmem:v14+s21+$0x0] =	vst.idx.add.f32.msk $0xffff, v12  }
0x1bc: {  	[tilespmem:v4+s21+$0x0] =	vst.idx.add.f32.msk $0xffff, v11;
	v11 =	vadd.f32 v22, v15  }
0x1bd: {  	v5 =	vld.idx.msk [tilespmem:v5+s22+$0x0], $0xffff;
	v8 =	vadd.f32 v8, v19  }
0x1be: {  	v10 =	vld.idx.msk [tilespmem:v10+s22+$0x0], $0xffff;
	v11 =	vmax.f32 v11, $0.0e+00;
	v7 =	vadd.f32 v7, v20  }
0x1bf: {  	[tilespmem:v17+s21+$0x0] =	vst.idx.add.f32.msk $0xffff, v11  }
0x1c0: {  	v3 =	vld.idx.msk [tilespmem:v3+s22+$0x0], $0xffff  }
0x1c1: {  	v11 =	vld [tilespmem:s18+$0x1A0]  }
0x1c2: {  	v12 =	vld.idx.msk [tilespmem:v17+s23+$0x0], $0xffff  }
0x1c3: {  	v9 =	vld.idx.msk [tilespmem:v9+s22+$0x0], $0xffff  }
0x1c4: {  	v15 =	vld [tilespmem:s18+$0xFFFFFE90]  }
0x1c5: {  	v16 =	vld [tilespmem:s18+$0xFFFFFF90]  }
0x1c6: {  	v18 =	vld [tilespmem:s18+$0x90];
	v3 =	vadd.f32 v3, v11  }
0x1c7: {  	v11 =	vld.idx.msk [tilespmem:v13+s23+$0x0], $0xffff  }
0x1c8: {  	v19 =	vld.idx.msk [tilespmem:v14+s23+$0x0], $0xffff;
	v3 =	vadd.f32 v12, v3  }
0x1c9: {  	v5 =	vadd.f32 v5, v15;
	v12 =	vld.idx.msk [tilespmem:v4+s23+$0x0], $0xffff  }
0x1ca: {  	v10 =	vadd.f32 v10, v16;
	v3 =	vmax.f32 v3, $0.0e+00;
	v15 =	vld [tilespmem:s6+$0xE0]  }
0x1cb: {  	v9 =	vadd.f32 v9, v18;
	[tilespmem:v17+s24+$0x0] =	vst.idx.add.f32.msk $0xffff, v3  }
0x1cc: {  	v3 =	vld [tilespmem:s25+$0xB0]  }
0x1cd: {  	v5 =	vadd.f32 v11, v5;
	v11 =	vld.idx.msk [tilespmem:v2+s23+$0x0], $0xffff  }
0x1ce: {  	v10 =	vadd.f32 v19, v10;
	v16 =	vld [tilespmem:s17+$0xB0]  }
0x1cf: {  	v5 =	vmax.f32 v5, $0.0e+00;
	v9 =	vadd.f32 v12, v9;
	v12 =	vld.idx.msk [tilespmem:v1+s23+$0x0], $0xffff;
	v6 =	vadd.f32 v6, v15  }
0x1d0: {  	[tilespmem:v13+s24+$0x0] =	vst.idx.add.f32.msk $0xffff, v5;
	v5 =	vmax.f32 v10, $0.0e+00  }
0x1d1: {  	[tilespmem:v14+s24+$0x0] =	vst.idx.add.f32.msk $0xffff, v5;
	v5 =	vmax.f32 v9, $0.0e+00  }
0x1d2: {  	[tilespmem:v4+s24+$0x0] =	vst.idx.add.f32.msk $0xffff, v5  }
0x1d3: {  	v5 =	vadd.f32 v11, v8;
	v4 =	vld [tilespmem:s25+$0xFFFFFF20]  }
0x1d4: {  	v8 =	vld.idx.msk [tilespmem:v3+s2+$0x0], $0xffff  }
0x1d5: {  	v5 =	vmax.f32 v5, $0.0e+00;
	v7 =	vadd.f32 v12, v7;
	v9 =	vld [tilespmem:s18+$0x130]  }
0x1d6: {  	v10 =	vld.idx.msk [tilespmem:v16+s20+$0x0], $0xffff  }
0x1d7: {  	v7 =	vmax.f32 v7, $0.0e+00;
	v11 =	vld [tilespmem:s25+$0xFFFFFFA0]  }
0x1d8: {  	v12 =	vld [tilespmem:s25+$0x20]  }
0x1d9: {  	v13 =	vld [tilespmem:s17+$0xFFFFFF20]  }
0x1da: {  	v14 =	vld [tilespmem:s17+$0xFFFFFFA0];
	v8 =	vadd.f32 v8, v9  }
0x1db: {  	v9 =	vld [tilespmem:s17+$0x20]  }
0x1dc: {  	v15 =	vld.idx.msk [tilespmem:v4+s2+$0x0], $0xffff;
	v8 =	vadd.f32 v10, v8  }
0x1dd: {  	v10 =	vld [tilespmem:s18+$0xFFFFFE20]  }
0x1de: {  	v17 =	vld [tilespmem:s18+$0xFFFFFF20];
	v8 =	vmax.f32 v8, $0.0e+00  }
0x1df: {  	[tilespmem:v16+s21+$0x0] =	vst.idx.add.f32.msk $0xffff, v8  }
0x1e0: {  	v3 =	vld.idx.msk [tilespmem:v3+s22+$0x0], $0xffff  }
0x1e1: {  	v8 =	vld [tilespmem:s18+$0x1B0]  }
0x1e2: {  	v10 =	vadd.f32 v15, v10;
	v15 =	vld.idx.msk [tilespmem:v16+s23+$0x0], $0xffff  }
0x1e3: {  	v18 =	vld.idx.msk [tilespmem:v11+s2+$0x0], $0xffff  }
0x1e4: {  	v19 =	vld.idx.msk [tilespmem:v12+s2+$0x0], $0xffff  }
0x1e5: {  	v20 =	vld [tilespmem:s18+$0x20]  }
0x1e6: {  	v21 =	vld.idx.msk [tilespmem:v13+s20+$0x0], $0xffff;
	v3 =	vadd.f32 v3, v8  }
0x1e7: {  	v8 =	vld.idx.msk [tilespmem:v14+s20+$0x0], $0xffff  }
0x1e8: {  	v22 =	vld.idx.msk [tilespmem:v9+s20+$0x0], $0xffff;
	v3 =	vadd.f32 v15, v3  }
0x1e9: {  	v15 =	vadd.f32 v18, v17;
	v17 =	vld.idx.msk [tilespmem:v0+s23+$0x0], $0xffff  }
0x1ea: {  	v18 =	vadd.f32 v19, v20;
	v3 =	vmax.f32 v3, $0.0e+00;
	[tilespmem:v2+s24+$0x0] =	vst.idx.add.f32.msk $0xffff, v5  }
0x1eb: {  	[tilespmem:v16+s24+$0x0] =	vst.idx.add.f32.msk $0xffff, v3  }
0x1ec: {  	v2 =	vadd.f32 v21, v10;
	v3 =	vld [tilespmem:s25+$0xC0]  }
0x1ed: {  	v5 =	vadd.f32 v8, v15;
	[tilespmem:v1+s24+$0x0] =	vst.idx.add.f32.msk $0xffff, v7  }
0x1ee: {  	v1 =	vmax.f32 v2, $0.0e+00;
	v2 =	vadd.f32 v22, v18;
	v7 =	vld [tilespmem:s17+$0xC0]  }
0x1ef: {  	[tilespmem:v13+s21+$0x0] =	vst.idx.add.f32.msk $0xffff, v1;
	v1 =	vmax.f32 v5, $0.0e+00;
	v5 =	vadd.f32 v17, v6  }
0x1f0: {  	[tilespmem:v14+s21+$0x0] =	vst.idx.add.f32.msk $0xffff, v1;
	v1 =	vmax.f32 v2, $0.0e+00  }
0x1f1: {  	[tilespmem:v9+s21+$0x0] =	vst.idx.add.f32.msk $0xffff, v1;
	v1 =	vmax.f32 v5, $0.0e+00  }
0x1f2: {  	v2 =	vld.idx.msk [tilespmem:v4+s22+$0x0], $0xffff  }
0x1f3: {  	v4 =	vld.idx.msk [tilespmem:v11+s22+$0x0], $0xffff  }
0x1f4: {  	v5 =	vld.idx.msk [tilespmem:v3+s2+$0x0], $0xffff  }
0x1f5: {  	v6 =	vld [tilespmem:s18+$0x140]  }
0x1f6: {  	v8 =	vld.idx.msk [tilespmem:v7+s20+$0x0], $0xffff  }
0x1f7: {  	v10 =	vld.idx.msk [tilespmem:v12+s22+$0x0], $0xffff  }
0x1f8: {  	v11 =	vld [tilespmem:s18+$0xFFFFFEA0]  }
0x1f9: {  	v12 =	vld [tilespmem:s18+$0xFFFFFFA0]  }
0x1fa: {  	v15 =	vld [tilespmem:s18+$0xA0];
	v5 =	vadd.f32 v5, v6  }
0x1fb: {  	v6 =	vld.idx.msk [tilespmem:v13+s23+$0x0], $0xffff  }
0x1fc: {  	v16 =	vld.idx.msk [tilespmem:v14+s23+$0x0], $0xffff;
	v5 =	vadd.f32 v8, v5  }
0x1fd: {  	v2 =	vadd.f32 v2, v11;
	v8 =	vld.idx.msk [tilespmem:v9+s23+$0x0], $0xffff  }
0x1fe: {  	v4 =	vadd.f32 v4, v12;
	v5 =	vmax.f32 v5, $0.0e+00;
	[tilespmem:v0+s24+$0x0] =	vst.idx.add.f32.msk $0xffff, v1  }
0x1ff: {  	v0 =	vadd.f32 v10, v15;
	[tilespmem:v7+s21+$0x0] =	vst.idx.add.f32.msk $0xffff, v5  }
0x200: {  	v1 =	vld.idx.msk [tilespmem:v3+s22+$0x0], $0xffff  }
0x201: {  	v2 =	vadd.f32 v6, v2;
	v3 =	vld [tilespmem:s18+$0x1C0]  }
0x202: {  	v4 =	vadd.f32 v16, v4;
	v5 =	vld.idx.msk [tilespmem:v7+s23+$0x0], $0xffff  }
0x203: {  	v2 =	vmax.f32 v2, $0.0e+00;
	v6 =	vadd.f32 v8, v0;
	v0 =	vld [tilespmem:s16+$0xFFFFFF70]  }
0x204: {  	[tilespmem:v13+s24+$0x0] =	vst.idx.add.f32.msk $0xffff, v2;
	v2 =	vmax.f32 v4, $0.0e+00  }
0x205: {  	[tilespmem:v14+s24+$0x0] =	vst.idx.add.f32.msk $0xffff, v2;
	v2 =	vmax.f32 v6, $0.0e+00  }
0x206: {  	[tilespmem:v9+s24+$0x0] =	vst.idx.add.f32.msk $0xffff, v2;
	v1 =	vadd.f32 v1, v3  }
0x207: {  	v4 =	vld [tilespmem:s25+$0xFFFFFF30]  }
0x208: {  	v6 =	vld [tilespmem:s25+$0xFFFFFFB0];
	v1 =	vadd.f32 v5, v1  }
0x209: {  	v5 =	vld [tilespmem:s25+$0x30]  }
0x20a: {  	v8 =	vld [tilespmem:s17+$0xFFFFFF30];
	v1 =	vmax.f32 v1, $0.0e+00  }
0x20b: {  	[tilespmem:v7+s24+$0x0] =	vst.idx.add.f32.msk $0xffff, v1  }
0x20c: {  	v7 =	vld [tilespmem:s25+$0xD0]  }
0x20d: {  	v9 =	vld [tilespmem:s17+$0xFFFFFFB0]  }
0x20e: {  	v10 =	vld [tilespmem:s17+$0xD0]  }
0x20f: {  	v11 =	vld [tilespmem:s17+$0x30]  }
0x210: {  	v1 =	vld.idx.msk [tilespmem:v4+s2+$0x0], $0xffff  }
0x211: {  	v2 =	vld.idx.msk [tilespmem:v6+s2+$0x0], $0xffff  }
0x212: {  	v3 =	vld.idx.msk [tilespmem:v5+s2+$0x0], $0xffff  }
0x213: {  	v12 =	vld [tilespmem:s18+$0xFFFFFE30]  }
0x214: {  	v13 =	vld.idx.msk [tilespmem:v7+s2+$0x0], $0xffff  }
0x215: {  	v14 =	vld [tilespmem:s18+$0x150]  }
0x216: {  	v15 =	vld.idx.msk [tilespmem:v10+s20+$0x0], $0xffff  }
0x217: {  	v16 =	vld [tilespmem:s18+$0xFFFFFF30]  }
0x218: {  	v12 =	vadd.f32 v1, v12;
	v1 =	vld [tilespmem:s18+$0x30]  }
0x219: {  	v17 =	vld.idx.msk [tilespmem:v8+s20+$0x0], $0xffff  }
0x21a: {  	v18 =	vld.idx.msk [tilespmem:v9+s20+$0x0], $0xffff;
	v13 =	vadd.f32 v13, v14  }
0x21b: {  	v14 =	vld.idx.msk [tilespmem:v11+s20+$0x0], $0xffff  }
0x21c: {  	v16 =	vadd.f32 v2, v16;
	v13 =	vadd.f32 v15, v13;
	v2 =	vld [tilespmem:s16+$0xFFFFFFF0]  }
0x21d: {  	v15 =	vadd.f32 v3, v1;
	v1 =	vld [tilespmem:s16+$0x70];
	s16 =	smov.u32 s25  }
0x21e: {  	v13 =	vmax.f32 v13, $0.0e+00;
	v3 =	vld [tilespmem:s12+$0xFFFFFF70]  }
0x21f: {  	v12 =	vadd.f32 v17, v12;
	[tilespmem:v10+s21+$0x0] =	vst.idx.add.f32.msk $0xffff, v13  }
0x220: {  	v13 =	vadd.f32 v18, v16;
	v7 =	vld.idx.msk [tilespmem:v7+s22+$0x0], $0xffff  }
0x221: {  	v12 =	vmax.f32 v12, $0.0e+00;
	v14 =	vadd.f32 v14, v15;
	v15 =	vld [tilespmem:s18+$0x1D0]  }
0x222: {  	v13 =	vmax.f32 v13, $0.0e+00;
	v16 =	vld.idx.msk [tilespmem:v10+s23+$0x0], $0xffff  }
0x223: {  	[tilespmem:v8+s21+$0x0] =	vst.idx.add.f32.msk $0xffff, v12;
	v12 =	vmax.f32 v14, $0.0e+00  }
0x224: {  	[tilespmem:v9+s21+$0x0] =	vst.idx.add.f32.msk $0xffff, v13  }
0x225: {  	[tilespmem:v11+s21+$0x0] =	vst.idx.add.f32.msk $0xffff, v12  }
0x226: {  	v4 =	vld.idx.msk [tilespmem:v4+s22+$0x0], $0xffff;
	v7 =	vadd.f32 v7, v15  }
0x227: {  	v6 =	vld.idx.msk [tilespmem:v6+s22+$0x0], $0xffff  }
0x228: {  	v5 =	vld.idx.msk [tilespmem:v5+s22+$0x0], $0xffff;
	v7 =	vadd.f32 v16, v7  }
0x229: {  	v12 =	vld [tilespmem:s18+$0xFFFFFEB0]  }
0x22a: {  	v13 =	vld [tilespmem:s18+$0xFFFFFFB0];
	v7 =	vmax.f32 v7, $0.0e+00  }
0x22b: {  	[tilespmem:v10+s24+$0x0] =	vst.idx.add.f32.msk $0xffff, v7  }
0x22c: {  	v7 =	vld [tilespmem:s25+$0xE0]  }
0x22d: {  	v10 =	vld [tilespmem:s18+$0xB0]  }
0x22e: {  	v12 =	vadd.f32 v4, v12;
	v14 =	vld [tilespmem:s17+$0xE0]  }
0x22f: {  	v15 =	vld.idx.msk [tilespmem:v8+s23+$0x0], $0xffff;
	v6 =	vadd.f32 v6, v13  }
0x230: {  	v13 =	vld.idx.msk [tilespmem:v9+s23+$0x0], $0xffff  }
0x231: {  	v16 =	vld.idx.msk [tilespmem:v11+s23+$0x0], $0xffff  }
0x232: {  	v10 =	vadd.f32 v5, v10;
	v5 =	vld [tilespmem:s12+$0xFFFFFFF0]  }
0x233: {  	v4 =	vld [tilespmem:s12+$0x70];
	s12 =	smov.u32 s17  }
0x234: {  	v17 =	vld.idx.msk [tilespmem:v7+s2+$0x0], $0xffff  }
0x235: {  	v12 =	vadd.f32 v15, v12;
	v15 =	vld [tilespmem:s18+$0x160]  }
0x236: {  	v6 =	vadd.f32 v13, v6;
	v13 =	vld.idx.msk [tilespmem:v14+s20+$0x0], $0xffff  }
0x237: {  	v12 =	vmax.f32 v12, $0.0e+00;
	v10 =	vadd.f32 v16, v10;
	v16 =	vld.idx.msk [tilespmem:v0+s2+$0x0], $0xffff  }
0x238: {  	v6 =	vmax.f32 v6, $0.0e+00;
	[tilespmem:v8+s24+$0x0] =	vst.idx.add.f32.msk $0xffff, v12  }
0x239: {  	[tilespmem:v9+s24+$0x0] =	vst.idx.add.f32.msk $0xffff, v6;
	v6 =	vmax.f32 v10, $0.0e+00  }
0x23a: {  	[tilespmem:v11+s24+$0x0] =	vst.idx.add.f32.msk $0xffff, v6;
	v6 =	vadd.f32 v17, v15  }
0x23b: {  	v8 =	vld [tilespmem:s25+$0xFFFFFF40]  }
0x23c: {  	v9 =	vld [tilespmem:s25+$0xFFFFFFC0];
	v6 =	vadd.f32 v13, v6  }
0x23d: {  	v10 =	vld [tilespmem:s25+$0x40]  }
0x23e: {  	v11 =	vld [tilespmem:s17+$0xFFFFFF40];
	v6 =	vmax.f32 v6, $0.0e+00  }
0x23f: {  	[tilespmem:v14+s21+$0x0] =	vst.idx.add.f32.msk $0xffff, v6  }
0x240: {  	v6 =	vld.idx.msk [tilespmem:v7+s22+$0x0], $0xffff  }
0x241: {  	v7 =	vld [tilespmem:s18+$0x1E0]  }
0x242: {  	v12 =	vld.idx.msk [tilespmem:v14+s23+$0x0], $0xffff  }
0x243: {  	v13 =	vld [tilespmem:s17+$0xFFFFFFC0]  }
0x244: {  	v15 =	vld [tilespmem:s17+$0x40]  }
0x245: {  	v17 =	vld.idx.msk [tilespmem:v8+s2+$0x0], $0xffff  }
0x246: {  	v18 =	vld.idx.msk [tilespmem:v9+s2+$0x0], $0xffff;
	v6 =	vadd.f32 v6, v7  }
0x247: {  	v7 =	vld.idx.msk [tilespmem:v10+s2+$0x0], $0xffff  }
0x248: {  	v19 =	vld [tilespmem:s18+$0xFFFFFE40];
	v6 =	vadd.f32 v12, v6  }
0x249: {  	v12 =	vld [tilespmem:s18+$0xFFFFFF40]  }
0x24a: {  	v20 =	vld [tilespmem:s18+$0x40];
	v6 =	vmax.f32 v6, $0.0e+00  }
0x24b: {  	[tilespmem:v14+s24+$0x0] =	vst.idx.add.f32.msk $0xffff, v6  }
0x24c: {  	v6 =	vld [tilespmem:s25+$0xF0]  }
0x24d: {  	v14 =	vld.idx.msk [tilespmem:v11+s20+$0x0], $0xffff;
	v17 =	vadd.f32 v17, v19  }
0x24e: {  	v12 =	vadd.f32 v18, v12;
	v18 =	vld [tilespmem:s17+$0xF0]  }
0x24f: {  	v19 =	vld.idx.msk [tilespmem:v13+s20+$0x0], $0xffff;
	v7 =	vadd.f32 v7, v20  }
0x250: {  	v20 =	vld.idx.msk [tilespmem:v15+s20+$0x0], $0xffff  }
0x251: {  	v21 =	vld.idx.msk [tilespmem:v2+s2+$0x0], $0xffff  }
0x252: {  	v22 =	vld.idx.msk [tilespmem:v1+s2+$0x0], $0xffff  }
0x253: {  	v14 =	vadd.f32 v14, v17;
	v17 =	vld [tilespmem:s6+$0xFFFFFE70]  }
0x254: {  	v23 =	vld.idx.msk [tilespmem:v6+s2+$0x0], $0xffff  }
0x255: {  	v14 =	vmax.f32 v14, $0.0e+00;
	v12 =	vadd.f32 v19, v12;
	v19 =	vld [tilespmem:s18+$0x170]  }
0x256: {  	v7 =	vadd.f32 v20, v7;
	v20 =	vld.idx.msk [tilespmem:v18+s20+$0x0], $0xffff  }
0x257: {  	v12 =	vmax.f32 v12, $0.0e+00;
	[tilespmem:v11+s21+$0x0] =	vst.idx.add.f32.msk $0xffff, v14  }
0x258: {  	v7 =	vmax.f32 v7, $0.0e+00;
	[tilespmem:v13+s21+$0x0] =	vst.idx.add.f32.msk $0xffff, v12;
	v12 =	vadd.f32 v16, v17  }
0x259: {  	[tilespmem:v15+s21+$0x0] =	vst.idx.add.f32.msk $0xffff, v7  }
0x25a: {  	v7 =	vld.idx.msk [tilespmem:v8+s22+$0x0], $0xffff;
	v8 =	vadd.f32 v23, v19  }
0x25b: {  	v9 =	vld.idx.msk [tilespmem:v9+s22+$0x0], $0xffff  }
0x25c: {  	v10 =	vld.idx.msk [tilespmem:v10+s22+$0x0], $0xffff;
	v8 =	vadd.f32 v20, v8  }
0x25d: {  	v14 =	vld [tilespmem:s18+$0xFFFFFEC0]  }
0x25e: {  	v16 =	vld [tilespmem:s18+$0xFFFFFFC0];
	v8 =	vmax.f32 v8, $0.0e+00  }
0x25f: {  	[tilespmem:v18+s21+$0x0] =	vst.idx.add.f32.msk $0xffff, v8  }
0x260: {  	v6 =	vld.idx.msk [tilespmem:v6+s22+$0x0], $0xffff  }
0x261: {  	v8 =	vld [tilespmem:s18+$0x1F0]  }
0x262: {  	v7 =	vadd.f32 v7, v14;
	v14 =	vld.idx.msk [tilespmem:v18+s23+$0x0], $0xffff  }
0x263: {  	v9 =	vadd.f32 v9, v16;
	v16 =	vld [tilespmem:s18+$0xC0]  }
0x264: {  	v17 =	vld.idx.msk [tilespmem:v11+s23+$0x0], $0xffff  }
0x265: {  	v19 =	vld.idx.msk [tilespmem:v13+s23+$0x0], $0xffff  }
0x266: {  	v20 =	vld.idx.msk [tilespmem:v15+s23+$0x0], $0xffff;
	v6 =	vadd.f32 v6, v8  }
0x267: {  	v8 =	vld [tilespmem:s6+$0xFFFFFF70]  }
0x268: {  	v10 =	vadd.f32 v10, v16;
	v6 =	vadd.f32 v14, v6;
	v14 =	vld [tilespmem:s6+$0x70]  }
0x269: {  	v16 =	vld.idx.msk [tilespmem:v3+s20+$0x0], $0xffff  }
0x26a: {  	v7 =	vadd.f32 v17, v7;
	v6 =	vmax.f32 v6, $0.0e+00;
	v17 =	vld.idx.msk [tilespmem:v5+s20+$0x0], $0xffff  }
0x26b: {  	v9 =	vadd.f32 v19, v9;
	[tilespmem:v18+s24+$0x0] =	vst.idx.add.f32.msk $0xffff, v6  }
0x26c: {  	v6 =	vmax.f32 v7, $0.0e+00;
	v7 =	vadd.f32 v20, v10;
	v8 =	vadd.f32 v21, v8;
	v10 =	vld.idx.msk [tilespmem:v4+s20+$0x0], $0xffff  }
0x26d: {  	[tilespmem:v11+s24+$0x0] =	vst.idx.add.f32.msk $0xffff, v6;
	v6 =	vmax.f32 v9, $0.0e+00;
	v9 =	vadd.f32 v22, v14  }
0x26e: {  	[tilespmem:v13+s24+$0x0] =	vst.idx.add.f32.msk $0xffff, v6;
	v6 =	vmax.f32 v7, $0.0e+00  }
0x26f: {  	[tilespmem:v15+s24+$0x0] =	vst.idx.add.f32.msk $0xffff, v6;
	v6 =	vadd.f32 v16, v12  }
0x270: {  	v8 =	vadd.f32 v17, v8;
	v7 =	vld [tilespmem:s25+$0xFFFFFF50]  }
0x271: {  	v11 =	vld [tilespmem:s25+$0xFFFFFFD0];
	v6 =	vmax.f32 v6, $0.0e+00  }
0x272: {  	v8 =	vmax.f32 v8, $0.0e+00;
	v9 =	vadd.f32 v10, v9;
	v12 =	vld [tilespmem:s25+$0x50]  }
0x273: {  	v10 =	vld [tilespmem:s17+$0xFFFFFF50]  }
0x274: {  	v9 =	vmax.f32 v9, $0.0e+00;
	v13 =	vld [tilespmem:s17+$0xFFFFFFD0]  }
0x275: {  	v14 =	vld [tilespmem:s17+$0x50]  }
0x276: {  	v15 =	vld [tilespmem:s18+$0xFFFFFE50]  }
0x277: {  	v16 =	vld [tilespmem:s18+$0xFFFFFF50]  }
0x278: {  	v17 =	vld.idx.msk [tilespmem:v7+s2+$0x0], $0xffff  }
0x279: {  	v18 =	vld.idx.msk [tilespmem:v11+s2+$0x0], $0xffff  }
0x27a: {  	v19 =	vld.idx.msk [tilespmem:v12+s2+$0x0], $0xffff  }
0x27b: {  	v20 =	vld [tilespmem:s18+$0x50]  }
0x27c: {  	v21 =	vld.idx.msk [tilespmem:v10+s20+$0x0], $0xffff  }
0x27d: {  	v22 =	vld.idx.msk [tilespmem:v13+s20+$0x0], $0xffff  }
0x27e: {  	v15 =	vadd.f32 v17, v15;
	v17 =	vld.idx.msk [tilespmem:v14+s20+$0x0], $0xffff  }
0x27f: {  	v16 =	vadd.f32 v18, v16;
	[tilespmem:v3+s21+$0x0] =	vst.idx.add.f32.msk $0xffff, v6  }
0x280: {  	v6 =	vadd.f32 v19, v20;
	[tilespmem:v5+s21+$0x0] =	vst.idx.add.f32.msk $0xffff, v8  }
0x281: {  	[tilespmem:v4+s21+$0x0] =	vst.idx.add.f32.msk $0xffff, v9  }
0x282: {  	v8 =	vadd.f32 v21, v15;
	v0 =	vld.idx.msk [tilespmem:v0+s22+$0x0], $0xffff  }
0x283: {  	v9 =	vadd.f32 v22, v16;
	v2 =	vld.idx.msk [tilespmem:v2+s22+$0x0], $0xffff  }
0x284: {  	v8 =	vmax.f32 v8, $0.0e+00;
	v6 =	vadd.f32 v17, v6;
	v1 =	vld.idx.msk [tilespmem:v1+s22+$0x0], $0xffff  }
0x285: {  	[tilespmem:v10+s21+$0x0] =	vst.idx.add.f32.msk $0xffff, v8;
	v8 =	vmax.f32 v9, $0.0e+00  }
0x286: {  	v6 =	vmax.f32 v6, $0.0e+00;
	[tilespmem:v13+s21+$0x0] =	vst.idx.add.f32.msk $0xffff, v8  }
0x287: {  	[tilespmem:v14+s21+$0x0] =	vst.idx.add.f32.msk $0xffff, v6  }
0x288: {  	v6 =	vld.idx.msk [tilespmem:v7+s22+$0x0], $0xffff  }
0x289: {  	v7 =	vld.idx.msk [tilespmem:v11+s22+$0x0], $0xffff  }
0x28a: {  	v8 =	vld.idx.msk [tilespmem:v12+s22+$0x0], $0xffff  }
0x28b: {  	v9 =	vld [tilespmem:s18+$0xFFFFFED0]  }
0x28c: {  	v11 =	vld [tilespmem:s18+$0xFFFFFFD0]  }
0x28d: {  	v12 =	vld [tilespmem:s18+$0xD0]  }
0x28e: {  	v15 =	vld.idx.msk [tilespmem:v10+s23+$0x0], $0xffff  }
0x28f: {  	v16 =	vld.idx.msk [tilespmem:v13+s23+$0x0], $0xffff  }
0x290: {  	v6 =	vadd.f32 v6, v9;
	v9 =	vld.idx.msk [tilespmem:v14+s23+$0x0], $0xffff  }
0x291: {  	v7 =	vadd.f32 v7, v11;
	v11 =	vld [tilespmem:s6+$0xFFFFFEF0]  }
0x292: {  	v8 =	vadd.f32 v8, v12;
	v12 =	vld [tilespmem:s6+$0xFFFFFFF0]  }
0x293: {  	v17 =	vld [tilespmem:s6+$0xF0];
	s6 =	smov.u32 s18  }
0x294: {  	v6 =	vadd.f32 v15, v6;
	v15 =	vld.idx.msk [tilespmem:v3+s23+$0x0], $0xffff  }
0x295: {  	v7 =	vadd.f32 v16, v7;
	v16 =	vld.idx.msk [tilespmem:v5+s23+$0x0], $0xffff  }
0x296: {  	v6 =	vmax.f32 v6, $0.0e+00;
	v8 =	vadd.f32 v9, v8;
	v0 =	vadd.f32 v0, v11;
	v9 =	vld.idx.msk [tilespmem:v4+s23+$0x0], $0xffff  }
0x297: {  	[tilespmem:v10+s24+$0x0] =	vst.idx.add.f32.msk $0xffff, v6;
	v6 =	vmax.f32 v7, $0.0e+00;
	v2 =	vadd.f32 v2, v12  }
0x298: {  	[tilespmem:v13+s24+$0x0] =	vst.idx.add.f32.msk $0xffff, v6;
	v6 =	vmax.f32 v8, $0.0e+00;
	v1 =	vadd.f32 v1, v17  }
0x299: {  	[tilespmem:v14+s24+$0x0] =	vst.idx.add.f32.msk $0xffff, v6  }
0x29a: {  	v0 =	vadd.f32 v15, v0;
	v8 =	vld [tilespmem:s25+$0xFFFFFF60]  }
0x29b: {  	v10 =	vadd.f32 v16, v2;
	v7 =	vld [tilespmem:s25+$0xFFFFFFE0]  }
0x29c: {  	v14 =	vmax.f32 v0, $0.0e+00;
	v0 =	vadd.f32 v9, v1;
	v6 =	vld [tilespmem:s25+$0x60]  }
0x29d: {  	v15 =	vmax.f32 v10, $0.0e+00;
	v2 =	vld [tilespmem:s17+$0xFFFFFF60]  }
0x29e: {  	v16 =	vmax.f32 v0, $0.0e+00;
	v1 =	vld [tilespmem:s17+$0xFFFFFFE0]  }
0x29f: {  	v0 =	vld [tilespmem:s17+$0x60]  }
0x2a0: {  	v9 =	vld [tilespmem:s18+$0xFFFFFE60]  }
0x2a1: {  	v13 =	vld [tilespmem:s18+$0xFFFFFF60]  }
0x2a2: {  	v12 =	vld.idx.msk [tilespmem:v8+s2+$0x0], $0xffff  }
0x2a3: {  	v17 =	vld.idx.msk [tilespmem:v7+s2+$0x0], $0xffff  }
0x2a4: {  	v18 =	vld.idx.msk [tilespmem:v6+s2+$0x0], $0xffff  }
0x2a5: {  	v19 =	vld [tilespmem:s18+$0x60]  }
0x2a6: {  	v10 =	vld.idx.msk [tilespmem:v2+s20+$0x0], $0xffff  }
.Ltmp0:
0x2a7: {  	v11 =	vld.idx.msk [tilespmem:v1+s20+$0x0], $0xffff;
	(pc) =	sbr.rel @p0 .LBB2_3-.Ltmp0, $4  }
0x2a8: {  	v12 =	vadd.f32 v12, v9;
	v9 =	vld.idx.msk [tilespmem:v0+s20+$0x0], $0xffff  }
0x2a9: {  	v13 =	vadd.f32 v17, v13;
	[tilespmem:v3+s24+$0x0] =	vst.idx.add.f32.msk $0xffff, v14  }
0x2aa: {  	v3 =	vadd.f32 v18, v19;
	[tilespmem:v5+s24+$0x0] =	vst.idx.add.f32.msk $0xffff, v15  }
0x2ab: {  	s25 =	sadd.s32 $0x200, s25;
	[tilespmem:v4+s24+$0x0] =	vst.idx.add.f32.msk $0xffff, v16  }
0x2ac: {  	_ = 	snop  }
0x2ad: {  	v4 =	vadd.f32 v10, v12  }
0x2ae: {  	v5 =	vadd.f32 v11, v13  }
0x2af: {  	v3 =	vadd.f32 v9, v3;
	v4 =	vmax.f32 v4, $0.0e+00  }
0x2b0: {  	v5 =	vmax.f32 v5, $0.0e+00;
	[tilespmem:v2+s21+$0x0] =	vst.idx.add.f32.msk $0xffff, v4  }
0x2b1: {  	v3 =	vmax.f32 v3, $0.0e+00;
	[tilespmem:v1+s21+$0x0] =	vst.idx.add.f32.msk $0xffff, v5  }
0x2b2: {  	[tilespmem:v0+s21+$0x0] =	vst.idx.add.f32.msk $0xffff, v3  }
0x2b3: {  	v3 =	vld.idx.msk [tilespmem:v8+s22+$0x0], $0xffff  }
0x2b4: {  	v4 =	vld.idx.msk [tilespmem:v7+s22+$0x0], $0xffff  }
0x2b5: {  	v7 =	vld [tilespmem:s6+$0xFFFFFFE0]  }
0x2b6: {  	v10 =	vld.idx.msk [tilespmem:v1+s23+$0x0], $0xffff  }
0x2b7: {  	v5 =	vld.idx.msk [tilespmem:v6+s22+$0x0], $0xffff  }
0x2b8: {  	v6 =	vld [tilespmem:s6+$0xFFFFFEE0]  }
0x2b9: {  	v8 =	vld [tilespmem:s6+$0xE0]  }
0x2ba: {  	v9 =	vld.idx.msk [tilespmem:v2+s23+$0x0], $0xffff  }
0x2bb: {  	v11 =	vld.idx.msk [tilespmem:v0+s23+$0x0], $0xffff  }
0x2bc: {  	v4 =	vadd.f32 v4, v7  }
0x2bd: {  	v3 =	vadd.f32 v3, v6  }
0x2be: {  	v5 =	vadd.f32 v5, v8;
	v4 =	vadd.f32 v10, v4  }
0x2bf: {  	v3 =	vadd.f32 v9, v3  }
0x2c0: {  	v5 =	vadd.f32 v11, v5;
	v4 =	vmax.f32 v4, $0.0e+00  }
0x2c1: {  	v3 =	vmax.f32 v3, $0.0e+00;
	[tilespmem:v1+s24+$0x0] =	vst.idx.add.f32.msk $0xffff, v4  }
0x2c2: {  	v1 =	vmax.f32 v5, $0.0e+00;
	[tilespmem:v2+s24+$0x0] =	vst.idx.add.f32.msk $0xffff, v3  }
0x2c3: {  	[tilespmem:v0+s24+$0x0] =	vst.idx.add.f32.msk $0xffff, v1  }
0x2c4: {  	v1 =	vld [tilespmem:s16+$0xFFFFFFF0]  }
0x2c5: {  	v0 =	vld [tilespmem:s16+$0xFFFFFF70]  }
0x2c6: {  	v4 =	vld [tilespmem:s12+$0xFFFFFFF0]  }
0x2c7: {  	v3 =	vld [tilespmem:s12+$0xFFFFFF70]  }
0x2c8: {  	v10 =	vld [tilespmem:s6+$0xFFFFFF70]  }
0x2c9: {  	v2 =	vld [tilespmem:s16+$0x70]  }
0x2ca: {  	v5 =	vld [tilespmem:s12+$0x70]  }
0x2cb: {  	v9 =	vld [tilespmem:s6+$0xFFFFFE70]  }
0x2cc: {  	v7 =	vld.idx.msk [tilespmem:v1+s2+$0x0], $0xffff  }
0x2cd: {  	v6 =	vld.idx.msk [tilespmem:v0+s2+$0x0], $0xffff  }
0x2ce: {  	v13 =	vld.idx.msk [tilespmem:v4+s20+$0x0], $0xffff  }
0x2cf: {  	v12 =	vld.idx.msk [tilespmem:v3+s20+$0x0], $0xffff  }
0x2d0: {  	v11 =	vld [tilespmem:s6+$0x70]  }
0x2d1: {  	v8 =	vld.idx.msk [tilespmem:v2+s2+$0x0], $0xffff;
	v7 =	vadd.f32 v7, v10  }
0x2d2: {  	v6 =	vadd.f32 v6, v9  }
0x2d3: {  	v14 =	vld.idx.msk [tilespmem:v5+s20+$0x0], $0xffff;
	v7 =	vadd.f32 v13, v7  }
0x2d4: {  	v6 =	vadd.f32 v12, v6  }
0x2d5: {  	v7 =	vmax.f32 v7, $0.0e+00  }
0x2d6: {  	v8 =	vadd.f32 v8, v11;
	v6 =	vmax.f32 v6, $0.0e+00;
	[tilespmem:v4+s21+$0x0] =	vst.idx.add.f32.msk $0xffff, v7  }
0x2d7: {  	[tilespmem:v3+s21+$0x0] =	vst.idx.add.f32.msk $0xffff, v6  }
0x2d8: {  	v8 =	vadd.f32 v14, v8;
	v1 =	vld.idx.msk [tilespmem:v1+s22+$0x0], $0xffff  }
0x2d9: {  	v7 =	vld [tilespmem:s6+$0xFFFFFFF0]  }
0x2da: {  	v6 =	vmax.f32 v8, $0.0e+00;
	v10 =	vld.idx.msk [tilespmem:v4+s23+$0x0], $0xffff  }
0x2db: {  	[tilespmem:v5+s21+$0x0] =	vst.idx.add.f32.msk $0xffff, v6  }
0x2dc: {  	v0 =	vld.idx.msk [tilespmem:v0+s22+$0x0], $0xffff  }
0x2dd: {  	v6 =	vld [tilespmem:s6+$0xFFFFFEF0]  }
0x2de: {  	v2 =	vld.idx.msk [tilespmem:v2+s22+$0x0], $0xffff  }
0x2df: {  	v8 =	vld [tilespmem:s6+$0xF0]  }
0x2e0: {  	v9 =	vld.idx.msk [tilespmem:v3+s23+$0x0], $0xffff  }
0x2e1: {  	v11 =	vld.idx.msk [tilespmem:v5+s23+$0x0], $0xffff  }
0x2e2: {  	v1 =	vadd.f32 v1, v7  }
0x2e3: {  	v0 =	vadd.f32 v0, v6  }
0x2e4: {  	v2 =	vadd.f32 v2, v8;
	v1 =	vadd.f32 v10, v1  }
0x2e5: {  	v0 =	vadd.f32 v9, v0  }
0x2e6: {  	v2 =	vadd.f32 v11, v2;
	v1 =	vmax.f32 v1, $0.0e+00  }
0x2e7: {  	v0 =	vmax.f32 v0, $0.0e+00;
	[tilespmem:v4+s24+$0x0] =	vst.idx.add.f32.msk $0xffff, v1  }
0x2e8: {  	[tilespmem:v3+s24+$0x0] =	vst.idx.add.f32.msk $0xffff, v0;
	v0 =	vmax.f32 v2, $0.0e+00  }
0x2e9: {  	[tilespmem:v5+s24+$0x0] =	vst.idx.add.f32.msk $0xffff, v0  }
0x2ea: {  	v0 =	vld [tilespmem:$0xFC00];
	_ =	sdelay $0x1  }
0x2eb: {  	v1 =	vld [tilespmem:$0x10880];
	_ =	sdelay $0x4  }
0x2ec: {  	v2 =	vld [tilespmem:$0x12100]  }
0x2ed: {  	v3 =	vld.idx.msk [tilespmem:v0+s2+$0x0], $0xffff;
	_ =	sdelay $0x1  }
0x2ee: {  	v4 =	vld.idx.msk [tilespmem:v1+s20+$0x0], $0xffff;
	_ =	sdelay $0x2  }
0x2ef: {  	v2 =	vadd.f32 v3, v2;
	_ =	sdelay $0x1  }
0x2f0: {  	v2 =	vadd.f32 v4, v2;
	_ =	sdelay $0x1  }
0x2f1: {  	v2 =	vmax.f32 v2, $0.0e+00  }
0x2f2: {  	[tilespmem:v1+s21+$0x0] =	vst.idx.add.f32.msk $0xffff, v2  }
0x2f3: {  	v2 =	vld [tilespmem:$0x12180]  }
0x2f4: {  	v0 =	vld.idx.msk [tilespmem:v0+s22+$0x0], $0xffff;
	_ =	sdelay $0x1  }
0x2f5: {  	v3 =	vld.idx.msk [tilespmem:v1+s23+$0x0], $0xffff;
	_ =	sdelay $0x2  }
0x2f6: {  	v0 =	vadd.f32 v0, v2;
	_ =	sdelay $0x1  }
0x2f7: {  	v0 =	vadd.f32 v3, v0;
	_ =	sdelay $0x1  }
0x2f8: {  	v0 =	vmax.f32 v0, $0.0e+00  }
0x2f9: {  	[tilespmem:v1+s24+$0x0] =	vst.idx.add.f32.msk $0xffff, v0  }
0x2fa: {  	v0 =	vld [tilespmem:$0xFC10];
	_ =	sdelay $0x1  }
0x2fb: {  	v1 =	vld [tilespmem:$0x10890];
	_ =	sdelay $0x4  }
0x2fc: {  	v2 =	vld [tilespmem:$0x12110]  }
0x2fd: {  	v3 =	vld.idx.msk [tilespmem:v0+s2+$0x0], $0xffff;
	_ =	sdelay $0x1  }
0x2fe: {  	v4 =	vld.idx.msk [tilespmem:v1+s20+$0x0], $0xffff;
	_ =	sdelay $0x2  }
0x2ff: {  	v2 =	vadd.f32 v3, v2;
	_ =	sdelay $0x1  }
0x300: {  	v2 =	vadd.f32 v4, v2;
	_ =	sdelay $0x1  }
0x301: {  	v2 =	vmax.f32 v2, $0.0e+00  }
0x302: {  	[tilespmem:v1+s21+$0x0] =	vst.idx.add.f32.msk $0xffff, v2  }
0x303: {  	v2 =	vld [tilespmem:$0x12190]  }
0x304: {  	v0 =	vld.idx.msk [tilespmem:v0+s22+$0x0], $0xffff;
	_ =	sdelay $0x1  }
0x305: {  	v3 =	vld.idx.msk [tilespmem:v1+s23+$0x0], $0xffff;
	_ =	sdelay $0x2  }
0x306: {  	v0 =	vadd.f32 v0, v2;
	_ =	sdelay $0x1  }
0x307: {  	v0 =	vadd.f32 v3, v0;
	_ =	sdelay $0x1  }
0x308: {  	v0 =	vmax.f32 v0, $0.0e+00  }
0x309: {  	[tilespmem:v1+s24+$0x0] =	vst.idx.add.f32.msk $0xffff, v0  }
0x30a: {  	v0 =	vld [tilespmem:$0xFC20];
	_ =	sdelay $0x1  }
0x30b: {  	v1 =	vld [tilespmem:$0x108A0];
	_ =	sdelay $0x4  }
0x30c: {  	v2 =	vld [tilespmem:$0x12120]  }
0x30d: {  	v3 =	vld.idx.msk [tilespmem:v0+s2+$0x0], $0xffff;
	_ =	sdelay $0x1  }
0x30e: {  	v4 =	vld.idx.msk [tilespmem:v1+s20+$0x0], $0xffff;
	_ =	sdelay $0x2  }
0x30f: {  	v2 =	vadd.f32 v3, v2;
	_ =	sdelay $0x1  }
0x310: {  	v2 =	vadd.f32 v4, v2;
	_ =	sdelay $0x1  }
0x311: {  	v2 =	vmax.f32 v2, $0.0e+00  }
0x312: {  	[tilespmem:v1+s21+$0x0] =	vst.idx.add.f32.msk $0xffff, v2  }
0x313: {  	v2 =	vld [tilespmem:$0x121A0]  }
0x314: {  	v0 =	vld.idx.msk [tilespmem:v0+s22+$0x0], $0xffff;
	_ =	sdelay $0x1  }
0x315: {  	v3 =	vld.idx.msk [tilespmem:v1+s23+$0x0], $0xffff;
	_ =	sdelay $0x2  }
0x316: {  	v0 =	vadd.f32 v0, v2;
	_ =	sdelay $0x1  }
0x317: {  	v0 =	vadd.f32 v3, v0;
	_ =	sdelay $0x1  }
0x318: {  	v0 =	vmax.f32 v0, $0.0e+00  }
0x319: {  	[tilespmem:v1+s24+$0x0] =	vst.idx.add.f32.msk $0xffff, v0  }
0x31a: {  	v0 =	vld [tilespmem:$0xFC30];
	_ =	sdelay $0x1  }
0x31b: {  	v1 =	vld [tilespmem:$0x108B0];
	_ =	sdelay $0x4  }
0x31c: {  	v2 =	vld [tilespmem:$0x12130]  }
0x31d: {  	v3 =	vld.idx.msk [tilespmem:v0+s2+$0x0], $0xffff;
	_ =	sdelay $0x1  }
0x31e: {  	v4 =	vld.idx.msk [tilespmem:v1+s20+$0x0], $0xffff;
	_ =	sdelay $0x2  }
0x31f: {  	v2 =	vadd.f32 v3, v2;
	_ =	sdelay $0x1  }
0x320: {  	v2 =	vadd.f32 v4, v2;
	_ =	sdelay $0x1  }
0x321: {  	v2 =	vmax.f32 v2, $0.0e+00  }
0x322: {  	[tilespmem:v1+s21+$0x0] =	vst.idx.add.f32.msk $0xffff, v2  }
0x323: {  	v2 =	vld [tilespmem:$0x121B0]  }
0x324: {  	v0 =	vld.idx.msk [tilespmem:v0+s22+$0x0], $0xffff;
	_ =	sdelay $0x1  }
0x325: {  	v3 =	vld.idx.msk [tilespmem:v1+s23+$0x0], $0xffff;
	_ =	sdelay $0x2  }
0x326: {  	v0 =	vadd.f32 v0, v2;
	_ =	sdelay $0x1  }
0x327: {  	v0 =	vadd.f32 v3, v0;
	_ =	sdelay $0x1  }
0x328: {  	v0 =	vmax.f32 v0, $0.0e+00  }
0x329: {  	[tilespmem:v1+s24+$0x0] =	vst.idx.add.f32.msk $0xffff, v0  }
0x32a: {  	v0 =	vld [tilespmem:$0xFC40];
	_ =	sdelay $0x1  }
0x32b: {  	v1 =	vld [tilespmem:$0x108C0];
	_ =	sdelay $0x4  }
0x32c: {  	v2 =	vld [tilespmem:$0x12140]  }
0x32d: {  	v3 =	vld.idx.msk [tilespmem:v0+s2+$0x0], $0xffff;
	_ =	sdelay $0x1  }
0x32e: {  	v4 =	vld.idx.msk [tilespmem:v1+s20+$0x0], $0xffff;
	_ =	sdelay $0x2  }
0x32f: {  	v2 =	vadd.f32 v3, v2;
	_ =	sdelay $0x1  }
0x330: {  	v2 =	vadd.f32 v4, v2;
	_ =	sdelay $0x1  }
0x331: {  	v2 =	vmax.f32 v2, $0.0e+00  }
0x332: {  	[tilespmem:v1+s21+$0x0] =	vst.idx.add.f32.msk $0xffff, v2  }
0x333: {  	v2 =	vld [tilespmem:$0x121C0]  }
0x334: {  	v0 =	vld.idx.msk [tilespmem:v0+s22+$0x0], $0xffff;
	_ =	sdelay $0x1  }
0x335: {  	v3 =	vld.idx.msk [tilespmem:v1+s23+$0x0], $0xffff;
	_ =	sdelay $0x2  }
0x336: {  	v0 =	vadd.f32 v0, v2;
	_ =	sdelay $0x1  }
0x337: {  	v0 =	vadd.f32 v3, v0;
	_ =	sdelay $0x1  }
0x338: {  	v0 =	vmax.f32 v0, $0.0e+00  }
0x339: {  	[tilespmem:v1+s24+$0x0] =	vst.idx.add.f32.msk $0xffff, v0  }
0x33a: {  	v0 =	vld [tilespmem:$0xFC50];
	_ =	sdelay $0x1  }
0x33b: {  	v1 =	vld [tilespmem:$0x108D0];
	_ =	sdelay $0x4  }
0x33c: {  	v2 =	vld [tilespmem:$0x12150]  }
0x33d: {  	v3 =	vld.idx.msk [tilespmem:v0+s2+$0x0], $0xffff;
	_ =	sdelay $0x1  }
0x33e: {  	v4 =	vld.idx.msk [tilespmem:v1+s20+$0x0], $0xffff;
	_ =	sdelay $0x2  }
0x33f: {  	v2 =	vadd.f32 v3, v2;
	_ =	sdelay $0x1  }
0x340: {  	v2 =	vadd.f32 v4, v2;
	_ =	sdelay $0x1  }
0x341: {  	v2 =	vmax.f32 v2, $0.0e+00  }
0x342: {  	[tilespmem:v1+s21+$0x0] =	vst.idx.add.f32.msk $0xffff, v2  }
0x343: {  	v2 =	vld [tilespmem:$0x121D0]  }
0x344: {  	v0 =	vld.idx.msk [tilespmem:v0+s22+$0x0], $0xffff;
	_ =	sdelay $0x1  }
0x345: {  	v3 =	vld.idx.msk [tilespmem:v1+s23+$0x0], $0xffff;
	_ =	sdelay $0x2  }
0x346: {  	v0 =	vadd.f32 v0, v2;
	_ =	sdelay $0x1  }
0x347: {  	v0 =	vadd.f32 v3, v0;
	_ =	sdelay $0x1  }
0x348: {  	v0 =	vmax.f32 v0, $0.0e+00  }
0x349: {  	[tilespmem:v1+s24+$0x0] =	vst.idx.add.f32.msk $0xffff, v0  }
0x34a: {  	v0 =	vld [tilespmem:$0xFC60];
	_ =	sdelay $0x1  }
0x34b: {  	v1 =	vld [tilespmem:$0x108E0];
	_ =	sdelay $0x4  }
0x34c: {  	v2 =	vld [tilespmem:$0x12160]  }
0x34d: {  	v3 =	vld.idx.msk [tilespmem:v0+s2+$0x0], $0xffff;
	_ =	sdelay $0x1  }
0x34e: {  	v4 =	vld.idx.msk [tilespmem:v1+s20+$0x0], $0xffff;
	_ =	sdelay $0x2  }
0x34f: {  	v2 =	vadd.f32 v3, v2;
	_ =	sdelay $0x1  }
0x350: {  	v2 =	vadd.f32 v4, v2;
	_ =	sdelay $0x1  }
0x351: {  	v2 =	vmax.f32 v2, $0.0e+00  }
0x352: {  	[tilespmem:v1+s21+$0x0] =	vst.idx.add.f32.msk $0xffff, v2  }
0x353: {  	v2 =	vld [tilespmem:$0x121E0]  }
0x354: {  	v0 =	vld.idx.msk [tilespmem:v0+s22+$0x0], $0xffff;
	_ =	sdelay $0x1  }
0x355: {  	v3 =	vld.idx.msk [tilespmem:v1+s23+$0x0], $0xffff;
	_ =	sdelay $0x2  }
0x356: {  	v0 =	vadd.f32 v0, v2;
	_ =	sdelay $0x1  }
0x357: {  	v0 =	vadd.f32 v3, v0;
	_ =	sdelay $0x1  }
0x358: {  	v0 =	vmax.f32 v0, $0.0e+00  }
0x359: {  	[tilespmem:v1+s24+$0x0] =	vst.idx.add.f32.msk $0xffff, v0  }
0x35a: {  	v0 =	vld [tilespmem:$0xFC70];
	_ =	sdelay $0x1  }
0x35b: {  	v1 =	vld [tilespmem:$0x108F0];
	_ =	sdelay $0x4  }
0x35c: {  	v2 =	vld [tilespmem:$0x12170]  }
0x35d: {  	v3 =	vld.idx.msk [tilespmem:v0+s2+$0x0], $0xffff;
	_ =	sdelay $0x1  }
0x35e: {  	v4 =	vld.idx.msk [tilespmem:v1+s20+$0x0], $0xffff;
	_ =	sdelay $0x2  }
0x35f: {  	v2 =	vadd.f32 v3, v2;
	_ =	sdelay $0x1  }
0x360: {  	v2 =	vadd.f32 v4, v2;
	_ =	sdelay $0x1  }
0x361: {  	v2 =	vmax.f32 v2, $0.0e+00  }
0x362: {  	[tilespmem:v1+s21+$0x0] =	vst.idx.add.f32.msk $0xffff, v2  }
0x363: {  	v2 =	vld [tilespmem:$0x121F0]  }
0x364: {  	v0 =	vld.idx.msk [tilespmem:v0+s22+$0x0], $0xffff;
	_ =	sdelay $0x1  }
0x365: {  	v3 =	vld.idx.msk [tilespmem:v1+s23+$0x0], $0xffff;
	_ =	sdelay $0x2  }
0x366: {  	v0 =	vadd.f32 v0, v2;
	_ =	sdelay $0x1  }
0x367: {  	v0 =	vadd.f32 v3, v0;
	_ =	sdelay $0x1  }
0x368: {  	v0 =	vmax.f32 v0, $0.0e+00  }
0x369: {  	[tilespmem:v1+s24+$0x0] =	vst.idx.add.f32.msk $0xffff, v0  }
0x36a: {  	_ =	swait.ge [sflag:s11], $0xC80  }
0x36b: {  	[sflag:s11] =	ssyncset.done $0x0  }
0x36c: {  	s19 =	sadd.s32 $0x2, s19;
	[sflag:s11] =	ssyncadd.s32 $0xFFFFF380  }
0x36d: {  	s25 =	smul.u32 $0xC80, s19;
	_ =	swait.ge [sflag:s11], $0xC80  }
0x36e: {  	s6 =	smul.u32 $0x19, s19;
	[sflag:s11] =	ssyncset.done $0x0  }
0x36f: {  	[sflag:s11] =	ssyncadd.s32 $0xFFFFF380  }
0x370: {  	s12 =	sadd.s32 s7, s25;
	s6 =	sadd.s32 s8, s6;
	_ =	swait.ge [sflag:s11], $0x1900  }
0x371: {  	s12 =	sshrl.u32 s12, $0x3;
	s6 =	sshll.u32 s6, $0xB;
	[sflag:s11] =	ssyncset.done $0x0  }
0x372: {  	s14 =	sadd.s32 s3, s12;
	s6 =	sor.u32 s13, s6;
	[sflag:s11] =	ssyncadd.s32 $0xFFFFE700  }
0x373: {  	[tilespmem:s26], [sflag:$0x2] =	stream.linear.gather [hbm4b:s14+s2], $0xC80, $0x38;
	[tilespmem:$0x15400] =	vst v63  }
0x374: {  	s12 =	sadd.s32 s4, s12;
	s6 =	sshrl.u32 s6, $0x3  }
0x375: {  	[tilespmem:s28], [sflag:$0x2] =	stream.linear.gather [hbm4b:s12+s2], $0xC80, $0x38;
	[tilespmem:$0x15400] =	vst v63  }
0x376: {  	s16 =	simm.s32 $0x12300;
	s6 =	sadd.s32 s5, s6  }
0x377: {  	[tilespmem:s31], [sflag:$0x2] =	stream.strided.gather [hbm4b:s6+s29], $0x1900, s30, s29, $0x38;
	[tilespmem:$0x15400] =	vst v63  }
0x378: {  	v0 =	vld [tilespmem:s16+$0x80]  }
0x379: {  	s17 =	simm.s32 $0x12F80  }
0x37a: {  	v1 =	vld [tilespmem:s17+$0x80];
	_ =	sdelay $0x3  }
0x37b: {  	s18 =	simm.s32 $0x13D00  }
0x37c: {  	v3 =	vld [tilespmem:s18+$0x100]  }
0x37d: {  	v2 =	vld.idx.msk [tilespmem:v0+s2+$0x0], $0xffff;
	_ =	sdelay $0x1  }
0x37e: {  	v4 =	vld.idx.msk [tilespmem:v1+s20+$0x0], $0xffff;
	_ =	sdelay $0x2  }
0x37f: {  	v5 =	vld [tilespmem:s16+$0xFFFFFF80];
	v2 =	vadd.f32 v2, v3  }
0x380: {  	v6 =	vld [tilespmem:s16+$0xFFFFFF00]  }
0x381: {  	v7 =	vld [tilespmem:s17+$0xFFFFFF80];
	v2 =	vadd.f32 v4, v2  }
0x382: {  	v3 =	vld [tilespmem:s16+$0x0]  }
0x383: {  	v4 =	vld [tilespmem:s17+$0xFFFFFF00];
	v2 =	vmax.f32 v2, $0.0e+00  }
0x384: {  	[tilespmem:v1+s21+$0x0] =	vst.idx.add.f32.msk $0xffff, v2  }
0x385: {  	v0 =	vld.idx.msk [tilespmem:v0+s22+$0x0], $0xffff  }
0x386: {  	v2 =	vld [tilespmem:s18+$0x180]  }
0x387: {  	v8 =	vld [tilespmem:s17+$0x0]  }
0x388: {  	v9 =	vld.idx.msk [tilespmem:v1+s23+$0x0], $0xffff  }
0x389: {  	v12 =	vld [tilespmem:s18+$0xFFFFFE00]  }
0x38a: {  	v10 =	vld.idx.msk [tilespmem:v5+s2+$0x0], $0xffff  }
0x38b: {  	v11 =	vld.idx.msk [tilespmem:v6+s2+$0x0], $0xffff;
	v0 =	vadd.f32 v0, v2  }
0x38c: {  	v2 =	vld [tilespmem:s18+$0xFFFFFF00]  }
0x38d: {  	v13 =	vld.idx.msk [tilespmem:v4+s20+$0x0], $0xffff;
	v0 =	vadd.f32 v9, v0  }
0x38e: {  	v14 =	vld.idx.msk [tilespmem:v3+s2+$0x0], $0xffff  }
0x38f: {  	v9 =	vld.idx.msk [tilespmem:v7+s20+$0x0], $0xffff;
	v0 =	vmax.f32 v0, $0.0e+00  }
0x390: {  	v11 =	vadd.f32 v11, v12;
	[tilespmem:v1+s24+$0x0] =	vst.idx.add.f32.msk $0xffff, v0  }
0x391: {  	v0 =	vadd.f32 v10, v2;
	v2 =	vld [tilespmem:s18+$0x0]  }
0x392: {  	v10 =	vadd.f32 v13, v11;
	v11 =	vld.idx.msk [tilespmem:v8+s20+$0x0], $0xffff  }
0x393: {  	v1 =	vld [tilespmem:s16+$0x90]  }
0x394: {  	v0 =	vadd.f32 v9, v0;
	v9 =	vmax.f32 v10, $0.0e+00;
	v10 =	vld [tilespmem:s17+$0x90]  }
0x395: {  	[tilespmem:v4+s21+$0x0] =	vst.idx.add.f32.msk $0xffff, v9  }
0x396: {  	v9 =	vld [tilespmem:s18+$0x110]  }
0x397: {  	v0 =	vmax.f32 v0, $0.0e+00;
	v13 =	vld.idx.msk [tilespmem:v4+s23+$0x0], $0xffff  }
0x398: {  	[tilespmem:v7+s21+$0x0] =	vst.idx.add.f32.msk $0xffff, v0;
	v2 =	vadd.f32 v14, v2  }
0x399: {  	v0 =	vld.idx.msk [tilespmem:v6+s22+$0x0], $0xffff  }
0x39a: {  	v2 =	vadd.f32 v11, v2;
	v11 =	vld [tilespmem:s18+$0xFFFFFE80]  }
0x39b: {  	v6 =	vld.idx.msk [tilespmem:v1+s2+$0x0], $0xffff  }
0x39c: {  	v5 =	vld.idx.msk [tilespmem:v5+s22+$0x0], $0xffff  }
0x39d: {  	v2 =	vmax.f32 v2, $0.0e+00;
	v12 =	vld.idx.msk [tilespmem:v10+s20+$0x0], $0xffff  }
0x39e: {  	[tilespmem:v8+s21+$0x0] =	vst.idx.add.f32.msk $0xffff, v2  }
0x39f: {  	v2 =	vld.idx.msk [tilespmem:v3+s22+$0x0], $0xffff;
	v0 =	vadd.f32 v0, v11  }
0x3a0: {  	v3 =	vld [tilespmem:s18+$0xFFFFFF80];
	v6 =	vadd.f32 v6, v9  }
0x3a1: {  	v14 =	vld.idx.msk [tilespmem:v8+s23+$0x0], $0xffff;
	v0 =	vadd.f32 v13, v0  }
0x3a2: {  	v6 =	vadd.f32 v12, v6;
	v12 =	vld.idx.msk [tilespmem:v7+s23+$0x0], $0xffff  }
0x3a3: {  	v9 =	vld [tilespmem:s18+$0x80];
	v0 =	vmax.f32 v0, $0.0e+00  }
0x3a4: {  	[tilespmem:v4+s24+$0x0] =	vst.idx.add.f32.msk $0xffff, v0;
	v6 =	vmax.f32 v6, $0.0e+00  }
0x3a5: {  	v3 =	vadd.f32 v5, v3;
	[tilespmem:v10+s21+$0x0] =	vst.idx.add.f32.msk $0xffff, v6  }
0x3a6: {  	v1 =	vld.idx.msk [tilespmem:v1+s22+$0x0], $0xffff  }
0x3a7: {  	v5 =	vld [tilespmem:s18+$0x190];
	v3 =	vadd.f32 v12, v3  }
0x3a8: {  	v4 =	vld [tilespmem:s17+$0xFFFFFF10]  }
0x3a9: {  	v2 =	vadd.f32 v2, v9;
	v6 =	vld.idx.msk [tilespmem:v10+s23+$0x0], $0xffff;
	v0 =	vmax.f32 v3, $0.0e+00  }
0x3aa: {  	[tilespmem:v7+s24+$0x0] =	vst.idx.add.f32.msk $0xffff, v0  }
0x3ab: {  	v0 =	vadd.f32 v14, v2;
	v2 =	vld [tilespmem:s16+$0xFFFFFF10]  }
0x3ac: {  	v1 =	vadd.f32 v1, v5;
	v3 =	vld [tilespmem:s16+$0xFFFFFF90]  }
0x3ad: {  	v5 =	vld [tilespmem:s17+$0xFFFFFF90];
	v0 =	vmax.f32 v0, $0.0e+00  }
0x3ae: {  	[tilespmem:v8+s24+$0x0] =	vst.idx.add.f32.msk $0xffff, v0;
	v0 =	vadd.f32 v6, v1  }
0x3af: {  	v16 =	vld [tilespmem:s18+$0xFFFFFF10]  }
0x3b0: {  	v14 =	vld.idx.msk [tilespmem:v4+s20+$0x0], $0xffff;
	v0 =	vmax.f32 v0, $0.0e+00  }
0x3b1: {  	[tilespmem:v10+s24+$0x0] =	vst.idx.add.f32.msk $0xffff, v0  }
0x3b2: {  	v0 =	vld [tilespmem:s16+$0xA0]  }
0x3b3: {  	v1 =	vld [tilespmem:s16+$0x10]  }
0x3b4: {  	v7 =	vld [tilespmem:s17+$0xA0]  }
0x3b5: {  	v6 =	vld [tilespmem:s17+$0x10]  }
0x3b6: {  	v10 =	vld [tilespmem:s18+$0xFFFFFE10]  }
0x3b7: {  	v13 =	vld [tilespmem:s18+$0x120]  }
0x3b8: {  	v8 =	vld.idx.msk [tilespmem:v2+s2+$0x0], $0xffff  }
0x3b9: {  	v9 =	vld.idx.msk [tilespmem:v3+s2+$0x0], $0xffff  }
0x3ba: {  	v12 =	vld.idx.msk [tilespmem:v0+s2+$0x0], $0xffff  }
0x3bb: {  	v17 =	vld.idx.msk [tilespmem:v5+s20+$0x0], $0xffff  }
0x3bc: {  	v15 =	vld.idx.msk [tilespmem:v7+s20+$0x0], $0xffff  }
0x3bd: {  	v8 =	vadd.f32 v8, v10  }
0x3be: {  	v11 =	vld.idx.msk [tilespmem:v1+s2+$0x0], $0xffff;
	v9 =	vadd.f32 v9, v16  }
0x3bf: {  	v10 =	vld [tilespmem:s18+$0x10];
	v8 =	vadd.f32 v14, v8;
	v12 =	vadd.f32 v12, v13  }
0x3c0: {  	v9 =	vadd.f32 v17, v9  }
0x3c1: {  	v8 =	vmax.f32 v8, $0.0e+00;
	v13 =	vld.idx.msk [tilespmem:v6+s20+$0x0], $0xffff;
	v12 =	vadd.f32 v15, v12  }
0x3c2: {  	[tilespmem:v4+s21+$0x0] =	vst.idx.add.f32.msk $0xffff, v8;
	v9 =	vmax.f32 v9, $0.0e+00  }
0x3c3: {  	[tilespmem:v5+s21+$0x0] =	vst.idx.add.f32.msk $0xffff, v9;
	v8 =	vmax.f32 v12, $0.0e+00  }
0x3c4: {  	v10 =	vadd.f32 v11, v10;
	[tilespmem:v7+s21+$0x0] =	vst.idx.add.f32.msk $0xffff, v8  }
0x3c5: {  	v0 =	vld.idx.msk [tilespmem:v0+s22+$0x0], $0xffff  }
0x3c6: {  	v8 =	vadd.f32 v13, v10;
	v10 =	vld [tilespmem:s18+$0x1A0]  }
0x3c7: {  	v2 =	vld.idx.msk [tilespmem:v2+s22+$0x0], $0xffff  }
0x3c8: {  	v9 =	vld.idx.msk [tilespmem:v7+s23+$0x0], $0xffff  }
0x3c9: {  	v3 =	vld.idx.msk [tilespmem:v3+s22+$0x0], $0xffff;
	v8 =	vmax.f32 v8, $0.0e+00  }
0x3ca: {  	[tilespmem:v6+s21+$0x0] =	vst.idx.add.f32.msk $0xffff, v8  }
0x3cb: {  	v8 =	vld [tilespmem:s18+$0xFFFFFE90];
	v0 =	vadd.f32 v0, v10  }
0x3cc: {  	v10 =	vld [tilespmem:s18+$0xFFFFFF90]  }
0x3cd: {  	v0 =	vadd.f32 v9, v0;
	v9 =	vld.idx.msk [tilespmem:v4+s23+$0x0], $0xffff  }
0x3ce: {  	v11 =	vld.idx.msk [tilespmem:v5+s23+$0x0], $0xffff  }
0x3cf: {  	v1 =	vld.idx.msk [tilespmem:v1+s22+$0x0], $0xffff;
	v0 =	vmax.f32 v0, $0.0e+00  }
0x3d0: {  	v2 =	vadd.f32 v2, v8;
	[tilespmem:v7+s24+$0x0] =	vst.idx.add.f32.msk $0xffff, v0  }
0x3d1: {  	v0 =	vld [tilespmem:s16+$0xB0]  }
0x3d2: {  	v7 =	vld [tilespmem:s18+$0x90];
	v3 =	vadd.f32 v3, v10;
	v2 =	vadd.f32 v9, v2  }
0x3d3: {  	v8 =	vld [tilespmem:s17+$0xB0]  }
0x3d4: {  	v9 =	vld.idx.msk [tilespmem:v6+s23+$0x0], $0xffff;
	v3 =	vadd.f32 v11, v3;
	v2 =	vmax.f32 v2, $0.0e+00  }
0x3d5: {  	[tilespmem:v4+s24+$0x0] =	vst.idx.add.f32.msk $0xffff, v2  }
0x3d6: {  	v2 =	vmax.f32 v3, $0.0e+00;
	v3 =	vld [tilespmem:s18+$0x130]  }
0x3d7: {  	[tilespmem:v5+s24+$0x0] =	vst.idx.add.f32.msk $0xffff, v2  }
0x3d8: {  	v4 =	vld [tilespmem:s16+$0xFFFFFF20]  }
0x3d9: {  	v1 =	vadd.f32 v1, v7;
	v2 =	vld.idx.msk [tilespmem:v0+s2+$0x0], $0xffff  }
0x3da: {  	v10 =	vld [tilespmem:s18+$0xFFFFFE20]  }
0x3db: {  	v1 =	vadd.f32 v9, v1;
	v5 =	vld.idx.msk [tilespmem:v8+s20+$0x0], $0xffff  }
0x3dc: {  	v7 =	vld [tilespmem:s17+$0xFFFFFFA0]  }
0x3dd: {  	v12 =	vld [tilespmem:s18+$0xFFFFFF20];
	v1 =	vmax.f32 v1, $0.0e+00  }
0x3de: {  	[tilespmem:v6+s24+$0x0] =	vst.idx.add.f32.msk $0xffff, v1;
	v2 =	vadd.f32 v2, v3  }
0x3df: {  	v1 =	vld [tilespmem:s16+$0xFFFFFFA0]  }
0x3e0: {  	v6 =	vld [tilespmem:s16+$0x20];
	v2 =	vadd.f32 v5, v2  }
0x3e1: {  	v3 =	vld [tilespmem:s17+$0xFFFFFF20]  }
0x3e2: {  	v5 =	vld [tilespmem:s17+$0x20];
	v2 =	vmax.f32 v2, $0.0e+00  }
0x3e3: {  	[tilespmem:v8+s21+$0x0] =	vst.idx.add.f32.msk $0xffff, v2  }
0x3e4: {  	v0 =	vld.idx.msk [tilespmem:v0+s22+$0x0], $0xffff  }
0x3e5: {  	v2 =	vld [tilespmem:s18+$0x1B0]  }
0x3e6: {  	v9 =	vld.idx.msk [tilespmem:v4+s2+$0x0], $0xffff  }
0x3e7: {  	v11 =	vld.idx.msk [tilespmem:v8+s23+$0x0], $0xffff  }
0x3e8: {  	v13 =	vld.idx.msk [tilespmem:v1+s2+$0x0], $0xffff  }
0x3e9: {  	v14 =	vld.idx.msk [tilespmem:v6+s2+$0x0], $0xffff  }
0x3ea: {  	v15 =	vld.idx.msk [tilespmem:v3+s20+$0x0], $0xffff;
	v0 =	vadd.f32 v0, v2  }
0x3eb: {  	v2 =	vld [tilespmem:s18+$0x20]  }
0x3ec: {  	v0 =	vadd.f32 v11, v0;
	v11 =	vld.idx.msk [tilespmem:v7+s20+$0x0], $0xffff  }
0x3ed: {  	v57 =	vld.idx.msk [tilespmem:v5+s20+$0x0], $0xffff  }
0x3ee: {  	v9 =	vadd.f32 v9, v10;
	v0 =	vmax.f32 v0, $0.0e+00  }
0x3ef: {  	[tilespmem:v8+s24+$0x0] =	vst.idx.add.f32.msk $0xffff, v0;
	v0 =	vadd.f32 v13, v12  }
0x3f0: {  	v9 =	vadd.f32 v15, v9;
	v2 =	vadd.f32 v14, v2;
	v8 =	vld [tilespmem:s16+$0xC0]  }
0x3f1: {  	v0 =	vadd.f32 v11, v0  }
0x3f2: {  	v9 =	vmax.f32 v9, $0.0e+00;
	v10 =	vld [tilespmem:s17+$0xC0];
	v2 =	vadd.f32 v57, v2  }
0x3f3: {  	[tilespmem:v3+s21+$0x0] =	vst.idx.add.f32.msk $0xffff, v9;
	v0 =	vmax.f32 v0, $0.0e+00  }
0x3f4: {  	[tilespmem:v7+s21+$0x0] =	vst.idx.add.f32.msk $0xffff, v0;
	v0 =	vmax.f32 v2, $0.0e+00  }
0x3f5: {  	[tilespmem:v5+s21+$0x0] =	vst.idx.add.f32.msk $0xffff, v0  }
0x3f6: {  	v0 =	vld.idx.msk [tilespmem:v4+s22+$0x0], $0xffff  }
0x3f7: {  	v4 =	vld [tilespmem:s18+$0x140]  }
0x3f8: {  	v2 =	vld.idx.msk [tilespmem:v8+s2+$0x0], $0xffff  }
0x3f9: {  	v13 =	vld.idx.msk [tilespmem:v3+s23+$0x0], $0xffff  }
0x3fa: {  	v9 =	vld.idx.msk [tilespmem:v10+s20+$0x0], $0xffff  }
0x3fb: {  	v11 =	vld [tilespmem:s18+$0xFFFFFEA0]  }
0x3fc: {  	v1 =	vld.idx.msk [tilespmem:v1+s22+$0x0], $0xffff  }
0x3fd: {  	v12 =	vld [tilespmem:s18+$0xFFFFFFA0];
	v2 =	vadd.f32 v2, v4  }
0x3fe: {  	v6 =	vld.idx.msk [tilespmem:v6+s22+$0x0], $0xffff  }
0x3ff: {  	v14 =	vld.idx.msk [tilespmem:v5+s23+$0x0], $0xffff;
	v2 =	vadd.f32 v9, v2  }
0x400: {  	v4 =	vld [tilespmem:s18+$0xA0]  }
0x401: {  	v9 =	vld.idx.msk [tilespmem:v7+s23+$0x0], $0xffff;
	v2 =	vmax.f32 v2, $0.0e+00  }
0x402: {  	v0 =	vadd.f32 v0, v11;
	[tilespmem:v10+s21+$0x0] =	vst.idx.add.f32.msk $0xffff, v2  }
0x403: {  	v2 =	vld.idx.msk [tilespmem:v8+s22+$0x0], $0xffff  }
0x404: {  	v1 =	vadd.f32 v1, v12;
	v0 =	vadd.f32 v13, v0;
	v8 =	vld [tilespmem:s18+$0x1C0];
	_ =	sdelay $0x1  }
0x405: {  	v0 =	vmax.f32 v0, $0.0e+00;
	v4 =	vadd.f32 v6, v4;
	v6 =	vld.idx.msk [tilespmem:v10+s23+$0x0], $0xffff;
	v1 =	vadd.f32 v9, v1  }
0x406: {  	[tilespmem:v3+s24+$0x0] =	vst.idx.add.f32.msk $0xffff, v0  }
0x407: {  	v4 =	vadd.f32 v14, v4;
	v14 =	vld [tilespmem:s18+$0xFFFFFE30];
	v0 =	vmax.f32 v1, $0.0e+00  }
0x408: {  	[tilespmem:v7+s24+$0x0] =	vst.idx.add.f32.msk $0xffff, v0;
	v1 =	vadd.f32 v2, v8  }
0x409: {  	v0 =	vmax.f32 v4, $0.0e+00;
	v4 =	vld [tilespmem:s17+$0xFFFFFF30]  }
0x40a: {  	[tilespmem:v5+s24+$0x0] =	vst.idx.add.f32.msk $0xffff, v0;
	v0 =	vadd.f32 v6, v1  }
0x40b: {  	v2 =	vld [tilespmem:s16+$0xFFFFFFB0]  }
0x40c: {  	v15 =	vld [tilespmem:s18+$0xFFFFFF30];
	v0 =	vmax.f32 v0, $0.0e+00  }
0x40d: {  	[tilespmem:v10+s24+$0x0] =	vst.idx.add.f32.msk $0xffff, v0  }
0x40e: {  	v0 =	vld [tilespmem:s16+$0xD0]  }
0x40f: {  	v6 =	vld [tilespmem:s17+$0xFFFFFFB0]  }
0x410: {  	v5 =	vld [tilespmem:s17+$0xD0]  }
0x411: {  	v3 =	vld [tilespmem:s16+$0x30]  }
0x412: {  	v1 =	vld [tilespmem:s16+$0xFFFFFF30]  }
0x413: {  	v7 =	vld [tilespmem:s17+$0x30]  }
0x414: {  	v11 =	vld [tilespmem:s18+$0x150]  }
0x415: {  	v9 =	vld.idx.msk [tilespmem:v2+s2+$0x0], $0xffff  }
0x416: {  	v10 =	vld.idx.msk [tilespmem:v0+s2+$0x0], $0xffff  }
0x417: {  	v59 =	vld.idx.msk [tilespmem:v6+s20+$0x0], $0xffff  }
0x418: {  	v13 =	vld.idx.msk [tilespmem:v5+s20+$0x0], $0xffff  }
0x419: {  	v58 =	vld [tilespmem:s18+$0x30]  }
0x41a: {  	v8 =	vld.idx.msk [tilespmem:v1+s2+$0x0], $0xffff;
	v9 =	vadd.f32 v9, v15  }
0x41b: {  	v12 =	vld.idx.msk [tilespmem:v3+s2+$0x0], $0xffff;
	v10 =	vadd.f32 v10, v11  }
0x41c: {  	v9 =	vadd.f32 v59, v9;
	v11 =	vld.idx.msk [tilespmem:v4+s20+$0x0], $0xffff  }
0x41d: {  	v10 =	vadd.f32 v13, v10  }
0x41e: {  	v9 =	vmax.f32 v9, $0.0e+00;
	v13 =	vld.idx.msk [tilespmem:v7+s20+$0x0], $0xffff  }
0x41f: {  	v8 =	vadd.f32 v8, v14;
	[tilespmem:v6+s21+$0x0] =	vst.idx.add.f32.msk $0xffff, v9;
	v10 =	vmax.f32 v10, $0.0e+00  }
0x420: {  	[tilespmem:v5+s21+$0x0] =	vst.idx.add.f32.msk $0xffff, v10  }
0x421: {  	v10 =	vadd.f32 v12, v58;
	v8 =	vadd.f32 v11, v8;
	v0 =	vld.idx.msk [tilespmem:v0+s22+$0x0], $0xffff  }
0x422: {  	v11 =	vld [tilespmem:s18+$0x1D0]  }
0x423: {  	v12 =	vld.idx.msk [tilespmem:v5+s23+$0x0], $0xffff;
	v8 =	vmax.f32 v8, $0.0e+00;
	v10 =	vadd.f32 v13, v10  }
0x424: {  	[tilespmem:v4+s21+$0x0] =	vst.idx.add.f32.msk $0xffff, v8  }
0x425: {  	v8 =	vmax.f32 v10, $0.0e+00;
	v1 =	vld.idx.msk [tilespmem:v1+s22+$0x0], $0xffff  }
0x426: {  	[tilespmem:v7+s21+$0x0] =	vst.idx.add.f32.msk $0xffff, v8  }
0x427: {  	v8 =	vld [tilespmem:s18+$0xFFFFFEB0]  }
0x428: {  	v2 =	vld.idx.msk [tilespmem:v2+s22+$0x0], $0xffff;
	v0 =	vadd.f32 v0, v11  }
0x429: {  	v10 =	vld.idx.msk [tilespmem:v4+s23+$0x0], $0xffff  }
0x42a: {  	v9 =	vld [tilespmem:s18+$0xFFFFFFB0];
	v0 =	vadd.f32 v12, v0  }
0x42b: {  	v3 =	vld.idx.msk [tilespmem:v3+s22+$0x0], $0xffff  }
0x42c: {  	v11 =	vld.idx.msk [tilespmem:v6+s23+$0x0], $0xffff;
	v0 =	vmax.f32 v0, $0.0e+00;
	v1 =	vadd.f32 v1, v8  }
0x42d: {  	[tilespmem:v5+s24+$0x0] =	vst.idx.add.f32.msk $0xffff, v0  }
0x42e: {  	v5 =	vld [tilespmem:s18+$0xB0];
	v1 =	vadd.f32 v10, v1  }
0x42f: {  	v2 =	vadd.f32 v2, v9;
	v12 =	vld.idx.msk [tilespmem:v7+s23+$0x0], $0xffff  }
0x430: {  	v0 =	vld [tilespmem:s16+$0xE0];
	v1 =	vmax.f32 v1, $0.0e+00  }
0x431: {  	v2 =	vadd.f32 v11, v2;
	[tilespmem:v4+s24+$0x0] =	vst.idx.add.f32.msk $0xffff, v1  }
0x432: {  	v4 =	vld [tilespmem:s18+$0x160]  }
0x433: {  	v1 =	vmax.f32 v2, $0.0e+00;
	v3 =	vadd.f32 v3, v5;
	v5 =	vld [tilespmem:s17+$0xE0]  }
0x434: {  	[tilespmem:v6+s24+$0x0] =	vst.idx.add.f32.msk $0xffff, v1  }
0x435: {  	v14 =	vld [tilespmem:s18+$0xFFFFFE40]  }
0x436: {  	v2 =	vld [tilespmem:s16+$0xFFFFFFC0];
	v3 =	vadd.f32 v12, v3  }
0x437: {  	v9 =	vld [tilespmem:s17+$0xFFFFFFC0]  }
0x438: {  	v15 =	vld [tilespmem:s18+$0xFFFFFF40];
	v1 =	vmax.f32 v3, $0.0e+00  }
0x439: {  	[tilespmem:v7+s24+$0x0] =	vst.idx.add.f32.msk $0xffff, v1  }
0x43a: {  	v1 =	vld [tilespmem:s16+$0xFFFFFF40]  }
0x43b: {  	v8 =	vld.idx.msk [tilespmem:v0+s2+$0x0], $0xffff  }
0x43c: {  	v7 =	vld [tilespmem:s17+$0xFFFFFF40]  }
0x43d: {  	v3 =	vld [tilespmem:s16+$0x40]  }
0x43e: {  	v6 =	vld.idx.msk [tilespmem:v5+s20+$0x0], $0xffff  }
0x43f: {  	v10 =	vld [tilespmem:s17+$0x40]  }
0x440: {  	v12 =	vld.idx.msk [tilespmem:v2+s2+$0x0], $0xffff  }
0x441: {  	v4 =	vadd.f32 v8, v4;
	v8 =	vld [tilespmem:s18+$0x40]  }
0x442: {  	v11 =	vld.idx.msk [tilespmem:v1+s2+$0x0], $0xffff  }
0x443: {  	v4 =	vadd.f32 v6, v4;
	v6 =	vld.idx.msk [tilespmem:v9+s20+$0x0], $0xffff  }
0x444: {  	v60 =	vld.idx.msk [tilespmem:v7+s20+$0x0], $0xffff  }
0x445: {  	v13 =	vld.idx.msk [tilespmem:v3+s2+$0x0], $0xffff;
	v4 =	vmax.f32 v4, $0.0e+00  }
0x446: {  	[tilespmem:v5+s21+$0x0] =	vst.idx.add.f32.msk $0xffff, v4;
	v4 =	vadd.f32 v12, v15  }
0x447: {  	v61 =	vld.idx.msk [tilespmem:v10+s20+$0x0], $0xffff  }
0x448: {  	v0 =	vld.idx.msk [tilespmem:v0+s22+$0x0], $0xffff;
	v11 =	vadd.f32 v11, v14;
	v4 =	vadd.f32 v6, v4  }
0x449: {  	v12 =	vld [tilespmem:s18+$0x1E0]  }
0x44a: {  	v6 =	vld.idx.msk [tilespmem:v5+s23+$0x0], $0xffff;
	v8 =	vadd.f32 v13, v8;
	v11 =	vadd.f32 v60, v11;
	v4 =	vmax.f32 v4, $0.0e+00  }
0x44b: {  	[tilespmem:v9+s21+$0x0] =	vst.idx.add.f32.msk $0xffff, v4  }
0x44c: {  	v8 =	vadd.f32 v61, v8;
	v11 =	vmax.f32 v11, $0.0e+00;
	v2 =	vld.idx.msk [tilespmem:v2+s22+$0x0], $0xffff  }
0x44d: {  	[tilespmem:v7+s21+$0x0] =	vst.idx.add.f32.msk $0xffff, v11  }
0x44e: {  	v4 =	vmax.f32 v8, $0.0e+00;
	v8 =	vld [tilespmem:s18+$0xFFFFFFC0]  }
0x44f: {  	[tilespmem:v10+s21+$0x0] =	vst.idx.add.f32.msk $0xffff, v4  }
0x450: {  	v1 =	vld.idx.msk [tilespmem:v1+s22+$0x0], $0xffff  }
0x451: {  	v4 =	vld [tilespmem:s18+$0xFFFFFEC0]  }
0x452: {  	v0 =	vadd.f32 v0, v12;
	v12 =	vld.idx.msk [tilespmem:v7+s23+$0x0], $0xffff  }
0x453: {  	v3 =	vld.idx.msk [tilespmem:v3+s22+$0x0], $0xffff  }
0x454: {  	v11 =	vld [tilespmem:s18+$0xC0]  }
0x455: {  	v13 =	vld.idx.msk [tilespmem:v9+s23+$0x0], $0xffff  }
0x456: {  	v0 =	vadd.f32 v6, v0;
	v6 =	vld.idx.msk [tilespmem:v10+s23+$0x0], $0xffff  }
0x457: {  	v1 =	vadd.f32 v1, v4  }
0x458: {  	v0 =	vmax.f32 v0, $0.0e+00;
	v2 =	vadd.f32 v2, v8  }
0x459: {  	[tilespmem:v5+s24+$0x0] =	vst.idx.add.f32.msk $0xffff, v0;
	v0 =	vadd.f32 v3, v11;
	v1 =	vadd.f32 v12, v1  }
0x45a: {  	v4 =	vld [tilespmem:s17+$0xF0];
	v2 =	vadd.f32 v13, v2  }
0x45b: {  	v3 =	vld [tilespmem:s16+$0xF0];
	v0 =	vadd.f32 v6, v0;
	v1 =	vmax.f32 v1, $0.0e+00  }
0x45c: {  	[tilespmem:v7+s24+$0x0] =	vst.idx.add.f32.msk $0xffff, v1;
	v1 =	vmax.f32 v2, $0.0e+00  }
0x45d: {  	v0 =	vmax.f32 v0, $0.0e+00;
	[tilespmem:v9+s24+$0x0] =	vst.idx.add.f32.msk $0xffff, v1  }
0x45e: {  	[tilespmem:v10+s24+$0x0] =	vst.idx.add.f32.msk $0xffff, v0  }
0x45f: {  	v0 =	vld [tilespmem:s16+$0xFFFFFF50]  }
0x460: {  	v5 =	vld [tilespmem:s17+$0xFFFFFF50]  }
0x461: {  	v8 =	vld [tilespmem:s18+$0xFFFFFE50]  }
0x462: {  	v1 =	vld [tilespmem:s16+$0xFFFFFFD0]  }
0x463: {  	v2 =	vld [tilespmem:s16+$0x50]  }
0x464: {  	v6 =	vld [tilespmem:s17+$0xFFFFFFD0]  }
0x465: {  	v7 =	vld [tilespmem:s17+$0x50]  }
0x466: {  	v9 =	vld [tilespmem:s18+$0xFFFFFF50]  }
0x467: {  	v13 =	vld [tilespmem:s18+$0x50]  }
0x468: {  	v10 =	vld.idx.msk [tilespmem:v0+s2+$0x0], $0xffff  }
0x469: {  	v14 =	vld.idx.msk [tilespmem:v5+s20+$0x0], $0xffff  }
0x46a: {  	v11 =	vld.idx.msk [tilespmem:v1+s2+$0x0], $0xffff  }
0x46b: {  	v12 =	vld.idx.msk [tilespmem:v2+s2+$0x0], $0xffff  }
0x46c: {  	v15 =	vld.idx.msk [tilespmem:v6+s20+$0x0], $0xffff;
	_ =	sdelay $0x1  }
0x46d: {  	v8 =	vadd.f32 v10, v8  }
0x46e: {  	v62 =	vld.idx.msk [tilespmem:v7+s20+$0x0], $0xffff;
	v9 =	vadd.f32 v11, v9  }
0x46f: {  	v10 =	vld.idx.msk [tilespmem:v3+s2+$0x0], $0xffff;
	v8 =	vadd.f32 v14, v8  }
0x470: {  	v11 =	vadd.f32 v12, v13;
	v12 =	vld [tilespmem:s18+$0x170];
	v9 =	vadd.f32 v15, v9  }
0x471: {  	v13 =	vld.idx.msk [tilespmem:v4+s20+$0x0], $0xffff;
	v8 =	vmax.f32 v8, $0.0e+00  }
0x472: {  	[tilespmem:v5+s21+$0x0] =	vst.idx.add.f32.msk $0xffff, v8;
	v8 =	vmax.f32 v9, $0.0e+00  }
0x473: {  	v11 =	vadd.f32 v62, v11;
	[tilespmem:v6+s21+$0x0] =	vst.idx.add.f32.msk $0xffff, v8  }
0x474: {  	v0 =	vld.idx.msk [tilespmem:v0+s22+$0x0], $0xffff  }
0x475: {  	v8 =	vmax.f32 v11, $0.0e+00;
	v10 =	vadd.f32 v10, v12;
	v12 =	vld.idx.msk [tilespmem:v5+s23+$0x0], $0xffff  }
0x476: {  	[tilespmem:v7+s21+$0x0] =	vst.idx.add.f32.msk $0xffff, v8  }
0x477: {  	v1 =	vld.idx.msk [tilespmem:v1+s22+$0x0], $0xffff  }
0x478: {  	v8 =	vld [tilespmem:s18+$0xFFFFFED0]  }
0x479: {  	v9 =	vld [tilespmem:s18+$0xFFFFFFD0]  }
0x47a: {  	v2 =	vld.idx.msk [tilespmem:v2+s22+$0x0], $0xffff  }
0x47b: {  	v10 =	vadd.f32 v13, v10;
	v13 =	vld.idx.msk [tilespmem:v6+s23+$0x0], $0xffff  }
0x47c: {  	v11 =	vld [tilespmem:s18+$0xD0]  }
0x47d: {  	v14 =	vld.idx.msk [tilespmem:v7+s23+$0x0], $0xffff;
	v10 =	vmax.f32 v10, $0.0e+00;
	v0 =	vadd.f32 v0, v8  }
0x47e: {  	[tilespmem:v4+s21+$0x0] =	vst.idx.add.f32.msk $0xffff, v10;
	v1 =	vadd.f32 v1, v9  }
0x47f: {  	v3 =	vld.idx.msk [tilespmem:v3+s22+$0x0], $0xffff;
	v0 =	vadd.f32 v12, v0  }
0x480: {  	v9 =	vld [tilespmem:s18+$0x1F0];
	v1 =	vadd.f32 v13, v1  }
0x481: {  	v10 =	vld.idx.msk [tilespmem:v4+s23+$0x0], $0xffff;
	v2 =	vadd.f32 v2, v11;
	v0 =	vmax.f32 v0, $0.0e+00  }
0x482: {  	[tilespmem:v5+s24+$0x0] =	vst.idx.add.f32.msk $0xffff, v0;
	v0 =	vmax.f32 v1, $0.0e+00  }
0x483: {  	v2 =	vadd.f32 v14, v2;
	[tilespmem:v6+s24+$0x0] =	vst.idx.add.f32.msk $0xffff, v0  }
0x484: {  	v8 =	vld [tilespmem:s16+$0xFFFFFF60]  }
0x485: {  	v0 =	vmax.f32 v2, $0.0e+00;
	v2 =	vld [tilespmem:s17+$0xFFFFFF60]  }
0x486: {  	[tilespmem:v7+s24+$0x0] =	vst.idx.add.f32.msk $0xffff, v0  }
0x487: {  	v7 =	vld [tilespmem:s16+$0xFFFFFFE0]  }
0x488: {  	v6 =	vld [tilespmem:s16+$0x60]  }
0x489: {  	v5 =	vld [tilespmem:s18+$0xFFFFFE60]  }
0x48a: {  	v1 =	vld [tilespmem:s17+$0xFFFFFFE0]  }
0x48b: {  	v0 =	vld [tilespmem:s17+$0x60]  }
0x48c: {  	v13 =	vld [tilespmem:s18+$0xFFFFFF60]  }
0x48d: {  	v63 =	vld [tilespmem:s18+$0x60]  }
0x48e: {  	v3 =	vadd.f32 v3, v9;
	v9 =	vld.idx.msk [tilespmem:v8+s2+$0x0], $0xffff  }
0x48f: {  	v14 =	vld.idx.msk [tilespmem:v7+s2+$0x0], $0xffff  }
0x490: {  	v15 =	vld.idx.msk [tilespmem:v6+s2+$0x0], $0xffff  }
0x491: {  	v11 =	vld.idx.msk [tilespmem:v2+s20+$0x0], $0xffff  }
0x492: {  	v3 =	vadd.f32 v10, v3;
	v10 =	vld.idx.msk [tilespmem:v1+s20+$0x0], $0xffff  }
0x493: {  	v12 =	vadd.f32 v9, v5;
	v9 =	vld.idx.msk [tilespmem:v0+s20+$0x0], $0xffff  }
0x494: {  	s19 =	simm.s32 $0x12500;
	v3 =	vmax.f32 v3, $0.0e+00  }
0x495: {  	s14 =	simm.s32 $0x0;
	s12 =	simm.s32 $0x12F80;
	s6 =	simm.s32 $0x13D00;
	[tilespmem:v4+s24+$0x0] =	vst.idx.add.f32.msk $0xffff, v3;
	v13 =	vadd.f32 v14, v13;
	v3 =	vadd.f32 v15, v63  }
.LBB2_5:
0x496: {  	v4 =	vld [tilespmem:s19+$0x80];
	s14 =	sadd.s32 $0x4, s14;
	v5 =	vadd.f32 v11, v12  }
0x497: {  	v10 =	vadd.f32 v10, v13;
	s17 =	sadd.s32 $0x200, s17;
	v11 =	vld [tilespmem:s19+$0xFFFFFF80];
	p0 =	slt.u32 s14, $0x14  }
0x498: {  	v3 =	vadd.f32 v9, v3;
	v12 =	vld [tilespmem:s17+$0x80];
	v5 =	vmax.f32 v5, $0.0e+00  }
0x499: {  	v10 =	vmax.f32 v10, $0.0e+00;
	v9 =	vld [tilespmem:s19+$0x0]  }
0x49a: {  	v3 =	vmax.f32 v3, $0.0e+00;
	v13 =	vld [tilespmem:s19+$0xFFFFFF00]  }
0x49b: {  	v14 =	vld [tilespmem:s17+$0xFFFFFF00]  }
0x49c: {  	v15 =	vld [tilespmem:s17+$0xFFFFFF80]  }
0x49d: {  	v16 =	vld [tilespmem:s17+$0x0]  }
0x49e: {  	s18 =	sadd.s32 $0x400, s18;
	v17 =	vld.idx.msk [tilespmem:v4+s2+$0x0], $0xffff  }
0x49f: {  	v18 =	vld [tilespmem:s18+$0x100]  }
0x4a0: {  	v19 =	vld.idx.msk [tilespmem:v12+s20+$0x0], $0xffff  }
0x4a1: {  	v20 =	vld.idx.msk [tilespmem:v11+s2+$0x0], $0xffff  }
0x4a2: {  	v21 =	vld.idx.msk [tilespmem:v13+s2+$0x0], $0xffff  }
0x4a3: {  	v22 =	vld.idx.msk [tilespmem:v9+s2+$0x0], $0xffff  }
0x4a4: {  	v23 =	vld [tilespmem:s18+$0xFFFFFE00];
	v17 =	vadd.f32 v17, v18  }
0x4a5: {  	v18 =	vld [tilespmem:s18+$0xFFFFFF00]  }
0x4a6: {  	v24 =	vld [tilespmem:s18+$0x0];
	v17 =	vadd.f32 v19, v17  }
0x4a7: {  	v19 =	vld.idx.msk [tilespmem:v14+s20+$0x0], $0xffff  }
0x4a8: {  	v25 =	vld.idx.msk [tilespmem:v15+s20+$0x0], $0xffff;
	v17 =	vmax.f32 v17, $0.0e+00  }
0x4a9: {  	v21 =	vadd.f32 v21, v23;
	[tilespmem:v12+s21+$0x0] =	vst.idx.add.f32.msk $0xffff, v17  }
0x4aa: {  	v17 =	vadd.f32 v20, v18;
	v4 =	vld.idx.msk [tilespmem:v4+s22+$0x0], $0xffff  }
0x4ab: {  	v18 =	vadd.f32 v22, v24;
	v20 =	vld [tilespmem:s18+$0x180]  }
0x4ac: {  	v22 =	vld.idx.msk [tilespmem:v12+s23+$0x0], $0xffff  }
0x4ad: {  	v19 =	vadd.f32 v19, v21;
	v21 =	vld.idx.msk [tilespmem:v16+s20+$0x0], $0xffff  }
0x4ae: {  	v17 =	vadd.f32 v25, v17;
	[tilespmem:v2+s21+$0x0] =	vst.idx.add.f32.msk $0xffff, v5  }
0x4af: {  	v5 =	vmax.f32 v19, $0.0e+00;
	[tilespmem:v1+s21+$0x0] =	vst.idx.add.f32.msk $0xffff, v10  }
0x4b0: {  	[tilespmem:v14+s21+$0x0] =	vst.idx.add.f32.msk $0xffff, v5;
	v5 =	vmax.f32 v17, $0.0e+00;
	v4 =	vadd.f32 v4, v20  }
0x4b1: {  	[tilespmem:v15+s21+$0x0] =	vst.idx.add.f32.msk $0xffff, v5  }
0x4b2: {  	v5 =	vld.idx.msk [tilespmem:v13+s22+$0x0], $0xffff;
	v4 =	vadd.f32 v22, v4  }
0x4b3: {  	v10 =	vld.idx.msk [tilespmem:v11+s22+$0x0], $0xffff;
	v11 =	vadd.f32 v21, v18  }
0x4b4: {  	v13 =	vld [tilespmem:s18+$0xFFFFFE80];
	v4 =	vmax.f32 v4, $0.0e+00  }
0x4b5: {  	v11 =	vmax.f32 v11, $0.0e+00;
	[tilespmem:v12+s24+$0x0] =	vst.idx.add.f32.msk $0xffff, v4  }
0x4b6: {  	v4 =	vld [tilespmem:s19+$0x90]  }
0x4b7: {  	[tilespmem:v16+s21+$0x0] =	vst.idx.add.f32.msk $0xffff, v11  }
0x4b8: {  	v11 =	vld [tilespmem:s17+$0x90]  }
0x4b9: {  	v5 =	vadd.f32 v5, v13;
	v9 =	vld.idx.msk [tilespmem:v9+s22+$0x0], $0xffff  }
0x4ba: {  	v12 =	vld [tilespmem:s18+$0xFFFFFF80]  }
0x4bb: {  	v13 =	vld [tilespmem:s18+$0x80]  }
0x4bc: {  	v17 =	vld.idx.msk [tilespmem:v14+s23+$0x0], $0xffff  }
0x4bd: {  	v18 =	vld.idx.msk [tilespmem:v15+s23+$0x0], $0xffff  }
0x4be: {  	v19 =	vld.idx.msk [tilespmem:v4+s2+$0x0], $0xffff  }
0x4bf: {  	v10 =	vadd.f32 v10, v12;
	v12 =	vld [tilespmem:s18+$0x110]  }
0x4c0: {  	v9 =	vadd.f32 v9, v13;
	v13 =	vld.idx.msk [tilespmem:v11+s20+$0x0], $0xffff  }
0x4c1: {  	v20 =	vld.idx.msk [tilespmem:v16+s23+$0x0], $0xffff  }
0x4c2: {  	v5 =	vadd.f32 v17, v5;
	[tilespmem:v0+s21+$0x0] =	vst.idx.add.f32.msk $0xffff, v3  }
0x4c3: {  	v3 =	vadd.f32 v18, v10;
	v8 =	vld.idx.msk [tilespmem:v8+s22+$0x0], $0xffff  }
0x4c4: {  	v5 =	vmax.f32 v5, $0.0e+00;
	v10 =	vadd.f32 v19, v12;
	v7 =	vld.idx.msk [tilespmem:v7+s22+$0x0], $0xffff  }
0x4c5: {  	v3 =	vmax.f32 v3, $0.0e+00;
	[tilespmem:v14+s24+$0x0] =	vst.idx.add.f32.msk $0xffff, v5  }
0x4c6: {  	[tilespmem:v15+s24+$0x0] =	vst.idx.add.f32.msk $0xffff, v3;
	v3 =	vadd.f32 v13, v10  }
0x4c7: {  	v9 =	vadd.f32 v20, v9;
	v5 =	vld [tilespmem:s19+$0xFFFFFF10]  }
0x4c8: {  	v10 =	vld [tilespmem:s19+$0xFFFFFF90];
	v3 =	vmax.f32 v3, $0.0e+00  }
0x4c9: {  	v9 =	vmax.f32 v9, $0.0e+00;
	[tilespmem:v11+s21+$0x0] =	vst.idx.add.f32.msk $0xffff, v3  }
0x4ca: {  	v3 =	vld.idx.msk [tilespmem:v4+s22+$0x0], $0xffff  }
0x4cb: {  	v4 =	vld [tilespmem:s18+$0x190]  }
0x4cc: {  	v12 =	vld.idx.msk [tilespmem:v11+s23+$0x0], $0xffff  }
0x4cd: {  	[tilespmem:v16+s24+$0x0] =	vst.idx.add.f32.msk $0xffff, v9  }
0x4ce: {  	v9 =	vld [tilespmem:s19+$0x10]  }
0x4cf: {  	v13 =	vld [tilespmem:s17+$0xFFFFFF10]  }
0x4d0: {  	v14 =	vld [tilespmem:s17+$0xFFFFFF90];
	v3 =	vadd.f32 v3, v4  }
0x4d1: {  	v4 =	vld [tilespmem:s17+$0x10]  }
0x4d2: {  	v15 =	vld.idx.msk [tilespmem:v5+s2+$0x0], $0xffff;
	v3 =	vadd.f32 v12, v3  }
0x4d3: {  	v12 =	vld.idx.msk [tilespmem:v10+s2+$0x0], $0xffff  }
0x4d4: {  	v16 =	vld [tilespmem:s18+$0xFFFFFE10];
	v3 =	vmax.f32 v3, $0.0e+00  }
0x4d5: {  	[tilespmem:v11+s24+$0x0] =	vst.idx.add.f32.msk $0xffff, v3  }
0x4d6: {  	v3 =	vld [tilespmem:s19+$0xA0]  }
0x4d7: {  	v11 =	vld.idx.msk [tilespmem:v9+s2+$0x0], $0xffff  }
0x4d8: {  	v17 =	vld [tilespmem:s17+$0xA0]  }
0x4d9: {  	v15 =	vadd.f32 v15, v16;
	v16 =	vld [tilespmem:s18+$0xFFFFFF10]  }
0x4da: {  	v18 =	vld [tilespmem:s18+$0x10]  }
0x4db: {  	v19 =	vld.idx.msk [tilespmem:v13+s20+$0x0], $0xffff  }
0x4dc: {  	v20 =	vld.idx.msk [tilespmem:v14+s20+$0x0], $0xffff  }
0x4dd: {  	v21 =	vld.idx.msk [tilespmem:v4+s20+$0x0], $0xffff  }
0x4de: {  	v12 =	vadd.f32 v12, v16;
	v16 =	vld.idx.msk [tilespmem:v3+s2+$0x0], $0xffff  }
0x4df: {  	v11 =	vadd.f32 v11, v18;
	v18 =	vld [tilespmem:s18+$0x120]  }
0x4e0: {  	v22 =	vld.idx.msk [tilespmem:v17+s20+$0x0], $0xffff  }
0x4e1: {  	v15 =	vadd.f32 v19, v15;
	v6 =	vld.idx.msk [tilespmem:v6+s22+$0x0], $0xffff  }
0x4e2: {  	v12 =	vadd.f32 v20, v12;
	v19 =	vld [tilespmem:s6+$0xFFFFFEE0]  }
0x4e3: {  	v15 =	vmax.f32 v15, $0.0e+00;
	v11 =	vadd.f32 v21, v11;
	v20 =	vld [tilespmem:s6+$0xFFFFFFE0]  }
0x4e4: {  	v12 =	vmax.f32 v12, $0.0e+00;
	[tilespmem:v13+s21+$0x0] =	vst.idx.add.f32.msk $0xffff, v15;
	v15 =	vadd.f32 v16, v18  }
0x4e5: {  	v11 =	vmax.f32 v11, $0.0e+00;
	[tilespmem:v14+s21+$0x0] =	vst.idx.add.f32.msk $0xffff, v12  }
0x4e6: {  	[tilespmem:v4+s21+$0x0] =	vst.idx.add.f32.msk $0xffff, v11;
	v11 =	vadd.f32 v22, v15  }
0x4e7: {  	v5 =	vld.idx.msk [tilespmem:v5+s22+$0x0], $0xffff;
	v8 =	vadd.f32 v8, v19  }
0x4e8: {  	v10 =	vld.idx.msk [tilespmem:v10+s22+$0x0], $0xffff;
	v11 =	vmax.f32 v11, $0.0e+00;
	v7 =	vadd.f32 v7, v20  }
0x4e9: {  	[tilespmem:v17+s21+$0x0] =	vst.idx.add.f32.msk $0xffff, v11  }
0x4ea: {  	v3 =	vld.idx.msk [tilespmem:v3+s22+$0x0], $0xffff  }
0x4eb: {  	v11 =	vld [tilespmem:s18+$0x1A0]  }
0x4ec: {  	v12 =	vld.idx.msk [tilespmem:v17+s23+$0x0], $0xffff  }
0x4ed: {  	v9 =	vld.idx.msk [tilespmem:v9+s22+$0x0], $0xffff  }
0x4ee: {  	v15 =	vld [tilespmem:s18+$0xFFFFFE90]  }
0x4ef: {  	v16 =	vld [tilespmem:s18+$0xFFFFFF90]  }
0x4f0: {  	v18 =	vld [tilespmem:s18+$0x90];
	v3 =	vadd.f32 v3, v11  }
0x4f1: {  	v11 =	vld.idx.msk [tilespmem:v13+s23+$0x0], $0xffff  }
0x4f2: {  	v19 =	vld.idx.msk [tilespmem:v14+s23+$0x0], $0xffff;
	v3 =	vadd.f32 v12, v3  }
0x4f3: {  	v5 =	vadd.f32 v5, v15;
	v12 =	vld.idx.msk [tilespmem:v4+s23+$0x0], $0xffff  }
0x4f4: {  	v10 =	vadd.f32 v10, v16;
	v3 =	vmax.f32 v3, $0.0e+00;
	v15 =	vld [tilespmem:s6+$0xE0]  }
0x4f5: {  	v9 =	vadd.f32 v9, v18;
	[tilespmem:v17+s24+$0x0] =	vst.idx.add.f32.msk $0xffff, v3  }
0x4f6: {  	v3 =	vld [tilespmem:s19+$0xB0]  }
0x4f7: {  	v5 =	vadd.f32 v11, v5;
	v11 =	vld.idx.msk [tilespmem:v2+s23+$0x0], $0xffff  }
0x4f8: {  	v10 =	vadd.f32 v19, v10;
	v16 =	vld [tilespmem:s17+$0xB0]  }
0x4f9: {  	v5 =	vmax.f32 v5, $0.0e+00;
	v9 =	vadd.f32 v12, v9;
	v12 =	vld.idx.msk [tilespmem:v1+s23+$0x0], $0xffff;
	v6 =	vadd.f32 v6, v15  }
0x4fa: {  	[tilespmem:v13+s24+$0x0] =	vst.idx.add.f32.msk $0xffff, v5;
	v5 =	vmax.f32 v10, $0.0e+00  }
0x4fb: {  	[tilespmem:v14+s24+$0x0] =	vst.idx.add.f32.msk $0xffff, v5;
	v5 =	vmax.f32 v9, $0.0e+00  }
0x4fc: {  	[tilespmem:v4+s24+$0x0] =	vst.idx.add.f32.msk $0xffff, v5  }
0x4fd: {  	v5 =	vadd.f32 v11, v8;
	v4 =	vld [tilespmem:s19+$0xFFFFFF20]  }
0x4fe: {  	v8 =	vld.idx.msk [tilespmem:v3+s2+$0x0], $0xffff  }
0x4ff: {  	v5 =	vmax.f32 v5, $0.0e+00;
	v7 =	vadd.f32 v12, v7;
	v9 =	vld [tilespmem:s18+$0x130]  }
0x500: {  	v10 =	vld.idx.msk [tilespmem:v16+s20+$0x0], $0xffff  }
0x501: {  	v7 =	vmax.f32 v7, $0.0e+00;
	v11 =	vld [tilespmem:s19+$0xFFFFFFA0]  }
0x502: {  	v12 =	vld [tilespmem:s19+$0x20]  }
0x503: {  	v13 =	vld [tilespmem:s17+$0xFFFFFF20]  }
0x504: {  	v14 =	vld [tilespmem:s17+$0xFFFFFFA0];
	v8 =	vadd.f32 v8, v9  }
0x505: {  	v9 =	vld [tilespmem:s17+$0x20]  }
0x506: {  	v15 =	vld.idx.msk [tilespmem:v4+s2+$0x0], $0xffff;
	v8 =	vadd.f32 v10, v8  }
0x507: {  	v10 =	vld [tilespmem:s18+$0xFFFFFE20]  }
0x508: {  	v17 =	vld [tilespmem:s18+$0xFFFFFF20];
	v8 =	vmax.f32 v8, $0.0e+00  }
0x509: {  	[tilespmem:v16+s21+$0x0] =	vst.idx.add.f32.msk $0xffff, v8  }
0x50a: {  	v3 =	vld.idx.msk [tilespmem:v3+s22+$0x0], $0xffff  }
0x50b: {  	v8 =	vld [tilespmem:s18+$0x1B0]  }
0x50c: {  	v10 =	vadd.f32 v15, v10;
	v15 =	vld.idx.msk [tilespmem:v16+s23+$0x0], $0xffff  }
0x50d: {  	v18 =	vld.idx.msk [tilespmem:v11+s2+$0x0], $0xffff  }
0x50e: {  	v19 =	vld.idx.msk [tilespmem:v12+s2+$0x0], $0xffff  }
0x50f: {  	v20 =	vld [tilespmem:s18+$0x20]  }
0x510: {  	v21 =	vld.idx.msk [tilespmem:v13+s20+$0x0], $0xffff;
	v3 =	vadd.f32 v3, v8  }
0x511: {  	v8 =	vld.idx.msk [tilespmem:v14+s20+$0x0], $0xffff  }
0x512: {  	v22 =	vld.idx.msk [tilespmem:v9+s20+$0x0], $0xffff;
	v3 =	vadd.f32 v15, v3  }
0x513: {  	v15 =	vadd.f32 v18, v17;
	v17 =	vld.idx.msk [tilespmem:v0+s23+$0x0], $0xffff  }
0x514: {  	v18 =	vadd.f32 v19, v20;
	v3 =	vmax.f32 v3, $0.0e+00;
	[tilespmem:v2+s24+$0x0] =	vst.idx.add.f32.msk $0xffff, v5  }
0x515: {  	[tilespmem:v16+s24+$0x0] =	vst.idx.add.f32.msk $0xffff, v3  }
0x516: {  	v2 =	vadd.f32 v21, v10;
	v3 =	vld [tilespmem:s19+$0xC0]  }
0x517: {  	v5 =	vadd.f32 v8, v15;
	[tilespmem:v1+s24+$0x0] =	vst.idx.add.f32.msk $0xffff, v7  }
0x518: {  	v1 =	vmax.f32 v2, $0.0e+00;
	v2 =	vadd.f32 v22, v18;
	v7 =	vld [tilespmem:s17+$0xC0]  }
0x519: {  	[tilespmem:v13+s21+$0x0] =	vst.idx.add.f32.msk $0xffff, v1;
	v1 =	vmax.f32 v5, $0.0e+00;
	v5 =	vadd.f32 v17, v6  }
0x51a: {  	[tilespmem:v14+s21+$0x0] =	vst.idx.add.f32.msk $0xffff, v1;
	v1 =	vmax.f32 v2, $0.0e+00  }
0x51b: {  	[tilespmem:v9+s21+$0x0] =	vst.idx.add.f32.msk $0xffff, v1;
	v1 =	vmax.f32 v5, $0.0e+00  }
0x51c: {  	v2 =	vld.idx.msk [tilespmem:v4+s22+$0x0], $0xffff  }
0x51d: {  	v4 =	vld.idx.msk [tilespmem:v11+s22+$0x0], $0xffff  }
0x51e: {  	v5 =	vld.idx.msk [tilespmem:v3+s2+$0x0], $0xffff  }
0x51f: {  	v6 =	vld [tilespmem:s18+$0x140]  }
0x520: {  	v8 =	vld.idx.msk [tilespmem:v7+s20+$0x0], $0xffff  }
0x521: {  	v10 =	vld.idx.msk [tilespmem:v12+s22+$0x0], $0xffff  }
0x522: {  	v11 =	vld [tilespmem:s18+$0xFFFFFEA0]  }
0x523: {  	v12 =	vld [tilespmem:s18+$0xFFFFFFA0]  }
0x524: {  	v15 =	vld [tilespmem:s18+$0xA0];
	v5 =	vadd.f32 v5, v6  }
0x525: {  	v6 =	vld.idx.msk [tilespmem:v13+s23+$0x0], $0xffff  }
0x526: {  	v16 =	vld.idx.msk [tilespmem:v14+s23+$0x0], $0xffff;
	v5 =	vadd.f32 v8, v5  }
0x527: {  	v2 =	vadd.f32 v2, v11;
	v8 =	vld.idx.msk [tilespmem:v9+s23+$0x0], $0xffff  }
0x528: {  	v4 =	vadd.f32 v4, v12;
	v5 =	vmax.f32 v5, $0.0e+00;
	[tilespmem:v0+s24+$0x0] =	vst.idx.add.f32.msk $0xffff, v1  }
0x529: {  	v0 =	vadd.f32 v10, v15;
	[tilespmem:v7+s21+$0x0] =	vst.idx.add.f32.msk $0xffff, v5  }
0x52a: {  	v1 =	vld.idx.msk [tilespmem:v3+s22+$0x0], $0xffff  }
0x52b: {  	v2 =	vadd.f32 v6, v2;
	v3 =	vld [tilespmem:s18+$0x1C0]  }
0x52c: {  	v4 =	vadd.f32 v16, v4;
	v5 =	vld.idx.msk [tilespmem:v7+s23+$0x0], $0xffff  }
0x52d: {  	v2 =	vmax.f32 v2, $0.0e+00;
	v6 =	vadd.f32 v8, v0;
	v0 =	vld [tilespmem:s16+$0xFFFFFF70]  }
0x52e: {  	[tilespmem:v13+s24+$0x0] =	vst.idx.add.f32.msk $0xffff, v2;
	v2 =	vmax.f32 v4, $0.0e+00  }
0x52f: {  	[tilespmem:v14+s24+$0x0] =	vst.idx.add.f32.msk $0xffff, v2;
	v2 =	vmax.f32 v6, $0.0e+00  }
0x530: {  	[tilespmem:v9+s24+$0x0] =	vst.idx.add.f32.msk $0xffff, v2;
	v1 =	vadd.f32 v1, v3  }
0x531: {  	v4 =	vld [tilespmem:s19+$0xFFFFFF30]  }
0x532: {  	v6 =	vld [tilespmem:s19+$0xFFFFFFB0];
	v1 =	vadd.f32 v5, v1  }
0x533: {  	v5 =	vld [tilespmem:s19+$0x30]  }
0x534: {  	v8 =	vld [tilespmem:s17+$0xFFFFFF30];
	v1 =	vmax.f32 v1, $0.0e+00  }
0x535: {  	[tilespmem:v7+s24+$0x0] =	vst.idx.add.f32.msk $0xffff, v1  }
0x536: {  	v7 =	vld [tilespmem:s19+$0xD0]  }
0x537: {  	v9 =	vld [tilespmem:s17+$0xFFFFFFB0]  }
0x538: {  	v10 =	vld [tilespmem:s17+$0xD0]  }
0x539: {  	v11 =	vld [tilespmem:s17+$0x30]  }
0x53a: {  	v1 =	vld.idx.msk [tilespmem:v4+s2+$0x0], $0xffff  }
0x53b: {  	v2 =	vld.idx.msk [tilespmem:v6+s2+$0x0], $0xffff  }
0x53c: {  	v3 =	vld.idx.msk [tilespmem:v5+s2+$0x0], $0xffff  }
0x53d: {  	v12 =	vld [tilespmem:s18+$0xFFFFFE30]  }
0x53e: {  	v13 =	vld.idx.msk [tilespmem:v7+s2+$0x0], $0xffff  }
0x53f: {  	v14 =	vld [tilespmem:s18+$0x150]  }
0x540: {  	v15 =	vld.idx.msk [tilespmem:v10+s20+$0x0], $0xffff  }
0x541: {  	v16 =	vld [tilespmem:s18+$0xFFFFFF30]  }
0x542: {  	v12 =	vadd.f32 v1, v12;
	v1 =	vld [tilespmem:s18+$0x30]  }
0x543: {  	v17 =	vld.idx.msk [tilespmem:v8+s20+$0x0], $0xffff  }
0x544: {  	v18 =	vld.idx.msk [tilespmem:v9+s20+$0x0], $0xffff;
	v13 =	vadd.f32 v13, v14  }
0x545: {  	v14 =	vld.idx.msk [tilespmem:v11+s20+$0x0], $0xffff  }
0x546: {  	v16 =	vadd.f32 v2, v16;
	v13 =	vadd.f32 v15, v13;
	v2 =	vld [tilespmem:s16+$0xFFFFFFF0]  }
0x547: {  	v15 =	vadd.f32 v3, v1;
	v1 =	vld [tilespmem:s16+$0x70];
	s16 =	smov.u32 s19  }
0x548: {  	v13 =	vmax.f32 v13, $0.0e+00;
	v3 =	vld [tilespmem:s12+$0xFFFFFF70]  }
0x549: {  	v12 =	vadd.f32 v17, v12;
	[tilespmem:v10+s21+$0x0] =	vst.idx.add.f32.msk $0xffff, v13  }
0x54a: {  	v13 =	vadd.f32 v18, v16;
	v7 =	vld.idx.msk [tilespmem:v7+s22+$0x0], $0xffff  }
0x54b: {  	v12 =	vmax.f32 v12, $0.0e+00;
	v14 =	vadd.f32 v14, v15;
	v15 =	vld [tilespmem:s18+$0x1D0]  }
0x54c: {  	v13 =	vmax.f32 v13, $0.0e+00;
	v16 =	vld.idx.msk [tilespmem:v10+s23+$0x0], $0xffff  }
0x54d: {  	[tilespmem:v8+s21+$0x0] =	vst.idx.add.f32.msk $0xffff, v12;
	v12 =	vmax.f32 v14, $0.0e+00  }
0x54e: {  	[tilespmem:v9+s21+$0x0] =	vst.idx.add.f32.msk $0xffff, v13  }
0x54f: {  	[tilespmem:v11+s21+$0x0] =	vst.idx.add.f32.msk $0xffff, v12  }
0x550: {  	v4 =	vld.idx.msk [tilespmem:v4+s22+$0x0], $0xffff;
	v7 =	vadd.f32 v7, v15  }
0x551: {  	v6 =	vld.idx.msk [tilespmem:v6+s22+$0x0], $0xffff  }
0x552: {  	v5 =	vld.idx.msk [tilespmem:v5+s22+$0x0], $0xffff;
	v7 =	vadd.f32 v16, v7  }
0x553: {  	v12 =	vld [tilespmem:s18+$0xFFFFFEB0]  }
0x554: {  	v13 =	vld [tilespmem:s18+$0xFFFFFFB0];
	v7 =	vmax.f32 v7, $0.0e+00  }
0x555: {  	[tilespmem:v10+s24+$0x0] =	vst.idx.add.f32.msk $0xffff, v7  }
0x556: {  	v7 =	vld [tilespmem:s19+$0xE0]  }
0x557: {  	v10 =	vld [tilespmem:s18+$0xB0]  }
0x558: {  	v12 =	vadd.f32 v4, v12;
	v14 =	vld [tilespmem:s17+$0xE0]  }
0x559: {  	v15 =	vld.idx.msk [tilespmem:v8+s23+$0x0], $0xffff;
	v6 =	vadd.f32 v6, v13  }
0x55a: {  	v13 =	vld.idx.msk [tilespmem:v9+s23+$0x0], $0xffff  }
0x55b: {  	v16 =	vld.idx.msk [tilespmem:v11+s23+$0x0], $0xffff  }
0x55c: {  	v10 =	vadd.f32 v5, v10;
	v5 =	vld [tilespmem:s12+$0xFFFFFFF0]  }
0x55d: {  	v4 =	vld [tilespmem:s12+$0x70];
	s12 =	smov.u32 s17  }
0x55e: {  	v17 =	vld.idx.msk [tilespmem:v7+s2+$0x0], $0xffff  }
0x55f: {  	v12 =	vadd.f32 v15, v12;
	v15 =	vld [tilespmem:s18+$0x160]  }
0x560: {  	v6 =	vadd.f32 v13, v6;
	v13 =	vld.idx.msk [tilespmem:v14+s20+$0x0], $0xffff  }
0x561: {  	v12 =	vmax.f32 v12, $0.0e+00;
	v10 =	vadd.f32 v16, v10;
	v16 =	vld.idx.msk [tilespmem:v0+s2+$0x0], $0xffff  }
0x562: {  	v6 =	vmax.f32 v6, $0.0e+00;
	[tilespmem:v8+s24+$0x0] =	vst.idx.add.f32.msk $0xffff, v12  }
0x563: {  	[tilespmem:v9+s24+$0x0] =	vst.idx.add.f32.msk $0xffff, v6;
	v6 =	vmax.f32 v10, $0.0e+00  }
0x564: {  	[tilespmem:v11+s24+$0x0] =	vst.idx.add.f32.msk $0xffff, v6;
	v6 =	vadd.f32 v17, v15  }
0x565: {  	v8 =	vld [tilespmem:s19+$0xFFFFFF40]  }
0x566: {  	v9 =	vld [tilespmem:s19+$0xFFFFFFC0];
	v6 =	vadd.f32 v13, v6  }
0x567: {  	v10 =	vld [tilespmem:s19+$0x40]  }
0x568: {  	v11 =	vld [tilespmem:s17+$0xFFFFFF40];
	v6 =	vmax.f32 v6, $0.0e+00  }
0x569: {  	[tilespmem:v14+s21+$0x0] =	vst.idx.add.f32.msk $0xffff, v6  }
0x56a: {  	v6 =	vld.idx.msk [tilespmem:v7+s22+$0x0], $0xffff  }
0x56b: {  	v7 =	vld [tilespmem:s18+$0x1E0]  }
0x56c: {  	v12 =	vld.idx.msk [tilespmem:v14+s23+$0x0], $0xffff  }
0x56d: {  	v13 =	vld [tilespmem:s17+$0xFFFFFFC0]  }
0x56e: {  	v15 =	vld [tilespmem:s17+$0x40]  }
0x56f: {  	v17 =	vld.idx.msk [tilespmem:v8+s2+$0x0], $0xffff  }
0x570: {  	v18 =	vld.idx.msk [tilespmem:v9+s2+$0x0], $0xffff;
	v6 =	vadd.f32 v6, v7  }
0x571: {  	v7 =	vld.idx.msk [tilespmem:v10+s2+$0x0], $0xffff  }
0x572: {  	v19 =	vld [tilespmem:s18+$0xFFFFFE40];
	v6 =	vadd.f32 v12, v6  }
0x573: {  	v12 =	vld [tilespmem:s18+$0xFFFFFF40]  }
0x574: {  	v20 =	vld [tilespmem:s18+$0x40];
	v6 =	vmax.f32 v6, $0.0e+00  }
0x575: {  	[tilespmem:v14+s24+$0x0] =	vst.idx.add.f32.msk $0xffff, v6  }
0x576: {  	v6 =	vld [tilespmem:s19+$0xF0]  }
0x577: {  	v14 =	vld.idx.msk [tilespmem:v11+s20+$0x0], $0xffff;
	v17 =	vadd.f32 v17, v19  }
0x578: {  	v12 =	vadd.f32 v18, v12;
	v18 =	vld [tilespmem:s17+$0xF0]  }
0x579: {  	v19 =	vld.idx.msk [tilespmem:v13+s20+$0x0], $0xffff;
	v7 =	vadd.f32 v7, v20  }
0x57a: {  	v20 =	vld.idx.msk [tilespmem:v15+s20+$0x0], $0xffff  }
0x57b: {  	v21 =	vld.idx.msk [tilespmem:v2+s2+$0x0], $0xffff  }
0x57c: {  	v22 =	vld.idx.msk [tilespmem:v1+s2+$0x0], $0xffff  }
0x57d: {  	v14 =	vadd.f32 v14, v17;
	v17 =	vld [tilespmem:s6+$0xFFFFFE70]  }
0x57e: {  	v23 =	vld.idx.msk [tilespmem:v6+s2+$0x0], $0xffff  }
0x57f: {  	v14 =	vmax.f32 v14, $0.0e+00;
	v12 =	vadd.f32 v19, v12;
	v19 =	vld [tilespmem:s18+$0x170]  }
0x580: {  	v7 =	vadd.f32 v20, v7;
	v20 =	vld.idx.msk [tilespmem:v18+s20+$0x0], $0xffff  }
0x581: {  	v12 =	vmax.f32 v12, $0.0e+00;
	[tilespmem:v11+s21+$0x0] =	vst.idx.add.f32.msk $0xffff, v14  }
0x582: {  	v7 =	vmax.f32 v7, $0.0e+00;
	[tilespmem:v13+s21+$0x0] =	vst.idx.add.f32.msk $0xffff, v12;
	v12 =	vadd.f32 v16, v17  }
0x583: {  	[tilespmem:v15+s21+$0x0] =	vst.idx.add.f32.msk $0xffff, v7  }
0x584: {  	v7 =	vld.idx.msk [tilespmem:v8+s22+$0x0], $0xffff;
	v8 =	vadd.f32 v23, v19  }
0x585: {  	v9 =	vld.idx.msk [tilespmem:v9+s22+$0x0], $0xffff  }
0x586: {  	v10 =	vld.idx.msk [tilespmem:v10+s22+$0x0], $0xffff;
	v8 =	vadd.f32 v20, v8  }
0x587: {  	v14 =	vld [tilespmem:s18+$0xFFFFFEC0]  }
0x588: {  	v16 =	vld [tilespmem:s18+$0xFFFFFFC0];
	v8 =	vmax.f32 v8, $0.0e+00  }
0x589: {  	[tilespmem:v18+s21+$0x0] =	vst.idx.add.f32.msk $0xffff, v8  }
0x58a: {  	v6 =	vld.idx.msk [tilespmem:v6+s22+$0x0], $0xffff  }
0x58b: {  	v8 =	vld [tilespmem:s18+$0x1F0]  }
0x58c: {  	v7 =	vadd.f32 v7, v14;
	v14 =	vld.idx.msk [tilespmem:v18+s23+$0x0], $0xffff  }
0x58d: {  	v9 =	vadd.f32 v9, v16;
	v16 =	vld [tilespmem:s18+$0xC0]  }
0x58e: {  	v17 =	vld.idx.msk [tilespmem:v11+s23+$0x0], $0xffff  }
0x58f: {  	v19 =	vld.idx.msk [tilespmem:v13+s23+$0x0], $0xffff  }
0x590: {  	v20 =	vld.idx.msk [tilespmem:v15+s23+$0x0], $0xffff;
	v6 =	vadd.f32 v6, v8  }
0x591: {  	v8 =	vld [tilespmem:s6+$0xFFFFFF70]  }
0x592: {  	v10 =	vadd.f32 v10, v16;
	v6 =	vadd.f32 v14, v6;
	v14 =	vld [tilespmem:s6+$0x70]  }
0x593: {  	v16 =	vld.idx.msk [tilespmem:v3+s20+$0x0], $0xffff  }
0x594: {  	v7 =	vadd.f32 v17, v7;
	v6 =	vmax.f32 v6, $0.0e+00;
	v17 =	vld.idx.msk [tilespmem:v5+s20+$0x0], $0xffff  }
0x595: {  	v9 =	vadd.f32 v19, v9;
	[tilespmem:v18+s24+$0x0] =	vst.idx.add.f32.msk $0xffff, v6  }
0x596: {  	v6 =	vmax.f32 v7, $0.0e+00;
	v7 =	vadd.f32 v20, v10;
	v8 =	vadd.f32 v21, v8;
	v10 =	vld.idx.msk [tilespmem:v4+s20+$0x0], $0xffff  }
0x597: {  	[tilespmem:v11+s24+$0x0] =	vst.idx.add.f32.msk $0xffff, v6;
	v6 =	vmax.f32 v9, $0.0e+00;
	v9 =	vadd.f32 v22, v14  }
0x598: {  	[tilespmem:v13+s24+$0x0] =	vst.idx.add.f32.msk $0xffff, v6;
	v6 =	vmax.f32 v7, $0.0e+00  }
0x599: {  	[tilespmem:v15+s24+$0x0] =	vst.idx.add.f32.msk $0xffff, v6;
	v6 =	vadd.f32 v16, v12  }
0x59a: {  	v8 =	vadd.f32 v17, v8;
	v7 =	vld [tilespmem:s19+$0xFFFFFF50]  }
0x59b: {  	v11 =	vld [tilespmem:s19+$0xFFFFFFD0];
	v6 =	vmax.f32 v6, $0.0e+00  }
0x59c: {  	v8 =	vmax.f32 v8, $0.0e+00;
	v9 =	vadd.f32 v10, v9;
	v12 =	vld [tilespmem:s19+$0x50]  }
0x59d: {  	v10 =	vld [tilespmem:s17+$0xFFFFFF50]  }
0x59e: {  	v9 =	vmax.f32 v9, $0.0e+00;
	v13 =	vld [tilespmem:s17+$0xFFFFFFD0]  }
0x59f: {  	v14 =	vld [tilespmem:s17+$0x50]  }
0x5a0: {  	v15 =	vld [tilespmem:s18+$0xFFFFFE50]  }
0x5a1: {  	v16 =	vld [tilespmem:s18+$0xFFFFFF50]  }
0x5a2: {  	v17 =	vld.idx.msk [tilespmem:v7+s2+$0x0], $0xffff  }
0x5a3: {  	v18 =	vld.idx.msk [tilespmem:v11+s2+$0x0], $0xffff  }
0x5a4: {  	v19 =	vld.idx.msk [tilespmem:v12+s2+$0x0], $0xffff  }
0x5a5: {  	v20 =	vld [tilespmem:s18+$0x50]  }
0x5a6: {  	v21 =	vld.idx.msk [tilespmem:v10+s20+$0x0], $0xffff  }
0x5a7: {  	v22 =	vld.idx.msk [tilespmem:v13+s20+$0x0], $0xffff  }
0x5a8: {  	v15 =	vadd.f32 v17, v15;
	v17 =	vld.idx.msk [tilespmem:v14+s20+$0x0], $0xffff  }
0x5a9: {  	v16 =	vadd.f32 v18, v16;
	[tilespmem:v3+s21+$0x0] =	vst.idx.add.f32.msk $0xffff, v6  }
0x5aa: {  	v6 =	vadd.f32 v19, v20;
	[tilespmem:v5+s21+$0x0] =	vst.idx.add.f32.msk $0xffff, v8  }
0x5ab: {  	[tilespmem:v4+s21+$0x0] =	vst.idx.add.f32.msk $0xffff, v9  }
0x5ac: {  	v8 =	vadd.f32 v21, v15;
	v0 =	vld.idx.msk [tilespmem:v0+s22+$0x0], $0xffff  }
0x5ad: {  	v9 =	vadd.f32 v22, v16;
	v2 =	vld.idx.msk [tilespmem:v2+s22+$0x0], $0xffff  }
0x5ae: {  	v8 =	vmax.f32 v8, $0.0e+00;
	v6 =	vadd.f32 v17, v6;
	v1 =	vld.idx.msk [tilespmem:v1+s22+$0x0], $0xffff  }
0x5af: {  	[tilespmem:v10+s21+$0x0] =	vst.idx.add.f32.msk $0xffff, v8;
	v8 =	vmax.f32 v9, $0.0e+00  }
0x5b0: {  	v6 =	vmax.f32 v6, $0.0e+00;
	[tilespmem:v13+s21+$0x0] =	vst.idx.add.f32.msk $0xffff, v8  }
0x5b1: {  	[tilespmem:v14+s21+$0x0] =	vst.idx.add.f32.msk $0xffff, v6  }
0x5b2: {  	v6 =	vld.idx.msk [tilespmem:v7+s22+$0x0], $0xffff  }
0x5b3: {  	v7 =	vld.idx.msk [tilespmem:v11+s22+$0x0], $0xffff  }
0x5b4: {  	v8 =	vld.idx.msk [tilespmem:v12+s22+$0x0], $0xffff  }
0x5b5: {  	v9 =	vld [tilespmem:s18+$0xFFFFFED0]  }
0x5b6: {  	v11 =	vld [tilespmem:s18+$0xFFFFFFD0]  }
0x5b7: {  	v12 =	vld [tilespmem:s18+$0xD0]  }
0x5b8: {  	v15 =	vld.idx.msk [tilespmem:v10+s23+$0x0], $0xffff  }
0x5b9: {  	v16 =	vld.idx.msk [tilespmem:v13+s23+$0x0], $0xffff  }
0x5ba: {  	v6 =	vadd.f32 v6, v9;
	v9 =	vld.idx.msk [tilespmem:v14+s23+$0x0], $0xffff  }
0x5bb: {  	v7 =	vadd.f32 v7, v11;
	v11 =	vld [tilespmem:s6+$0xFFFFFEF0]  }
0x5bc: {  	v8 =	vadd.f32 v8, v12;
	v12 =	vld [tilespmem:s6+$0xFFFFFFF0]  }
0x5bd: {  	v17 =	vld [tilespmem:s6+$0xF0];
	s6 =	smov.u32 s18  }
0x5be: {  	v6 =	vadd.f32 v15, v6;
	v15 =	vld.idx.msk [tilespmem:v3+s23+$0x0], $0xffff  }
0x5bf: {  	v7 =	vadd.f32 v16, v7;
	v16 =	vld.idx.msk [tilespmem:v5+s23+$0x0], $0xffff  }
0x5c0: {  	v6 =	vmax.f32 v6, $0.0e+00;
	v8 =	vadd.f32 v9, v8;
	v0 =	vadd.f32 v0, v11;
	v9 =	vld.idx.msk [tilespmem:v4+s23+$0x0], $0xffff  }
0x5c1: {  	[tilespmem:v10+s24+$0x0] =	vst.idx.add.f32.msk $0xffff, v6;
	v6 =	vmax.f32 v7, $0.0e+00;
	v2 =	vadd.f32 v2, v12  }
0x5c2: {  	[tilespmem:v13+s24+$0x0] =	vst.idx.add.f32.msk $0xffff, v6;
	v6 =	vmax.f32 v8, $0.0e+00;
	v1 =	vadd.f32 v1, v17  }
0x5c3: {  	[tilespmem:v14+s24+$0x0] =	vst.idx.add.f32.msk $0xffff, v6  }
0x5c4: {  	v0 =	vadd.f32 v15, v0;
	v8 =	vld [tilespmem:s19+$0xFFFFFF60]  }
0x5c5: {  	v10 =	vadd.f32 v16, v2;
	v7 =	vld [tilespmem:s19+$0xFFFFFFE0]  }
0x5c6: {  	v14 =	vmax.f32 v0, $0.0e+00;
	v0 =	vadd.f32 v9, v1;
	v6 =	vld [tilespmem:s19+$0x60]  }
0x5c7: {  	v15 =	vmax.f32 v10, $0.0e+00;
	v2 =	vld [tilespmem:s17+$0xFFFFFF60]  }
0x5c8: {  	v16 =	vmax.f32 v0, $0.0e+00;
	v1 =	vld [tilespmem:s17+$0xFFFFFFE0]  }
0x5c9: {  	v0 =	vld [tilespmem:s17+$0x60]  }
0x5ca: {  	v9 =	vld [tilespmem:s18+$0xFFFFFE60]  }
0x5cb: {  	v13 =	vld [tilespmem:s18+$0xFFFFFF60]  }
0x5cc: {  	v12 =	vld.idx.msk [tilespmem:v8+s2+$0x0], $0xffff  }
0x5cd: {  	v17 =	vld.idx.msk [tilespmem:v7+s2+$0x0], $0xffff  }
0x5ce: {  	v18 =	vld.idx.msk [tilespmem:v6+s2+$0x0], $0xffff  }
0x5cf: {  	v19 =	vld [tilespmem:s18+$0x60]  }
0x5d0: {  	v11 =	vld.idx.msk [tilespmem:v2+s20+$0x0], $0xffff  }
.Ltmp1:
0x5d1: {  	v10 =	vld.idx.msk [tilespmem:v1+s20+$0x0], $0xffff;
	(pc) =	sbr.rel @p0 .LBB2_5-.Ltmp1, $4  }
0x5d2: {  	v12 =	vadd.f32 v12, v9;
	v9 =	vld.idx.msk [tilespmem:v0+s20+$0x0], $0xffff  }
0x5d3: {  	v13 =	vadd.f32 v17, v13;
	[tilespmem:v3+s24+$0x0] =	vst.idx.add.f32.msk $0xffff, v14  }
0x5d4: {  	v3 =	vadd.f32 v18, v19;
	[tilespmem:v5+s24+$0x0] =	vst.idx.add.f32.msk $0xffff, v15  }
0x5d5: {  	s19 =	sadd.s32 $0x200, s19;
	[tilespmem:v4+s24+$0x0] =	vst.idx.add.f32.msk $0xffff, v16  }
0x5d6: {  	_ = 	snop  }
0x5d7: {  	v4 =	vadd.f32 v11, v12  }
0x5d8: {  	v5 =	vadd.f32 v10, v13  }
0x5d9: {  	v3 =	vadd.f32 v9, v3;
	v4 =	vmax.f32 v4, $0.0e+00  }
0x5da: {  	v5 =	vmax.f32 v5, $0.0e+00;
	[tilespmem:v2+s21+$0x0] =	vst.idx.add.f32.msk $0xffff, v4  }
0x5db: {  	v3 =	vmax.f32 v3, $0.0e+00;
	[tilespmem:v1+s21+$0x0] =	vst.idx.add.f32.msk $0xffff, v5  }
0x5dc: {  	[tilespmem:v0+s21+$0x0] =	vst.idx.add.f32.msk $0xffff, v3  }
0x5dd: {  	v53 =	vld.idx.msk [tilespmem:v8+s22+$0x0], $0xffff  }
0x5de: {  	v54 =	vld.idx.msk [tilespmem:v7+s22+$0x0], $0xffff  }
0x5df: {  	v56 =	vld [tilespmem:s6+$0xFFFFFEE0]  }
0x5e0: {  	v57 =	vld [tilespmem:s6+$0xFFFFFFE0]  }
0x5e1: {  	v59 =	vld.idx.msk [tilespmem:v2+s23+$0x0], $0xffff  }
0x5e2: {  	v55 =	vld.idx.msk [tilespmem:v6+s22+$0x0], $0xffff  }
0x5e3: {  	v58 =	vld [tilespmem:s6+$0xE0]  }
0x5e4: {  	v60 =	vld.idx.msk [tilespmem:v1+s23+$0x0], $0xffff  }
0x5e5: {  	v61 =	vld.idx.msk [tilespmem:v0+s23+$0x0], $0xffff  }
0x5e6: {  	v3 =	vadd.f32 v53, v56  }
0x5e7: {  	v4 =	vadd.f32 v54, v57  }
0x5e8: {  	v5 =	vadd.f32 v55, v58;
	v3 =	vadd.f32 v59, v3  }
0x5e9: {  	v4 =	vadd.f32 v60, v4  }
0x5ea: {  	v5 =	vadd.f32 v61, v5;
	v3 =	vmax.f32 v3, $0.0e+00  }
0x5eb: {  	v4 =	vmax.f32 v4, $0.0e+00;
	[tilespmem:v2+s24+$0x0] =	vst.idx.add.f32.msk $0xffff, v3  }
0x5ec: {  	[tilespmem:v1+s24+$0x0] =	vst.idx.add.f32.msk $0xffff, v4;
	v62 =	vmax.f32 v5, $0.0e+00  }
0x5ed: {  	[tilespmem:v0+s24+$0x0] =	vst.idx.add.f32.msk $0xffff, v62  }
0x5ee: {  	v63 =	vld [tilespmem:s16+$0xFFFFFF70]  }
0x5ef: {  	v16 =	vld [tilespmem:s16+$0xFFFFFFF0]  }
0x5f0: {  	v3 =	vld [tilespmem:s12+$0xFFFFFF70]  }
0x5f1: {  	v4 =	vld [tilespmem:s12+$0xFFFFFFF0]  }
0x5f2: {  	v17 =	vld [tilespmem:s16+$0x70]  }
0x5f3: {  	v22 =	vld [tilespmem:s6+$0xFFFFFE70]  }
0x5f4: {  	v18 =	vld [tilespmem:s12+$0x70]  }
0x5f5: {  	v23 =	vld [tilespmem:s6+$0xFFFFFF70]  }
0x5f6: {  	v24 =	vld [tilespmem:s6+$0x70]  }
0x5f7: {  	v19 =	vld.idx.msk [tilespmem:v63+s2+$0x0], $0xffff  }
0x5f8: {  	v20 =	vld.idx.msk [tilespmem:v16+s2+$0x0], $0xffff  }
0x5f9: {  	v25 =	vld.idx.msk [tilespmem:v3+s20+$0x0], $0xffff  }
0x5fa: {  	v21 =	vld.idx.msk [tilespmem:v17+s2+$0x0], $0xffff  }
0x5fb: {  	v26 =	vld.idx.msk [tilespmem:v4+s20+$0x0], $0xffff  }
0x5fc: {  	v14 =	vld.idx.msk [tilespmem:v18+s20+$0x0], $0xffff  }
0x5fd: {  	v6 =	vadd.f32 v19, v22  }
0x5fe: {  	v7 =	vadd.f32 v20, v23  }
0x5ff: {  	v8 =	vadd.f32 v21, v24;
	v6 =	vadd.f32 v25, v6  }
0x600: {  	v7 =	vadd.f32 v26, v7  }
0x601: {  	v8 =	vadd.f32 v14, v8;
	v6 =	vmax.f32 v6, $0.0e+00  }
0x602: {  	v7 =	vmax.f32 v7, $0.0e+00;
	[tilespmem:v3+s21+$0x0] =	vst.idx.add.f32.msk $0xffff, v6  }
0x603: {  	v27 =	vmax.f32 v8, $0.0e+00;
	[tilespmem:v4+s21+$0x0] =	vst.idx.add.f32.msk $0xffff, v7  }
0x604: {  	[tilespmem:v18+s21+$0x0] =	vst.idx.add.f32.msk $0xffff, v27  }
0x605: {  	v0 =	vld.idx.msk [tilespmem:v63+s22+$0x0], $0xffff  }
0x606: {  	v1 =	vld.idx.msk [tilespmem:v16+s22+$0x0], $0xffff  }
0x607: {  	v28 =	vld [tilespmem:s6+$0xFFFFFEF0]  }
0x608: {  	v7 =	vld [tilespmem:s6+$0xFFFFFFF0]  }
0x609: {  	v30 =	vld.idx.msk [tilespmem:v3+s23+$0x0], $0xffff  }
0x60a: {  	v2 =	vld.idx.msk [tilespmem:v17+s22+$0x0], $0xffff  }
0x60b: {  	v29 =	vld [tilespmem:s6+$0xF0]  }
0x60c: {  	v31 =	vld.idx.msk [tilespmem:v4+s23+$0x0], $0xffff  }
0x60d: {  	v32 =	vld.idx.msk [tilespmem:v18+s23+$0x0], $0xffff  }
0x60e: {  	v0 =	vadd.f32 v0, v28  }
0x60f: {  	v1 =	vadd.f32 v1, v7  }
0x610: {  	v2 =	vadd.f32 v2, v29;
	v0 =	vadd.f32 v30, v0  }
0x611: {  	v1 =	vadd.f32 v31, v1  }
0x612: {  	v2 =	vadd.f32 v32, v2;
	v0 =	vmax.f32 v0, $0.0e+00  }
0x613: {  	v1 =	vmax.f32 v1, $0.0e+00;
	[tilespmem:v3+s24+$0x0] =	vst.idx.add.f32.msk $0xffff, v0  }
0x614: {  	v33 =	vmax.f32 v2, $0.0e+00;
	[tilespmem:v4+s24+$0x0] =	vst.idx.add.f32.msk $0xffff, v1  }
0x615: {  	[tilespmem:v18+s24+$0x0] =	vst.idx.add.f32.msk $0xffff, v33  }
0x616: {  	v0 =	vld [tilespmem:$0x12E00];
	_ =	sdelay $0x1  }
0x617: {  	v1 =	vld [tilespmem:$0x13A80];
	_ =	sdelay $0x4  }
0x618: {  	v34 =	vld [tilespmem:$0x15300]  }
0x619: {  	v3 =	vld.idx.msk [tilespmem:v0+s2+$0x0], $0xffff;
	_ =	sdelay $0x1  }
0x61a: {  	v4 =	vld.idx.msk [tilespmem:v1+s20+$0x0], $0xffff;
	_ =	sdelay $0x2  }
0x61b: {  	v2 =	vadd.f32 v3, v34;
	_ =	sdelay $0x1  }
0x61c: {  	v2 =	vadd.f32 v4, v2;
	_ =	sdelay $0x1  }
0x61d: {  	v2 =	vmax.f32 v2, $0.0e+00  }
0x61e: {  	[tilespmem:v1+s21+$0x0] =	vst.idx.add.f32.msk $0xffff, v2  }
0x61f: {  	v2 =	vld [tilespmem:$0x15380]  }
0x620: {  	v0 =	vld.idx.msk [tilespmem:v0+s22+$0x0], $0xffff;
	_ =	sdelay $0x1  }
0x621: {  	v35 =	vld.idx.msk [tilespmem:v1+s23+$0x0], $0xffff;
	_ =	sdelay $0x2  }
0x622: {  	v0 =	vadd.f32 v0, v2;
	_ =	sdelay $0x1  }
0x623: {  	v0 =	vadd.f32 v35, v0;
	_ =	sdelay $0x1  }
0x624: {  	v0 =	vmax.f32 v0, $0.0e+00  }
0x625: {  	[tilespmem:v1+s24+$0x0] =	vst.idx.add.f32.msk $0xffff, v0  }
0x626: {  	v0 =	vld [tilespmem:$0x12E10];
	_ =	sdelay $0x1  }
0x627: {  	v1 =	vld [tilespmem:$0x13A90];
	_ =	sdelay $0x4  }
0x628: {  	v36 =	vld [tilespmem:$0x15310]  }
0x629: {  	v37 =	vld.idx.msk [tilespmem:v0+s2+$0x0], $0xffff;
	_ =	sdelay $0x1  }
0x62a: {  	v38 =	vld.idx.msk [tilespmem:v1+s20+$0x0], $0xffff;
	_ =	sdelay $0x2  }
0x62b: {  	v2 =	vadd.f32 v37, v36;
	_ =	sdelay $0x1  }
0x62c: {  	v2 =	vadd.f32 v38, v2;
	_ =	sdelay $0x1  }
0x62d: {  	v2 =	vmax.f32 v2, $0.0e+00  }
0x62e: {  	[tilespmem:v1+s21+$0x0] =	vst.idx.add.f32.msk $0xffff, v2  }
0x62f: {  	v2 =	vld [tilespmem:$0x15390]  }
0x630: {  	v0 =	vld.idx.msk [tilespmem:v0+s22+$0x0], $0xffff;
	_ =	sdelay $0x1  }
0x631: {  	v39 =	vld.idx.msk [tilespmem:v1+s23+$0x0], $0xffff;
	_ =	sdelay $0x2  }
0x632: {  	v0 =	vadd.f32 v0, v2;
	_ =	sdelay $0x1  }
0x633: {  	v0 =	vadd.f32 v39, v0;
	_ =	sdelay $0x1  }
0x634: {  	v0 =	vmax.f32 v0, $0.0e+00  }
0x635: {  	[tilespmem:v1+s24+$0x0] =	vst.idx.add.f32.msk $0xffff, v0  }
0x636: {  	v0 =	vld [tilespmem:$0x12E20];
	_ =	sdelay $0x1  }
0x637: {  	v1 =	vld [tilespmem:$0x13AA0];
	_ =	sdelay $0x4  }
0x638: {  	v40 =	vld [tilespmem:$0x15320]  }
0x639: {  	v41 =	vld.idx.msk [tilespmem:v0+s2+$0x0], $0xffff;
	_ =	sdelay $0x1  }
0x63a: {  	v42 =	vld.idx.msk [tilespmem:v1+s20+$0x0], $0xffff;
	_ =	sdelay $0x2  }
0x63b: {  	v2 =	vadd.f32 v41, v40;
	_ =	sdelay $0x1  }
0x63c: {  	v2 =	vadd.f32 v42, v2;
	_ =	sdelay $0x1  }
0x63d: {  	v2 =	vmax.f32 v2, $0.0e+00  }
0x63e: {  	[tilespmem:v1+s21+$0x0] =	vst.idx.add.f32.msk $0xffff, v2  }
0x63f: {  	v2 =	vld [tilespmem:$0x153A0]  }
0x640: {  	v0 =	vld.idx.msk [tilespmem:v0+s22+$0x0], $0xffff;
	_ =	sdelay $0x1  }
0x641: {  	v43 =	vld.idx.msk [tilespmem:v1+s23+$0x0], $0xffff;
	_ =	sdelay $0x2  }
0x642: {  	v0 =	vadd.f32 v0, v2;
	_ =	sdelay $0x1  }
0x643: {  	v0 =	vadd.f32 v43, v0;
	_ =	sdelay $0x1  }
0x644: {  	v0 =	vmax.f32 v0, $0.0e+00  }
0x645: {  	[tilespmem:v1+s24+$0x0] =	vst.idx.add.f32.msk $0xffff, v0  }
0x646: {  	v0 =	vld [tilespmem:$0x12E30];
	_ =	sdelay $0x1  }
0x647: {  	v1 =	vld [tilespmem:$0x13AB0];
	_ =	sdelay $0x4  }
0x648: {  	v44 =	vld [tilespmem:$0x15330]  }
0x649: {  	v45 =	vld.idx.msk [tilespmem:v0+s2+$0x0], $0xffff;
	_ =	sdelay $0x1  }
0x64a: {  	v46 =	vld.idx.msk [tilespmem:v1+s20+$0x0], $0xffff;
	_ =	sdelay $0x2  }
0x64b: {  	v2 =	vadd.f32 v45, v44;
	_ =	sdelay $0x1  }
0x64c: {  	v2 =	vadd.f32 v46, v2;
	_ =	sdelay $0x1  }
0x64d: {  	v2 =	vmax.f32 v2, $0.0e+00  }
0x64e: {  	[tilespmem:v1+s21+$0x0] =	vst.idx.add.f32.msk $0xffff, v2  }
0x64f: {  	v2 =	vld [tilespmem:$0x153B0]  }
0x650: {  	v0 =	vld.idx.msk [tilespmem:v0+s22+$0x0], $0xffff;
	_ =	sdelay $0x1  }
0x651: {  	v47 =	vld.idx.msk [tilespmem:v1+s23+$0x0], $0xffff;
	_ =	sdelay $0x2  }
0x652: {  	v0 =	vadd.f32 v0, v2;
	_ =	sdelay $0x1  }
0x653: {  	v0 =	vadd.f32 v47, v0;
	_ =	sdelay $0x1  }
0x654: {  	v0 =	vmax.f32 v0, $0.0e+00  }
0x655: {  	[tilespmem:v1+s24+$0x0] =	vst.idx.add.f32.msk $0xffff, v0  }
0x656: {  	v0 =	vld [tilespmem:$0x12E40];
	_ =	sdelay $0x1  }
0x657: {  	v1 =	vld [tilespmem:$0x13AC0];
	_ =	sdelay $0x4  }
0x658: {  	v48 =	vld [tilespmem:$0x15340]  }
0x659: {  	v49 =	vld.idx.msk [tilespmem:v0+s2+$0x0], $0xffff;
	_ =	sdelay $0x1  }
0x65a: {  	v50 =	vld.idx.msk [tilespmem:v1+s20+$0x0], $0xffff;
	_ =	sdelay $0x2  }
0x65b: {  	v2 =	vadd.f32 v49, v48;
	_ =	sdelay $0x1  }
0x65c: {  	v2 =	vadd.f32 v50, v2;
	_ =	sdelay $0x1  }
0x65d: {  	v2 =	vmax.f32 v2, $0.0e+00  }
0x65e: {  	[tilespmem:v1+s21+$0x0] =	vst.idx.add.f32.msk $0xffff, v2  }
0x65f: {  	v2 =	vld [tilespmem:$0x153C0]  }
0x660: {  	v0 =	vld.idx.msk [tilespmem:v0+s22+$0x0], $0xffff;
	_ =	sdelay $0x1  }
0x661: {  	v51 =	vld.idx.msk [tilespmem:v1+s23+$0x0], $0xffff;
	_ =	sdelay $0x2  }
0x662: {  	v0 =	vadd.f32 v0, v2;
	_ =	sdelay $0x1  }
0x663: {  	v0 =	vadd.f32 v51, v0;
	_ =	sdelay $0x1  }
0x664: {  	v0 =	vmax.f32 v0, $0.0e+00  }
0x665: {  	[tilespmem:v1+s24+$0x0] =	vst.idx.add.f32.msk $0xffff, v0  }
0x666: {  	v0 =	vld [tilespmem:$0x12E50];
	_ =	sdelay $0x1  }
0x667: {  	v1 =	vld [tilespmem:$0x13AD0];
	_ =	sdelay $0x4  }
0x668: {  	v52 =	vld [tilespmem:$0x15350]  }
0x669: {  	v53 =	vld.idx.msk [tilespmem:v0+s2+$0x0], $0xffff;
	_ =	sdelay $0x1  }
0x66a: {  	v54 =	vld.idx.msk [tilespmem:v1+s20+$0x0], $0xffff;
	_ =	sdelay $0x2  }
0x66b: {  	v2 =	vadd.f32 v53, v52;
	_ =	sdelay $0x1  }
0x66c: {  	v2 =	vadd.f32 v54, v2;
	_ =	sdelay $0x1  }
0x66d: {  	v2 =	vmax.f32 v2, $0.0e+00  }
0x66e: {  	[tilespmem:v1+s21+$0x0] =	vst.idx.add.f32.msk $0xffff, v2  }
0x66f: {  	v2 =	vld [tilespmem:$0x153D0]  }
0x670: {  	v0 =	vld.idx.msk [tilespmem:v0+s22+$0x0], $0xffff;
	_ =	sdelay $0x1  }
0x671: {  	v55 =	vld.idx.msk [tilespmem:v1+s23+$0x0], $0xffff;
	_ =	sdelay $0x2  }
0x672: {  	v0 =	vadd.f32 v0, v2;
	_ =	sdelay $0x1  }
0x673: {  	v0 =	vadd.f32 v55, v0;
	_ =	sdelay $0x1  }
0x674: {  	v0 =	vmax.f32 v0, $0.0e+00  }
0x675: {  	[tilespmem:v1+s24+$0x0] =	vst.idx.add.f32.msk $0xffff, v0  }
0x676: {  	v0 =	vld [tilespmem:$0x12E60];
	_ =	sdelay $0x1  }
0x677: {  	v1 =	vld [tilespmem:$0x13AE0];
	_ =	sdelay $0x4  }
0x678: {  	v56 =	vld [tilespmem:$0x15360]  }
0x679: {  	v57 =	vld.idx.msk [tilespmem:v0+s2+$0x0], $0xffff;
	_ =	sdelay $0x1  }
0x67a: {  	v58 =	vld.idx.msk [tilespmem:v1+s20+$0x0], $0xffff;
	_ =	sdelay $0x2  }
0x67b: {  	v2 =	vadd.f32 v57, v56;
	_ =	sdelay $0x1  }
0x67c: {  	v2 =	vadd.f32 v58, v2;
	_ =	sdelay $0x1  }
0x67d: {  	v2 =	vmax.f32 v2, $0.0e+00  }
0x67e: {  	[tilespmem:v1+s21+$0x0] =	vst.idx.add.f32.msk $0xffff, v2  }
0x67f: {  	v2 =	vld [tilespmem:$0x153E0]  }
0x680: {  	v0 =	vld.idx.msk [tilespmem:v0+s22+$0x0], $0xffff;
	_ =	sdelay $0x1  }
0x681: {  	v59 =	vld.idx.msk [tilespmem:v1+s23+$0x0], $0xffff;
	_ =	sdelay $0x2  }
0x682: {  	v0 =	vadd.f32 v0, v2;
	_ =	sdelay $0x1  }
0x683: {  	v0 =	vadd.f32 v59, v0;
	_ =	sdelay $0x1  }
0x684: {  	v0 =	vmax.f32 v0, $0.0e+00  }
0x685: {  	[tilespmem:v1+s24+$0x0] =	vst.idx.add.f32.msk $0xffff, v0  }
0x686: {  	v0 =	vld [tilespmem:$0x12E70];
	_ =	sdelay $0x1  }
0x687: {  	v1 =	vld [tilespmem:$0x13AF0];
	_ =	sdelay $0x4  }
0x688: {  	v60 =	vld [tilespmem:$0x15370]  }
0x689: {  	v61 =	vld.idx.msk [tilespmem:v0+s2+$0x0], $0xffff;
	_ =	sdelay $0x1  }
0x68a: {  	v62 =	vld.idx.msk [tilespmem:v1+s20+$0x0], $0xffff;
	_ =	sdelay $0x2  }
0x68b: {  	v2 =	vadd.f32 v61, v60;
	_ =	sdelay $0x1  }
0x68c: {  	v2 =	vadd.f32 v62, v2;
	_ =	sdelay $0x1  }
0x68d: {  	v2 =	vmax.f32 v2, $0.0e+00  }
0x68e: {  	[tilespmem:v1+s21+$0x0] =	vst.idx.add.f32.msk $0xffff, v2  }
0x68f: {  	v2 =	vld [tilespmem:$0x153F0]  }
0x690: {  	v0 =	vld.idx.msk [tilespmem:v0+s22+$0x0], $0xffff;
	_ =	sdelay $0x1  }
0x691: {  	v63 =	vld.idx.msk [tilespmem:v1+s23+$0x0], $0xffff;
	_ =	sdelay $0x1  }
0x692: {  	s15 =	sadd.s32 $0x1, s15  }
0x693: {  	p0 =	sne.s32 s15, $0xC;
	v0 =	vadd.f32 v0, v2  }
.Ltmp2:
0x694: {  	_ = 	snop;
	(pc) =	sbr.rel @p0 .LBB2_2-.Ltmp2, $3  }
0x695: {  	v0 =	vadd.f32 v63, v0;
	_ =	sdelay $0x1  }
0x696: {  	v0 =	vmax.f32 v0, $0.0e+00  }
0x697: {  	[tilespmem:v1+s24+$0x0] =	vst.idx.add.f32.msk $0xffff, v0  }
0x698: {  	_ =	swait.ge [sflag:s0], $0xC80  }
0x699: {  	[sflag:s0] =	ssyncset.done $0x0  }
0x69a: {  	[sflag:s0] =	ssyncadd.s32 $0xFFFFF380  }
0x69b: {  	_ =	swait.ge [sflag:s0], $0xC80  }
0x69c: {  	[sflag:s0] =	ssyncset.done $0x0  }
0x69d: {  	[sflag:s0] =	ssyncadd.s32 $0xFFFFF380  }
0x69e: {  	_ =	swait.ge [sflag:s0], $0x1900  }
0x69f: {  	[sflag:s0] =	ssyncset.done $0x0  }
0x6a0: {  	s15 =	simm.s32 $0xF100;
	[sflag:s0] =	ssyncadd.s32 $0xFFFFE700  }
0x6a1: {  	v0 =	vld [tilespmem:s15+$0x80]  }
0x6a2: {  	s16 =	simm.s32 $0xFD80  }
0x6a3: {  	v1 =	vld [tilespmem:s16+$0x80];
	_ =	sdelay $0x3  }
0x6a4: {  	s17 =	simm.s32 $0x10B00  }
0x6a5: {  	v3 =	vld [tilespmem:s17+$0x100]  }
0x6a6: {  	v2 =	vld.idx.msk [tilespmem:v0+s2+$0x0], $0xffff;
	_ =	sdelay $0x1  }
0x6a7: {  	v4 =	vld.idx.msk [tilespmem:v1+s20+$0x0], $0xffff;
	_ =	sdelay $0x2  }
0x6a8: {  	v5 =	vld [tilespmem:s15+$0xFFFFFF80];
	v2 =	vadd.f32 v2, v3  }
0x6a9: {  	v6 =	vld [tilespmem:s15+$0xFFFFFF00]  }
0x6aa: {  	v7 =	vld [tilespmem:s16+$0xFFFFFF80];
	v2 =	vadd.f32 v4, v2  }
0x6ab: {  	v3 =	vld [tilespmem:s15+$0x0]  }
0x6ac: {  	v4 =	vld [tilespmem:s16+$0xFFFFFF00];
	v2 =	vmax.f32 v2, $0.0e+00  }
0x6ad: {  	[tilespmem:v1+s21+$0x0] =	vst.idx.add.f32.msk $0xffff, v2  }
0x6ae: {  	v0 =	vld.idx.msk [tilespmem:v0+s22+$0x0], $0xffff  }
0x6af: {  	v2 =	vld [tilespmem:s17+$0x180]  }
0x6b0: {  	v8 =	vld [tilespmem:s16+$0x0]  }
0x6b1: {  	v9 =	vld.idx.msk [tilespmem:v1+s23+$0x0], $0xffff  }
0x6b2: {  	v12 =	vld [tilespmem:s17+$0xFFFFFE00]  }
0x6b3: {  	v10 =	vld.idx.msk [tilespmem:v5+s2+$0x0], $0xffff  }
0x6b4: {  	v11 =	vld.idx.msk [tilespmem:v6+s2+$0x0], $0xffff;
	v0 =	vadd.f32 v0, v2  }
0x6b5: {  	v2 =	vld [tilespmem:s17+$0xFFFFFF00]  }
0x6b6: {  	v13 =	vld.idx.msk [tilespmem:v4+s20+$0x0], $0xffff;
	v0 =	vadd.f32 v9, v0  }
0x6b7: {  	v14 =	vld.idx.msk [tilespmem:v3+s2+$0x0], $0xffff  }
0x6b8: {  	v9 =	vld.idx.msk [tilespmem:v7+s20+$0x0], $0xffff;
	v0 =	vmax.f32 v0, $0.0e+00  }
0x6b9: {  	v11 =	vadd.f32 v11, v12;
	[tilespmem:v1+s24+$0x0] =	vst.idx.add.f32.msk $0xffff, v0  }
0x6ba: {  	v0 =	vadd.f32 v10, v2;
	v2 =	vld [tilespmem:s17+$0x0]  }
0x6bb: {  	v10 =	vadd.f32 v13, v11;
	v11 =	vld.idx.msk [tilespmem:v8+s20+$0x0], $0xffff  }
0x6bc: {  	v1 =	vld [tilespmem:s15+$0x90]  }
0x6bd: {  	v0 =	vadd.f32 v9, v0;
	v9 =	vmax.f32 v10, $0.0e+00;
	v10 =	vld [tilespmem:s16+$0x90]  }
0x6be: {  	[tilespmem:v4+s21+$0x0] =	vst.idx.add.f32.msk $0xffff, v9  }
0x6bf: {  	v9 =	vld [tilespmem:s17+$0x110]  }
0x6c0: {  	v0 =	vmax.f32 v0, $0.0e+00;
	v13 =	vld.idx.msk [tilespmem:v4+s23+$0x0], $0xffff  }
0x6c1: {  	[tilespmem:v7+s21+$0x0] =	vst.idx.add.f32.msk $0xffff, v0;
	v2 =	vadd.f32 v14, v2  }
0x6c2: {  	v0 =	vld.idx.msk [tilespmem:v6+s22+$0x0], $0xffff  }
0x6c3: {  	v2 =	vadd.f32 v11, v2;
	v11 =	vld [tilespmem:s17+$0xFFFFFE80]  }
0x6c4: {  	v6 =	vld.idx.msk [tilespmem:v1+s2+$0x0], $0xffff  }
0x6c5: {  	v5 =	vld.idx.msk [tilespmem:v5+s22+$0x0], $0xffff  }
0x6c6: {  	v2 =	vmax.f32 v2, $0.0e+00;
	v12 =	vld.idx.msk [tilespmem:v10+s20+$0x0], $0xffff  }
0x6c7: {  	[tilespmem:v8+s21+$0x0] =	vst.idx.add.f32.msk $0xffff, v2  }
0x6c8: {  	v2 =	vld.idx.msk [tilespmem:v3+s22+$0x0], $0xffff;
	v0 =	vadd.f32 v0, v11  }
0x6c9: {  	v3 =	vld [tilespmem:s17+$0xFFFFFF80];
	v6 =	vadd.f32 v6, v9  }
0x6ca: {  	v14 =	vld.idx.msk [tilespmem:v8+s23+$0x0], $0xffff;
	v0 =	vadd.f32 v13, v0  }
0x6cb: {  	v6 =	vadd.f32 v12, v6;
	v12 =	vld.idx.msk [tilespmem:v7+s23+$0x0], $0xffff  }
0x6cc: {  	v9 =	vld [tilespmem:s17+$0x80];
	v0 =	vmax.f32 v0, $0.0e+00  }
0x6cd: {  	[tilespmem:v4+s24+$0x0] =	vst.idx.add.f32.msk $0xffff, v0;
	v6 =	vmax.f32 v6, $0.0e+00  }
0x6ce: {  	v3 =	vadd.f32 v5, v3;
	[tilespmem:v10+s21+$0x0] =	vst.idx.add.f32.msk $0xffff, v6  }
0x6cf: {  	v1 =	vld.idx.msk [tilespmem:v1+s22+$0x0], $0xffff  }
0x6d0: {  	v5 =	vld [tilespmem:s17+$0x190];
	v3 =	vadd.f32 v12, v3  }
0x6d1: {  	v4 =	vld [tilespmem:s16+$0xFFFFFF10]  }
0x6d2: {  	v2 =	vadd.f32 v2, v9;
	v6 =	vld.idx.msk [tilespmem:v10+s23+$0x0], $0xffff;
	v0 =	vmax.f32 v3, $0.0e+00  }
0x6d3: {  	[tilespmem:v7+s24+$0x0] =	vst.idx.add.f32.msk $0xffff, v0  }
0x6d4: {  	v0 =	vadd.f32 v14, v2;
	v2 =	vld [tilespmem:s15+$0xFFFFFF10]  }
0x6d5: {  	v1 =	vadd.f32 v1, v5;
	v3 =	vld [tilespmem:s15+$0xFFFFFF90]  }
0x6d6: {  	v5 =	vld [tilespmem:s16+$0xFFFFFF90];
	v0 =	vmax.f32 v0, $0.0e+00  }
0x6d7: {  	[tilespmem:v8+s24+$0x0] =	vst.idx.add.f32.msk $0xffff, v0;
	v0 =	vadd.f32 v6, v1  }
0x6d8: {  	v16 =	vld [tilespmem:s17+$0xFFFFFF10]  }
0x6d9: {  	v14 =	vld.idx.msk [tilespmem:v4+s20+$0x0], $0xffff;
	v0 =	vmax.f32 v0, $0.0e+00  }
0x6da: {  	[tilespmem:v10+s24+$0x0] =	vst.idx.add.f32.msk $0xffff, v0  }
0x6db: {  	v0 =	vld [tilespmem:s15+$0xA0]  }
0x6dc: {  	v1 =	vld [tilespmem:s15+$0x10]  }
0x6dd: {  	v7 =	vld [tilespmem:s16+$0xA0]  }
0x6de: {  	v6 =	vld [tilespmem:s16+$0x10]  }
0x6df: {  	v10 =	vld [tilespmem:s17+$0xFFFFFE10]  }
0x6e0: {  	v13 =	vld [tilespmem:s17+$0x120]  }
0x6e1: {  	v8 =	vld.idx.msk [tilespmem:v2+s2+$0x0], $0xffff  }
0x6e2: {  	v9 =	vld.idx.msk [tilespmem:v3+s2+$0x0], $0xffff  }
0x6e3: {  	v12 =	vld.idx.msk [tilespmem:v0+s2+$0x0], $0xffff  }
0x6e4: {  	v17 =	vld.idx.msk [tilespmem:v5+s20+$0x0], $0xffff  }
0x6e5: {  	v15 =	vld.idx.msk [tilespmem:v7+s20+$0x0], $0xffff  }
0x6e6: {  	v8 =	vadd.f32 v8, v10  }
0x6e7: {  	v11 =	vld.idx.msk [tilespmem:v1+s2+$0x0], $0xffff;
	v9 =	vadd.f32 v9, v16  }
0x6e8: {  	v10 =	vld [tilespmem:s17+$0x10];
	v8 =	vadd.f32 v14, v8;
	v12 =	vadd.f32 v12, v13  }
0x6e9: {  	v9 =	vadd.f32 v17, v9  }
0x6ea: {  	v8 =	vmax.f32 v8, $0.0e+00;
	v13 =	vld.idx.msk [tilespmem:v6+s20+$0x0], $0xffff;
	v12 =	vadd.f32 v15, v12  }
0x6eb: {  	[tilespmem:v4+s21+$0x0] =	vst.idx.add.f32.msk $0xffff, v8;
	v9 =	vmax.f32 v9, $0.0e+00  }
0x6ec: {  	[tilespmem:v5+s21+$0x0] =	vst.idx.add.f32.msk $0xffff, v9;
	v8 =	vmax.f32 v12, $0.0e+00  }
0x6ed: {  	v10 =	vadd.f32 v11, v10;
	[tilespmem:v7+s21+$0x0] =	vst.idx.add.f32.msk $0xffff, v8  }
0x6ee: {  	v0 =	vld.idx.msk [tilespmem:v0+s22+$0x0], $0xffff  }
0x6ef: {  	v8 =	vadd.f32 v13, v10;
	v10 =	vld [tilespmem:s17+$0x1A0]  }
0x6f0: {  	v2 =	vld.idx.msk [tilespmem:v2+s22+$0x0], $0xffff  }
0x6f1: {  	v9 =	vld.idx.msk [tilespmem:v7+s23+$0x0], $0xffff  }
0x6f2: {  	v3 =	vld.idx.msk [tilespmem:v3+s22+$0x0], $0xffff;
	v8 =	vmax.f32 v8, $0.0e+00  }
0x6f3: {  	[tilespmem:v6+s21+$0x0] =	vst.idx.add.f32.msk $0xffff, v8  }
0x6f4: {  	v8 =	vld [tilespmem:s17+$0xFFFFFE90];
	v0 =	vadd.f32 v0, v10  }
0x6f5: {  	v10 =	vld [tilespmem:s17+$0xFFFFFF90]  }
0x6f6: {  	v0 =	vadd.f32 v9, v0;
	v9 =	vld.idx.msk [tilespmem:v4+s23+$0x0], $0xffff  }
0x6f7: {  	v11 =	vld.idx.msk [tilespmem:v5+s23+$0x0], $0xffff  }
0x6f8: {  	v1 =	vld.idx.msk [tilespmem:v1+s22+$0x0], $0xffff;
	v0 =	vmax.f32 v0, $0.0e+00  }
0x6f9: {  	v2 =	vadd.f32 v2, v8;
	[tilespmem:v7+s24+$0x0] =	vst.idx.add.f32.msk $0xffff, v0  }
0x6fa: {  	v0 =	vld [tilespmem:s15+$0xB0]  }
0x6fb: {  	v7 =	vld [tilespmem:s17+$0x90];
	v3 =	vadd.f32 v3, v10;
	v2 =	vadd.f32 v9, v2  }
0x6fc: {  	v8 =	vld [tilespmem:s16+$0xB0]  }
0x6fd: {  	v9 =	vld.idx.msk [tilespmem:v6+s23+$0x0], $0xffff;
	v3 =	vadd.f32 v11, v3;
	v2 =	vmax.f32 v2, $0.0e+00  }
0x6fe: {  	[tilespmem:v4+s24+$0x0] =	vst.idx.add.f32.msk $0xffff, v2  }
0x6ff: {  	v2 =	vmax.f32 v3, $0.0e+00;
	v3 =	vld [tilespmem:s17+$0x130]  }
0x700: {  	[tilespmem:v5+s24+$0x0] =	vst.idx.add.f32.msk $0xffff, v2  }
0x701: {  	v4 =	vld [tilespmem:s15+$0xFFFFFF20]  }
0x702: {  	v1 =	vadd.f32 v1, v7;
	v2 =	vld.idx.msk [tilespmem:v0+s2+$0x0], $0xffff  }
0x703: {  	v10 =	vld [tilespmem:s17+$0xFFFFFE20]  }
0x704: {  	v1 =	vadd.f32 v9, v1;
	v5 =	vld.idx.msk [tilespmem:v8+s20+$0x0], $0xffff  }
0x705: {  	v7 =	vld [tilespmem:s16+$0xFFFFFFA0]  }
0x706: {  	v12 =	vld [tilespmem:s17+$0xFFFFFF20];
	v1 =	vmax.f32 v1, $0.0e+00  }
0x707: {  	[tilespmem:v6+s24+$0x0] =	vst.idx.add.f32.msk $0xffff, v1;
	v2 =	vadd.f32 v2, v3  }
0x708: {  	v1 =	vld [tilespmem:s15+$0xFFFFFFA0]  }
0x709: {  	v6 =	vld [tilespmem:s15+$0x20];
	v2 =	vadd.f32 v5, v2  }
0x70a: {  	v3 =	vld [tilespmem:s16+$0xFFFFFF20]  }
0x70b: {  	v5 =	vld [tilespmem:s16+$0x20];
	v2 =	vmax.f32 v2, $0.0e+00  }
0x70c: {  	[tilespmem:v8+s21+$0x0] =	vst.idx.add.f32.msk $0xffff, v2  }
0x70d: {  	v0 =	vld.idx.msk [tilespmem:v0+s22+$0x0], $0xffff  }
0x70e: {  	v2 =	vld [tilespmem:s17+$0x1B0]  }
0x70f: {  	v9 =	vld.idx.msk [tilespmem:v4+s2+$0x0], $0xffff  }
0x710: {  	v11 =	vld.idx.msk [tilespmem:v8+s23+$0x0], $0xffff  }
0x711: {  	v13 =	vld.idx.msk [tilespmem:v1+s2+$0x0], $0xffff  }
0x712: {  	v14 =	vld.idx.msk [tilespmem:v6+s2+$0x0], $0xffff  }
0x713: {  	v15 =	vld.idx.msk [tilespmem:v3+s20+$0x0], $0xffff;
	v0 =	vadd.f32 v0, v2  }
0x714: {  	v2 =	vld [tilespmem:s17+$0x20]  }
0x715: {  	v0 =	vadd.f32 v11, v0;
	v11 =	vld.idx.msk [tilespmem:v7+s20+$0x0], $0xffff  }
0x716: {  	v57 =	vld.idx.msk [tilespmem:v5+s20+$0x0], $0xffff  }
0x717: {  	v9 =	vadd.f32 v9, v10;
	v0 =	vmax.f32 v0, $0.0e+00  }
0x718: {  	[tilespmem:v8+s24+$0x0] =	vst.idx.add.f32.msk $0xffff, v0;
	v0 =	vadd.f32 v13, v12  }
0x719: {  	v9 =	vadd.f32 v15, v9;
	v2 =	vadd.f32 v14, v2;
	v8 =	vld [tilespmem:s15+$0xC0]  }
0x71a: {  	v0 =	vadd.f32 v11, v0  }
0x71b: {  	v9 =	vmax.f32 v9, $0.0e+00;
	v10 =	vld [tilespmem:s16+$0xC0];
	v2 =	vadd.f32 v57, v2  }
0x71c: {  	[tilespmem:v3+s21+$0x0] =	vst.idx.add.f32.msk $0xffff, v9;
	v0 =	vmax.f32 v0, $0.0e+00  }
0x71d: {  	[tilespmem:v7+s21+$0x0] =	vst.idx.add.f32.msk $0xffff, v0;
	v0 =	vmax.f32 v2, $0.0e+00  }
0x71e: {  	[tilespmem:v5+s21+$0x0] =	vst.idx.add.f32.msk $0xffff, v0  }
0x71f: {  	v0 =	vld.idx.msk [tilespmem:v4+s22+$0x0], $0xffff  }
0x720: {  	v4 =	vld [tilespmem:s17+$0x140]  }
0x721: {  	v2 =	vld.idx.msk [tilespmem:v8+s2+$0x0], $0xffff  }
0x722: {  	v13 =	vld.idx.msk [tilespmem:v3+s23+$0x0], $0xffff  }
0x723: {  	v9 =	vld.idx.msk [tilespmem:v10+s20+$0x0], $0xffff  }
0x724: {  	v11 =	vld [tilespmem:s17+$0xFFFFFEA0]  }
0x725: {  	v1 =	vld.idx.msk [tilespmem:v1+s22+$0x0], $0xffff  }
0x726: {  	v12 =	vld [tilespmem:s17+$0xFFFFFFA0];
	v2 =	vadd.f32 v2, v4  }
0x727: {  	v6 =	vld.idx.msk [tilespmem:v6+s22+$0x0], $0xffff  }
0x728: {  	v14 =	vld.idx.msk [tilespmem:v5+s23+$0x0], $0xffff;
	v2 =	vadd.f32 v9, v2  }
0x729: {  	v4 =	vld [tilespmem:s17+$0xA0]  }
0x72a: {  	v9 =	vld.idx.msk [tilespmem:v7+s23+$0x0], $0xffff;
	v2 =	vmax.f32 v2, $0.0e+00  }
0x72b: {  	v0 =	vadd.f32 v0, v11;
	[tilespmem:v10+s21+$0x0] =	vst.idx.add.f32.msk $0xffff, v2  }
0x72c: {  	v2 =	vld.idx.msk [tilespmem:v8+s22+$0x0], $0xffff  }
0x72d: {  	v1 =	vadd.f32 v1, v12;
	v0 =	vadd.f32 v13, v0;
	v8 =	vld [tilespmem:s17+$0x1C0];
	_ =	sdelay $0x1  }
0x72e: {  	v0 =	vmax.f32 v0, $0.0e+00;
	v4 =	vadd.f32 v6, v4;
	v6 =	vld.idx.msk [tilespmem:v10+s23+$0x0], $0xffff;
	v1 =	vadd.f32 v9, v1  }
0x72f: {  	[tilespmem:v3+s24+$0x0] =	vst.idx.add.f32.msk $0xffff, v0  }
0x730: {  	v4 =	vadd.f32 v14, v4;
	v14 =	vld [tilespmem:s17+$0xFFFFFE30];
	v0 =	vmax.f32 v1, $0.0e+00  }
0x731: {  	[tilespmem:v7+s24+$0x0] =	vst.idx.add.f32.msk $0xffff, v0;
	v1 =	vadd.f32 v2, v8  }
0x732: {  	v0 =	vmax.f32 v4, $0.0e+00;
	v4 =	vld [tilespmem:s16+$0xFFFFFF30]  }
0x733: {  	[tilespmem:v5+s24+$0x0] =	vst.idx.add.f32.msk $0xffff, v0;
	v0 =	vadd.f32 v6, v1  }
0x734: {  	v2 =	vld [tilespmem:s15+$0xFFFFFFB0]  }
0x735: {  	v15 =	vld [tilespmem:s17+$0xFFFFFF30];
	v0 =	vmax.f32 v0, $0.0e+00  }
0x736: {  	[tilespmem:v10+s24+$0x0] =	vst.idx.add.f32.msk $0xffff, v0  }
0x737: {  	v0 =	vld [tilespmem:s15+$0xD0]  }
0x738: {  	v6 =	vld [tilespmem:s16+$0xFFFFFFB0]  }
0x739: {  	v5 =	vld [tilespmem:s16+$0xD0]  }
0x73a: {  	v3 =	vld [tilespmem:s15+$0x30]  }
0x73b: {  	v1 =	vld [tilespmem:s15+$0xFFFFFF30]  }
0x73c: {  	v7 =	vld [tilespmem:s16+$0x30]  }
0x73d: {  	v11 =	vld [tilespmem:s17+$0x150]  }
0x73e: {  	v9 =	vld.idx.msk [tilespmem:v2+s2+$0x0], $0xffff  }
0x73f: {  	v10 =	vld.idx.msk [tilespmem:v0+s2+$0x0], $0xffff  }
0x740: {  	v59 =	vld.idx.msk [tilespmem:v6+s20+$0x0], $0xffff  }
0x741: {  	v13 =	vld.idx.msk [tilespmem:v5+s20+$0x0], $0xffff  }
0x742: {  	v58 =	vld [tilespmem:s17+$0x30]  }
0x743: {  	v8 =	vld.idx.msk [tilespmem:v1+s2+$0x0], $0xffff;
	v9 =	vadd.f32 v9, v15  }
0x744: {  	v12 =	vld.idx.msk [tilespmem:v3+s2+$0x0], $0xffff;
	v10 =	vadd.f32 v10, v11  }
0x745: {  	v9 =	vadd.f32 v59, v9;
	v11 =	vld.idx.msk [tilespmem:v4+s20+$0x0], $0xffff  }
0x746: {  	v10 =	vadd.f32 v13, v10  }
0x747: {  	v9 =	vmax.f32 v9, $0.0e+00;
	v13 =	vld.idx.msk [tilespmem:v7+s20+$0x0], $0xffff  }
0x748: {  	v8 =	vadd.f32 v8, v14;
	[tilespmem:v6+s21+$0x0] =	vst.idx.add.f32.msk $0xffff, v9;
	v10 =	vmax.f32 v10, $0.0e+00  }
0x749: {  	[tilespmem:v5+s21+$0x0] =	vst.idx.add.f32.msk $0xffff, v10  }
0x74a: {  	v10 =	vadd.f32 v12, v58;
	v8 =	vadd.f32 v11, v8;
	v0 =	vld.idx.msk [tilespmem:v0+s22+$0x0], $0xffff  }
0x74b: {  	v11 =	vld [tilespmem:s17+$0x1D0]  }
0x74c: {  	v12 =	vld.idx.msk [tilespmem:v5+s23+$0x0], $0xffff;
	v8 =	vmax.f32 v8, $0.0e+00;
	v10 =	vadd.f32 v13, v10  }
0x74d: {  	[tilespmem:v4+s21+$0x0] =	vst.idx.add.f32.msk $0xffff, v8  }
0x74e: {  	v8 =	vmax.f32 v10, $0.0e+00;
	v1 =	vld.idx.msk [tilespmem:v1+s22+$0x0], $0xffff  }
0x74f: {  	[tilespmem:v7+s21+$0x0] =	vst.idx.add.f32.msk $0xffff, v8  }
0x750: {  	v8 =	vld [tilespmem:s17+$0xFFFFFEB0]  }
0x751: {  	v2 =	vld.idx.msk [tilespmem:v2+s22+$0x0], $0xffff;
	v0 =	vadd.f32 v0, v11  }
0x752: {  	v10 =	vld.idx.msk [tilespmem:v4+s23+$0x0], $0xffff  }
0x753: {  	v9 =	vld [tilespmem:s17+$0xFFFFFFB0];
	v0 =	vadd.f32 v12, v0  }
0x754: {  	v3 =	vld.idx.msk [tilespmem:v3+s22+$0x0], $0xffff  }
0x755: {  	v11 =	vld.idx.msk [tilespmem:v6+s23+$0x0], $0xffff;
	v0 =	vmax.f32 v0, $0.0e+00;
	v1 =	vadd.f32 v1, v8  }
0x756: {  	[tilespmem:v5+s24+$0x0] =	vst.idx.add.f32.msk $0xffff, v0  }
0x757: {  	v5 =	vld [tilespmem:s17+$0xB0];
	v1 =	vadd.f32 v10, v1  }
0x758: {  	v2 =	vadd.f32 v2, v9;
	v12 =	vld.idx.msk [tilespmem:v7+s23+$0x0], $0xffff  }
0x759: {  	v0 =	vld [tilespmem:s15+$0xE0];
	v1 =	vmax.f32 v1, $0.0e+00  }
0x75a: {  	v2 =	vadd.f32 v11, v2;
	[tilespmem:v4+s24+$0x0] =	vst.idx.add.f32.msk $0xffff, v1  }
0x75b: {  	v4 =	vld [tilespmem:s17+$0x160]  }
0x75c: {  	v1 =	vmax.f32 v2, $0.0e+00;
	v3 =	vadd.f32 v3, v5;
	v5 =	vld [tilespmem:s16+$0xE0]  }
0x75d: {  	[tilespmem:v6+s24+$0x0] =	vst.idx.add.f32.msk $0xffff, v1  }
0x75e: {  	v14 =	vld [tilespmem:s17+$0xFFFFFE40]  }
0x75f: {  	v2 =	vld [tilespmem:s15+$0xFFFFFFC0];
	v3 =	vadd.f32 v12, v3  }
0x760: {  	v9 =	vld [tilespmem:s16+$0xFFFFFFC0]  }
0x761: {  	v15 =	vld [tilespmem:s17+$0xFFFFFF40];
	v1 =	vmax.f32 v3, $0.0e+00  }
0x762: {  	[tilespmem:v7+s24+$0x0] =	vst.idx.add.f32.msk $0xffff, v1  }
0x763: {  	v1 =	vld [tilespmem:s15+$0xFFFFFF40]  }
0x764: {  	v8 =	vld.idx.msk [tilespmem:v0+s2+$0x0], $0xffff  }
0x765: {  	v7 =	vld [tilespmem:s16+$0xFFFFFF40]  }
0x766: {  	v3 =	vld [tilespmem:s15+$0x40]  }
0x767: {  	v6 =	vld.idx.msk [tilespmem:v5+s20+$0x0], $0xffff  }
0x768: {  	v10 =	vld [tilespmem:s16+$0x40]  }
0x769: {  	v12 =	vld.idx.msk [tilespmem:v2+s2+$0x0], $0xffff  }
0x76a: {  	v4 =	vadd.f32 v8, v4;
	v8 =	vld [tilespmem:s17+$0x40]  }
0x76b: {  	v11 =	vld.idx.msk [tilespmem:v1+s2+$0x0], $0xffff  }
0x76c: {  	v4 =	vadd.f32 v6, v4;
	v6 =	vld.idx.msk [tilespmem:v9+s20+$0x0], $0xffff  }
0x76d: {  	v60 =	vld.idx.msk [tilespmem:v7+s20+$0x0], $0xffff  }
0x76e: {  	v13 =	vld.idx.msk [tilespmem:v3+s2+$0x0], $0xffff;
	v4 =	vmax.f32 v4, $0.0e+00  }
0x76f: {  	[tilespmem:v5+s21+$0x0] =	vst.idx.add.f32.msk $0xffff, v4;
	v4 =	vadd.f32 v12, v15  }
0x770: {  	v61 =	vld.idx.msk [tilespmem:v10+s20+$0x0], $0xffff  }
0x771: {  	v0 =	vld.idx.msk [tilespmem:v0+s22+$0x0], $0xffff;
	v11 =	vadd.f32 v11, v14;
	v4 =	vadd.f32 v6, v4  }
0x772: {  	v12 =	vld [tilespmem:s17+$0x1E0]  }
0x773: {  	v6 =	vld.idx.msk [tilespmem:v5+s23+$0x0], $0xffff;
	v8 =	vadd.f32 v13, v8;
	v11 =	vadd.f32 v60, v11;
	v4 =	vmax.f32 v4, $0.0e+00  }
0x774: {  	[tilespmem:v9+s21+$0x0] =	vst.idx.add.f32.msk $0xffff, v4  }
0x775: {  	v8 =	vadd.f32 v61, v8;
	v11 =	vmax.f32 v11, $0.0e+00;
	v2 =	vld.idx.msk [tilespmem:v2+s22+$0x0], $0xffff  }
0x776: {  	[tilespmem:v7+s21+$0x0] =	vst.idx.add.f32.msk $0xffff, v11  }
0x777: {  	v4 =	vmax.f32 v8, $0.0e+00;
	v8 =	vld [tilespmem:s17+$0xFFFFFFC0]  }
0x778: {  	[tilespmem:v10+s21+$0x0] =	vst.idx.add.f32.msk $0xffff, v4  }
0x779: {  	v1 =	vld.idx.msk [tilespmem:v1+s22+$0x0], $0xffff  }
0x77a: {  	v4 =	vld [tilespmem:s17+$0xFFFFFEC0]  }
0x77b: {  	v0 =	vadd.f32 v0, v12;
	v12 =	vld.idx.msk [tilespmem:v7+s23+$0x0], $0xffff  }
0x77c: {  	v3 =	vld.idx.msk [tilespmem:v3+s22+$0x0], $0xffff  }
0x77d: {  	v11 =	vld [tilespmem:s17+$0xC0]  }
0x77e: {  	v13 =	vld.idx.msk [tilespmem:v9+s23+$0x0], $0xffff  }
0x77f: {  	v0 =	vadd.f32 v6, v0;
	v6 =	vld.idx.msk [tilespmem:v10+s23+$0x0], $0xffff  }
0x780: {  	v1 =	vadd.f32 v1, v4  }
0x781: {  	v0 =	vmax.f32 v0, $0.0e+00;
	v2 =	vadd.f32 v2, v8  }
0x782: {  	[tilespmem:v5+s24+$0x0] =	vst.idx.add.f32.msk $0xffff, v0;
	v0 =	vadd.f32 v3, v11;
	v1 =	vadd.f32 v12, v1  }
0x783: {  	v4 =	vld [tilespmem:s16+$0xF0];
	v2 =	vadd.f32 v13, v2  }
0x784: {  	v3 =	vld [tilespmem:s15+$0xF0];
	v0 =	vadd.f32 v6, v0;
	v1 =	vmax.f32 v1, $0.0e+00  }
0x785: {  	[tilespmem:v7+s24+$0x0] =	vst.idx.add.f32.msk $0xffff, v1;
	v1 =	vmax.f32 v2, $0.0e+00  }
0x786: {  	v0 =	vmax.f32 v0, $0.0e+00;
	[tilespmem:v9+s24+$0x0] =	vst.idx.add.f32.msk $0xffff, v1  }
0x787: {  	[tilespmem:v10+s24+$0x0] =	vst.idx.add.f32.msk $0xffff, v0  }
0x788: {  	v0 =	vld [tilespmem:s15+$0xFFFFFF50]  }
0x789: {  	v5 =	vld [tilespmem:s16+$0xFFFFFF50]  }
0x78a: {  	v8 =	vld [tilespmem:s17+$0xFFFFFE50]  }
0x78b: {  	v1 =	vld [tilespmem:s15+$0xFFFFFFD0]  }
0x78c: {  	v2 =	vld [tilespmem:s15+$0x50]  }
0x78d: {  	v6 =	vld [tilespmem:s16+$0xFFFFFFD0]  }
0x78e: {  	v7 =	vld [tilespmem:s16+$0x50]  }
0x78f: {  	v9 =	vld [tilespmem:s17+$0xFFFFFF50]  }
0x790: {  	v13 =	vld [tilespmem:s17+$0x50]  }
0x791: {  	v10 =	vld.idx.msk [tilespmem:v0+s2+$0x0], $0xffff  }
0x792: {  	v14 =	vld.idx.msk [tilespmem:v5+s20+$0x0], $0xffff  }
0x793: {  	v11 =	vld.idx.msk [tilespmem:v1+s2+$0x0], $0xffff  }
0x794: {  	v12 =	vld.idx.msk [tilespmem:v2+s2+$0x0], $0xffff  }
0x795: {  	v15 =	vld.idx.msk [tilespmem:v6+s20+$0x0], $0xffff;
	_ =	sdelay $0x1  }
0x796: {  	v8 =	vadd.f32 v10, v8  }
0x797: {  	v62 =	vld.idx.msk [tilespmem:v7+s20+$0x0], $0xffff;
	v9 =	vadd.f32 v11, v9  }
0x798: {  	v10 =	vld.idx.msk [tilespmem:v3+s2+$0x0], $0xffff;
	v8 =	vadd.f32 v14, v8  }
0x799: {  	v11 =	vadd.f32 v12, v13;
	v12 =	vld [tilespmem:s17+$0x170];
	v9 =	vadd.f32 v15, v9  }
0x79a: {  	v13 =	vld.idx.msk [tilespmem:v4+s20+$0x0], $0xffff;
	v8 =	vmax.f32 v8, $0.0e+00  }
0x79b: {  	[tilespmem:v5+s21+$0x0] =	vst.idx.add.f32.msk $0xffff, v8;
	v8 =	vmax.f32 v9, $0.0e+00  }
0x79c: {  	v11 =	vadd.f32 v62, v11;
	[tilespmem:v6+s21+$0x0] =	vst.idx.add.f32.msk $0xffff, v8  }
0x79d: {  	v0 =	vld.idx.msk [tilespmem:v0+s22+$0x0], $0xffff  }
0x79e: {  	v8 =	vmax.f32 v11, $0.0e+00;
	v10 =	vadd.f32 v10, v12;
	v12 =	vld.idx.msk [tilespmem:v5+s23+$0x0], $0xffff  }
0x79f: {  	[tilespmem:v7+s21+$0x0] =	vst.idx.add.f32.msk $0xffff, v8  }
0x7a0: {  	v1 =	vld.idx.msk [tilespmem:v1+s22+$0x0], $0xffff  }
0x7a1: {  	v8 =	vld [tilespmem:s17+$0xFFFFFED0]  }
0x7a2: {  	v9 =	vld [tilespmem:s17+$0xFFFFFFD0]  }
0x7a3: {  	v2 =	vld.idx.msk [tilespmem:v2+s22+$0x0], $0xffff  }
0x7a4: {  	v10 =	vadd.f32 v13, v10;
	v13 =	vld.idx.msk [tilespmem:v6+s23+$0x0], $0xffff  }
0x7a5: {  	v11 =	vld [tilespmem:s17+$0xD0]  }
0x7a6: {  	v14 =	vld.idx.msk [tilespmem:v7+s23+$0x0], $0xffff;
	v10 =	vmax.f32 v10, $0.0e+00;
	v0 =	vadd.f32 v0, v8  }
0x7a7: {  	[tilespmem:v4+s21+$0x0] =	vst.idx.add.f32.msk $0xffff, v10;
	v1 =	vadd.f32 v1, v9  }
0x7a8: {  	v3 =	vld.idx.msk [tilespmem:v3+s22+$0x0], $0xffff;
	v0 =	vadd.f32 v12, v0  }
0x7a9: {  	v9 =	vld [tilespmem:s17+$0x1F0];
	v1 =	vadd.f32 v13, v1  }
0x7aa: {  	v10 =	vld.idx.msk [tilespmem:v4+s23+$0x0], $0xffff;
	v2 =	vadd.f32 v2, v11;
	v0 =	vmax.f32 v0, $0.0e+00  }
0x7ab: {  	[tilespmem:v5+s24+$0x0] =	vst.idx.add.f32.msk $0xffff, v0;
	v0 =	vmax.f32 v1, $0.0e+00  }
0x7ac: {  	v2 =	vadd.f32 v14, v2;
	[tilespmem:v6+s24+$0x0] =	vst.idx.add.f32.msk $0xffff, v0  }
0x7ad: {  	v8 =	vld [tilespmem:s15+$0xFFFFFF60]  }
0x7ae: {  	v0 =	vmax.f32 v2, $0.0e+00;
	v2 =	vld [tilespmem:s16+$0xFFFFFF60]  }
0x7af: {  	[tilespmem:v7+s24+$0x0] =	vst.idx.add.f32.msk $0xffff, v0  }
0x7b0: {  	v7 =	vld [tilespmem:s15+$0xFFFFFFE0]  }
0x7b1: {  	v6 =	vld [tilespmem:s15+$0x60]  }
0x7b2: {  	v5 =	vld [tilespmem:s17+$0xFFFFFE60]  }
0x7b3: {  	v1 =	vld [tilespmem:s16+$0xFFFFFFE0]  }
0x7b4: {  	v0 =	vld [tilespmem:s16+$0x60]  }
0x7b5: {  	v13 =	vld [tilespmem:s17+$0xFFFFFF60]  }
0x7b6: {  	v63 =	vld [tilespmem:s17+$0x60]  }
0x7b7: {  	v3 =	vadd.f32 v3, v9;
	v9 =	vld.idx.msk [tilespmem:v8+s2+$0x0], $0xffff  }
0x7b8: {  	v14 =	vld.idx.msk [tilespmem:v7+s2+$0x0], $0xffff  }
0x7b9: {  	v15 =	vld.idx.msk [tilespmem:v6+s2+$0x0], $0xffff  }
0x7ba: {  	v11 =	vld.idx.msk [tilespmem:v2+s20+$0x0], $0xffff  }
0x7bb: {  	v3 =	vadd.f32 v10, v3;
	v10 =	vld.idx.msk [tilespmem:v1+s20+$0x0], $0xffff  }
0x7bc: {  	v12 =	vadd.f32 v9, v5;
	v9 =	vld.idx.msk [tilespmem:v0+s20+$0x0], $0xffff  }
0x7bd: {  	s14 =	simm.s32 $0x0;
	v3 =	vmax.f32 v3, $0.0e+00  }
0x7be: {  	s18 =	simm.s32 $0xF300;
	s6 =	simm.s32 $0x10B00;
	s12 =	simm.s32 $0xFD80;
	[tilespmem:v4+s24+$0x0] =	vst.idx.add.f32.msk $0xffff, v3;
	v13 =	vadd.f32 v14, v13;
	v3 =	vadd.f32 v15, v63  }
.LBB2_8:
0x7bf: {  	v4 =	vld [tilespmem:s18+$0x80];
	s14 =	sadd.s32 $0x4, s14;
	v5 =	vadd.f32 v11, v12  }
0x7c0: {  	v10 =	vadd.f32 v10, v13;
	s16 =	sadd.s32 $0x200, s16;
	v11 =	vld [tilespmem:s18+$0xFFFFFF80];
	p0 =	slt.u32 s14, $0x14  }
0x7c1: {  	v3 =	vadd.f32 v9, v3;
	v12 =	vld [tilespmem:s16+$0x80];
	v5 =	vmax.f32 v5, $0.0e+00  }
0x7c2: {  	v10 =	vmax.f32 v10, $0.0e+00;
	v9 =	vld [tilespmem:s18+$0x0]  }
0x7c3: {  	v3 =	vmax.f32 v3, $0.0e+00;
	v13 =	vld [tilespmem:s18+$0xFFFFFF00]  }
0x7c4: {  	v14 =	vld [tilespmem:s16+$0xFFFFFF00]  }
0x7c5: {  	v15 =	vld [tilespmem:s16+$0xFFFFFF80]  }
0x7c6: {  	v16 =	vld [tilespmem:s16+$0x0]  }
0x7c7: {  	s17 =	sadd.s32 $0x400, s17;
	v17 =	vld.idx.msk [tilespmem:v4+s2+$0x0], $0xffff  }
0x7c8: {  	v18 =	vld [tilespmem:s17+$0x100]  }
0x7c9: {  	v19 =	vld.idx.msk [tilespmem:v12+s20+$0x0], $0xffff  }
0x7ca: {  	v20 =	vld.idx.msk [tilespmem:v11+s2+$0x0], $0xffff  }
0x7cb: {  	v21 =	vld.idx.msk [tilespmem:v13+s2+$0x0], $0xffff  }
0x7cc: {  	v22 =	vld.idx.msk [tilespmem:v9+s2+$0x0], $0xffff  }
0x7cd: {  	v23 =	vld [tilespmem:s17+$0xFFFFFE00];
	v17 =	vadd.f32 v17, v18  }
0x7ce: {  	v18 =	vld [tilespmem:s17+$0xFFFFFF00]  }
0x7cf: {  	v24 =	vld [tilespmem:s17+$0x0];
	v17 =	vadd.f32 v19, v17  }
0x7d0: {  	v19 =	vld.idx.msk [tilespmem:v14+s20+$0x0], $0xffff  }
0x7d1: {  	v25 =	vld.idx.msk [tilespmem:v15+s20+$0x0], $0xffff;
	v17 =	vmax.f32 v17, $0.0e+00  }
0x7d2: {  	v21 =	vadd.f32 v21, v23;
	[tilespmem:v12+s21+$0x0] =	vst.idx.add.f32.msk $0xffff, v17  }
0x7d3: {  	v17 =	vadd.f32 v20, v18;
	v4 =	vld.idx.msk [tilespmem:v4+s22+$0x0], $0xffff  }
0x7d4: {  	v18 =	vadd.f32 v22, v24;
	v20 =	vld [tilespmem:s17+$0x180]  }
0x7d5: {  	v22 =	vld.idx.msk [tilespmem:v12+s23+$0x0], $0xffff  }
0x7d6: {  	v19 =	vadd.f32 v19, v21;
	v21 =	vld.idx.msk [tilespmem:v16+s20+$0x0], $0xffff  }
0x7d7: {  	v17 =	vadd.f32 v25, v17;
	[tilespmem:v2+s21+$0x0] =	vst.idx.add.f32.msk $0xffff, v5  }
0x7d8: {  	v5 =	vmax.f32 v19, $0.0e+00;
	[tilespmem:v1+s21+$0x0] =	vst.idx.add.f32.msk $0xffff, v10  }
0x7d9: {  	[tilespmem:v14+s21+$0x0] =	vst.idx.add.f32.msk $0xffff, v5;
	v5 =	vmax.f32 v17, $0.0e+00;
	v4 =	vadd.f32 v4, v20  }
0x7da: {  	[tilespmem:v15+s21+$0x0] =	vst.idx.add.f32.msk $0xffff, v5  }
0x7db: {  	v5 =	vld.idx.msk [tilespmem:v13+s22+$0x0], $0xffff;
	v4 =	vadd.f32 v22, v4  }
0x7dc: {  	v10 =	vld.idx.msk [tilespmem:v11+s22+$0x0], $0xffff;
	v11 =	vadd.f32 v21, v18  }
0x7dd: {  	v13 =	vld [tilespmem:s17+$0xFFFFFE80];
	v4 =	vmax.f32 v4, $0.0e+00  }
0x7de: {  	v11 =	vmax.f32 v11, $0.0e+00;
	[tilespmem:v12+s24+$0x0] =	vst.idx.add.f32.msk $0xffff, v4  }
0x7df: {  	v4 =	vld [tilespmem:s18+$0x90]  }
0x7e0: {  	[tilespmem:v16+s21+$0x0] =	vst.idx.add.f32.msk $0xffff, v11  }
0x7e1: {  	v11 =	vld [tilespmem:s16+$0x90]  }
0x7e2: {  	v5 =	vadd.f32 v5, v13;
	v9 =	vld.idx.msk [tilespmem:v9+s22+$0x0], $0xffff  }
0x7e3: {  	v12 =	vld [tilespmem:s17+$0xFFFFFF80]  }
0x7e4: {  	v13 =	vld [tilespmem:s17+$0x80]  }
0x7e5: {  	v17 =	vld.idx.msk [tilespmem:v14+s23+$0x0], $0xffff  }
0x7e6: {  	v18 =	vld.idx.msk [tilespmem:v15+s23+$0x0], $0xffff  }
0x7e7: {  	v19 =	vld.idx.msk [tilespmem:v4+s2+$0x0], $0xffff  }
0x7e8: {  	v10 =	vadd.f32 v10, v12;
	v12 =	vld [tilespmem:s17+$0x110]  }
0x7e9: {  	v9 =	vadd.f32 v9, v13;
	v13 =	vld.idx.msk [tilespmem:v11+s20+$0x0], $0xffff  }
0x7ea: {  	v20 =	vld.idx.msk [tilespmem:v16+s23+$0x0], $0xffff  }
0x7eb: {  	v5 =	vadd.f32 v17, v5;
	[tilespmem:v0+s21+$0x0] =	vst.idx.add.f32.msk $0xffff, v3  }
0x7ec: {  	v3 =	vadd.f32 v18, v10;
	v8 =	vld.idx.msk [tilespmem:v8+s22+$0x0], $0xffff  }
0x7ed: {  	v5 =	vmax.f32 v5, $0.0e+00;
	v10 =	vadd.f32 v19, v12;
	v7 =	vld.idx.msk [tilespmem:v7+s22+$0x0], $0xffff  }
0x7ee: {  	v3 =	vmax.f32 v3, $0.0e+00;
	[tilespmem:v14+s24+$0x0] =	vst.idx.add.f32.msk $0xffff, v5  }
0x7ef: {  	[tilespmem:v15+s24+$0x0] =	vst.idx.add.f32.msk $0xffff, v3;
	v3 =	vadd.f32 v13, v10  }
0x7f0: {  	v9 =	vadd.f32 v20, v9;
	v5 =	vld [tilespmem:s18+$0xFFFFFF10]  }
0x7f1: {  	v10 =	vld [tilespmem:s18+$0xFFFFFF90];
	v3 =	vmax.f32 v3, $0.0e+00  }
0x7f2: {  	v9 =	vmax.f32 v9, $0.0e+00;
	[tilespmem:v11+s21+$0x0] =	vst.idx.add.f32.msk $0xffff, v3  }
0x7f3: {  	v3 =	vld.idx.msk [tilespmem:v4+s22+$0x0], $0xffff  }
0x7f4: {  	v4 =	vld [tilespmem:s17+$0x190]  }
0x7f5: {  	v12 =	vld.idx.msk [tilespmem:v11+s23+$0x0], $0xffff  }
0x7f6: {  	[tilespmem:v16+s24+$0x0] =	vst.idx.add.f32.msk $0xffff, v9  }
0x7f7: {  	v9 =	vld [tilespmem:s18+$0x10]  }
0x7f8: {  	v13 =	vld [tilespmem:s16+$0xFFFFFF10]  }
0x7f9: {  	v14 =	vld [tilespmem:s16+$0xFFFFFF90];
	v3 =	vadd.f32 v3, v4  }
0x7fa: {  	v4 =	vld [tilespmem:s16+$0x10]  }
0x7fb: {  	v15 =	vld.idx.msk [tilespmem:v5+s2+$0x0], $0xffff;
	v3 =	vadd.f32 v12, v3  }
0x7fc: {  	v12 =	vld.idx.msk [tilespmem:v10+s2+$0x0], $0xffff  }
0x7fd: {  	v16 =	vld [tilespmem:s17+$0xFFFFFE10];
	v3 =	vmax.f32 v3, $0.0e+00  }
0x7fe: {  	[tilespmem:v11+s24+$0x0] =	vst.idx.add.f32.msk $0xffff, v3  }
0x7ff: {  	v3 =	vld [tilespmem:s18+$0xA0]  }
0x800: {  	v11 =	vld.idx.msk [tilespmem:v9+s2+$0x0], $0xffff  }
0x801: {  	v17 =	vld [tilespmem:s16+$0xA0]  }
0x802: {  	v15 =	vadd.f32 v15, v16;
	v16 =	vld [tilespmem:s17+$0xFFFFFF10]  }
0x803: {  	v18 =	vld [tilespmem:s17+$0x10]  }
0x804: {  	v19 =	vld.idx.msk [tilespmem:v13+s20+$0x0], $0xffff  }
0x805: {  	v20 =	vld.idx.msk [tilespmem:v14+s20+$0x0], $0xffff  }
0x806: {  	v21 =	vld.idx.msk [tilespmem:v4+s20+$0x0], $0xffff  }
0x807: {  	v12 =	vadd.f32 v12, v16;
	v16 =	vld.idx.msk [tilespmem:v3+s2+$0x0], $0xffff  }
0x808: {  	v11 =	vadd.f32 v11, v18;
	v18 =	vld [tilespmem:s17+$0x120]  }
0x809: {  	v22 =	vld.idx.msk [tilespmem:v17+s20+$0x0], $0xffff  }
0x80a: {  	v15 =	vadd.f32 v19, v15;
	v6 =	vld.idx.msk [tilespmem:v6+s22+$0x0], $0xffff  }
0x80b: {  	v12 =	vadd.f32 v20, v12;
	v19 =	vld [tilespmem:s6+$0xFFFFFEE0]  }
0x80c: {  	v15 =	vmax.f32 v15, $0.0e+00;
	v11 =	vadd.f32 v21, v11;
	v20 =	vld [tilespmem:s6+$0xFFFFFFE0]  }
0x80d: {  	v12 =	vmax.f32 v12, $0.0e+00;
	[tilespmem:v13+s21+$0x0] =	vst.idx.add.f32.msk $0xffff, v15;
	v15 =	vadd.f32 v16, v18  }
0x80e: {  	v11 =	vmax.f32 v11, $0.0e+00;
	[tilespmem:v14+s21+$0x0] =	vst.idx.add.f32.msk $0xffff, v12  }
0x80f: {  	[tilespmem:v4+s21+$0x0] =	vst.idx.add.f32.msk $0xffff, v11;
	v11 =	vadd.f32 v22, v15  }
0x810: {  	v5 =	vld.idx.msk [tilespmem:v5+s22+$0x0], $0xffff;
	v8 =	vadd.f32 v8, v19  }
0x811: {  	v10 =	vld.idx.msk [tilespmem:v10+s22+$0x0], $0xffff;
	v11 =	vmax.f32 v11, $0.0e+00;
	v7 =	vadd.f32 v7, v20  }
0x812: {  	[tilespmem:v17+s21+$0x0] =	vst.idx.add.f32.msk $0xffff, v11  }
0x813: {  	v3 =	vld.idx.msk [tilespmem:v3+s22+$0x0], $0xffff  }
0x814: {  	v11 =	vld [tilespmem:s17+$0x1A0]  }
0x815: {  	v12 =	vld.idx.msk [tilespmem:v17+s23+$0x0], $0xffff  }
0x816: {  	v9 =	vld.idx.msk [tilespmem:v9+s22+$0x0], $0xffff  }
0x817: {  	v15 =	vld [tilespmem:s17+$0xFFFFFE90]  }
0x818: {  	v16 =	vld [tilespmem:s17+$0xFFFFFF90]  }
0x819: {  	v18 =	vld [tilespmem:s17+$0x90];
	v3 =	vadd.f32 v3, v11  }
0x81a: {  	v11 =	vld.idx.msk [tilespmem:v13+s23+$0x0], $0xffff  }
0x81b: {  	v19 =	vld.idx.msk [tilespmem:v14+s23+$0x0], $0xffff;
	v3 =	vadd.f32 v12, v3  }
0x81c: {  	v5 =	vadd.f32 v5, v15;
	v12 =	vld.idx.msk [tilespmem:v4+s23+$0x0], $0xffff  }
0x81d: {  	v10 =	vadd.f32 v10, v16;
	v3 =	vmax.f32 v3, $0.0e+00;
	v15 =	vld [tilespmem:s6+$0xE0]  }
0x81e: {  	v9 =	vadd.f32 v9, v18;
	[tilespmem:v17+s24+$0x0] =	vst.idx.add.f32.msk $0xffff, v3  }
0x81f: {  	v3 =	vld [tilespmem:s18+$0xB0]  }
0x820: {  	v5 =	vadd.f32 v11, v5;
	v11 =	vld.idx.msk [tilespmem:v2+s23+$0x0], $0xffff  }
0x821: {  	v10 =	vadd.f32 v19, v10;
	v16 =	vld [tilespmem:s16+$0xB0]  }
0x822: {  	v5 =	vmax.f32 v5, $0.0e+00;
	v9 =	vadd.f32 v12, v9;
	v12 =	vld.idx.msk [tilespmem:v1+s23+$0x0], $0xffff;
	v6 =	vadd.f32 v6, v15  }
0x823: {  	[tilespmem:v13+s24+$0x0] =	vst.idx.add.f32.msk $0xffff, v5;
	v5 =	vmax.f32 v10, $0.0e+00  }
0x824: {  	[tilespmem:v14+s24+$0x0] =	vst.idx.add.f32.msk $0xffff, v5;
	v5 =	vmax.f32 v9, $0.0e+00  }
0x825: {  	[tilespmem:v4+s24+$0x0] =	vst.idx.add.f32.msk $0xffff, v5  }
0x826: {  	v5 =	vadd.f32 v11, v8;
	v4 =	vld [tilespmem:s18+$0xFFFFFF20]  }
0x827: {  	v8 =	vld.idx.msk [tilespmem:v3+s2+$0x0], $0xffff  }
0x828: {  	v5 =	vmax.f32 v5, $0.0e+00;
	v7 =	vadd.f32 v12, v7;
	v9 =	vld [tilespmem:s17+$0x130]  }
0x829: {  	v10 =	vld.idx.msk [tilespmem:v16+s20+$0x0], $0xffff  }
0x82a: {  	v7 =	vmax.f32 v7, $0.0e+00;
	v11 =	vld [tilespmem:s18+$0xFFFFFFA0]  }
0x82b: {  	v12 =	vld [tilespmem:s18+$0x20]  }
0x82c: {  	v13 =	vld [tilespmem:s16+$0xFFFFFF20]  }
0x82d: {  	v14 =	vld [tilespmem:s16+$0xFFFFFFA0];
	v8 =	vadd.f32 v8, v9  }
0x82e: {  	v9 =	vld [tilespmem:s16+$0x20]  }
0x82f: {  	v15 =	vld.idx.msk [tilespmem:v4+s2+$0x0], $0xffff;
	v8 =	vadd.f32 v10, v8  }
0x830: {  	v10 =	vld [tilespmem:s17+$0xFFFFFE20]  }
0x831: {  	v17 =	vld [tilespmem:s17+$0xFFFFFF20];
	v8 =	vmax.f32 v8, $0.0e+00  }
0x832: {  	[tilespmem:v16+s21+$0x0] =	vst.idx.add.f32.msk $0xffff, v8  }
0x833: {  	v3 =	vld.idx.msk [tilespmem:v3+s22+$0x0], $0xffff  }
0x834: {  	v8 =	vld [tilespmem:s17+$0x1B0]  }
0x835: {  	v10 =	vadd.f32 v15, v10;
	v15 =	vld.idx.msk [tilespmem:v16+s23+$0x0], $0xffff  }
0x836: {  	v18 =	vld.idx.msk [tilespmem:v11+s2+$0x0], $0xffff  }
0x837: {  	v19 =	vld.idx.msk [tilespmem:v12+s2+$0x0], $0xffff  }
0x838: {  	v20 =	vld [tilespmem:s17+$0x20]  }
0x839: {  	v21 =	vld.idx.msk [tilespmem:v13+s20+$0x0], $0xffff;
	v3 =	vadd.f32 v3, v8  }
0x83a: {  	v8 =	vld.idx.msk [tilespmem:v14+s20+$0x0], $0xffff  }
0x83b: {  	v22 =	vld.idx.msk [tilespmem:v9+s20+$0x0], $0xffff;
	v3 =	vadd.f32 v15, v3  }
0x83c: {  	v15 =	vadd.f32 v18, v17;
	v17 =	vld.idx.msk [tilespmem:v0+s23+$0x0], $0xffff  }
0x83d: {  	v18 =	vadd.f32 v19, v20;
	v3 =	vmax.f32 v3, $0.0e+00;
	[tilespmem:v2+s24+$0x0] =	vst.idx.add.f32.msk $0xffff, v5  }
0x83e: {  	[tilespmem:v16+s24+$0x0] =	vst.idx.add.f32.msk $0xffff, v3  }
0x83f: {  	v2 =	vadd.f32 v21, v10;
	v3 =	vld [tilespmem:s18+$0xC0]  }
0x840: {  	v5 =	vadd.f32 v8, v15;
	[tilespmem:v1+s24+$0x0] =	vst.idx.add.f32.msk $0xffff, v7  }
0x841: {  	v1 =	vmax.f32 v2, $0.0e+00;
	v2 =	vadd.f32 v22, v18;
	v7 =	vld [tilespmem:s16+$0xC0]  }
0x842: {  	[tilespmem:v13+s21+$0x0] =	vst.idx.add.f32.msk $0xffff, v1;
	v1 =	vmax.f32 v5, $0.0e+00;
	v5 =	vadd.f32 v17, v6  }
0x843: {  	[tilespmem:v14+s21+$0x0] =	vst.idx.add.f32.msk $0xffff, v1;
	v1 =	vmax.f32 v2, $0.0e+00  }
0x844: {  	[tilespmem:v9+s21+$0x0] =	vst.idx.add.f32.msk $0xffff, v1;
	v1 =	vmax.f32 v5, $0.0e+00  }
0x845: {  	v2 =	vld.idx.msk [tilespmem:v4+s22+$0x0], $0xffff  }
0x846: {  	v4 =	vld.idx.msk [tilespmem:v11+s22+$0x0], $0xffff  }
0x847: {  	v5 =	vld.idx.msk [tilespmem:v3+s2+$0x0], $0xffff  }
0x848: {  	v6 =	vld [tilespmem:s17+$0x140]  }
0x849: {  	v8 =	vld.idx.msk [tilespmem:v7+s20+$0x0], $0xffff  }
0x84a: {  	v10 =	vld.idx.msk [tilespmem:v12+s22+$0x0], $0xffff  }
0x84b: {  	v11 =	vld [tilespmem:s17+$0xFFFFFEA0]  }
0x84c: {  	v12 =	vld [tilespmem:s17+$0xFFFFFFA0]  }
0x84d: {  	v15 =	vld [tilespmem:s17+$0xA0];
	v5 =	vadd.f32 v5, v6  }
0x84e: {  	v6 =	vld.idx.msk [tilespmem:v13+s23+$0x0], $0xffff  }
0x84f: {  	v16 =	vld.idx.msk [tilespmem:v14+s23+$0x0], $0xffff;
	v5 =	vadd.f32 v8, v5  }
0x850: {  	v2 =	vadd.f32 v2, v11;
	v8 =	vld.idx.msk [tilespmem:v9+s23+$0x0], $0xffff  }
0x851: {  	v4 =	vadd.f32 v4, v12;
	v5 =	vmax.f32 v5, $0.0e+00;
	[tilespmem:v0+s24+$0x0] =	vst.idx.add.f32.msk $0xffff, v1  }
0x852: {  	v0 =	vadd.f32 v10, v15;
	[tilespmem:v7+s21+$0x0] =	vst.idx.add.f32.msk $0xffff, v5  }
0x853: {  	v1 =	vld.idx.msk [tilespmem:v3+s22+$0x0], $0xffff  }
0x854: {  	v2 =	vadd.f32 v6, v2;
	v3 =	vld [tilespmem:s17+$0x1C0]  }
0x855: {  	v4 =	vadd.f32 v16, v4;
	v5 =	vld.idx.msk [tilespmem:v7+s23+$0x0], $0xffff  }
0x856: {  	v2 =	vmax.f32 v2, $0.0e+00;
	v6 =	vadd.f32 v8, v0;
	v0 =	vld [tilespmem:s15+$0xFFFFFF70]  }
0x857: {  	[tilespmem:v13+s24+$0x0] =	vst.idx.add.f32.msk $0xffff, v2;
	v2 =	vmax.f32 v4, $0.0e+00  }
0x858: {  	[tilespmem:v14+s24+$0x0] =	vst.idx.add.f32.msk $0xffff, v2;
	v2 =	vmax.f32 v6, $0.0e+00  }
0x859: {  	[tilespmem:v9+s24+$0x0] =	vst.idx.add.f32.msk $0xffff, v2;
	v1 =	vadd.f32 v1, v3  }
0x85a: {  	v4 =	vld [tilespmem:s18+$0xFFFFFF30]  }
0x85b: {  	v6 =	vld [tilespmem:s18+$0xFFFFFFB0];
	v1 =	vadd.f32 v5, v1  }
0x85c: {  	v5 =	vld [tilespmem:s18+$0x30]  }
0x85d: {  	v8 =	vld [tilespmem:s16+$0xFFFFFF30];
	v1 =	vmax.f32 v1, $0.0e+00  }
0x85e: {  	[tilespmem:v7+s24+$0x0] =	vst.idx.add.f32.msk $0xffff, v1  }
0x85f: {  	v7 =	vld [tilespmem:s18+$0xD0]  }
0x860: {  	v9 =	vld [tilespmem:s16+$0xFFFFFFB0]  }
0x861: {  	v10 =	vld [tilespmem:s16+$0xD0]  }
0x862: {  	v11 =	vld [tilespmem:s16+$0x30]  }
0x863: {  	v1 =	vld.idx.msk [tilespmem:v4+s2+$0x0], $0xffff  }
0x864: {  	v2 =	vld.idx.msk [tilespmem:v6+s2+$0x0], $0xffff  }
0x865: {  	v3 =	vld.idx.msk [tilespmem:v5+s2+$0x0], $0xffff  }
0x866: {  	v12 =	vld [tilespmem:s17+$0xFFFFFE30]  }
0x867: {  	v13 =	vld.idx.msk [tilespmem:v7+s2+$0x0], $0xffff  }
0x868: {  	v14 =	vld [tilespmem:s17+$0x150]  }
0x869: {  	v15 =	vld.idx.msk [tilespmem:v10+s20+$0x0], $0xffff  }
0x86a: {  	v16 =	vld [tilespmem:s17+$0xFFFFFF30]  }
0x86b: {  	v12 =	vadd.f32 v1, v12;
	v1 =	vld [tilespmem:s17+$0x30]  }
0x86c: {  	v17 =	vld.idx.msk [tilespmem:v8+s20+$0x0], $0xffff  }
0x86d: {  	v18 =	vld.idx.msk [tilespmem:v9+s20+$0x0], $0xffff;
	v13 =	vadd.f32 v13, v14  }
0x86e: {  	v14 =	vld.idx.msk [tilespmem:v11+s20+$0x0], $0xffff  }
0x86f: {  	v16 =	vadd.f32 v2, v16;
	v13 =	vadd.f32 v15, v13;
	v2 =	vld [tilespmem:s15+$0xFFFFFFF0]  }
0x870: {  	v15 =	vadd.f32 v3, v1;
	v1 =	vld [tilespmem:s15+$0x70];
	s15 =	smov.u32 s18  }
0x871: {  	v13 =	vmax.f32 v13, $0.0e+00;
	v3 =	vld [tilespmem:s12+$0xFFFFFF70]  }
0x872: {  	v12 =	vadd.f32 v17, v12;
	[tilespmem:v10+s21+$0x0] =	vst.idx.add.f32.msk $0xffff, v13  }
0x873: {  	v13 =	vadd.f32 v18, v16;
	v7 =	vld.idx.msk [tilespmem:v7+s22+$0x0], $0xffff  }
0x874: {  	v12 =	vmax.f32 v12, $0.0e+00;
	v14 =	vadd.f32 v14, v15;
	v15 =	vld [tilespmem:s17+$0x1D0]  }
0x875: {  	v13 =	vmax.f32 v13, $0.0e+00;
	v16 =	vld.idx.msk [tilespmem:v10+s23+$0x0], $0xffff  }
0x876: {  	[tilespmem:v8+s21+$0x0] =	vst.idx.add.f32.msk $0xffff, v12;
	v12 =	vmax.f32 v14, $0.0e+00  }
0x877: {  	[tilespmem:v9+s21+$0x0] =	vst.idx.add.f32.msk $0xffff, v13  }
0x878: {  	[tilespmem:v11+s21+$0x0] =	vst.idx.add.f32.msk $0xffff, v12  }
0x879: {  	v4 =	vld.idx.msk [tilespmem:v4+s22+$0x0], $0xffff;
	v7 =	vadd.f32 v7, v15  }
0x87a: {  	v6 =	vld.idx.msk [tilespmem:v6+s22+$0x0], $0xffff  }
0x87b: {  	v5 =	vld.idx.msk [tilespmem:v5+s22+$0x0], $0xffff;
	v7 =	vadd.f32 v16, v7  }
0x87c: {  	v12 =	vld [tilespmem:s17+$0xFFFFFEB0]  }
0x87d: {  	v13 =	vld [tilespmem:s17+$0xFFFFFFB0];
	v7 =	vmax.f32 v7, $0.0e+00  }
0x87e: {  	[tilespmem:v10+s24+$0x0] =	vst.idx.add.f32.msk $0xffff, v7  }
0x87f: {  	v7 =	vld [tilespmem:s18+$0xE0]  }
0x880: {  	v10 =	vld [tilespmem:s17+$0xB0]  }
0x881: {  	v12 =	vadd.f32 v4, v12;
	v14 =	vld [tilespmem:s16+$0xE0]  }
0x882: {  	v15 =	vld.idx.msk [tilespmem:v8+s23+$0x0], $0xffff;
	v6 =	vadd.f32 v6, v13  }
0x883: {  	v13 =	vld.idx.msk [tilespmem:v9+s23+$0x0], $0xffff  }
0x884: {  	v16 =	vld.idx.msk [tilespmem:v11+s23+$0x0], $0xffff  }
0x885: {  	v10 =	vadd.f32 v5, v10;
	v5 =	vld [tilespmem:s12+$0xFFFFFFF0]  }
0x886: {  	v4 =	vld [tilespmem:s12+$0x70];
	s12 =	smov.u32 s16  }
0x887: {  	v17 =	vld.idx.msk [tilespmem:v7+s2+$0x0], $0xffff  }
0x888: {  	v12 =	vadd.f32 v15, v12;
	v15 =	vld [tilespmem:s17+$0x160]  }
0x889: {  	v6 =	vadd.f32 v13, v6;
	v13 =	vld.idx.msk [tilespmem:v14+s20+$0x0], $0xffff  }
0x88a: {  	v12 =	vmax.f32 v12, $0.0e+00;
	v10 =	vadd.f32 v16, v10;
	v16 =	vld.idx.msk [tilespmem:v0+s2+$0x0], $0xffff  }
0x88b: {  	v6 =	vmax.f32 v6, $0.0e+00;
	[tilespmem:v8+s24+$0x0] =	vst.idx.add.f32.msk $0xffff, v12  }
0x88c: {  	[tilespmem:v9+s24+$0x0] =	vst.idx.add.f32.msk $0xffff, v6;
	v6 =	vmax.f32 v10, $0.0e+00  }
0x88d: {  	[tilespmem:v11+s24+$0x0] =	vst.idx.add.f32.msk $0xffff, v6;
	v6 =	vadd.f32 v17, v15  }
0x88e: {  	v8 =	vld [tilespmem:s18+$0xFFFFFF40]  }
0x88f: {  	v9 =	vld [tilespmem:s18+$0xFFFFFFC0];
	v6 =	vadd.f32 v13, v6  }
0x890: {  	v10 =	vld [tilespmem:s18+$0x40]  }
0x891: {  	v11 =	vld [tilespmem:s16+$0xFFFFFF40];
	v6 =	vmax.f32 v6, $0.0e+00  }
0x892: {  	[tilespmem:v14+s21+$0x0] =	vst.idx.add.f32.msk $0xffff, v6  }
0x893: {  	v6 =	vld.idx.msk [tilespmem:v7+s22+$0x0], $0xffff  }
0x894: {  	v7 =	vld [tilespmem:s17+$0x1E0]  }
0x895: {  	v12 =	vld.idx.msk [tilespmem:v14+s23+$0x0], $0xffff  }
0x896: {  	v13 =	vld [tilespmem:s16+$0xFFFFFFC0]  }
0x897: {  	v15 =	vld [tilespmem:s16+$0x40]  }
0x898: {  	v17 =	vld.idx.msk [tilespmem:v8+s2+$0x0], $0xffff  }
0x899: {  	v18 =	vld.idx.msk [tilespmem:v9+s2+$0x0], $0xffff;
	v6 =	vadd.f32 v6, v7  }
0x89a: {  	v7 =	vld.idx.msk [tilespmem:v10+s2+$0x0], $0xffff  }
0x89b: {  	v19 =	vld [tilespmem:s17+$0xFFFFFE40];
	v6 =	vadd.f32 v12, v6  }
0x89c: {  	v12 =	vld [tilespmem:s17+$0xFFFFFF40]  }
0x89d: {  	v20 =	vld [tilespmem:s17+$0x40];
	v6 =	vmax.f32 v6, $0.0e+00  }
0x89e: {  	[tilespmem:v14+s24+$0x0] =	vst.idx.add.f32.msk $0xffff, v6  }
0x89f: {  	v6 =	vld [tilespmem:s18+$0xF0]  }
0x8a0: {  	v14 =	vld.idx.msk [tilespmem:v11+s20+$0x0], $0xffff;
	v17 =	vadd.f32 v17, v19  }
0x8a1: {  	v12 =	vadd.f32 v18, v12;
	v18 =	vld [tilespmem:s16+$0xF0]  }
0x8a2: {  	v19 =	vld.idx.msk [tilespmem:v13+s20+$0x0], $0xffff;
	v7 =	vadd.f32 v7, v20  }
0x8a3: {  	v20 =	vld.idx.msk [tilespmem:v15+s20+$0x0], $0xffff  }
0x8a4: {  	v21 =	vld.idx.msk [tilespmem:v2+s2+$0x0], $0xffff  }
0x8a5: {  	v22 =	vld.idx.msk [tilespmem:v1+s2+$0x0], $0xffff  }
0x8a6: {  	v14 =	vadd.f32 v14, v17;
	v17 =	vld [tilespmem:s6+$0xFFFFFE70]  }
0x8a7: {  	v23 =	vld.idx.msk [tilespmem:v6+s2+$0x0], $0xffff  }
0x8a8: {  	v14 =	vmax.f32 v14, $0.0e+00;
	v12 =	vadd.f32 v19, v12;
	v19 =	vld [tilespmem:s17+$0x170]  }
0x8a9: {  	v7 =	vadd.f32 v20, v7;
	v20 =	vld.idx.msk [tilespmem:v18+s20+$0x0], $0xffff  }
0x8aa: {  	v12 =	vmax.f32 v12, $0.0e+00;
	[tilespmem:v11+s21+$0x0] =	vst.idx.add.f32.msk $0xffff, v14  }
0x8ab: {  	v7 =	vmax.f32 v7, $0.0e+00;
	[tilespmem:v13+s21+$0x0] =	vst.idx.add.f32.msk $0xffff, v12;
	v12 =	vadd.f32 v16, v17  }
0x8ac: {  	[tilespmem:v15+s21+$0x0] =	vst.idx.add.f32.msk $0xffff, v7  }
0x8ad: {  	v7 =	vld.idx.msk [tilespmem:v8+s22+$0x0], $0xffff;
	v8 =	vadd.f32 v23, v19  }
0x8ae: {  	v9 =	vld.idx.msk [tilespmem:v9+s22+$0x0], $0xffff  }
0x8af: {  	v10 =	vld.idx.msk [tilespmem:v10+s22+$0x0], $0xffff;
	v8 =	vadd.f32 v20, v8  }
0x8b0: {  	v14 =	vld [tilespmem:s17+$0xFFFFFEC0]  }
0x8b1: {  	v16 =	vld [tilespmem:s17+$0xFFFFFFC0];
	v8 =	vmax.f32 v8, $0.0e+00  }
0x8b2: {  	[tilespmem:v18+s21+$0x0] =	vst.idx.add.f32.msk $0xffff, v8  }
0x8b3: {  	v6 =	vld.idx.msk [tilespmem:v6+s22+$0x0], $0xffff  }
0x8b4: {  	v8 =	vld [tilespmem:s17+$0x1F0]  }
0x8b5: {  	v7 =	vadd.f32 v7, v14;
	v14 =	vld.idx.msk [tilespmem:v18+s23+$0x0], $0xffff  }
0x8b6: {  	v9 =	vadd.f32 v9, v16;
	v16 =	vld [tilespmem:s17+$0xC0]  }
0x8b7: {  	v17 =	vld.idx.msk [tilespmem:v11+s23+$0x0], $0xffff  }
0x8b8: {  	v19 =	vld.idx.msk [tilespmem:v13+s23+$0x0], $0xffff  }
0x8b9: {  	v20 =	vld.idx.msk [tilespmem:v15+s23+$0x0], $0xffff;
	v6 =	vadd.f32 v6, v8  }
0x8ba: {  	v8 =	vld [tilespmem:s6+$0xFFFFFF70]  }
0x8bb: {  	v10 =	vadd.f32 v10, v16;
	v6 =	vadd.f32 v14, v6;
	v14 =	vld [tilespmem:s6+$0x70]  }
0x8bc: {  	v16 =	vld.idx.msk [tilespmem:v3+s20+$0x0], $0xffff  }
0x8bd: {  	v7 =	vadd.f32 v17, v7;
	v6 =	vmax.f32 v6, $0.0e+00;
	v17 =	vld.idx.msk [tilespmem:v5+s20+$0x0], $0xffff  }
0x8be: {  	v9 =	vadd.f32 v19, v9;
	[tilespmem:v18+s24+$0x0] =	vst.idx.add.f32.msk $0xffff, v6  }
0x8bf: {  	v6 =	vmax.f32 v7, $0.0e+00;
	v7 =	vadd.f32 v20, v10;
	v8 =	vadd.f32 v21, v8;
	v10 =	vld.idx.msk [tilespmem:v4+s20+$0x0], $0xffff  }
0x8c0: {  	[tilespmem:v11+s24+$0x0] =	vst.idx.add.f32.msk $0xffff, v6;
	v6 =	vmax.f32 v9, $0.0e+00;
	v9 =	vadd.f32 v22, v14  }
0x8c1: {  	[tilespmem:v13+s24+$0x0] =	vst.idx.add.f32.msk $0xffff, v6;
	v6 =	vmax.f32 v7, $0.0e+00  }
0x8c2: {  	[tilespmem:v15+s24+$0x0] =	vst.idx.add.f32.msk $0xffff, v6;
	v6 =	vadd.f32 v16, v12  }
0x8c3: {  	v8 =	vadd.f32 v17, v8;
	v7 =	vld [tilespmem:s18+$0xFFFFFF50]  }
0x8c4: {  	v11 =	vld [tilespmem:s18+$0xFFFFFFD0];
	v6 =	vmax.f32 v6, $0.0e+00  }
0x8c5: {  	v8 =	vmax.f32 v8, $0.0e+00;
	v9 =	vadd.f32 v10, v9;
	v12 =	vld [tilespmem:s18+$0x50]  }
0x8c6: {  	v10 =	vld [tilespmem:s16+$0xFFFFFF50]  }
0x8c7: {  	v9 =	vmax.f32 v9, $0.0e+00;
	v13 =	vld [tilespmem:s16+$0xFFFFFFD0]  }
0x8c8: {  	v14 =	vld [tilespmem:s16+$0x50]  }
0x8c9: {  	v15 =	vld [tilespmem:s17+$0xFFFFFE50]  }
0x8ca: {  	v16 =	vld [tilespmem:s17+$0xFFFFFF50]  }
0x8cb: {  	v17 =	vld.idx.msk [tilespmem:v7+s2+$0x0], $0xffff  }
0x8cc: {  	v18 =	vld.idx.msk [tilespmem:v11+s2+$0x0], $0xffff  }
0x8cd: {  	v19 =	vld.idx.msk [tilespmem:v12+s2+$0x0], $0xffff  }
0x8ce: {  	v20 =	vld [tilespmem:s17+$0x50]  }
0x8cf: {  	v21 =	vld.idx.msk [tilespmem:v10+s20+$0x0], $0xffff  }
0x8d0: {  	v22 =	vld.idx.msk [tilespmem:v13+s20+$0x0], $0xffff  }
0x8d1: {  	v15 =	vadd.f32 v17, v15;
	v17 =	vld.idx.msk [tilespmem:v14+s20+$0x0], $0xffff  }
0x8d2: {  	v16 =	vadd.f32 v18, v16;
	[tilespmem:v3+s21+$0x0] =	vst.idx.add.f32.msk $0xffff, v6  }
0x8d3: {  	v6 =	vadd.f32 v19, v20;
	[tilespmem:v5+s21+$0x0] =	vst.idx.add.f32.msk $0xffff, v8  }
0x8d4: {  	[tilespmem:v4+s21+$0x0] =	vst.idx.add.f32.msk $0xffff, v9  }
0x8d5: {  	v8 =	vadd.f32 v21, v15;
	v0 =	vld.idx.msk [tilespmem:v0+s22+$0x0], $0xffff  }
0x8d6: {  	v9 =	vadd.f32 v22, v16;
	v2 =	vld.idx.msk [tilespmem:v2+s22+$0x0], $0xffff  }
0x8d7: {  	v8 =	vmax.f32 v8, $0.0e+00;
	v6 =	vadd.f32 v17, v6;
	v1 =	vld.idx.msk [tilespmem:v1+s22+$0x0], $0xffff  }
0x8d8: {  	[tilespmem:v10+s21+$0x0] =	vst.idx.add.f32.msk $0xffff, v8;
	v8 =	vmax.f32 v9, $0.0e+00  }
0x8d9: {  	v6 =	vmax.f32 v6, $0.0e+00;
	[tilespmem:v13+s21+$0x0] =	vst.idx.add.f32.msk $0xffff, v8  }
0x8da: {  	[tilespmem:v14+s21+$0x0] =	vst.idx.add.f32.msk $0xffff, v6  }
0x8db: {  	v6 =	vld.idx.msk [tilespmem:v7+s22+$0x0], $0xffff  }
0x8dc: {  	v7 =	vld.idx.msk [tilespmem:v11+s22+$0x0], $0xffff  }
0x8dd: {  	v8 =	vld.idx.msk [tilespmem:v12+s22+$0x0], $0xffff  }
0x8de: {  	v9 =	vld [tilespmem:s17+$0xFFFFFED0]  }
0x8df: {  	v11 =	vld [tilespmem:s17+$0xFFFFFFD0]  }
0x8e0: {  	v12 =	vld [tilespmem:s17+$0xD0]  }
0x8e1: {  	v15 =	vld.idx.msk [tilespmem:v10+s23+$0x0], $0xffff  }
0x8e2: {  	v16 =	vld.idx.msk [tilespmem:v13+s23+$0x0], $0xffff  }
0x8e3: {  	v6 =	vadd.f32 v6, v9;
	v9 =	vld.idx.msk [tilespmem:v14+s23+$0x0], $0xffff  }
0x8e4: {  	v7 =	vadd.f32 v7, v11;
	v11 =	vld [tilespmem:s6+$0xFFFFFEF0]  }
0x8e5: {  	v8 =	vadd.f32 v8, v12;
	v12 =	vld [tilespmem:s6+$0xFFFFFFF0]  }
0x8e6: {  	v17 =	vld [tilespmem:s6+$0xF0];
	s6 =	smov.u32 s17  }
0x8e7: {  	v6 =	vadd.f32 v15, v6;
	v15 =	vld.idx.msk [tilespmem:v3+s23+$0x0], $0xffff  }
0x8e8: {  	v7 =	vadd.f32 v16, v7;
	v16 =	vld.idx.msk [tilespmem:v5+s23+$0x0], $0xffff  }
0x8e9: {  	v6 =	vmax.f32 v6, $0.0e+00;
	v8 =	vadd.f32 v9, v8;
	v0 =	vadd.f32 v0, v11;
	v9 =	vld.idx.msk [tilespmem:v4+s23+$0x0], $0xffff  }
0x8ea: {  	[tilespmem:v10+s24+$0x0] =	vst.idx.add.f32.msk $0xffff, v6;
	v6 =	vmax.f32 v7, $0.0e+00;
	v2 =	vadd.f32 v2, v12  }
0x8eb: {  	[tilespmem:v13+s24+$0x0] =	vst.idx.add.f32.msk $0xffff, v6;
	v6 =	vmax.f32 v8, $0.0e+00;
	v1 =	vadd.f32 v1, v17  }
0x8ec: {  	[tilespmem:v14+s24+$0x0] =	vst.idx.add.f32.msk $0xffff, v6  }
0x8ed: {  	v0 =	vadd.f32 v15, v0;
	v8 =	vld [tilespmem:s18+$0xFFFFFF60]  }
0x8ee: {  	v10 =	vadd.f32 v16, v2;
	v7 =	vld [tilespmem:s18+$0xFFFFFFE0]  }
0x8ef: {  	v14 =	vmax.f32 v0, $0.0e+00;
	v0 =	vadd.f32 v9, v1;
	v6 =	vld [tilespmem:s18+$0x60]  }
0x8f0: {  	v15 =	vmax.f32 v10, $0.0e+00;
	v2 =	vld [tilespmem:s16+$0xFFFFFF60]  }
0x8f1: {  	v16 =	vmax.f32 v0, $0.0e+00;
	v1 =	vld [tilespmem:s16+$0xFFFFFFE0]  }
0x8f2: {  	v0 =	vld [tilespmem:s16+$0x60]  }
0x8f3: {  	v9 =	vld [tilespmem:s17+$0xFFFFFE60]  }
0x8f4: {  	v13 =	vld [tilespmem:s17+$0xFFFFFF60]  }
0x8f5: {  	v12 =	vld.idx.msk [tilespmem:v8+s2+$0x0], $0xffff  }
0x8f6: {  	v17 =	vld.idx.msk [tilespmem:v7+s2+$0x0], $0xffff  }
0x8f7: {  	v18 =	vld.idx.msk [tilespmem:v6+s2+$0x0], $0xffff  }
0x8f8: {  	v19 =	vld [tilespmem:s17+$0x60]  }
0x8f9: {  	v11 =	vld.idx.msk [tilespmem:v2+s20+$0x0], $0xffff  }
.Ltmp3:
0x8fa: {  	v10 =	vld.idx.msk [tilespmem:v1+s20+$0x0], $0xffff;
	(pc) =	sbr.rel @p0 .LBB2_8-.Ltmp3, $4  }
0x8fb: {  	v12 =	vadd.f32 v12, v9;
	v9 =	vld.idx.msk [tilespmem:v0+s20+$0x0], $0xffff  }
0x8fc: {  	v13 =	vadd.f32 v17, v13;
	[tilespmem:v3+s24+$0x0] =	vst.idx.add.f32.msk $0xffff, v14  }
0x8fd: {  	v3 =	vadd.f32 v18, v19;
	[tilespmem:v5+s24+$0x0] =	vst.idx.add.f32.msk $0xffff, v15  }
0x8fe: {  	s18 =	sadd.s32 $0x200, s18;
	[tilespmem:v4+s24+$0x0] =	vst.idx.add.f32.msk $0xffff, v16  }
0x8ff: {  	_ = 	snop  }
0x900: {  	v4 =	vadd.f32 v11, v12  }
0x901: {  	v5 =	vadd.f32 v10, v13  }
0x902: {  	v3 =	vadd.f32 v9, v3;
	v4 =	vmax.f32 v4, $0.0e+00  }
0x903: {  	v5 =	vmax.f32 v5, $0.0e+00;
	[tilespmem:v2+s21+$0x0] =	vst.idx.add.f32.msk $0xffff, v4  }
0x904: {  	v3 =	vmax.f32 v3, $0.0e+00;
	[tilespmem:v1+s21+$0x0] =	vst.idx.add.f32.msk $0xffff, v5  }
0x905: {  	[tilespmem:v0+s21+$0x0] =	vst.idx.add.f32.msk $0xffff, v3  }
0x906: {  	v53 =	vld.idx.msk [tilespmem:v8+s22+$0x0], $0xffff  }
0x907: {  	v54 =	vld.idx.msk [tilespmem:v7+s22+$0x0], $0xffff  }
0x908: {  	v56 =	vld [tilespmem:s6+$0xFFFFFEE0]  }
0x909: {  	v57 =	vld [tilespmem:s6+$0xFFFFFFE0]  }
0x90a: {  	v59 =	vld.idx.msk [tilespmem:v2+s23+$0x0], $0xffff  }
0x90b: {  	v55 =	vld.idx.msk [tilespmem:v6+s22+$0x0], $0xffff  }
0x90c: {  	v58 =	vld [tilespmem:s6+$0xE0]  }
0x90d: {  	v60 =	vld.idx.msk [tilespmem:v1+s23+$0x0], $0xffff  }
0x90e: {  	v61 =	vld.idx.msk [tilespmem:v0+s23+$0x0], $0xffff  }
0x90f: {  	v3 =	vadd.f32 v53, v56  }
0x910: {  	v4 =	vadd.f32 v54, v57  }
0x911: {  	v5 =	vadd.f32 v55, v58;
	v3 =	vadd.f32 v59, v3  }
0x912: {  	v4 =	vadd.f32 v60, v4  }
0x913: {  	v5 =	vadd.f32 v61, v5;
	v3 =	vmax.f32 v3, $0.0e+00  }
0x914: {  	v4 =	vmax.f32 v4, $0.0e+00;
	[tilespmem:v2+s24+$0x0] =	vst.idx.add.f32.msk $0xffff, v3  }
0x915: {  	[tilespmem:v1+s24+$0x0] =	vst.idx.add.f32.msk $0xffff, v4;
	v62 =	vmax.f32 v5, $0.0e+00  }
0x916: {  	[tilespmem:v0+s24+$0x0] =	vst.idx.add.f32.msk $0xffff, v62  }
0x917: {  	v63 =	vld [tilespmem:s15+$0xFFFFFF70]  }
0x918: {  	v16 =	vld [tilespmem:s15+$0xFFFFFFF0]  }
0x919: {  	v3 =	vld [tilespmem:s12+$0xFFFFFF70]  }
0x91a: {  	v4 =	vld [tilespmem:s12+$0xFFFFFFF0]  }
0x91b: {  	v17 =	vld [tilespmem:s15+$0x70]  }
0x91c: {  	v22 =	vld [tilespmem:s6+$0xFFFFFE70]  }
0x91d: {  	v18 =	vld [tilespmem:s12+$0x70]  }
0x91e: {  	v23 =	vld [tilespmem:s6+$0xFFFFFF70]  }
0x91f: {  	v24 =	vld [tilespmem:s6+$0x70]  }
0x920: {  	v19 =	vld.idx.msk [tilespmem:v63+s2+$0x0], $0xffff  }
0x921: {  	v20 =	vld.idx.msk [tilespmem:v16+s2+$0x0], $0xffff  }
0x922: {  	v25 =	vld.idx.msk [tilespmem:v3+s20+$0x0], $0xffff  }
0x923: {  	v21 =	vld.idx.msk [tilespmem:v17+s2+$0x0], $0xffff  }
0x924: {  	v26 =	vld.idx.msk [tilespmem:v4+s20+$0x0], $0xffff  }
0x925: {  	v14 =	vld.idx.msk [tilespmem:v18+s20+$0x0], $0xffff  }
0x926: {  	v6 =	vadd.f32 v19, v22  }
0x927: {  	v7 =	vadd.f32 v20, v23  }
0x928: {  	v8 =	vadd.f32 v21, v24;
	v6 =	vadd.f32 v25, v6  }
0x929: {  	v7 =	vadd.f32 v26, v7  }
0x92a: {  	v8 =	vadd.f32 v14, v8;
	v6 =	vmax.f32 v6, $0.0e+00  }
0x92b: {  	v7 =	vmax.f32 v7, $0.0e+00;
	[tilespmem:v3+s21+$0x0] =	vst.idx.add.f32.msk $0xffff, v6  }
0x92c: {  	v27 =	vmax.f32 v8, $0.0e+00;
	[tilespmem:v4+s21+$0x0] =	vst.idx.add.f32.msk $0xffff, v7  }
0x92d: {  	[tilespmem:v18+s21+$0x0] =	vst.idx.add.f32.msk $0xffff, v27  }
0x92e: {  	v0 =	vld.idx.msk [tilespmem:v63+s22+$0x0], $0xffff  }
0x92f: {  	v1 =	vld.idx.msk [tilespmem:v16+s22+$0x0], $0xffff  }
0x930: {  	v28 =	vld [tilespmem:s6+$0xFFFFFEF0]  }
0x931: {  	v7 =	vld [tilespmem:s6+$0xFFFFFFF0]  }
0x932: {  	v30 =	vld.idx.msk [tilespmem:v3+s23+$0x0], $0xffff  }
0x933: {  	v2 =	vld.idx.msk [tilespmem:v17+s22+$0x0], $0xffff  }
0x934: {  	v29 =	vld [tilespmem:s6+$0xF0]  }
0x935: {  	v31 =	vld.idx.msk [tilespmem:v4+s23+$0x0], $0xffff  }
0x936: {  	v32 =	vld.idx.msk [tilespmem:v18+s23+$0x0], $0xffff  }
0x937: {  	v0 =	vadd.f32 v0, v28  }
0x938: {  	v1 =	vadd.f32 v1, v7  }
0x939: {  	v2 =	vadd.f32 v2, v29;
	v0 =	vadd.f32 v30, v0  }
0x93a: {  	v1 =	vadd.f32 v31, v1  }
0x93b: {  	v2 =	vadd.f32 v32, v2;
	v0 =	vmax.f32 v0, $0.0e+00  }
0x93c: {  	v1 =	vmax.f32 v1, $0.0e+00;
	[tilespmem:v3+s24+$0x0] =	vst.idx.add.f32.msk $0xffff, v0  }
0x93d: {  	v33 =	vmax.f32 v2, $0.0e+00;
	[tilespmem:v4+s24+$0x0] =	vst.idx.add.f32.msk $0xffff, v1  }
0x93e: {  	[tilespmem:v18+s24+$0x0] =	vst.idx.add.f32.msk $0xffff, v33  }
0x93f: {  	v0 =	vld [tilespmem:$0xFC00];
	_ =	sdelay $0x1  }
0x940: {  	v1 =	vld [tilespmem:$0x10880];
	_ =	sdelay $0x4  }
0x941: {  	v34 =	vld [tilespmem:$0x12100]  }
0x942: {  	v3 =	vld.idx.msk [tilespmem:v0+s2+$0x0], $0xffff;
	_ =	sdelay $0x1  }
0x943: {  	v4 =	vld.idx.msk [tilespmem:v1+s20+$0x0], $0xffff;
	_ =	sdelay $0x2  }
0x944: {  	v2 =	vadd.f32 v3, v34;
	_ =	sdelay $0x1  }
0x945: {  	v2 =	vadd.f32 v4, v2;
	_ =	sdelay $0x1  }
0x946: {  	v2 =	vmax.f32 v2, $0.0e+00  }
0x947: {  	[tilespmem:v1+s21+$0x0] =	vst.idx.add.f32.msk $0xffff, v2  }
0x948: {  	v2 =	vld [tilespmem:$0x12180]  }
0x949: {  	v0 =	vld.idx.msk [tilespmem:v0+s22+$0x0], $0xffff;
	_ =	sdelay $0x1  }
0x94a: {  	v35 =	vld.idx.msk [tilespmem:v1+s23+$0x0], $0xffff;
	_ =	sdelay $0x2  }
0x94b: {  	v0 =	vadd.f32 v0, v2;
	_ =	sdelay $0x1  }
0x94c: {  	v0 =	vadd.f32 v35, v0;
	_ =	sdelay $0x1  }
0x94d: {  	v0 =	vmax.f32 v0, $0.0e+00  }
0x94e: {  	[tilespmem:v1+s24+$0x0] =	vst.idx.add.f32.msk $0xffff, v0  }
0x94f: {  	v0 =	vld [tilespmem:$0xFC10];
	_ =	sdelay $0x1  }
0x950: {  	v1 =	vld [tilespmem:$0x10890];
	_ =	sdelay $0x4  }
0x951: {  	v36 =	vld [tilespmem:$0x12110]  }
0x952: {  	v37 =	vld.idx.msk [tilespmem:v0+s2+$0x0], $0xffff;
	_ =	sdelay $0x1  }
0x953: {  	v38 =	vld.idx.msk [tilespmem:v1+s20+$0x0], $0xffff;
	_ =	sdelay $0x2  }
0x954: {  	v2 =	vadd.f32 v37, v36;
	_ =	sdelay $0x1  }
0x955: {  	v2 =	vadd.f32 v38, v2;
	_ =	sdelay $0x1  }
0x956: {  	v2 =	vmax.f32 v2, $0.0e+00  }
0x957: {  	[tilespmem:v1+s21+$0x0] =	vst.idx.add.f32.msk $0xffff, v2  }
0x958: {  	v2 =	vld [tilespmem:$0x12190]  }
0x959: {  	v0 =	vld.idx.msk [tilespmem:v0+s22+$0x0], $0xffff;
	_ =	sdelay $0x1  }
0x95a: {  	v39 =	vld.idx.msk [tilespmem:v1+s23+$0x0], $0xffff;
	_ =	sdelay $0x2  }
0x95b: {  	v0 =	vadd.f32 v0, v2;
	_ =	sdelay $0x1  }
0x95c: {  	v0 =	vadd.f32 v39, v0;
	_ =	sdelay $0x1  }
0x95d: {  	v0 =	vmax.f32 v0, $0.0e+00  }
0x95e: {  	[tilespmem:v1+s24+$0x0] =	vst.idx.add.f32.msk $0xffff, v0  }
0x95f: {  	v0 =	vld [tilespmem:$0xFC20];
	_ =	sdelay $0x1  }
0x960: {  	v1 =	vld [tilespmem:$0x108A0];
	_ =	sdelay $0x4  }
0x961: {  	v40 =	vld [tilespmem:$0x12120]  }
0x962: {  	v41 =	vld.idx.msk [tilespmem:v0+s2+$0x0], $0xffff;
	_ =	sdelay $0x1  }
0x963: {  	v42 =	vld.idx.msk [tilespmem:v1+s20+$0x0], $0xffff;
	_ =	sdelay $0x2  }
0x964: {  	v2 =	vadd.f32 v41, v40;
	_ =	sdelay $0x1  }
0x965: {  	v2 =	vadd.f32 v42, v2;
	_ =	sdelay $0x1  }
0x966: {  	v2 =	vmax.f32 v2, $0.0e+00  }
0x967: {  	[tilespmem:v1+s21+$0x0] =	vst.idx.add.f32.msk $0xffff, v2  }
0x968: {  	v2 =	vld [tilespmem:$0x121A0]  }
0x969: {  	v0 =	vld.idx.msk [tilespmem:v0+s22+$0x0], $0xffff;
	_ =	sdelay $0x1  }
0x96a: {  	v43 =	vld.idx.msk [tilespmem:v1+s23+$0x0], $0xffff;
	_ =	sdelay $0x2  }
0x96b: {  	v0 =	vadd.f32 v0, v2;
	_ =	sdelay $0x1  }
0x96c: {  	v0 =	vadd.f32 v43, v0;
	_ =	sdelay $0x1  }
0x96d: {  	v0 =	vmax.f32 v0, $0.0e+00  }
0x96e: {  	[tilespmem:v1+s24+$0x0] =	vst.idx.add.f32.msk $0xffff, v0  }
0x96f: {  	v0 =	vld [tilespmem:$0xFC30];
	_ =	sdelay $0x1  }
0x970: {  	v1 =	vld [tilespmem:$0x108B0];
	_ =	sdelay $0x4  }
0x971: {  	v44 =	vld [tilespmem:$0x12130]  }
0x972: {  	v45 =	vld.idx.msk [tilespmem:v0+s2+$0x0], $0xffff;
	_ =	sdelay $0x1  }
0x973: {  	v46 =	vld.idx.msk [tilespmem:v1+s20+$0x0], $0xffff;
	_ =	sdelay $0x2  }
0x974: {  	v2 =	vadd.f32 v45, v44;
	_ =	sdelay $0x1  }
0x975: {  	v2 =	vadd.f32 v46, v2;
	_ =	sdelay $0x1  }
0x976: {  	v2 =	vmax.f32 v2, $0.0e+00  }
0x977: {  	[tilespmem:v1+s21+$0x0] =	vst.idx.add.f32.msk $0xffff, v2  }
0x978: {  	v2 =	vld [tilespmem:$0x121B0]  }
0x979: {  	v0 =	vld.idx.msk [tilespmem:v0+s22+$0x0], $0xffff;
	_ =	sdelay $0x1  }
0x97a: {  	v47 =	vld.idx.msk [tilespmem:v1+s23+$0x0], $0xffff;
	_ =	sdelay $0x2  }
0x97b: {  	v0 =	vadd.f32 v0, v2;
	_ =	sdelay $0x1  }
0x97c: {  	v0 =	vadd.f32 v47, v0;
	_ =	sdelay $0x1  }
0x97d: {  	v0 =	vmax.f32 v0, $0.0e+00  }
0x97e: {  	[tilespmem:v1+s24+$0x0] =	vst.idx.add.f32.msk $0xffff, v0  }
0x97f: {  	v0 =	vld [tilespmem:$0xFC40];
	_ =	sdelay $0x1  }
0x980: {  	v1 =	vld [tilespmem:$0x108C0];
	_ =	sdelay $0x4  }
0x981: {  	v48 =	vld [tilespmem:$0x12140]  }
0x982: {  	v49 =	vld.idx.msk [tilespmem:v0+s2+$0x0], $0xffff;
	_ =	sdelay $0x1  }
0x983: {  	v50 =	vld.idx.msk [tilespmem:v1+s20+$0x0], $0xffff;
	_ =	sdelay $0x2  }
0x984: {  	v2 =	vadd.f32 v49, v48;
	_ =	sdelay $0x1  }
0x985: {  	v2 =	vadd.f32 v50, v2;
	_ =	sdelay $0x1  }
0x986: {  	v2 =	vmax.f32 v2, $0.0e+00  }
0x987: {  	[tilespmem:v1+s21+$0x0] =	vst.idx.add.f32.msk $0xffff, v2  }
0x988: {  	v2 =	vld [tilespmem:$0x121C0]  }
0x989: {  	v0 =	vld.idx.msk [tilespmem:v0+s22+$0x0], $0xffff;
	_ =	sdelay $0x1  }
0x98a: {  	v51 =	vld.idx.msk [tilespmem:v1+s23+$0x0], $0xffff;
	_ =	sdelay $0x2  }
0x98b: {  	v0 =	vadd.f32 v0, v2;
	_ =	sdelay $0x1  }
0x98c: {  	v0 =	vadd.f32 v51, v0;
	_ =	sdelay $0x1  }
0x98d: {  	v0 =	vmax.f32 v0, $0.0e+00  }
0x98e: {  	[tilespmem:v1+s24+$0x0] =	vst.idx.add.f32.msk $0xffff, v0  }
0x98f: {  	v0 =	vld [tilespmem:$0xFC50];
	_ =	sdelay $0x1  }
0x990: {  	v1 =	vld [tilespmem:$0x108D0];
	_ =	sdelay $0x4  }
0x991: {  	v52 =	vld [tilespmem:$0x12150]  }
0x992: {  	v53 =	vld.idx.msk [tilespmem:v0+s2+$0x0], $0xffff;
	_ =	sdelay $0x1  }
0x993: {  	v54 =	vld.idx.msk [tilespmem:v1+s20+$0x0], $0xffff;
	_ =	sdelay $0x2  }
0x994: {  	v2 =	vadd.f32 v53, v52;
	_ =	sdelay $0x1  }
0x995: {  	v2 =	vadd.f32 v54, v2;
	_ =	sdelay $0x1  }
0x996: {  	v2 =	vmax.f32 v2, $0.0e+00  }
0x997: {  	[tilespmem:v1+s21+$0x0] =	vst.idx.add.f32.msk $0xffff, v2  }
0x998: {  	v2 =	vld [tilespmem:$0x121D0]  }
0x999: {  	v0 =	vld.idx.msk [tilespmem:v0+s22+$0x0], $0xffff;
	_ =	sdelay $0x1  }
0x99a: {  	v55 =	vld.idx.msk [tilespmem:v1+s23+$0x0], $0xffff;
	_ =	sdelay $0x2  }
0x99b: {  	v0 =	vadd.f32 v0, v2;
	_ =	sdelay $0x1  }
0x99c: {  	v0 =	vadd.f32 v55, v0;
	_ =	sdelay $0x1  }
0x99d: {  	v0 =	vmax.f32 v0, $0.0e+00  }
0x99e: {  	[tilespmem:v1+s24+$0x0] =	vst.idx.add.f32.msk $0xffff, v0  }
0x99f: {  	v0 =	vld [tilespmem:$0xFC60];
	_ =	sdelay $0x1  }
0x9a0: {  	v1 =	vld [tilespmem:$0x108E0];
	_ =	sdelay $0x4  }
0x9a1: {  	v56 =	vld [tilespmem:$0x12160]  }
0x9a2: {  	v57 =	vld.idx.msk [tilespmem:v0+s2+$0x0], $0xffff;
	_ =	sdelay $0x1  }
0x9a3: {  	v58 =	vld.idx.msk [tilespmem:v1+s20+$0x0], $0xffff;
	_ =	sdelay $0x2  }
0x9a4: {  	v2 =	vadd.f32 v57, v56;
	_ =	sdelay $0x1  }
0x9a5: {  	v2 =	vadd.f32 v58, v2;
	_ =	sdelay $0x1  }
0x9a6: {  	v2 =	vmax.f32 v2, $0.0e+00  }
0x9a7: {  	[tilespmem:v1+s21+$0x0] =	vst.idx.add.f32.msk $0xffff, v2  }
0x9a8: {  	v2 =	vld [tilespmem:$0x121E0]  }
0x9a9: {  	v0 =	vld.idx.msk [tilespmem:v0+s22+$0x0], $0xffff;
	_ =	sdelay $0x1  }
0x9aa: {  	v59 =	vld.idx.msk [tilespmem:v1+s23+$0x0], $0xffff;
	_ =	sdelay $0x2  }
0x9ab: {  	v0 =	vadd.f32 v0, v2;
	_ =	sdelay $0x1  }
0x9ac: {  	v0 =	vadd.f32 v59, v0;
	_ =	sdelay $0x1  }
0x9ad: {  	v0 =	vmax.f32 v0, $0.0e+00  }
0x9ae: {  	[tilespmem:v1+s24+$0x0] =	vst.idx.add.f32.msk $0xffff, v0  }
0x9af: {  	v0 =	vld [tilespmem:$0xFC70];
	_ =	sdelay $0x1  }
0x9b0: {  	v1 =	vld [tilespmem:$0x108F0];
	_ =	sdelay $0x4  }
0x9b1: {  	v60 =	vld [tilespmem:$0x12170]  }
0x9b2: {  	v61 =	vld.idx.msk [tilespmem:v0+s2+$0x0], $0xffff;
	_ =	sdelay $0x1  }
0x9b3: {  	v62 =	vld.idx.msk [tilespmem:v1+s20+$0x0], $0xffff;
	_ =	sdelay $0x2  }
0x9b4: {  	v2 =	vadd.f32 v61, v60;
	_ =	sdelay $0x1  }
0x9b5: {  	v2 =	vadd.f32 v62, v2;
	_ =	sdelay $0x1  }
0x9b6: {  	v2 =	vmax.f32 v2, $0.0e+00  }
0x9b7: {  	[tilespmem:v1+s21+$0x0] =	vst.idx.add.f32.msk $0xffff, v2  }
0x9b8: {  	v2 =	vld [tilespmem:$0x121F0]  }
0x9b9: {  	v0 =	vld.idx.msk [tilespmem:v0+s22+$0x0], $0xffff;
	_ =	sdelay $0x1  }
0x9ba: {  	v63 =	vld.idx.msk [tilespmem:v1+s23+$0x0], $0xffff;
	_ =	sdelay $0x2  }
0x9bb: {  	v0 =	vadd.f32 v0, v2;
	_ =	sdelay $0x1  }
0x9bc: {  	v0 =	vadd.f32 v63, v0;
	_ =	sdelay $0x1  }
0x9bd: {  	v0 =	vmax.f32 v0, $0.0e+00  }
0x9be: {  	s18 =	simm.s32 $0x4;
	s17 =	rddreg [dreg:$0xb];
	[tilespmem:v1+s24+$0x0] =	vst.idx.add.f32.msk $0xffff, v0  }
0x9bf: {  	[hbm4b:s17+s2] =	stream.linear.scatter [tilespmem:s21], [sflag:$0x4], $0x2800, $0x38;
	[tilespmem:$0x15400] =	vst v63  }
0x9c0: {  	_ =	swait.ge [sflag:s18], $0x2800  }
0x9c1: {  	[sflag:s18] =	ssyncset.done $0x0  }
0x9c2: {  	s19 =	rddreg [dreg:$0xc];
	[sflag:s18] =	ssyncadd.s32 $0xFFFFD800  }
0x9c3: {  	[hbm4b:s19+s2] =	stream.linear.scatter [tilespmem:s24], [sflag:$0x4], $0x2800, $0x38;
	[tilespmem:$0x15400] =	vst v63  }
0x9c4: {  	_ =	swait.ge [sflag:s18], $0x2800  }
0x9c5: {  	s14 =	rddreg [dreg:$0xe]  }
0x9c6: {  	s25 =	rddreg [dreg:$0xd];
	s14 =	sadd.s32 $0x1, s14  }
0x9c7: {  	p0 =	sne.s32 s14, s25  }
.Ltmp4:
0x9c8: {  	_ = 	snop;
	(pc) =	sbr.rel @p0 .LBB2_1-.Ltmp4, $3  }
0x9c9: {  	_ =	sdelay $0x1  }
0x9ca: {  	[sflag:s18] =	ssyncset.done $0x0  }
0x9cb: {  	[sflag:s18] =	ssyncadd.s32 $0xFFFFD800  }
0x9cc: {  	_ =	sfence.sel $0x180000  }
0x9cd: {  	[bflag:$0x0] =	sbarrier.arrive $0xFFFF  }
0x9ce: {  	_ =	strace $0x90000047  }
0x9cf: {  	s0 =	stileid.u32;
	[bflag:$0x2] =	sbarrier.arrive $0xFFFF  }
0x9d0: {  	p0 =	sne.s32 s0, $0x0;
	s0 =	rddreg [dreg:$0x2]  }
0x9d1: {  	s0 =	sadd.s32 @!p0 $0x100000, s0  }
0x9d2: {  	[sflag:s0] =	ssyncadd.tile.s32 @!p0 $0x1;
	_ =	shalt  }
.Lfunc_end2:
_tile_overlayer_lowered:
.L_overlay_start_2:
0x9d3: {  	(tag) =	ssettag $0x2  }
0x9d4: {  	s0 =	rddreg [dreg:$0x0];
	s2 =	stileid.u32  }
0x9d5: {  	s1 =	rddreg [dreg:$0x1];
	p0 =	sne.s32 s2, $0x0  }
0x9d6: {  	s3 =	rddreg [dreg:$0x2];
	[bflag:$0x3] =	sbarrier.arrive $0xFFFF;
	s2 =	simm.s32 @!p0 $0x1C04  }
0x9d7: {  	[timem:s3], [sflag:s2] =	dma.local @!p0 [hbm:s0], s1  }
0x9d8: {  	s0 =	simm.s32 @!p0 $0x4  }
0x9d9: {  	_ =	swait.ge @!p0 [sflag:s0], s1  }
0x9da: {  	s1 =	ssub.s32 @!p0 $0x0, s1;
	[sflag:s0] =	ssyncset.done @!p0 $0x0  }
0x9db: {  	[sflag:s0] =	ssyncadd.s32 @!p0 s1  }
0x9dc: {  	[bflag:$0x3] =	sbarrier.arrive $0xFFFF  }
0x9dd: {  	_ =	shalt  }

</sc_bundles>
